<compile_context>
chip_gen: v7x
topology: tpu7x:2x2x1
jax: 0.10.2.dev20260603
libtpu: 0.0.44.dev20260713+nightly
codegen_flags: <defaults>
</compile_context>

<pallas_src>
import jax
import jax.numpy as jnp
from jax import lax
from jax.experimental import pallas as pl
from jax.experimental.pallas import tpu as pltpu
from jax.experimental.pallas import tpu_sc as plsc

N = 10000
E = 320000
D = 128
H = 4
HD = D // H

C = 64
NWORK = 32
CHUNKS_PER_W = 156
TAIL_BASE = CHUNKS_PER_W * C * NWORK
NTAIL = (E - TAIL_BASE) // C
ROWS_PER_TILE = 624


def _proj_body(x_ref, ws_ref, wr_ref, bs_ref, br_ref, s_ref, r_ref):
    xb = x_ref[...]
    s_ref[...] = jnp.dot(xb, ws_ref[...], preferred_element_type=jnp.float32) + bs_ref[...]
    r_ref[...] = jnp.dot(xb, wr_ref[...], preferred_element_type=jnp.float32) + br_ref[...]


def _project(x, Ws2, Wr2, bs2, br2):
    blk = 1000
    return pl.pallas_call(
        _proj_body,
        grid=(N // blk,),
        in_specs=[
            pl.BlockSpec((blk, D), lambda i: (i, 0)),
            pl.BlockSpec((D, D), lambda i: (0, 0)),
            pl.BlockSpec((D, D), lambda i: (0, 0)),
            pl.BlockSpec((1, D), lambda i: (0, 0)),
            pl.BlockSpec((1, D), lambda i: (0, 0)),
        ],
        out_specs=[
            pl.BlockSpec((blk, D), lambda i: (i, 0)),
            pl.BlockSpec((blk, D), lambda i: (i, 0)),
        ],
        out_shape=[
            jax.ShapeDtypeStruct((N, D), jnp.float32),
            jax.ShapeDtypeStruct((N, D), jnp.float32),
        ],
    )(x, Ws2, Wr2, bs2, br2)


def _chunk_base(w, i):
    return w * (CHUNKS_PER_W * C) + i * C


def _pass1_body(s_hbm, r_hbm, snd_hbm, rcv_hbm, av_hbm,
                num_out, p_out,
                six0, six1, rix0, rix1, rsc0, rsc1,
                ss0, ss1, rr0, rr1, pf0, pf1, av,
                num_sh,
                gsem0, gsem1, scsem0, scsem1, psem0, psem1, ixsem0, ixsem1):
    c = lax.axis_index("c")
    t = lax.axis_index("s")
    w = t * 2 + c

    pltpu.sync_copy(av_hbm, av)
    zeros16 = jnp.zeros((16,), jnp.float32)
    iota = lax.iota(jnp.int32, 16)

    def _zero_row(rix_, _):
        for k in range(8):
            ss0[rix_, pl.ds(16 * k, 16)] = zeros16
        return 0

    lax.fori_loop(0, C, _zero_row, 0)

    row0 = t * ROWS_PER_TILE
    for j in range(ROWS_PER_TILE // C):
        pltpu.sync_copy(ss0, num_sh.at[pl.ds(row0 + j * C, C)])
    _rem = ROWS_PER_TILE % C
    pltpu.sync_copy(ss0.at[pl.ds(0, _rem)],
                    num_sh.at[pl.ds(row0 + ROWS_PER_TILE - _rem, _rem)])

    @pl.when(t == 15)
    def _zero_tail():
        pltpu.sync_copy(ss0.at[pl.ds(0, N - 16 * ROWS_PER_TILE)],
                        num_sh.at[pl.ds(16 * ROWS_PER_TILE, N - 16 * ROWS_PER_TILE)])

    plsc.subcore_barrier()

    eidxs = [g * 16 + iota for g in range(C // 16)]

    av_regs = [av[pl.ds(16 * k, 16)] for k in range(8)]
    lane0 = iota == 0

    def _compute(ss, rr, pf):
        def _edge(e, _):
            svs = []
            zas = []
            for k in range(8):
                sv = ss[e, pl.ds(16 * k, 16)]
                rv = rr[e, pl.ds(16 * k, 16)]
                wv = sv + rv
                u = 1.0 + jnp.exp(wv)
                d = 2.0 / (u * u + 1.0)
                aw = av_regs[k] * wv
                svs.append(sv)
                zas.append(aw - aw * d)
            for h in range(H):
                tot = jnp.sum(zas[2 * h] + zas[2 * h + 1])
                pb = jnp.exp(jnp.full((16,), tot))
                ss[e, pl.ds(32 * h, 16)] = pb * svs[2 * h]
                ss[e, pl.ds(32 * h + 16, 16)] = pb * svs[2 * h + 1]
                plsc.store_scatter(pf, [jnp.full((16,), 0, jnp.int32) + (e * 4 + h)],
                                   pb, mask=lane0)
            return 0

        lax.fori_loop(0, C, _edge, 0, unroll=2)

    def _copy_idx(src, dst):
        for j in range(C // 16):
            dst[pl.ds(16 * j, 16)] = src[pl.ds(16 * j, 16)]

    bufs = [
        (six0, rix0, rsc0, ss0, rr0, pf0, gsem0, scsem0, psem0, ixsem0),
        (six1, rix1, rsc1, ss1, rr1, pf1, gsem1, scsem1, psem1, ixsem1),
    ]

    def _issue_idx(b, base):
        six, rix = bufs[b][0], bufs[b][1]
        pltpu.make_async_copy(snd_hbm.at[pl.ds(base, C)], six, bufs[b][9]).start()
        pltpu.make_async_copy(rcv_hbm.at[pl.ds(base, C)], rix, bufs[b][9]).start()

    def _wait_idx(b):
        pltpu.make_async_copy(snd_hbm.at[pl.ds(0, C)], bufs[b][0], bufs[b][9]).wait()
        pltpu.make_async_copy(rcv_hbm.at[pl.ds(0, C)], bufs[b][1], bufs[b][9]).wait()

    def _issue_gather(b):
        six, rix, _, ss, rr = bufs[b][:5]
        pltpu.make_async_copy(s_hbm.at[six], ss, bufs[b][6]).start()
        pltpu.make_async_copy(r_hbm.at[rix], rr, bufs[b][6]).start()

    def _wait_gather(b):
        six, rix, _, ss, rr = bufs[b][:5]
        pltpu.make_async_copy(s_hbm.at[six], ss, bufs[b][6]).wait()
        pltpu.make_async_copy(r_hbm.at[rix], rr, bufs[b][6]).wait()

    def _issue_scatter(b, base):
        _, rix, rsc, ss, _, pf = bufs[b][:6]
        _copy_idx(rix, rsc)
        pltpu.make_async_copy(ss, num_sh.at[rsc], bufs[b][7]).start(add=True)
        pltpu.make_async_copy(pf, p_out.at[pl.ds(base * 4, C * 4)], bufs[b][8]).start()

    def _wait_scatter(b, base):
        _, rix, rsc, ss, _, pf = bufs[b][:6]
        pltpu.make_async_copy(ss, num_sh.at[rsc], bufs[b][7]).wait()
        pltpu.make_async_copy(pf, p_out.at[pl.ds(base * 4, C * 4)], bufs[b][8]).wait()

    _issue_idx(0, _chunk_base(w, 0))
    _wait_idx(0)
    _issue_gather(0)
    _issue_idx(1, _chunk_base(w, 1))

    def _stage(b, i):
        nb = 1 - b
        ss, rr, pf = bufs[b][3], bufs[b][4], bufs[b][5]
        _wait_gather(b)
        _compute(ss, rr, pf)
        _issue_scatter(b, _chunk_base(w, i))

        @pl.when(i + 1 < CHUNKS_PER_W)
        def _prefetch():
            @pl.when(i > 0)
            def _drain_prev():
                _wait_scatter(nb, _chunk_base(w, i - 1))
            _wait_idx(nb)
            _issue_gather(nb)

            @pl.when(i + 2 < CHUNKS_PER_W)
            def _next_idx():
                _issue_idx(b, _chunk_base(w, i + 2))

    def _pair(j, _):
        _stage(0, 2 * j)
        _stage(1, 2 * j + 1)
        return 0

    lax.fori_loop(0, CHUNKS_PER_W // 2, _pair, 0)

    _wait_scatter(0, _chunk_base(w, CHUNKS_PER_W - 2))
    _wait_scatter(1, _chunk_base(w, CHUNKS_PER_W - 1))

    @pl.when(w < NTAIL)
    def _tail_chunk():
        base = TAIL_BASE + w * C
        pltpu.sync_copy(snd_hbm.at[pl.ds(base, C)], six0)
        pltpu.sync_copy(rcv_hbm.at[pl.ds(base, C)], rix0)
        cp1 = pltpu.async_copy(s_hbm.at[six0], ss0, gsem0)
        cp2 = pltpu.async_copy(r_hbm.at[rix0], rr0, gsem0)
        cp1.wait()
        cp2.wait()
        _compute(ss0, rr0, pf0)
        _copy_idx(rix0, rsc0)
        pltpu.sync_copy(ss0, num_sh.at[rsc0], add=True)
        pltpu.sync_copy(pf0, p_out.at[pl.ds(base * 4, C * 4)])

    plsc.subcore_barrier()

    pltpu.sync_copy(num_sh.at[pl.ds(row0, ROWS_PER_TILE)],
                    num_out.at[c, pl.ds(row0, ROWS_PER_TILE)])

    @pl.when(t == 15)
    def _out_tail():
        pltpu.sync_copy(num_sh.at[pl.ds(16 * ROWS_PER_TILE, N - 16 * ROWS_PER_TILE)],
                        num_out.at[c, pl.ds(16 * ROWS_PER_TILE, N - 16 * ROWS_PER_TILE)])


def _pass1(S, R, senders, receivers, a_vec):
    mesh = plsc.VectorSubcoreMesh(core_axis_name="c", subcore_axis_name="s")
    f = pl.kernel(
        _pass1_body,
        out_type=[
            jax.ShapeDtypeStruct((2, N, D), jnp.float32),
            jax.ShapeDtypeStruct((E * 4,), jnp.float32),
        ],
        mesh=mesh,
        compiler_params=pltpu.CompilerParams(needs_layout_passes=False),
        scratch_types=[
            pltpu.VMEM((C,), jnp.int32),
            pltpu.VMEM((C,), jnp.int32),
            pltpu.VMEM((C,), jnp.int32),
            pltpu.VMEM((C,), jnp.int32),
            pltpu.VMEM((C,), jnp.int32),
            pltpu.VMEM((C,), jnp.int32),
            pltpu.VMEM((C, D), jnp.float32),
            pltpu.VMEM((C, D), jnp.float32),
            pltpu.VMEM((C, D), jnp.float32),
            pltpu.VMEM((C, D), jnp.float32),
            pltpu.VMEM((C * 4,), jnp.float32),
            pltpu.VMEM((C * 4,), jnp.float32),
            pltpu.VMEM((D,), jnp.float32),
            pltpu.VMEM_SHARED((N, D), jnp.float32),
            pltpu.SemaphoreType.DMA,
            pltpu.SemaphoreType.DMA,
            pltpu.SemaphoreType.DMA,
            pltpu.SemaphoreType.DMA,
            pltpu.SemaphoreType.DMA,
            pltpu.SemaphoreType.DMA,
            pltpu.SemaphoreType.DMA,
            pltpu.SemaphoreType.DMA,
        ],
    )
    return f(S, R, senders, receivers, a_vec)


def _pass2_body(rcv_hbm, p_hbm, den_out, ridx, pvv, pbuf, den_sh, sem1):
    c = lax.axis_index("c")
    t = lax.axis_index("s")
    w = t * 2 + c

    zeros16 = jnp.zeros((16,), jnp.float32)
    iota = lax.iota(jnp.int32, 16)

    def _zero_row(rix, _):
        for k in range(8):
            pbuf[rix, pl.ds(16 * k, 16)] = zeros16
        return 0

    lax.fori_loop(0, C, _zero_row, 0)

    row0 = t * ROWS_PER_TILE
    for j in range(ROWS_PER_TILE // C):
        pltpu.sync_copy(pbuf, den_sh.at[pl.ds(row0 + j * C, C)])
    _rem = ROWS_PER_TILE % C
    pltpu.sync_copy(pbuf.at[pl.ds(0, _rem)],
                    den_sh.at[pl.ds(row0 + ROWS_PER_TILE - _rem, _rem)])

    @pl.when(t == 15)
    def _zero_tail():
        pltpu.sync_copy(pbuf.at[pl.ds(0, N - 16 * ROWS_PER_TILE)],
                        den_sh.at[pl.ds(16 * ROWS_PER_TILE, N - 16 * ROWS_PER_TILE)])

    plsc.subcore_barrier()

    def _group(g, _):
        eidx = g * 16 + iota
        for h in range(H):
            hsp = jnp.full((16,), h, jnp.int32)
            pv = plsc.load_gather(pvv, [g * 64 + iota * 4 + hsp])
            plsc.store_scatter(pbuf, [eidx, hsp], pv)
        return 0

    def _do_chunk(base):
        pltpu.sync_copy(rcv_hbm.at[pl.ds(base, C)], ridx)
        pltpu.sync_copy(p_hbm.at[pl.ds(base * 4, C * 4)], pvv)
        lax.fori_loop(0, C // 16, _group, 0)
        pltpu.sync_copy(pbuf, den_sh.at[ridx], add=True)

    def _chunk(i, _):
        _do_chunk(_chunk_base(w, i))
        return 0

    lax.fori_loop(0, CHUNKS_PER_W, _chunk, 0)

    @pl.when(w < NTAIL)
    def _tail_chunk():
        _do_chunk(TAIL_BASE + w * C)

    plsc.subcore_barrier()

    pltpu.sync_copy(den_sh.at[pl.ds(row0, ROWS_PER_TILE)],
                    den_out.at[c, pl.ds(row0, ROWS_PER_TILE)])

    @pl.when(t == 15)
    def _out_tail():
        pltpu.sync_copy(den_sh.at[pl.ds(16 * ROWS_PER_TILE, N - 16 * ROWS_PER_TILE)],
                        den_out.at[c, pl.ds(16 * ROWS_PER_TILE, N - 16 * ROWS_PER_TILE)])


def _pass2(receivers, P):
    mesh = plsc.VectorSubcoreMesh(core_axis_name="c", subcore_axis_name="s")
    f = pl.kernel(
        _pass2_body,
        out_type=jax.ShapeDtypeStruct((2, N, D), jnp.float32),
        mesh=mesh,
        compiler_params=pltpu.CompilerParams(needs_layout_passes=False),
        scratch_types=[
            pltpu.VMEM((C,), jnp.int32),
            pltpu.VMEM((C * 4,), jnp.float32),
            pltpu.VMEM((C, D), jnp.float32),
            pltpu.VMEM_SHARED((N, D), jnp.float32),
            pltpu.SemaphoreType.DMA,
        ],
    )
    return f(receivers, P)


def _comb_body(n_ref, d_ref, sel_ref, o_ref):
    n = n_ref[0] + n_ref[1]
    d = d_ref[0] + d_ref[1]
    db = jnp.dot(d, sel_ref[...], preferred_element_type=jnp.float32)
    o_ref[...] = n / (db + 1e-9)


def _combine(num, den, sel):
    blk = 1000
    return pl.pallas_call(
        _comb_body,
        grid=(N // blk,),
        in_specs=[
            pl.BlockSpec((2, blk, D), lambda i: (0, i, 0)),
            pl.BlockSpec((2, blk, D), lambda i: (0, i, 0)),
            pl.BlockSpec((D, D), lambda i: (0, 0)),
        ],
        out_specs=pl.BlockSpec((blk, D), lambda i: (i, 0)),
        out_shape=jax.ShapeDtypeStruct((N, D), jnp.float32),
    )(num, den, sel)


def kernel(x, senders, receivers, Ws_kernel, Ws_bias, Wr_kernel, Wr_bias, a_kernel, a_bias):
    Ws2 = Ws_kernel.reshape(D, D)
    Wr2 = Wr_kernel.reshape(D, D)
    bs2 = Ws_bias.reshape(1, D)
    br2 = Wr_bias.reshape(1, D)
    S, R = _project(x, Ws2, Wr2, bs2, br2)

    a_vec = jnp.tile(a_kernel.reshape(HD), H)
    num, P = _pass1(S, R, senders, receivers, a_vec)
    den = _pass2(receivers, P)

    sel = jnp.concatenate(
        [jnp.kron(jnp.eye(H, dtype=jnp.float32), jnp.ones((1, HD), jnp.float32)),
         jnp.zeros((D - H, D), jnp.float32)], axis=0)
    return _combine(num, den, sel)

# --- scband reference (transcript-rebuilt; emitter-appended) ---
"""Pipeline reference for scband-gatv2-conv-63273458205234 (READ-ONLY COPY).

The authoritative reference and input builder live on the scoring server;
editing this copy changes nothing except your own understanding.
"""

import jax, jax.numpy as jnp
import numpy as np

N = 10000
E = 320000
D = 128
H = 4
HD = D // H  # 32


def mish(x):
    return x * jnp.tanh(jax.nn.softplus(x))


def setup_inputs(seed: int = 0) -> dict:
    key = jax.random.key(seed)
    ks = jax.random.split(key, 8)
    x = jax.random.normal(ks[0], (N, D), dtype=jnp.float32)
    senders = jax.random.randint(ks[1], (E,), 0, N, dtype=jnp.int32)
    receivers = jax.random.randint(ks[2], (E,), 0, N, dtype=jnp.int32)
    # DenseGeneral params: kernel maps d_feat -> (heads, head_dim)
    Ws_kernel = jax.random.normal(ks[3], (D, H, HD), dtype=jnp.float32) * 0.05
    Ws_bias = jnp.zeros((H, HD), dtype=jnp.float32)
    Wr_kernel = jax.random.normal(ks[4], (D, H, HD), dtype=jnp.float32) * 0.05
    Wr_bias = jnp.zeros((H, HD), dtype=jnp.float32)
    # attention logit Dense(1): applied over last dim (head_dim)
    a_kernel = jax.random.normal(ks[5], (HD, 1), dtype=jnp.float32) * 0.05
    a_bias = jnp.zeros((1,), dtype=jnp.float32)
    return {
        "x": x,
        "senders": senders,
        "receivers": receivers,
        "Ws_kernel": Ws_kernel,
        "Ws_bias": Ws_bias,
        "Wr_kernel": Wr_kernel,
        "Wr_bias": Wr_bias,
        "a_kernel": a_kernel,
        "a_bias": a_bias,
    }


def reference(x, senders, receivers, Ws_kernel, Ws_bias, Wr_kernel, Wr_bias, a_kernel, a_bias):
    # gather endpoint features per edge
    x_s = jnp.take(x, senders, axis=0)      # (E, D)
    x_r = jnp.take(x, receivers, axis=0)    # (E, D)
    # attention_query_fn: per-head linear projections
    sent = jnp.einsum('ed,dhk->ehk', x_s, Ws_kernel) + Ws_bias   # (E, H, HD)
    recv = jnp.einsum('ed,dhk->ehk', x_r, Wr_kernel) + Wr_bias   # (E, H, HD)
    # attention_logit_fn: GATv2 style -> Dense(1)(mish(sent + recv))
    z = mish(sent + recv)                                        # (E, H, HD)
    logits = jnp.einsum('ehk,ko->eho', z, a_kernel) + a_bias     # (E, H, 1)
    # segment softmax over incoming edges of each receiver node
    seg_max = jax.ops.segment_max(logits, receivers, num_segments=N)   # (N, H, 1)
    logits_shift = logits - jnp.take(seg_max, receivers, axis=0)
    exp = jnp.exp(logits_shift)
    denom = jax.ops.segment_sum(exp, receivers, num_segments=N)        # (N, H, 1)
    alpha = exp / (jnp.take(denom, receivers, axis=0) + 1e-9)          # (E, H, 1)
    # weighted aggregation of sender attributes
    msgs = alpha * sent                                                # (E, H, HD)
    nodes = jax.ops.segment_sum(msgs, receivers, num_segments=N)       # (N, H, HD)
    # node_update_fn: merge heads '... h d -> ... (h d)'
    return nodes.reshape(N, H * HD)

if __name__ == "__main__":
    import jax
    _d = setup_inputs()
    print(jax.jit(kernel)(*tuple(_d.values())))

</pallas_src>

<mosaic_0001>
#map = affine_map<(d0, d1) -> (0, 0)>
#map1 = affine_map<(d0, d1) -> (0)>
#map2 = affine_map<(d0, d1) -> (0, 0, 0)>
module attributes {stable_mosaic.version = 14 : i64} {
  func.func @_pass1_body(%arg0: i32, %arg1: i32, %arg2: memref<10000x128xf32, #tpu.memory_space<hbm>>, %arg3: memref<10000x128xf32, #tpu.memory_space<hbm>>, %arg4: memref<320000xi32, #tpu.memory_space<hbm>>, %arg5: memref<320000xi32, #tpu.memory_space<hbm>>, %arg6: memref<128xf32, #tpu.memory_space<hbm>>, %arg7: memref<2x10000x128xf32, #tpu.memory_space<hbm>>, %arg8: memref<1280000xf32, #tpu.memory_space<hbm>>, %arg9: memref<64xi32, #tpu.memory_space<vmem>>, %arg10: memref<64xi32, #tpu.memory_space<vmem>>, %arg11: memref<64xi32, #tpu.memory_space<vmem>>, %arg12: memref<64xi32, #tpu.memory_space<vmem>>, %arg13: memref<64xi32, #tpu.memory_space<vmem>>, %arg14: memref<64xi32, #tpu.memory_space<vmem>>, %arg15: memref<64x128xf32, #tpu.memory_space<vmem>>, %arg16: memref<64x128xf32, #tpu.memory_space<vmem>>, %arg17: memref<64x128xf32, #tpu.memory_space<vmem>>, %arg18: memref<64x128xf32, #tpu.memory_space<vmem>>, %arg19: memref<256xf32, #tpu.memory_space<vmem>>, %arg20: memref<256xf32, #tpu.memory_space<vmem>>, %arg21: memref<128xf32, #tpu.memory_space<vmem>>, %arg22: memref<10000x128xf32, #tpu.memory_space<vmem_shared>>, %arg23: memref<!tpu.dma_semaphore, #tpu.memory_space<semaphore_mem>>, %arg24: memref<!tpu.dma_semaphore, #tpu.memory_space<semaphore_mem>>, %arg25: memref<!tpu.dma_semaphore, #tpu.memory_space<semaphore_mem>>, %arg26: memref<!tpu.dma_semaphore, #tpu.memory_space<semaphore_mem>>, %arg27: memref<!tpu.dma_semaphore, #tpu.memory_space<semaphore_mem>>, %arg28: memref<!tpu.dma_semaphore, #tpu.memory_space<semaphore_mem>>, %arg29: memref<!tpu.dma_semaphore, #tpu.memory_space<semaphore_mem>>, %arg30: memref<!tpu.dma_semaphore, #tpu.memory_space<semaphore_mem>>) attributes {dimension_semantics = [#tpu.dimension_semantics<core_parallel>, #tpu.dimension_semantics<subcore_parallel>], iteration_bounds = array<i64: 2, 16>, scalar_prefetch = 0 : i64, scratch_operands = 22 : i64, tpu.core_type = #tpu.core_type<sc_vector_subcore>, window_params = [{transform_indices = #map}, {transform_indices = #map}, {transform_indices = #map1}, {transform_indices = #map1}, {transform_indices = #map1}, {transform_indices = #map2}, {transform_indices = #map1}]} {
    %mul3A = arith.constant 2 : i32
    %mul3A_0 = arith.muli %arg1, %mul3A : i32
    %add3A = arith.addi %mul3A_0, %arg0 : i32
    "tpu.region"() ({
      %run_scoped3A = tpu.sem_alloc : memref<!tpu.dma_semaphore, #tpu.memory_space<semaphore_mem>>
      tpu.enqueue_dma source(%arg6 : memref<128xf32, #tpu.memory_space<hbm>>) target(%arg21 : memref<128xf32, #tpu.memory_space<vmem>>) target_semaphore(%run_scoped3A : memref<!tpu.dma_semaphore, #tpu.memory_space<semaphore_mem>>)
      tpu.wait_dma2 semaphore(%run_scoped3A : memref<!tpu.dma_semaphore, #tpu.memory_space<semaphore_mem>>) src(%arg6 : memref<128xf32, #tpu.memory_space<hbm>>) dst(%arg21 : memref<128xf32, #tpu.memory_space<vmem>>)
      tpu.yield
    }) : () -> ()
    %broadcast_in_dim3A = arith.constant 0.000000e+00 : f32
    %broadcast_in_dim3A_1 = vector.broadcast %broadcast_in_dim3A : f32 to vector<16xf32>
    %iota3A = tpu.iota {dimensions = array<i32: 0>} : vector<16xi32>
    %scan3A = arith.constant 0 : i32
    %scan3A_2 = arith.constant 0 : i32
    %scan3A_3 = arith.constant 64 : i32
    %scan3A_4 = arith.addi %scan3A_2, %scan3A_3 : i32
    %scan3A_5 = arith.constant 1 : i32
    %scan3A_6 = scf.for %scan3A_130 = %scan3A_2 to %scan3A_4 step %scan3A_5 iter_args(%scan3A_131 = %scan3A) -> (i32)  : i32 {
      %swap3A = arith.index_cast %scan3A_130 : i32 to index
      %swap3A_132 = arith.constant 0 : index
      %swap3A_133 = tpu.vector_load %arg15[%swap3A, %swap3A_132] {strides = array<i32>} : memref<64x128xf32, #tpu.memory_space<vmem>>, vector<16xf32>,
      tpu.vector_store %arg15[%swap3A, %swap3A_132], %broadcast_in_dim3A_1 {strides = array<i32>} : memref<64x128xf32, #tpu.memory_space<vmem>>, vector<16xf32>,
      %swap3A_134 = arith.index_cast %scan3A_130 : i32 to index
      %swap3A_135 = arith.constant 16 : index
      %swap3A_136 = tpu.vector_load %arg15[%swap3A_134, %swap3A_135] {strides = array<i32>} : memref<64x128xf32, #tpu.memory_space<vmem>>, vector<16xf32>,
      tpu.vector_store %arg15[%swap3A_134, %swap3A_135], %broadcast_in_dim3A_1 {strides = array<i32>} : memref<64x128xf32, #tpu.memory_space<vmem>>, vector<16xf32>,
      %swap3A_137 = arith.index_cast %scan3A_130 : i32 to index
      %swap3A_138 = arith.constant 32 : index
      %swap3A_139 = tpu.vector_load %arg15[%swap3A_137, %swap3A_138] {strides = array<i32>} : memref<64x128xf32, #tpu.memory_space<vmem>>, vector<16xf32>,
      tpu.vector_store %arg15[%swap3A_137, %swap3A_138], %broadcast_in_dim3A_1 {strides = array<i32>} : memref<64x128xf32, #tpu.memory_space<vmem>>, vector<16xf32>,
      %swap3A_140 = arith.index_cast %scan3A_130 : i32 to index
      %swap3A_141 = arith.constant 48 : index
      %swap3A_142 = tpu.vector_load %arg15[%swap3A_140, %swap3A_141] {strides = array<i32>} : memref<64x128xf32, #tpu.memory_space<vmem>>, vector<16xf32>,
      tpu.vector_store %arg15[%swap3A_140, %swap3A_141], %broadcast_in_dim3A_1 {strides = array<i32>} : memref<64x128xf32, #tpu.memory_space<vmem>>, vector<16xf32>,
      %swap3A_143 = arith.index_cast %scan3A_130 : i32 to index
      %swap3A_144 = arith.constant 64 : index
      %swap3A_145 = tpu.vector_load %arg15[%swap3A_143, %swap3A_144] {strides = array<i32>} : memref<64x128xf32, #tpu.memory_space<vmem>>, vector<16xf32>,
      tpu.vector_store %arg15[%swap3A_143, %swap3A_144], %broadcast_in_dim3A_1 {strides = array<i32>} : memref<64x128xf32, #tpu.memory_space<vmem>>, vector<16xf32>,
      %swap3A_146 = arith.index_cast %scan3A_130 : i32 to index
      %swap3A_147 = arith.constant 80 : index
      %swap3A_148 = tpu.vector_load %arg15[%swap3A_146, %swap3A_147] {strides = array<i32>} : memref<64x128xf32, #tpu.memory_space<vmem>>, vector<16xf32>,
      tpu.vector_store %arg15[%swap3A_146, %swap3A_147], %broadcast_in_dim3A_1 {strides = array<i32>} : memref<64x128xf32, #tpu.memory_space<vmem>>, vector<16xf32>,
      %swap3A_149 = arith.index_cast %scan3A_130 : i32 to index
      %swap3A_150 = arith.constant 96 : index
      %swap3A_151 = tpu.vector_load %arg15[%swap3A_149, %swap3A_150] {strides = array<i32>} : memref<64x128xf32, #tpu.memory_space<vmem>>, vector<16xf32>,
      tpu.vector_store %arg15[%swap3A_149, %swap3A_150], %broadcast_in_dim3A_1 {strides = array<i32>} : memref<64x128xf32, #tpu.memory_space<vmem>>, vector<16xf32>,
      %swap3A_152 = arith.index_cast %scan3A_130 : i32 to index
      %swap3A_153 = arith.constant 112 : index
      %swap3A_154 = tpu.vector_load %arg15[%swap3A_152, %swap3A_153] {strides = array<i32>} : memref<64x128xf32, #tpu.memory_space<vmem>>, vector<16xf32>,
      tpu.vector_store %arg15[%swap3A_152, %swap3A_153], %broadcast_in_dim3A_1 {strides = array<i32>} : memref<64x128xf32, #tpu.memory_space<vmem>>, vector<16xf32>,
      %scan3A_155 = arith.constant 0 : i32
      scf.yield %scan3A_155 : i32
    }
    %scan3A_7 = arith.constant 64 : i32
    %mul3A_8 = arith.constant 624 : i32
    %mul3A_9 = arith.muli %arg1, %mul3A_8 : i32
    %add3A_10 = arith.constant 0 : i32
    %add3A_11 = arith.addi %mul3A_9, %add3A_10 : i32
    "tpu.region"() ({
      %run_scoped3A = tpu.sem_alloc : memref<!tpu.dma_semaphore, #tpu.memory_space<semaphore_mem>>
      %dma_start3A_130 = arith.constant 0 : i32
      %dma_start3A_131 = tpu.memref_slice %arg22[%add3A_11, %dma_start3A_130] : memref<10000x128xf32, #tpu.memory_space<vmem_shared>> -> memref<64x128xf32, #tpu.memory_space<vmem_shared>>
      %dma_start3A_132 = arith.constant 0 : i32
      %dma_start3A_133 = tpu.memref_slice %arg22[%add3A_11, %dma_start3A_132] : memref<10000x128xf32, #tpu.memory_space<vmem_shared>> -> memref<64x128xf32, #tpu.memory_space<vmem_shared>>
      tpu.enqueue_dma source(%arg15 : memref<64x128xf32, #tpu.memory_space<vmem>>) target(%dma_start3A_133 : memref<64x128xf32, #tpu.memory_space<vmem_shared>>) target_semaphore(%run_scoped3A : memref<!tpu.dma_semaphore, #tpu.memory_space<semaphore_mem>>)
      %dma_wait3A_134 = arith.constant 0 : i32
      %dma_wait3A_135 = tpu.memref_slice %arg22[%add3A_11, %dma_wait3A_134] : memref<10000x128xf32, #tpu.memory_space<vmem_shared>> -> memref<64x128xf32, #tpu.memory_space<vmem_shared>>
      %dma_wait3A_136 = arith.constant 0 : i32
      %dma_wait3A_137 = tpu.memref_slice %arg22[%add3A_11, %dma_wait3A_136] : memref<10000x128xf32, #tpu.memory_space<vmem_shared>> -> memref<64x128xf32, #tpu.memory_space<vmem_shared>>
      tpu.wait_dma2 semaphore(%run_scoped3A : memref<!tpu.dma_semaphore, #tpu.memory_space<semaphore_mem>>) src(%arg15 : memref<64x128xf32, #tpu.memory_space<vmem>>) dst(%dma_wait3A_137 : memref<64x128xf32, #tpu.memory_space<vmem_shared>>)
      tpu.yield
    }) : () -> ()
    %add3A_12 = arith.constant 64 : i32
    %add3A_13 = arith.addi %mul3A_9, %add3A_12 : i32
    "tpu.region"() ({
      %run_scoped3A = tpu.sem_alloc : memref<!tpu.dma_semaphore, #tpu.memory_space<semaphore_mem>>
      %dma_start3A_130 = arith.constant 0 : i32
      %dma_start3A_131 = tpu.memref_slice %arg22[%add3A_13, %dma_start3A_130] : memref<10000x128xf32, #tpu.memory_space<vmem_shared>> -> memref<64x128xf32, #tpu.memory_space<vmem_shared>>
      %dma_start3A_132 = arith.constant 0 : i32
      %dma_start3A_133 = tpu.memref_slice %arg22[%add3A_13, %dma_start3A_132] : memref<10000x128xf32, #tpu.memory_space<vmem_shared>> -> memref<64x128xf32, #tpu.memory_space<vmem_shared>>
      tpu.enqueue_dma source(%arg15 : memref<64x128xf32, #tpu.memory_space<vmem>>) target(%dma_start3A_133 : memref<64x128xf32, #tpu.memory_space<vmem_shared>>) target_semaphore(%run_scoped3A : memref<!tpu.dma_semaphore, #tpu.memory_space<semaphore_mem>>)
      %dma_wait3A_134 = arith.constant 0 : i32
      %dma_wait3A_135 = tpu.memref_slice %arg22[%add3A_13, %dma_wait3A_134] : memref<10000x128xf32, #tpu.memory_space<vmem_shared>> -> memref<64x128xf32, #tpu.memory_space<vmem_shared>>
      %dma_wait3A_136 = arith.constant 0 : i32
      %dma_wait3A_137 = tpu.memref_slice %arg22[%add3A_13, %dma_wait3A_136] : memref<10000x128xf32, #tpu.memory_space<vmem_shared>> -> memref<64x128xf32, #tpu.memory_space<vmem_shared>>
      tpu.wait_dma2 semaphore(%run_scoped3A : memref<!tpu.dma_semaphore, #tpu.memory_space<semaphore_mem>>) src(%arg15 : memref<64x128xf32, #tpu.memory_space<vmem>>) dst(%dma_wait3A_137 : memref<64x128xf32, #tpu.memory_space<vmem_shared>>)
      tpu.yield
    }) : () -> ()
    %add3A_14 = arith.constant 128 : i32
    %add3A_15 = arith.addi %mul3A_9, %add3A_14 : i32
    "tpu.region"() ({
      %run_scoped3A = tpu.sem_alloc : memref<!tpu.dma_semaphore, #tpu.memory_space<semaphore_mem>>
      %dma_start3A_130 = arith.constant 0 : i32
      %dma_start3A_131 = tpu.memref_slice %arg22[%add3A_15, %dma_start3A_130] : memref<10000x128xf32, #tpu.memory_space<vmem_shared>> -> memref<64x128xf32, #tpu.memory_space<vmem_shared>>
      %dma_start3A_132 = arith.constant 0 : i32
      %dma_start3A_133 = tpu.memref_slice %arg22[%add3A_15, %dma_start3A_132] : memref<10000x128xf32, #tpu.memory_space<vmem_shared>> -> memref<64x128xf32, #tpu.memory_space<vmem_shared>>
      tpu.enqueue_dma source(%arg15 : memref<64x128xf32, #tpu.memory_space<vmem>>) target(%dma_start3A_133 : memref<64x128xf32, #tpu.memory_space<vmem_shared>>) target_semaphore(%run_scoped3A : memref<!tpu.dma_semaphore, #tpu.memory_space<semaphore_mem>>)
      %dma_wait3A_134 = arith.constant 0 : i32
      %dma_wait3A_135 = tpu.memref_slice %arg22[%add3A_15, %dma_wait3A_134] : memref<10000x128xf32, #tpu.memory_space<vmem_shared>> -> memref<64x128xf32, #tpu.memory_space<vmem_shared>>
      %dma_wait3A_136 = arith.constant 0 : i32
      %dma_wait3A_137 = tpu.memref_slice %arg22[%add3A_15, %dma_wait3A_136] : memref<10000x128xf32, #tpu.memory_space<vmem_shared>> -> memref<64x128xf32, #tpu.memory_space<vmem_shared>>
      tpu.wait_dma2 semaphore(%run_scoped3A : memref<!tpu.dma_semaphore, #tpu.memory_space<semaphore_mem>>) src(%arg15 : memref<64x128xf32, #tpu.memory_space<vmem>>) dst(%dma_wait3A_137 : memref<64x128xf32, #tpu.memory_space<vmem_shared>>)
      tpu.yield
    }) : () -> ()
    %add3A_16 = arith.constant 192 : i32
    %add3A_17 = arith.addi %mul3A_9, %add3A_16 : i32
    "tpu.region"() ({
      %run_scoped3A = tpu.sem_alloc : memref<!tpu.dma_semaphore, #tpu.memory_space<semaphore_mem>>
      %dma_start3A_130 = arith.constant 0 : i32
      %dma_start3A_131 = tpu.memref_slice %arg22[%add3A_17, %dma_start3A_130] : memref<10000x128xf32, #tpu.memory_space<vmem_shared>> -> memref<64x128xf32, #tpu.memory_space<vmem_shared>>
      %dma_start3A_132 = arith.constant 0 : i32
      %dma_start3A_133 = tpu.memref_slice %arg22[%add3A_17, %dma_start3A_132] : memref<10000x128xf32, #tpu.memory_space<vmem_shared>> -> memref<64x128xf32, #tpu.memory_space<vmem_shared>>
      tpu.enqueue_dma source(%arg15 : memref<64x128xf32, #tpu.memory_space<vmem>>) target(%dma_start3A_133 : memref<64x128xf32, #tpu.memory_space<vmem_shared>>) target_semaphore(%run_scoped3A : memref<!tpu.dma_semaphore, #tpu.memory_space<semaphore_mem>>)
      %dma_wait3A_134 = arith.constant 0 : i32
      %dma_wait3A_135 = tpu.memref_slice %arg22[%add3A_17, %dma_wait3A_134] : memref<10000x128xf32, #tpu.memory_space<vmem_shared>> -> memref<64x128xf32, #tpu.memory_space<vmem_shared>>
      %dma_wait3A_136 = arith.constant 0 : i32
      %dma_wait3A_137 = tpu.memref_slice %arg22[%add3A_17, %dma_wait3A_136] : memref<10000x128xf32, #tpu.memory_space<vmem_shared>> -> memref<64x128xf32, #tpu.memory_space<vmem_shared>>
      tpu.wait_dma2 semaphore(%run_scoped3A : memref<!tpu.dma_semaphore, #tpu.memory_space<semaphore_mem>>) src(%arg15 : memref<64x128xf32, #tpu.memory_space<vmem>>) dst(%dma_wait3A_137 : memref<64x128xf32, #tpu.memory_space<vmem_shared>>)
      tpu.yield
    }) : () -> ()
    %add3A_18 = arith.constant 256 : i32
    %add3A_19 = arith.addi %mul3A_9, %add3A_18 : i32
    "tpu.region"() ({
      %run_scoped3A = tpu.sem_alloc : memref<!tpu.dma_semaphore, #tpu.memory_space<semaphore_mem>>
      %dma_start3A_130 = arith.constant 0 : i32
      %dma_start3A_131 = tpu.memref_slice %arg22[%add3A_19, %dma_start3A_130] : memref<10000x128xf32, #tpu.memory_space<vmem_shared>> -> memref<64x128xf32, #tpu.memory_space<vmem_shared>>
      %dma_start3A_132 = arith.constant 0 : i32
      %dma_start3A_133 = tpu.memref_slice %arg22[%add3A_19, %dma_start3A_132] : memref<10000x128xf32, #tpu.memory_space<vmem_shared>> -> memref<64x128xf32, #tpu.memory_space<vmem_shared>>
      tpu.enqueue_dma source(%arg15 : memref<64x128xf32, #tpu.memory_space<vmem>>) target(%dma_start3A_133 : memref<64x128xf32, #tpu.memory_space<vmem_shared>>) target_semaphore(%run_scoped3A : memref<!tpu.dma_semaphore, #tpu.memory_space<semaphore_mem>>)
      %dma_wait3A_134 = arith.constant 0 : i32
      %dma_wait3A_135 = tpu.memref_slice %arg22[%add3A_19, %dma_wait3A_134] : memref<10000x128xf32, #tpu.memory_space<vmem_shared>> -> memref<64x128xf32, #tpu.memory_space<vmem_shared>>
      %dma_wait3A_136 = arith.constant 0 : i32
      %dma_wait3A_137 = tpu.memref_slice %arg22[%add3A_19, %dma_wait3A_136] : memref<10000x128xf32, #tpu.memory_space<vmem_shared>> -> memref<64x128xf32, #tpu.memory_space<vmem_shared>>
      tpu.wait_dma2 semaphore(%run_scoped3A : memref<!tpu.dma_semaphore, #tpu.memory_space<semaphore_mem>>) src(%arg15 : memref<64x128xf32, #tpu.memory_space<vmem>>) dst(%dma_wait3A_137 : memref<64x128xf32, #tpu.memory_space<vmem_shared>>)
      tpu.yield
    }) : () -> ()
    %add3A_20 = arith.constant 320 : i32
    %add3A_21 = arith.addi %mul3A_9, %add3A_20 : i32
    "tpu.region"() ({
      %run_scoped3A = tpu.sem_alloc : memref<!tpu.dma_semaphore, #tpu.memory_space<semaphore_mem>>
      %dma_start3A_130 = arith.constant 0 : i32
      %dma_start3A_131 = tpu.memref_slice %arg22[%add3A_21, %dma_start3A_130] : memref<10000x128xf32, #tpu.memory_space<vmem_shared>> -> memref<64x128xf32, #tpu.memory_space<vmem_shared>>
      %dma_start3A_132 = arith.constant 0 : i32
      %dma_start3A_133 = tpu.memref_slice %arg22[%add3A_21, %dma_start3A_132] : memref<10000x128xf32, #tpu.memory_space<vmem_shared>> -> memref<64x128xf32, #tpu.memory_space<vmem_shared>>
      tpu.enqueue_dma source(%arg15 : memref<64x128xf32, #tpu.memory_space<vmem>>) target(%dma_start3A_133 : memref<64x128xf32, #tpu.memory_space<vmem_shared>>) target_semaphore(%run_scoped3A : memref<!tpu.dma_semaphore, #tpu.memory_space<semaphore_mem>>)
      %dma_wait3A_134 = arith.constant 0 : i32
      %dma_wait3A_135 = tpu.memref_slice %arg22[%add3A_21, %dma_wait3A_134] : memref<10000x128xf32, #tpu.memory_space<vmem_shared>> -> memref<64x128xf32, #tpu.memory_space<vmem_shared>>
      %dma_wait3A_136 = arith.constant 0 : i32
      %dma_wait3A_137 = tpu.memref_slice %arg22[%add3A_21, %dma_wait3A_136] : memref<10000x128xf32, #tpu.memory_space<vmem_shared>> -> memref<64x128xf32, #tpu.memory_space<vmem_shared>>
      tpu.wait_dma2 semaphore(%run_scoped3A : memref<!tpu.dma_semaphore, #tpu.memory_space<semaphore_mem>>) src(%arg15 : memref<64x128xf32, #tpu.memory_space<vmem>>) dst(%dma_wait3A_137 : memref<64x128xf32, #tpu.memory_space<vmem_shared>>)
      tpu.yield
    }) : () -> ()
    %add3A_22 = arith.constant 384 : i32
    %add3A_23 = arith.addi %mul3A_9, %add3A_22 : i32
    "tpu.region"() ({
      %run_scoped3A = tpu.sem_alloc : memref<!tpu.dma_semaphore, #tpu.memory_space<semaphore_mem>>
      %dma_start3A_130 = arith.constant 0 : i32
      %dma_start3A_131 = tpu.memref_slice %arg22[%add3A_23, %dma_start3A_130] : memref<10000x128xf32, #tpu.memory_space<vmem_shared>> -> memref<64x128xf32, #tpu.memory_space<vmem_shared>>
      %dma_start3A_132 = arith.constant 0 : i32
      %dma_start3A_133 = tpu.memref_slice %arg22[%add3A_23, %dma_start3A_132] : memref<10000x128xf32, #tpu.memory_space<vmem_shared>> -> memref<64x128xf32, #tpu.memory_space<vmem_shared>>
      tpu.enqueue_dma source(%arg15 : memref<64x128xf32, #tpu.memory_space<vmem>>) target(%dma_start3A_133 : memref<64x128xf32, #tpu.memory_space<vmem_shared>>) target_semaphore(%run_scoped3A : memref<!tpu.dma_semaphore, #tpu.memory_space<semaphore_mem>>)
      %dma_wait3A_134 = arith.constant 0 : i32
      %dma_wait3A_135 = tpu.memref_slice %arg22[%add3A_23, %dma_wait3A_134] : memref<10000x128xf32, #tpu.memory_space<vmem_shared>> -> memref<64x128xf32, #tpu.memory_space<vmem_shared>>
      %dma_wait3A_136 = arith.constant 0 : i32
      %dma_wait3A_137 = tpu.memref_slice %arg22[%add3A_23, %dma_wait3A_136] : memref<10000x128xf32, #tpu.memory_space<vmem_shared>> -> memref<64x128xf32, #tpu.memory_space<vmem_shared>>
      tpu.wait_dma2 semaphore(%run_scoped3A : memref<!tpu.dma_semaphore, #tpu.memory_space<semaphore_mem>>) src(%arg15 : memref<64x128xf32, #tpu.memory_space<vmem>>) dst(%dma_wait3A_137 : memref<64x128xf32, #tpu.memory_space<vmem_shared>>)
      tpu.yield
    }) : () -> ()
    %add3A_24 = arith.constant 448 : i32
    %add3A_25 = arith.addi %mul3A_9, %add3A_24 : i32
    "tpu.region"() ({
      %run_scoped3A = tpu.sem_alloc : memref<!tpu.dma_semaphore, #tpu.memory_space<semaphore_mem>>
      %dma_start3A_130 = arith.constant 0 : i32
      %dma_start3A_131 = tpu.memref_slice %arg22[%add3A_25, %dma_start3A_130] : memref<10000x128xf32, #tpu.memory_space<vmem_shared>> -> memref<64x128xf32, #tpu.memory_space<vmem_shared>>
      %dma_start3A_132 = arith.constant 0 : i32
      %dma_start3A_133 = tpu.memref_slice %arg22[%add3A_25, %dma_start3A_132] : memref<10000x128xf32, #tpu.memory_space<vmem_shared>> -> memref<64x128xf32, #tpu.memory_space<vmem_shared>>
      tpu.enqueue_dma source(%arg15 : memref<64x128xf32, #tpu.memory_space<vmem>>) target(%dma_start3A_133 : memref<64x128xf32, #tpu.memory_space<vmem_shared>>) target_semaphore(%run_scoped3A : memref<!tpu.dma_semaphore, #tpu.memory_space<semaphore_mem>>)
      %dma_wait3A_134 = arith.constant 0 : i32
      %dma_wait3A_135 = tpu.memref_slice %arg22[%add3A_25, %dma_wait3A_134] : memref<10000x128xf32, #tpu.memory_space<vmem_shared>> -> memref<64x128xf32, #tpu.memory_space<vmem_shared>>
      %dma_wait3A_136 = arith.constant 0 : i32
      %dma_wait3A_137 = tpu.memref_slice %arg22[%add3A_25, %dma_wait3A_136] : memref<10000x128xf32, #tpu.memory_space<vmem_shared>> -> memref<64x128xf32, #tpu.memory_space<vmem_shared>>
      tpu.wait_dma2 semaphore(%run_scoped3A : memref<!tpu.dma_semaphore, #tpu.memory_space<semaphore_mem>>) src(%arg15 : memref<64x128xf32, #tpu.memory_space<vmem>>) dst(%dma_wait3A_137 : memref<64x128xf32, #tpu.memory_space<vmem_shared>>)
      tpu.yield
    }) : () -> ()
    %add3A_26 = arith.constant 512 : i32
    %add3A_27 = arith.addi %mul3A_9, %add3A_26 : i32
    "tpu.region"() ({
      %run_scoped3A = tpu.sem_alloc : memref<!tpu.dma_semaphore, #tpu.memory_space<semaphore_mem>>
      %dma_start3A_130 = arith.constant 0 : i32
      %dma_start3A_131 = tpu.memref_slice %arg22[%add3A_27, %dma_start3A_130] : memref<10000x128xf32, #tpu.memory_space<vmem_shared>> -> memref<64x128xf32, #tpu.memory_space<vmem_shared>>
      %dma_start3A_132 = arith.constant 0 : i32
      %dma_start3A_133 = tpu.memref_slice %arg22[%add3A_27, %dma_start3A_132] : memref<10000x128xf32, #tpu.memory_space<vmem_shared>> -> memref<64x128xf32, #tpu.memory_space<vmem_shared>>
      tpu.enqueue_dma source(%arg15 : memref<64x128xf32, #tpu.memory_space<vmem>>) target(%dma_start3A_133 : memref<64x128xf32, #tpu.memory_space<vmem_shared>>) target_semaphore(%run_scoped3A : memref<!tpu.dma_semaphore, #tpu.memory_space<semaphore_mem>>)
      %dma_wait3A_134 = arith.constant 0 : i32
      %dma_wait3A_135 = tpu.memref_slice %arg22[%add3A_27, %dma_wait3A_134] : memref<10000x128xf32, #tpu.memory_space<vmem_shared>> -> memref<64x128xf32, #tpu.memory_space<vmem_shared>>
      %dma_wait3A_136 = arith.constant 0 : i32
      %dma_wait3A_137 = tpu.memref_slice %arg22[%add3A_27, %dma_wait3A_136] : memref<10000x128xf32, #tpu.memory_space<vmem_shared>> -> memref<64x128xf32, #tpu.memory_space<vmem_shared>>
      tpu.wait_dma2 semaphore(%run_scoped3A : memref<!tpu.dma_semaphore, #tpu.memory_space<semaphore_mem>>) src(%arg15 : memref<64x128xf32, #tpu.memory_space<vmem>>) dst(%dma_wait3A_137 : memref<64x128xf32, #tpu.memory_space<vmem_shared>>)
      tpu.yield
    }) : () -> ()
    %add3A_28 = arith.constant 624 : i32
    %add3A_29 = arith.addi %mul3A_9, %add3A_28 : i32
    %sub3A = arith.constant 48 : i32
    %sub3A_30 = arith.subi %add3A_29, %sub3A : i32
    "tpu.region"() ({
      %run_scoped3A = tpu.sem_alloc : memref<!tpu.dma_semaphore, #tpu.memory_space<semaphore_mem>>
      %dma_start3A_130 = arith.constant 0 : i32
      %dma_start3A_131 = arith.constant 0 : i32
      %dma_start3A_132 = tpu.memref_slice %arg15[%dma_start3A_130, %dma_start3A_131] : memref<64x128xf32, #tpu.memory_space<vmem>> -> memref<48x128xf32, #tpu.memory_space<vmem>>
      %dma_start3A_133 = arith.constant 0 : i32
      %dma_start3A_134 = tpu.memref_slice %arg22[%sub3A_30, %dma_start3A_133] : memref<10000x128xf32, #tpu.memory_space<vmem_shared>> -> memref<48x128xf32, #tpu.memory_space<vmem_shared>>
      %dma_start3A_135 = arith.constant 0 : i32
      %dma_start3A_136 = tpu.memref_slice %arg22[%sub3A_30, %dma_start3A_135] : memref<10000x128xf32, #tpu.memory_space<vmem_shared>> -> memref<48x128xf32, #tpu.memory_space<vmem_shared>>
      %dma_start3A_137 = arith.constant 0 : i32
      %dma_start3A_138 = arith.constant 0 : i32
      %dma_start3A_139 = tpu.memref_slice %arg15[%dma_start3A_137, %dma_start3A_138] : memref<64x128xf32, #tpu.memory_space<vmem>> -> memref<48x128xf32, #tpu.memory_space<vmem>>
      tpu.enqueue_dma source(%dma_start3A_139 : memref<48x128xf32, #tpu.memory_space<vmem>>) target(%dma_start3A_136 : memref<48x128xf32, #tpu.memory_space<vmem_shared>>) target_semaphore(%run_scoped3A : memref<!tpu.dma_semaphore, #tpu.memory_space<semaphore_mem>>)
      %dma_wait3A_140 = arith.constant 0 : i32
      %dma_wait3A_141 = arith.constant 0 : i32
      %dma_wait3A_142 = tpu.memref_slice %arg15[%dma_wait3A_140, %dma_wait3A_141] : memref<64x128xf32, #tpu.memory_space<vmem>> -> memref<48x128xf32, #tpu.memory_space<vmem>>
      %dma_wait3A_143 = arith.constant 0 : i32
      %dma_wait3A_144 = tpu.memref_slice %arg22[%sub3A_30, %dma_wait3A_143] : memref<10000x128xf32, #tpu.memory_space<vmem_shared>> -> memref<48x128xf32, #tpu.memory_space<vmem_shared>>
      %dma_wait3A_145 = arith.constant 0 : i32
      %dma_wait3A_146 = tpu.memref_slice %arg22[%sub3A_30, %dma_wait3A_145] : memref<10000x128xf32, #tpu.memory_space<vmem_shared>> -> memref<48x128xf32, #tpu.memory_space<vmem_shared>>
      %dma_wait3A_147 = arith.constant 0 : i32
      %dma_wait3A_148 = arith.constant 0 : i32
      %dma_wait3A_149 = tpu.memref_slice %arg15[%dma_wait3A_147, %dma_wait3A_148] : memref<64x128xf32, #tpu.memory_space<vmem>> -> memref<48x128xf32, #tpu.memory_space<vmem>>
      tpu.wait_dma2 semaphore(%run_scoped3A : memref<!tpu.dma_semaphore, #tpu.memory_space<semaphore_mem>>) src(%dma_wait3A_149 : memref<48x128xf32, #tpu.memory_space<vmem>>) dst(%dma_wait3A_146 : memref<48x128xf32, #tpu.memory_space<vmem_shared>>)
      tpu.yield
    }) : () -> ()
    %eq3A = arith.constant 15 : i32
    %eq3A_31 = arith.cmpi eq, %arg1, %eq3A : i32
    %convert_element_type3A = arith.extui %eq3A_31 : i1 to i32
    %cond3A = arith.constant 0 : i32
    %cond3A_32 = arith.cmpi ne, %convert_element_type3A, %cond3A : i32
    scf.if %cond3A_32 {
      "tpu.region"() ({
        %run_scoped3A = tpu.sem_alloc : memref<!tpu.dma_semaphore, #tpu.memory_space<semaphore_mem>>
        %dma_start3A_130 = arith.constant 0 : i32
        %dma_start3A_131 = arith.constant 0 : i32
        %dma_start3A_132 = tpu.memref_slice %arg15[%dma_start3A_130, %dma_start3A_131] : memref<64x128xf32, #tpu.memory_space<vmem>> -> memref<16x128xf32, #tpu.memory_space<vmem>>
        %dma_start3A_133 = arith.constant 9984 : i32
        %dma_start3A_134 = arith.constant 0 : i32
        %dma_start3A_135 = tpu.memref_slice %arg22[%dma_start3A_133, %dma_start3A_134] : memref<10000x128xf32, #tpu.memory_space<vmem_shared>> -> memref<16x128xf32, #tpu.memory_space<vmem_shared>>
        %dma_start3A_136 = arith.constant 9984 : i32
        %dma_start3A_137 = arith.constant 0 : i32
        %dma_start3A_138 = tpu.memref_slice %arg22[%dma_start3A_136, %dma_start3A_137] : memref<10000x128xf32, #tpu.memory_space<vmem_shared>> -> memref<16x128xf32, #tpu.memory_space<vmem_shared>>
        %dma_start3A_139 = arith.constant 0 : i32
        %dma_start3A_140 = arith.constant 0 : i32
        %dma_start3A_141 = tpu.memref_slice %arg15[%dma_start3A_139, %dma_start3A_140] : memref<64x128xf32, #tpu.memory_space<vmem>> -> memref<16x128xf32, #tpu.memory_space<vmem>>
        tpu.enqueue_dma source(%dma_start3A_141 : memref<16x128xf32, #tpu.memory_space<vmem>>) target(%dma_start3A_138 : memref<16x128xf32, #tpu.memory_space<vmem_shared>>) target_semaphore(%run_scoped3A : memref<!tpu.dma_semaphore, #tpu.memory_space<semaphore_mem>>)
        %dma_wait3A_142 = arith.constant 0 : i32
        %dma_wait3A_143 = arith.constant 0 : i32
        %dma_wait3A_144 = tpu.memref_slice %arg15[%dma_wait3A_142, %dma_wait3A_143] : memref<64x128xf32, #tpu.memory_space<vmem>> -> memref<16x128xf32, #tpu.memory_space<vmem>>
        %dma_wait3A_145 = arith.constant 9984 : i32
        %dma_wait3A_146 = arith.constant 0 : i32
        %dma_wait3A_147 = tpu.memref_slice %arg22[%dma_wait3A_145, %dma_wait3A_146] : memref<10000x128xf32, #tpu.memory_space<vmem_shared>> -> memref<16x128xf32, #tpu.memory_space<vmem_shared>>
        %dma_wait3A_148 = arith.constant 9984 : i32
        %dma_wait3A_149 = arith.constant 0 : i32
        %dma_wait3A_150 = tpu.memref_slice %arg22[%dma_wait3A_148, %dma_wait3A_149] : memref<10000x128xf32, #tpu.memory_space<vmem_shared>> -> memref<16x128xf32, #tpu.memory_space<vmem_shared>>
        %dma_wait3A_151 = arith.constant 0 : i32
        %dma_wait3A_152 = arith.constant 0 : i32
        %dma_wait3A_153 = tpu.memref_slice %arg15[%dma_wait3A_151, %dma_wait3A_152] : memref<64x128xf32, #tpu.memory_space<vmem>> -> memref<16x128xf32, #tpu.memory_space<vmem>>
        tpu.wait_dma2 semaphore(%run_scoped3A : memref<!tpu.dma_semaphore, #tpu.memory_space<semaphore_mem>>) src(%dma_wait3A_153 : memref<16x128xf32, #tpu.memory_space<vmem>>) dst(%dma_wait3A_150 : memref<16x128xf32, #tpu.memory_space<vmem_shared>>)
        tpu.yield
      }) : () -> ()
    } else {
    }
    %barrier3A = arith.constant 0 : index
    tpu.barrier barrier_id(%barrier3A)
    %add3A_33 = arith.constant 0 : i32
    %add3A_34 = vector.broadcast %add3A_33 : i32 to vector<16xi32>
    %add3A_35 = arith.addi %add3A_34, %iota3A : vector<16xi32>
    %add3A_36 = arith.constant 16 : i32
    %add3A_37 = vector.broadcast %add3A_36 : i32 to vector<16xi32>
    %add3A_38 = arith.addi %add3A_37, %iota3A : vector<16xi32>
    %add3A_39 = arith.constant 32 : i32
    %add3A_40 = vector.broadcast %add3A_39 : i32 to vector<16xi32>
    %add3A_41 = arith.addi %add3A_40, %iota3A : vector<16xi32>
    %add3A_42 = arith.constant 48 : i32
    %add3A_43 = vector.broadcast %add3A_42 : i32 to vector<16xi32>
    %add3A_44 = arith.addi %add3A_43, %iota3A : vector<16xi32>
    %get3A = arith.constant 0 : index
    %get3A_45 = tpu.vector_load %arg21[%get3A] {strides = array<i32>} : memref<128xf32, #tpu.memory_space<vmem>>, vector<16xf32>,
    %get3A_46 = arith.constant 16 : index
    %get3A_47 = tpu.vector_load %arg21[%get3A_46] {strides = array<i32>} : memref<128xf32, #tpu.memory_space<vmem>>, vector<16xf32>,
    %get3A_48 = arith.constant 32 : index
    %get3A_49 = tpu.vector_load %arg21[%get3A_48] {strides = array<i32>} : memref<128xf32, #tpu.memory_space<vmem>>, vector<16xf32>,
    %get3A_50 = arith.constant 48 : index
    %get3A_51 = tpu.vector_load %arg21[%get3A_50] {strides = array<i32>} : memref<128xf32, #tpu.memory_space<vmem>>, vector<16xf32>,
    %get3A_52 = arith.constant 64 : index
    %get3A_53 = tpu.vector_load %arg21[%get3A_52] {strides = array<i32>} : memref<128xf32, #tpu.memory_space<vmem>>, vector<16xf32>,
    %get3A_54 = arith.constant 80 : index
    %get3A_55 = tpu.vector_load %arg21[%get3A_54] {strides = array<i32>} : memref<128xf32, #tpu.memory_space<vmem>>, vector<16xf32>,
    %get3A_56 = arith.constant 96 : index
    %get3A_57 = tpu.vector_load %arg21[%get3A_56] {strides = array<i32>} : memref<128xf32, #tpu.memory_space<vmem>>, vector<16xf32>,
    %get3A_58 = arith.constant 112 : index
    %get3A_59 = tpu.vector_load %arg21[%get3A_58] {strides = array<i32>} : memref<128xf32, #tpu.memory_space<vmem>>, vector<16xf32>,
    %eq3A_60 = arith.constant 0 : i32
    %eq3A_61 = vector.broadcast %eq3A_60 : i32 to vector<16xi32>
    %eq3A_62 = arith.cmpi eq, %iota3A, %eq3A_61 : vector<16xi32>
    %mul3A_63 = arith.constant 9984 : i32
    %mul3A_64 = arith.muli %add3A, %mul3A_63 : i32
    %add3A_65 = arith.constant 0 : i32
    %add3A_66 = arith.addi %mul3A_64, %add3A_65 : i32
    %dma_start3A = tpu.memref_slice %arg4[%add3A_66] : memref<320000xi32, #tpu.memory_space<hbm>> -> memref<64xi32, #tpu.memory_space<hbm>>
    %dma_start3A_67 = tpu.memref_slice %arg4[%add3A_66] : memref<320000xi32, #tpu.memory_space<hbm>> -> memref<64xi32, #tpu.memory_space<hbm>>
    tpu.enqueue_dma source(%dma_start3A_67 : memref<64xi32, #tpu.memory_space<hbm>>) target(%arg9 : memref<64xi32, #tpu.memory_space<vmem>>) target_semaphore(%arg29 : memref<!tpu.dma_semaphore, #tpu.memory_space<semaphore_mem>>)
    %dma_start3A_68 = tpu.memref_slice %arg5[%add3A_66] : memref<320000xi32, #tpu.memory_space<hbm>> -> memref<64xi32, #tpu.memory_space<hbm>>
    %dma_start3A_69 = tpu.memref_slice %arg5[%add3A_66] : memref<320000xi32, #tpu.memory_space<hbm>> -> memref<64xi32, #tpu.memory_space<hbm>>
    tpu.enqueue_dma source(%dma_start3A_69 : memref<64xi32, #tpu.memory_space<hbm>>) target(%arg11 : memref<64xi32, #tpu.memory_space<vmem>>) target_semaphore(%arg29 : memref<!tpu.dma_semaphore, #tpu.memory_space<semaphore_mem>>)
    %dma_wait3A = arith.constant 0 : i32
    %dma_wait3A_70 = tpu.memref_slice %arg4[%dma_wait3A] : memref<320000xi32, #tpu.memory_space<hbm>> -> memref<64xi32, #tpu.memory_space<hbm>>
    %dma_wait3A_71 = arith.constant 0 : i32
    %dma_wait3A_72 = tpu.memref_slice %arg4[%dma_wait3A_71] : memref<320000xi32, #tpu.memory_space<hbm>> -> memref<64xi32, #tpu.memory_space<hbm>>
    tpu.wait_dma2 semaphore(%arg29 : memref<!tpu.dma_semaphore, #tpu.memory_space<semaphore_mem>>) src(%dma_wait3A_72 : memref<64xi32, #tpu.memory_space<hbm>>) dst(%arg9 : memref<64xi32, #tpu.memory_space<vmem>>)
    %dma_wait3A_73 = arith.constant 0 : i32
    %dma_wait3A_74 = tpu.memref_slice %arg5[%dma_wait3A_73] : memref<320000xi32, #tpu.memory_space<hbm>> -> memref<64xi32, #tpu.memory_space<hbm>>
    %dma_wait3A_75 = arith.constant 0 : i32
    %dma_wait3A_76 = tpu.memref_slice %arg5[%dma_wait3A_75] : memref<320000xi32, #tpu.memory_space<hbm>> -> memref<64xi32, #tpu.memory_space<hbm>>
    tpu.wait_dma2 semaphore(%arg29 : memref<!tpu.dma_semaphore, #tpu.memory_space<semaphore_mem>>) src(%dma_wait3A_76 : memref<64xi32, #tpu.memory_space<hbm>>) dst(%arg11 : memref<64xi32, #tpu.memory_space<vmem>>)
    %dma_start3A_77 = arith.constant 0 : i32
    %dma_start3A_78 = arith.constant 0 : i32
    %dma_start3A_79 = tpu.memref_slice %arg2[%dma_start3A_77, %dma_start3A_78] : memref<10000x128xf32, #tpu.memory_space<hbm>> -> memref<10000x128xf32, #tpu.memory_space<hbm>>
    tpu.enqueue_indirect_dma source(%dma_start3A_79 : memref<10000x128xf32, #tpu.memory_space<hbm>>) target(%arg15 : memref<64x128xf32, #tpu.memory_space<vmem>>) offsets(%arg9 : memref<64xi32, #tpu.memory_space<vmem>>) semaphore(%arg23 : memref<!tpu.dma_semaphore, #tpu.memory_space<semaphore_mem>>)
    %dma_start3A_80 = arith.constant 0 : i32
    %dma_start3A_81 = arith.constant 0 : i32
    %dma_start3A_82 = tpu.memref_slice %arg3[%dma_start3A_80, %dma_start3A_81] : memref<10000x128xf32, #tpu.memory_space<hbm>> -> memref<10000x128xf32, #tpu.memory_space<hbm>>
    tpu.enqueue_indirect_dma source(%dma_start3A_82 : memref<10000x128xf32, #tpu.memory_space<hbm>>) target(%arg17 : memref<64x128xf32, #tpu.memory_space<vmem>>) offsets(%arg11 : memref<64xi32, #tpu.memory_space<vmem>>) semaphore(%arg23 : memref<!tpu.dma_semaphore, #tpu.memory_space<semaphore_mem>>)
    %mul3A_83 = arith.constant 9984 : i32
    %mul3A_84 = arith.muli %add3A, %mul3A_83 : i32
    %add3A_85 = arith.constant 64 : i32
    %add3A_86 = arith.addi %mul3A_84, %add3A_85 : i32
    %dma_start3A_87 = tpu.memref_slice %arg4[%add3A_86] : memref<320000xi32, #tpu.memory_space<hbm>> -> memref<64xi32, #tpu.memory_space<hbm>>
    %dma_start3A_88 = tpu.memref_slice %arg4[%add3A_86] : memref<320000xi32, #tpu.memory_space<hbm>> -> memref<64xi32, #tpu.memory_space<hbm>>
    tpu.enqueue_dma source(%dma_start3A_88 : memref<64xi32, #tpu.memory_space<hbm>>) target(%arg10 : memref<64xi32, #tpu.memory_space<vmem>>) target_semaphore(%arg30 : memref<!tpu.dma_semaphore, #tpu.memory_space<semaphore_mem>>)
    %dma_start3A_89 = tpu.memref_slice %arg5[%add3A_86] : memref<320000xi32, #tpu.memory_space<hbm>> -> memref<64xi32, #tpu.memory_space<hbm>>
    %dma_start3A_90 = tpu.memref_slice %arg5[%add3A_86] : memref<320000xi32, #tpu.memory_space<hbm>> -> memref<64xi32, #tpu.memory_space<hbm>>
    tpu.enqueue_dma source(%dma_start3A_90 : memref<64xi32, #tpu.memory_space<hbm>>) target(%arg12 : memref<64xi32, #tpu.memory_space<vmem>>) target_semaphore(%arg30 : memref<!tpu.dma_semaphore, #tpu.memory_space<semaphore_mem>>)
    %scan3A_91 = arith.constant 0 : i32
    %scan3A_92 = arith.constant 0 : i32
    %scan3A_93 = arith.constant 78 : i32
    %scan3A_94 = arith.addi %scan3A_92, %scan3A_93 : i32
    %scan3A_95 = arith.constant 1 : i32
    %scan3A_96 = scf.for %scan3A_130 = %scan3A_92 to %scan3A_94 step %scan3A_95 iter_args(%scan3A_131 = %scan3A_91) -> (i32)  : i32 {
      %mul3A_132 = arith.constant 2 : i32
      %mul3A_133 = arith.muli %mul3A_132, %scan3A_130 : i32
      %dma_wait3A_134 = arith.constant 0 : i32
      %dma_wait3A_135 = arith.constant 0 : i32
      %dma_wait3A_136 = tpu.memref_slice %arg2[%dma_wait3A_134, %dma_wait3A_135] : memref<10000x128xf32, #tpu.memory_space<hbm>> -> memref<10000x128xf32, #tpu.memory_space<hbm>>
      tpu.wait_indirect_dma semaphore(%arg23 : memref<!tpu.dma_semaphore, #tpu.memory_space<semaphore_mem>>) src(%dma_wait3A_136 : memref<10000x128xf32, #tpu.memory_space<hbm>>) dst(%arg15 : memref<64x128xf32, #tpu.memory_space<vmem>>)
      %dma_wait3A_137 = arith.constant 0 : i32
      %dma_wait3A_138 = arith.constant 0 : i32
      %dma_wait3A_139 = tpu.memref_slice %arg3[%dma_wait3A_137, %dma_wait3A_138] : memref<10000x128xf32, #tpu.memory_space<hbm>> -> memref<10000x128xf32, #tpu.memory_space<hbm>>
      tpu.wait_indirect_dma semaphore(%arg23 : memref<!tpu.dma_semaphore, #tpu.memory_space<semaphore_mem>>) src(%dma_wait3A_139 : memref<10000x128xf32, #tpu.memory_space<hbm>>) dst(%arg17 : memref<64x128xf32, #tpu.memory_space<vmem>>)
      %scan3A_140 = arith.constant 0 : i32
      %scan3A_141 = arith.constant 0 : i32
      %scan3A_142 = arith.constant 64 : i32
      %scan3A_143 = arith.addi %scan3A_141, %scan3A_142 : i32
      %scan3A_144 = arith.constant 2 : i32
      %scan3A_145 = scf.for %scan3A_234 = %scan3A_141 to %scan3A_143 step %scan3A_144 iter_args(%scan3A_235 = %scan3A_140) -> (i32)  : i32 {
        %get3A_236 = arith.index_cast %scan3A_234 : i32 to index
        %get3A_237 = arith.constant 0 : index
        %get3A_238 = tpu.vector_load %arg15[%get3A_236, %get3A_237] {strides = array<i32>} : memref<64x128xf32, #tpu.memory_space<vmem>>, vector<16xf32>,
        %get3A_239 = arith.index_cast %scan3A_234 : i32 to index
        %get3A_240 = arith.constant 0 : index
        %get3A_241 = tpu.vector_load %arg17[%get3A_239, %get3A_240] {strides = array<i32>} : memref<64x128xf32, #tpu.memory_space<vmem>>, vector<16xf32>,
        %add3A_242 = arith.addf %get3A_238, %get3A_241 : vector<16xf32>
        %exp3A = math.exp %add3A_242 : vector<16xf32>
        %add3A_243 = arith.constant 1.000000e+00 : f32
        %add3A_244 = vector.broadcast %add3A_243 : f32 to vector<16xf32>
        %add3A_245 = arith.addf %add3A_244, %exp3A : vector<16xf32>
        %mul3A_246 = arith.mulf %add3A_245, %add3A_245 : vector<16xf32>
        %add3A_247 = arith.constant 1.000000e+00 : f32
        %add3A_248 = vector.broadcast %add3A_247 : f32 to vector<16xf32>
        %add3A_249 = arith.addf %mul3A_246, %add3A_248 : vector<16xf32>
        %div3A = arith.constant 2.000000e+00 : f32
        %div3A_250 = vector.broadcast %div3A : f32 to vector<16xf32>
        %div3A_251 = arith.divf %div3A_250, %add3A_249 : vector<16xf32>
        %mul3A_252 = arith.mulf %get3A_45, %add3A_242 : vector<16xf32>
        %mul3A_253 = arith.mulf %mul3A_252, %div3A_251 : vector<16xf32>
        %sub3A_254 = arith.subf %mul3A_252, %mul3A_253 : vector<16xf32>
        %get3A_255 = arith.index_cast %scan3A_234 : i32 to index
        %get3A_256 = arith.constant 16 : index
        %get3A_257 = tpu.vector_load %arg15[%get3A_255, %get3A_256] {strides = array<i32>} : memref<64x128xf32, #tpu.memory_space<vmem>>, vector<16xf32>,
        %get3A_258 = arith.index_cast %scan3A_234 : i32 to index
        %get3A_259 = arith.constant 16 : index
        %get3A_260 = tpu.vector_load %arg17[%get3A_258, %get3A_259] {strides = array<i32>} : memref<64x128xf32, #tpu.memory_space<vmem>>, vector<16xf32>,
        %add3A_261 = arith.addf %get3A_257, %get3A_260 : vector<16xf32>
        %exp3A_262 = math.exp %add3A_261 : vector<16xf32>
        %add3A_263 = arith.constant 1.000000e+00 : f32
        %add3A_264 = vector.broadcast %add3A_263 : f32 to vector<16xf32>
        %add3A_265 = arith.addf %add3A_264, %exp3A_262 : vector<16xf32>
        %mul3A_266 = arith.mulf %add3A_265, %add3A_265 : vector<16xf32>
        %add3A_267 = arith.constant 1.000000e+00 : f32
        %add3A_268 = vector.broadcast %add3A_267 : f32 to vector<16xf32>
        %add3A_269 = arith.addf %mul3A_266, %add3A_268 : vector<16xf32>
        %div3A_270 = arith.constant 2.000000e+00 : f32
        %div3A_271 = vector.broadcast %div3A_270 : f32 to vector<16xf32>
        %div3A_272 = arith.divf %div3A_271, %add3A_269 : vector<16xf32>
        %mul3A_273 = arith.mulf %get3A_47, %add3A_261 : vector<16xf32>
        %mul3A_274 = arith.mulf %mul3A_273, %div3A_272 : vector<16xf32>
        %sub3A_275 = arith.subf %mul3A_273, %mul3A_274 : vector<16xf32>
        %get3A_276 = arith.index_cast %scan3A_234 : i32 to index
        %get3A_277 = arith.constant 32 : index
        %get3A_278 = tpu.vector_load %arg15[%get3A_276, %get3A_277] {strides = array<i32>} : memref<64x128xf32, #tpu.memory_space<vmem>>, vector<16xf32>,
        %get3A_279 = arith.index_cast %scan3A_234 : i32 to index
        %get3A_280 = arith.constant 32 : index
        %get3A_281 = tpu.vector_load %arg17[%get3A_279, %get3A_280] {strides = array<i32>} : memref<64x128xf32, #tpu.memory_space<vmem>>, vector<16xf32>,
        %add3A_282 = arith.addf %get3A_278, %get3A_281 : vector<16xf32>
        %exp3A_283 = math.exp %add3A_282 : vector<16xf32>
        %add3A_284 = arith.constant 1.000000e+00 : f32
        %add3A_285 = vector.broadcast %add3A_284 : f32 to vector<16xf32>
        %add3A_286 = arith.addf %add3A_285, %exp3A_283 : vector<16xf32>
        %mul3A_287 = arith.mulf %add3A_286, %add3A_286 : vector<16xf32>
        %add3A_288 = arith.constant 1.000000e+00 : f32
        %add3A_289 = vector.broadcast %add3A_288 : f32 to vector<16xf32>
        %add3A_290 = arith.addf %mul3A_287, %add3A_289 : vector<16xf32>
        %div3A_291 = arith.constant 2.000000e+00 : f32
        %div3A_292 = vector.broadcast %div3A_291 : f32 to vector<16xf32>
        %div3A_293 = arith.divf %div3A_292, %add3A_290 : vector<16xf32>
        %mul3A_294 = arith.mulf %get3A_49, %add3A_282 : vector<16xf32>
        %mul3A_295 = arith.mulf %mul3A_294, %div3A_293 : vector<16xf32>
        %sub3A_296 = arith.subf %mul3A_294, %mul3A_295 : vector<16xf32>
        %get3A_297 = arith.index_cast %scan3A_234 : i32 to index
        %get3A_298 = arith.constant 48 : index
        %get3A_299 = tpu.vector_load %arg15[%get3A_297, %get3A_298] {strides = array<i32>} : memref<64x128xf32, #tpu.memory_space<vmem>>, vector<16xf32>,
        %get3A_300 = arith.index_cast %scan3A_234 : i32 to index
        %get3A_301 = arith.constant 48 : index
        %get3A_302 = tpu.vector_load %arg17[%get3A_300, %get3A_301] {strides = array<i32>} : memref<64x128xf32, #tpu.memory_space<vmem>>, vector<16xf32>,
        %add3A_303 = arith.addf %get3A_299, %get3A_302 : vector<16xf32>
        %exp3A_304 = math.exp %add3A_303 : vector<16xf32>
        %add3A_305 = arith.constant 1.000000e+00 : f32
        %add3A_306 = vector.broadcast %add3A_305 : f32 to vector<16xf32>
        %add3A_307 = arith.addf %add3A_306, %exp3A_304 : vector<16xf32>
        %mul3A_308 = arith.mulf %add3A_307, %add3A_307 : vector<16xf32>
        %add3A_309 = arith.constant 1.000000e+00 : f32
        %add3A_310 = vector.broadcast %add3A_309 : f32 to vector<16xf32>
        %add3A_311 = arith.addf %mul3A_308, %add3A_310 : vector<16xf32>
        %div3A_312 = arith.constant 2.000000e+00 : f32
        %div3A_313 = vector.broadcast %div3A_312 : f32 to vector<16xf32>
        %div3A_314 = arith.divf %div3A_313, %add3A_311 : vector<16xf32>
        %mul3A_315 = arith.mulf %get3A_51, %add3A_303 : vector<16xf32>
        %mul3A_316 = arith.mulf %mul3A_315, %div3A_314 : vector<16xf32>
        %sub3A_317 = arith.subf %mul3A_315, %mul3A_316 : vector<16xf32>
        %get3A_318 = arith.index_cast %scan3A_234 : i32 to index
        %get3A_319 = arith.constant 64 : index
        %get3A_320 = tpu.vector_load %arg15[%get3A_318, %get3A_319] {strides = array<i32>} : memref<64x128xf32, #tpu.memory_space<vmem>>, vector<16xf32>,
        %get3A_321 = arith.index_cast %scan3A_234 : i32 to index
        %get3A_322 = arith.constant 64 : index
        %get3A_323 = tpu.vector_load %arg17[%get3A_321, %get3A_322] {strides = array<i32>} : memref<64x128xf32, #tpu.memory_space<vmem>>, vector<16xf32>,
        %add3A_324 = arith.addf %get3A_320, %get3A_323 : vector<16xf32>
        %exp3A_325 = math.exp %add3A_324 : vector<16xf32>
        %add3A_326 = arith.constant 1.000000e+00 : f32
        %add3A_327 = vector.broadcast %add3A_326 : f32 to vector<16xf32>
        %add3A_328 = arith.addf %add3A_327, %exp3A_325 : vector<16xf32>
        %mul3A_329 = arith.mulf %add3A_328, %add3A_328 : vector<16xf32>
        %add3A_330 = arith.constant 1.000000e+00 : f32
        %add3A_331 = vector.broadcast %add3A_330 : f32 to vector<16xf32>
        %add3A_332 = arith.addf %mul3A_329, %add3A_331 : vector<16xf32>
        %div3A_333 = arith.constant 2.000000e+00 : f32
        %div3A_334 = vector.broadcast %div3A_333 : f32 to vector<16xf32>
        %div3A_335 = arith.divf %div3A_334, %add3A_332 : vector<16xf32>
        %mul3A_336 = arith.mulf %get3A_53, %add3A_324 : vector<16xf32>
        %mul3A_337 = arith.mulf %mul3A_336, %div3A_335 : vector<16xf32>
        %sub3A_338 = arith.subf %mul3A_336, %mul3A_337 : vector<16xf32>
        %get3A_339 = arith.index_cast %scan3A_234 : i32 to index
        %get3A_340 = arith.constant 80 : index
        %get3A_341 = tpu.vector_load %arg15[%get3A_339, %get3A_340] {strides = array<i32>} : memref<64x128xf32, #tpu.memory_space<vmem>>, vector<16xf32>,
        %get3A_342 = arith.index_cast %scan3A_234 : i32 to index
        %get3A_343 = arith.constant 80 : index
        %get3A_344 = tpu.vector_load %arg17[%get3A_342, %get3A_343] {strides = array<i32>} : memref<64x128xf32, #tpu.memory_space<vmem>>, vector<16xf32>,
        %add3A_345 = arith.addf %get3A_341, %get3A_344 : vector<16xf32>
        %exp3A_346 = math.exp %add3A_345 : vector<16xf32>
        %add3A_347 = arith.constant 1.000000e+00 : f32
        %add3A_348 = vector.broadcast %add3A_347 : f32 to vector<16xf32>
        %add3A_349 = arith.addf %add3A_348, %exp3A_346 : vector<16xf32>
        %mul3A_350 = arith.mulf %add3A_349, %add3A_349 : vector<16xf32>
        %add3A_351 = arith.constant 1.000000e+00 : f32
        %add3A_352 = vector.broadcast %add3A_351 : f32 to vector<16xf32>
        %add3A_353 = arith.addf %mul3A_350, %add3A_352 : vector<16xf32>
        %div3A_354 = arith.constant 2.000000e+00 : f32
        %div3A_355 = vector.broadcast %div3A_354 : f32 to vector<16xf32>
        %div3A_356 = arith.divf %div3A_355, %add3A_353 : vector<16xf32>
        %mul3A_357 = arith.mulf %get3A_55, %add3A_345 : vector<16xf32>
        %mul3A_358 = arith.mulf %mul3A_357, %div3A_356 : vector<16xf32>
        %sub3A_359 = arith.subf %mul3A_357, %mul3A_358 : vector<16xf32>
        %get3A_360 = arith.index_cast %scan3A_234 : i32 to index
        %get3A_361 = arith.constant 96 : index
        %get3A_362 = tpu.vector_load %arg15[%get3A_360, %get3A_361] {strides = array<i32>} : memref<64x128xf32, #tpu.memory_space<vmem>>, vector<16xf32>,
        %get3A_363 = arith.index_cast %scan3A_234 : i32 to index
        %get3A_364 = arith.constant 96 : index
        %get3A_365 = tpu.vector_load %arg17[%get3A_363, %get3A_364] {strides = array<i32>} : memref<64x128xf32, #tpu.memory_space<vmem>>, vector<16xf32>,
        %add3A_366 = arith.addf %get3A_362, %get3A_365 : vector<16xf32>
        %exp3A_367 = math.exp %add3A_366 : vector<16xf32>
        %add3A_368 = arith.constant 1.000000e+00 : f32
        %add3A_369 = vector.broadcast %add3A_368 : f32 to vector<16xf32>
        %add3A_370 = arith.addf %add3A_369, %exp3A_367 : vector<16xf32>
        %mul3A_371 = arith.mulf %add3A_370, %add3A_370 : vector<16xf32>
        %add3A_372 = arith.constant 1.000000e+00 : f32
        %add3A_373 = vector.broadcast %add3A_372 : f32 to vector<16xf32>
        %add3A_374 = arith.addf %mul3A_371, %add3A_373 : vector<16xf32>
        %div3A_375 = arith.constant 2.000000e+00 : f32
        %div3A_376 = vector.broadcast %div3A_375 : f32 to vector<16xf32>
        %div3A_377 = arith.divf %div3A_376, %add3A_374 : vector<16xf32>
        %mul3A_378 = arith.mulf %get3A_57, %add3A_366 : vector<16xf32>
        %mul3A_379 = arith.mulf %mul3A_378, %div3A_377 : vector<16xf32>
        %sub3A_380 = arith.subf %mul3A_378, %mul3A_379 : vector<16xf32>
        %get3A_381 = arith.index_cast %scan3A_234 : i32 to index
        %get3A_382 = arith.constant 112 : index
        %get3A_383 = tpu.vector_load %arg15[%get3A_381, %get3A_382] {strides = array<i32>} : memref<64x128xf32, #tpu.memory_space<vmem>>, vector<16xf32>,
        %get3A_384 = arith.index_cast %scan3A_234 : i32 to index
        %get3A_385 = arith.constant 112 : index
        %get3A_386 = tpu.vector_load %arg17[%get3A_384, %get3A_385] {strides = array<i32>} : memref<64x128xf32, #tpu.memory_space<vmem>>, vector<16xf32>,
        %add3A_387 = arith.addf %get3A_383, %get3A_386 : vector<16xf32>
        %exp3A_388 = math.exp %add3A_387 : vector<16xf32>
        %add3A_389 = arith.constant 1.000000e+00 : f32
        %add3A_390 = vector.broadcast %add3A_389 : f32 to vector<16xf32>
        %add3A_391 = arith.addf %add3A_390, %exp3A_388 : vector<16xf32>
        %mul3A_392 = arith.mulf %add3A_391, %add3A_391 : vector<16xf32>
        %add3A_393 = arith.constant 1.000000e+00 : f32
        %add3A_394 = vector.broadcast %add3A_393 : f32 to vector<16xf32>
        %add3A_395 = arith.addf %mul3A_392, %add3A_394 : vector<16xf32>
        %div3A_396 = arith.constant 2.000000e+00 : f32
        %div3A_397 = vector.broadcast %div3A_396 : f32 to vector<16xf32>
        %div3A_398 = arith.divf %div3A_397, %add3A_395 : vector<16xf32>
        %mul3A_399 = arith.mulf %get3A_59, %add3A_387 : vector<16xf32>
        %mul3A_400 = arith.mulf %mul3A_399, %div3A_398 : vector<16xf32>
        %sub3A_401 = arith.subf %mul3A_399, %mul3A_400 : vector<16xf32>
        %add3A_402 = arith.addf %sub3A_254, %sub3A_275 : vector<16xf32>
        %reduce_sum3A = arith.constant true
        %reduce_sum3A_403 = vector.broadcast %reduce_sum3A : i1 to vector<16xi1>
        %reduce_sum3A_404 = tpu.scan <sum>, %add3A_402 masked %reduce_sum3A_403 : vector<16xf32>, vector<16xi1> -> vector<16xf32>
        %reduce_sum3A_405 = vector.extract %reduce_sum3A_404[15] : f32 from vector<16xf32>
        %broadcast_in_dim3A_406 = vector.broadcast %reduce_sum3A_405 : f32 to vector<16xf32>
        %exp3A_407 = math.exp %broadcast_in_dim3A_406 : vector<16xf32>
        %mul3A_408 = arith.mulf %exp3A_407, %get3A_238 : vector<16xf32>
        %swap3A_409 = arith.index_cast %scan3A_234 : i32 to index
        %swap3A_410 = arith.constant 0 : index
        %swap3A_411 = tpu.vector_load %arg15[%swap3A_409, %swap3A_410] {strides = array<i32>} : memref<64x128xf32, #tpu.memory_space<vmem>>, vector<16xf32>,
        tpu.vector_store %arg15[%swap3A_409, %swap3A_410], %mul3A_408 {strides = array<i32>} : memref<64x128xf32, #tpu.memory_space<vmem>>, vector<16xf32>,
        %mul3A_412 = arith.mulf %exp3A_407, %get3A_257 : vector<16xf32>
        %swap3A_413 = arith.index_cast %scan3A_234 : i32 to index
        %swap3A_414 = arith.constant 16 : index
        %swap3A_415 = tpu.vector_load %arg15[%swap3A_413, %swap3A_414] {strides = array<i32>} : memref<64x128xf32, #tpu.memory_space<vmem>>, vector<16xf32>,
        tpu.vector_store %arg15[%swap3A_413, %swap3A_414], %mul3A_412 {strides = array<i32>} : memref<64x128xf32, #tpu.memory_space<vmem>>, vector<16xf32>,
        %broadcast_in_dim3A_416 = arith.constant 0 : i32
        %broadcast_in_dim3A_417 = vector.broadcast %broadcast_in_dim3A_416 : i32 to vector<16xi32>
        %mul3A_418 = arith.constant 4 : i32
        %mul3A_419 = arith.muli %scan3A_234, %mul3A_418 : i32
        %add3A_420 = arith.constant 0 : i32
        %add3A_421 = arith.addi %mul3A_419, %add3A_420 : i32
        %add3A_422 = vector.broadcast %add3A_421 : i32 to vector<16xi32>
        %add3A_423 = arith.addi %broadcast_in_dim3A_417, %add3A_422 : vector<16xi32>
        tpu.vector_store_idx %arg19[%add3A_423], %exp3A_407 masked %eq3A_62 : memref<256xf32, #tpu.memory_space<vmem>>[vector<16xi32>], vector<16xf32>, vector<16xi1>
        %add3A_424 = arith.addf %sub3A_296, %sub3A_317 : vector<16xf32>
        %reduce_sum3A_425 = arith.constant true
        %reduce_sum3A_426 = vector.broadcast %reduce_sum3A_425 : i1 to vector<16xi1>
        %reduce_sum3A_427 = tpu.scan <sum>, %add3A_424 masked %reduce_sum3A_426 : vector<16xf32>, vector<16xi1> -> vector<16xf32>
        %reduce_sum3A_428 = vector.extract %reduce_sum3A_427[15] : f32 from vector<16xf32>
        %broadcast_in_dim3A_429 = vector.broadcast %reduce_sum3A_428 : f32 to vector<16xf32>
        %exp3A_430 = math.exp %broadcast_in_dim3A_429 : vector<16xf32>
        %mul3A_431 = arith.mulf %exp3A_430, %get3A_278 : vector<16xf32>
        %swap3A_432 = arith.index_cast %scan3A_234 : i32 to index
        %swap3A_433 = arith.constant 32 : index
        %swap3A_434 = tpu.vector_load %arg15[%swap3A_432, %swap3A_433] {strides = array<i32>} : memref<64x128xf32, #tpu.memory_space<vmem>>, vector<16xf32>,
        tpu.vector_store %arg15[%swap3A_432, %swap3A_433], %mul3A_431 {strides = array<i32>} : memref<64x128xf32, #tpu.memory_space<vmem>>, vector<16xf32>,
        %mul3A_435 = arith.mulf %exp3A_430, %get3A_299 : vector<16xf32>
        %swap3A_436 = arith.index_cast %scan3A_234 : i32 to index
        %swap3A_437 = arith.constant 48 : index
        %swap3A_438 = tpu.vector_load %arg15[%swap3A_436, %swap3A_437] {strides = array<i32>} : memref<64x128xf32, #tpu.memory_space<vmem>>, vector<16xf32>,
        tpu.vector_store %arg15[%swap3A_436, %swap3A_437], %mul3A_435 {strides = array<i32>} : memref<64x128xf32, #tpu.memory_space<vmem>>, vector<16xf32>,
        %broadcast_in_dim3A_439 = arith.constant 0 : i32
        %broadcast_in_dim3A_440 = vector.broadcast %broadcast_in_dim3A_439 : i32 to vector<16xi32>
        %mul3A_441 = arith.constant 4 : i32
        %mul3A_442 = arith.muli %scan3A_234, %mul3A_441 : i32
        %add3A_443 = arith.constant 1 : i32
        %add3A_444 = arith.addi %mul3A_442, %add3A_443 : i32
        %add3A_445 = vector.broadcast %add3A_444 : i32 to vector<16xi32>
        %add3A_446 = arith.addi %broadcast_in_dim3A_440, %add3A_445 : vector<16xi32>
        tpu.vector_store_idx %arg19[%add3A_446], %exp3A_430 masked %eq3A_62 : memref<256xf32, #tpu.memory_space<vmem>>[vector<16xi32>], vector<16xf32>, vector<16xi1>
        %add3A_447 = arith.addf %sub3A_338, %sub3A_359 : vector<16xf32>
        %reduce_sum3A_448 = arith.constant true
        %reduce_sum3A_449 = vector.broadcast %reduce_sum3A_448 : i1 to vector<16xi1>
        %reduce_sum3A_450 = tpu.scan <sum>, %add3A_447 masked %reduce_sum3A_449 : vector<16xf32>, vector<16xi1> -> vector<16xf32>
        %reduce_sum3A_451 = vector.extract %reduce_sum3A_450[15] : f32 from vector<16xf32>
        %broadcast_in_dim3A_452 = vector.broadcast %reduce_sum3A_451 : f32 to vector<16xf32>
        %exp3A_453 = math.exp %broadcast_in_dim3A_452 : vector<16xf32>
        %mul3A_454 = arith.mulf %exp3A_453, %get3A_320 : vector<16xf32>
        %swap3A_455 = arith.index_cast %scan3A_234 : i32 to index
        %swap3A_456 = arith.constant 64 : index
        %swap3A_457 = tpu.vector_load %arg15[%swap3A_455, %swap3A_456] {strides = array<i32>} : memref<64x128xf32, #tpu.memory_space<vmem>>, vector<16xf32>,
        tpu.vector_store %arg15[%swap3A_455, %swap3A_456], %mul3A_454 {strides = array<i32>} : memref<64x128xf32, #tpu.memory_space<vmem>>, vector<16xf32>,
        %mul3A_458 = arith.mulf %exp3A_453, %get3A_341 : vector<16xf32>
        %swap3A_459 = arith.index_cast %scan3A_234 : i32 to index
        %swap3A_460 = arith.constant 80 : index
        %swap3A_461 = tpu.vector_load %arg15[%swap3A_459, %swap3A_460] {strides = array<i32>} : memref<64x128xf32, #tpu.memory_space<vmem>>, vector<16xf32>,
        tpu.vector_store %arg15[%swap3A_459, %swap3A_460], %mul3A_458 {strides = array<i32>} : memref<64x128xf32, #tpu.memory_space<vmem>>, vector<16xf32>,
        %broadcast_in_dim3A_462 = arith.constant 0 : i32
        %broadcast_in_dim3A_463 = vector.broadcast %broadcast_in_dim3A_462 : i32 to vector<16xi32>
        %mul3A_464 = arith.constant 4 : i32
        %mul3A_465 = arith.muli %scan3A_234, %mul3A_464 : i32
        %add3A_466 = arith.constant 2 : i32
        %add3A_467 = arith.addi %mul3A_465, %add3A_466 : i32
        %add3A_468 = vector.broadcast %add3A_467 : i32 to vector<16xi32>
        %add3A_469 = arith.addi %broadcast_in_dim3A_463, %add3A_468 : vector<16xi32>
        tpu.vector_store_idx %arg19[%add3A_469], %exp3A_453 masked %eq3A_62 : memref<256xf32, #tpu.memory_space<vmem>>[vector<16xi32>], vector<16xf32>, vector<16xi1>
        %add3A_470 = arith.addf %sub3A_380, %sub3A_401 : vector<16xf32>
        %reduce_sum3A_471 = arith.constant true
        %reduce_sum3A_472 = vector.broadcast %reduce_sum3A_471 : i1 to vector<16xi1>
        %reduce_sum3A_473 = tpu.scan <sum>, %add3A_470 masked %reduce_sum3A_472 : vector<16xf32>, vector<16xi1> -> vector<16xf32>
        %reduce_sum3A_474 = vector.extract %reduce_sum3A_473[15] : f32 from vector<16xf32>
        %broadcast_in_dim3A_475 = vector.broadcast %reduce_sum3A_474 : f32 to vector<16xf32>
        %exp3A_476 = math.exp %broadcast_in_dim3A_475 : vector<16xf32>
        %mul3A_477 = arith.mulf %exp3A_476, %get3A_362 : vector<16xf32>
        %swap3A_478 = arith.index_cast %scan3A_234 : i32 to index
        %swap3A_479 = arith.constant 96 : index
        %swap3A_480 = tpu.vector_load %arg15[%swap3A_478, %swap3A_479] {strides = array<i32>} : memref<64x128xf32, #tpu.memory_space<vmem>>, vector<16xf32>,
        tpu.vector_store %arg15[%swap3A_478, %swap3A_479], %mul3A_477 {strides = array<i32>} : memref<64x128xf32, #tpu.memory_space<vmem>>, vector<16xf32>,
        %mul3A_481 = arith.mulf %exp3A_476, %get3A_383 : vector<16xf32>
        %swap3A_482 = arith.index_cast %scan3A_234 : i32 to index
        %swap3A_483 = arith.constant 112 : index
        %swap3A_484 = tpu.vector_load %arg15[%swap3A_482, %swap3A_483] {strides = array<i32>} : memref<64x128xf32, #tpu.memory_space<vmem>>, vector<16xf32>,
        tpu.vector_store %arg15[%swap3A_482, %swap3A_483], %mul3A_481 {strides = array<i32>} : memref<64x128xf32, #tpu.memory_space<vmem>>, vector<16xf32>,
        %broadcast_in_dim3A_485 = arith.constant 0 : i32
        %broadcast_in_dim3A_486 = vector.broadcast %broadcast_in_dim3A_485 : i32 to vector<16xi32>
        %mul3A_487 = arith.constant 4 : i32
        %mul3A_488 = arith.muli %scan3A_234, %mul3A_487 : i32
        %add3A_489 = arith.constant 3 : i32
        %add3A_490 = arith.addi %mul3A_488, %add3A_489 : i32
        %add3A_491 = vector.broadcast %add3A_490 : i32 to vector<16xi32>
        %add3A_492 = arith.addi %broadcast_in_dim3A_486, %add3A_491 : vector<16xi32>
        tpu.vector_store_idx %arg19[%add3A_492], %exp3A_476 masked %eq3A_62 : memref<256xf32, #tpu.memory_space<vmem>>[vector<16xi32>], vector<16xf32>, vector<16xi1>
        %scan3A_493 = arith.constant 0 : i32
        %scan3A_494 = arith.constant 1 : i32
        %scan3A_495 = arith.addi %scan3A_234, %scan3A_494 : i32
        %get3A_496 = arith.index_cast %scan3A_495 : i32 to index
        %get3A_497 = arith.constant 0 : index
        %get3A_498 = tpu.vector_load %arg15[%get3A_496, %get3A_497] {strides = array<i32>} : memref<64x128xf32, #tpu.memory_space<vmem>>, vector<16xf32>,
        %get3A_499 = arith.index_cast %scan3A_495 : i32 to index
        %get3A_500 = arith.constant 0 : index
        %get3A_501 = tpu.vector_load %arg17[%get3A_499, %get3A_500] {strides = array<i32>} : memref<64x128xf32, #tpu.memory_space<vmem>>, vector<16xf32>,
        %add3A_502 = arith.addf %get3A_498, %get3A_501 : vector<16xf32>
        %exp3A_503 = math.exp %add3A_502 : vector<16xf32>
        %add3A_504 = arith.constant 1.000000e+00 : f32
        %add3A_505 = vector.broadcast %add3A_504 : f32 to vector<16xf32>
        %add3A_506 = arith.addf %add3A_505, %exp3A_503 : vector<16xf32>
        %mul3A_507 = arith.mulf %add3A_506, %add3A_506 : vector<16xf32>
        %add3A_508 = arith.constant 1.000000e+00 : f32
        %add3A_509 = vector.broadcast %add3A_508 : f32 to vector<16xf32>
        %add3A_510 = arith.addf %mul3A_507, %add3A_509 : vector<16xf32>
        %div3A_511 = arith.constant 2.000000e+00 : f32
        %div3A_512 = vector.broadcast %div3A_511 : f32 to vector<16xf32>
        %div3A_513 = arith.divf %div3A_512, %add3A_510 : vector<16xf32>
        %mul3A_514 = arith.mulf %get3A_45, %add3A_502 : vector<16xf32>
        %mul3A_515 = arith.mulf %mul3A_514, %div3A_513 : vector<16xf32>
        %sub3A_516 = arith.subf %mul3A_514, %mul3A_515 : vector<16xf32>
        %get3A_517 = arith.index_cast %scan3A_495 : i32 to index
        %get3A_518 = arith.constant 16 : index
        %get3A_519 = tpu.vector_load %arg15[%get3A_517, %get3A_518] {strides = array<i32>} : memref<64x128xf32, #tpu.memory_space<vmem>>, vector<16xf32>,
        %get3A_520 = arith.index_cast %scan3A_495 : i32 to index
        %get3A_521 = arith.constant 16 : index
        %get3A_522 = tpu.vector_load %arg17[%get3A_520, %get3A_521] {strides = array<i32>} : memref<64x128xf32, #tpu.memory_space<vmem>>, vector<16xf32>,
        %add3A_523 = arith.addf %get3A_519, %get3A_522 : vector<16xf32>
        %exp3A_524 = math.exp %add3A_523 : vector<16xf32>
        %add3A_525 = arith.constant 1.000000e+00 : f32
        %add3A_526 = vector.broadcast %add3A_525 : f32 to vector<16xf32>
        %add3A_527 = arith.addf %add3A_526, %exp3A_524 : vector<16xf32>
        %mul3A_528 = arith.mulf %add3A_527, %add3A_527 : vector<16xf32>
        %add3A_529 = arith.constant 1.000000e+00 : f32
        %add3A_530 = vector.broadcast %add3A_529 : f32 to vector<16xf32>
        %add3A_531 = arith.addf %mul3A_528, %add3A_530 : vector<16xf32>
        %div3A_532 = arith.constant 2.000000e+00 : f32
        %div3A_533 = vector.broadcast %div3A_532 : f32 to vector<16xf32>
        %div3A_534 = arith.divf %div3A_533, %add3A_531 : vector<16xf32>
        %mul3A_535 = arith.mulf %get3A_47, %add3A_523 : vector<16xf32>
        %mul3A_536 = arith.mulf %mul3A_535, %div3A_534 : vector<16xf32>
        %sub3A_537 = arith.subf %mul3A_535, %mul3A_536 : vector<16xf32>
        %get3A_538 = arith.index_cast %scan3A_495 : i32 to index
        %get3A_539 = arith.constant 32 : index
        %get3A_540 = tpu.vector_load %arg15[%get3A_538, %get3A_539] {strides = array<i32>} : memref<64x128xf32, #tpu.memory_space<vmem>>, vector<16xf32>,
        %get3A_541 = arith.index_cast %scan3A_495 : i32 to index
        %get3A_542 = arith.constant 32 : index
        %get3A_543 = tpu.vector_load %arg17[%get3A_541, %get3A_542] {strides = array<i32>} : memref<64x128xf32, #tpu.memory_space<vmem>>, vector<16xf32>,
        %add3A_544 = arith.addf %get3A_540, %get3A_543 : vector<16xf32>
        %exp3A_545 = math.exp %add3A_544 : vector<16xf32>
        %add3A_546 = arith.constant 1.000000e+00 : f32
        %add3A_547 = vector.broadcast %add3A_546 : f32 to vector<16xf32>
        %add3A_548 = arith.addf %add3A_547, %exp3A_545 : vector<16xf32>
        %mul3A_549 = arith.mulf %add3A_548, %add3A_548 : vector<16xf32>
        %add3A_550 = arith.constant 1.000000e+00 : f32
        %add3A_551 = vector.broadcast %add3A_550 : f32 to vector<16xf32>
        %add3A_552 = arith.addf %mul3A_549, %add3A_551 : vector<16xf32>
        %div3A_553 = arith.constant 2.000000e+00 : f32
        %div3A_554 = vector.broadcast %div3A_553 : f32 to vector<16xf32>
        %div3A_555 = arith.divf %div3A_554, %add3A_552 : vector<16xf32>
        %mul3A_556 = arith.mulf %get3A_49, %add3A_544 : vector<16xf32>
        %mul3A_557 = arith.mulf %mul3A_556, %div3A_555 : vector<16xf32>
        %sub3A_558 = arith.subf %mul3A_556, %mul3A_557 : vector<16xf32>
        %get3A_559 = arith.index_cast %scan3A_495 : i32 to index
        %get3A_560 = arith.constant 48 : index
        %get3A_561 = tpu.vector_load %arg15[%get3A_559, %get3A_560] {strides = array<i32>} : memref<64x128xf32, #tpu.memory_space<vmem>>, vector<16xf32>,
        %get3A_562 = arith.index_cast %scan3A_495 : i32 to index
        %get3A_563 = arith.constant 48 : index
        %get3A_564 = tpu.vector_load %arg17[%get3A_562, %get3A_563] {strides = array<i32>} : memref<64x128xf32, #tpu.memory_space<vmem>>, vector<16xf32>,
        %add3A_565 = arith.addf %get3A_561, %get3A_564 : vector<16xf32>
        %exp3A_566 = math.exp %add3A_565 : vector<16xf32>
        %add3A_567 = arith.constant 1.000000e+00 : f32
        %add3A_568 = vector.broadcast %add3A_567 : f32 to vector<16xf32>
        %add3A_569 = arith.addf %add3A_568, %exp3A_566 : vector<16xf32>
        %mul3A_570 = arith.mulf %add3A_569, %add3A_569 : vector<16xf32>
        %add3A_571 = arith.constant 1.000000e+00 : f32
        %add3A_572 = vector.broadcast %add3A_571 : f32 to vector<16xf32>
        %add3A_573 = arith.addf %mul3A_570, %add3A_572 : vector<16xf32>
        %div3A_574 = arith.constant 2.000000e+00 : f32
        %div3A_575 = vector.broadcast %div3A_574 : f32 to vector<16xf32>
        %div3A_576 = arith.divf %div3A_575, %add3A_573 : vector<16xf32>
        %mul3A_577 = arith.mulf %get3A_51, %add3A_565 : vector<16xf32>
        %mul3A_578 = arith.mulf %mul3A_577, %div3A_576 : vector<16xf32>
        %sub3A_579 = arith.subf %mul3A_577, %mul3A_578 : vector<16xf32>
        %get3A_580 = arith.index_cast %scan3A_495 : i32 to index
        %get3A_581 = arith.constant 64 : index
        %get3A_582 = tpu.vector_load %arg15[%get3A_580, %get3A_581] {strides = array<i32>} : memref<64x128xf32, #tpu.memory_space<vmem>>, vector<16xf32>,
        %get3A_583 = arith.index_cast %scan3A_495 : i32 to index
        %get3A_584 = arith.constant 64 : index
        %get3A_585 = tpu.vector_load %arg17[%get3A_583, %get3A_584] {strides = array<i32>} : memref<64x128xf32, #tpu.memory_space<vmem>>, vector<16xf32>,
        %add3A_586 = arith.addf %get3A_582, %get3A_585 : vector<16xf32>
        %exp3A_587 = math.exp %add3A_586 : vector<16xf32>
        %add3A_588 = arith.constant 1.000000e+00 : f32
        %add3A_589 = vector.broadcast %add3A_588 : f32 to vector<16xf32>
        %add3A_590 = arith.addf %add3A_589, %exp3A_587 : vector<16xf32>
        %mul3A_591 = arith.mulf %add3A_590, %add3A_590 : vector<16xf32>
        %add3A_592 = arith.constant 1.000000e+00 : f32
        %add3A_593 = vector.broadcast %add3A_592 : f32 to vector<16xf32>
        %add3A_594 = arith.addf %mul3A_591, %add3A_593 : vector<16xf32>
        %div3A_595 = arith.constant 2.000000e+00 : f32
        %div3A_596 = vector.broadcast %div3A_595 : f32 to vector<16xf32>
        %div3A_597 = arith.divf %div3A_596, %add3A_594 : vector<16xf32>
        %mul3A_598 = arith.mulf %get3A_53, %add3A_586 : vector<16xf32>
        %mul3A_599 = arith.mulf %mul3A_598, %div3A_597 : vector<16xf32>
        %sub3A_600 = arith.subf %mul3A_598, %mul3A_599 : vector<16xf32>
        %get3A_601 = arith.index_cast %scan3A_495 : i32 to index
        %get3A_602 = arith.constant 80 : index
        %get3A_603 = tpu.vector_load %arg15[%get3A_601, %get3A_602] {strides = array<i32>} : memref<64x128xf32, #tpu.memory_space<vmem>>, vector<16xf32>,
        %get3A_604 = arith.index_cast %scan3A_495 : i32 to index
        %get3A_605 = arith.constant 80 : index
        %get3A_606 = tpu.vector_load %arg17[%get3A_604, %get3A_605] {strides = array<i32>} : memref<64x128xf32, #tpu.memory_space<vmem>>, vector<16xf32>,
        %add3A_607 = arith.addf %get3A_603, %get3A_606 : vector<16xf32>
        %exp3A_608 = math.exp %add3A_607 : vector<16xf32>
        %add3A_609 = arith.constant 1.000000e+00 : f32
        %add3A_610 = vector.broadcast %add3A_609 : f32 to vector<16xf32>
        %add3A_611 = arith.addf %add3A_610, %exp3A_608 : vector<16xf32>
        %mul3A_612 = arith.mulf %add3A_611, %add3A_611 : vector<16xf32>
        %add3A_613 = arith.constant 1.000000e+00 : f32
        %add3A_614 = vector.broadcast %add3A_613 : f32 to vector<16xf32>
        %add3A_615 = arith.addf %mul3A_612, %add3A_614 : vector<16xf32>
        %div3A_616 = arith.constant 2.000000e+00 : f32
        %div3A_617 = vector.broadcast %div3A_616 : f32 to vector<16xf32>
        %div3A_618 = arith.divf %div3A_617, %add3A_615 : vector<16xf32>
        %mul3A_619 = arith.mulf %get3A_55, %add3A_607 : vector<16xf32>
        %mul3A_620 = arith.mulf %mul3A_619, %div3A_618 : vector<16xf32>
        %sub3A_621 = arith.subf %mul3A_619, %mul3A_620 : vector<16xf32>
        %get3A_622 = arith.index_cast %scan3A_495 : i32 to index
        %get3A_623 = arith.constant 96 : index
        %get3A_624 = tpu.vector_load %arg15[%get3A_622, %get3A_623] {strides = array<i32>} : memref<64x128xf32, #tpu.memory_space<vmem>>, vector<16xf32>,
        %get3A_625 = arith.index_cast %scan3A_495 : i32 to index
        %get3A_626 = arith.constant 96 : index
        %get3A_627 = tpu.vector_load %arg17[%get3A_625, %get3A_626] {strides = array<i32>} : memref<64x128xf32, #tpu.memory_space<vmem>>, vector<16xf32>,
        %add3A_628 = arith.addf %get3A_624, %get3A_627 : vector<16xf32>
        %exp3A_629 = math.exp %add3A_628 : vector<16xf32>
        %add3A_630 = arith.constant 1.000000e+00 : f32
        %add3A_631 = vector.broadcast %add3A_630 : f32 to vector<16xf32>
        %add3A_632 = arith.addf %add3A_631, %exp3A_629 : vector<16xf32>
        %mul3A_633 = arith.mulf %add3A_632, %add3A_632 : vector<16xf32>
        %add3A_634 = arith.constant 1.000000e+00 : f32
        %add3A_635 = vector.broadcast %add3A_634 : f32 to vector<16xf32>
        %add3A_636 = arith.addf %mul3A_633, %add3A_635 : vector<16xf32>
        %div3A_637 = arith.constant 2.000000e+00 : f32
        %div3A_638 = vector.broadcast %div3A_637 : f32 to vector<16xf32>
        %div3A_639 = arith.divf %div3A_638, %add3A_636 : vector<16xf32>
        %mul3A_640 = arith.mulf %get3A_57, %add3A_628 : vector<16xf32>
        %mul3A_641 = arith.mulf %mul3A_640, %div3A_639 : vector<16xf32>
        %sub3A_642 = arith.subf %mul3A_640, %mul3A_641 : vector<16xf32>
        %get3A_643 = arith.index_cast %scan3A_495 : i32 to index
        %get3A_644 = arith.constant 112 : index
        %get3A_645 = tpu.vector_load %arg15[%get3A_643, %get3A_644] {strides = array<i32>} : memref<64x128xf32, #tpu.memory_space<vmem>>, vector<16xf32>,
        %get3A_646 = arith.index_cast %scan3A_495 : i32 to index
        %get3A_647 = arith.constant 112 : index
        %get3A_648 = tpu.vector_load %arg17[%get3A_646, %get3A_647] {strides = array<i32>} : memref<64x128xf32, #tpu.memory_space<vmem>>, vector<16xf32>,
        %add3A_649 = arith.addf %get3A_645, %get3A_648 : vector<16xf32>
        %exp3A_650 = math.exp %add3A_649 : vector<16xf32>
        %add3A_651 = arith.constant 1.000000e+00 : f32
        %add3A_652 = vector.broadcast %add3A_651 : f32 to vector<16xf32>
        %add3A_653 = arith.addf %add3A_652, %exp3A_650 : vector<16xf32>
        %mul3A_654 = arith.mulf %add3A_653, %add3A_653 : vector<16xf32>
        %add3A_655 = arith.constant 1.000000e+00 : f32
        %add3A_656 = vector.broadcast %add3A_655 : f32 to vector<16xf32>
        %add3A_657 = arith.addf %mul3A_654, %add3A_656 : vector<16xf32>
        %div3A_658 = arith.constant 2.000000e+00 : f32
        %div3A_659 = vector.broadcast %div3A_658 : f32 to vector<16xf32>
        %div3A_660 = arith.divf %div3A_659, %add3A_657 : vector<16xf32>
        %mul3A_661 = arith.mulf %get3A_59, %add3A_649 : vector<16xf32>
        %mul3A_662 = arith.mulf %mul3A_661, %div3A_660 : vector<16xf32>
        %sub3A_663 = arith.subf %mul3A_661, %mul3A_662 : vector<16xf32>
        %add3A_664 = arith.addf %sub3A_516, %sub3A_537 : vector<16xf32>
        %reduce_sum3A_665 = arith.constant true
        %reduce_sum3A_666 = vector.broadcast %reduce_sum3A_665 : i1 to vector<16xi1>
        %reduce_sum3A_667 = tpu.scan <sum>, %add3A_664 masked %reduce_sum3A_666 : vector<16xf32>, vector<16xi1> -> vector<16xf32>
        %reduce_sum3A_668 = vector.extract %reduce_sum3A_667[15] : f32 from vector<16xf32>
        %broadcast_in_dim3A_669 = vector.broadcast %reduce_sum3A_668 : f32 to vector<16xf32>
        %exp3A_670 = math.exp %broadcast_in_dim3A_669 : vector<16xf32>
        %mul3A_671 = arith.mulf %exp3A_670, %get3A_498 : vector<16xf32>
        %swap3A_672 = arith.index_cast %scan3A_495 : i32 to index
        %swap3A_673 = arith.constant 0 : index
        %swap3A_674 = tpu.vector_load %arg15[%swap3A_672, %swap3A_673] {strides = array<i32>} : memref<64x128xf32, #tpu.memory_space<vmem>>, vector<16xf32>,
        tpu.vector_store %arg15[%swap3A_672, %swap3A_673], %mul3A_671 {strides = array<i32>} : memref<64x128xf32, #tpu.memory_space<vmem>>, vector<16xf32>,
        %mul3A_675 = arith.mulf %exp3A_670, %get3A_519 : vector<16xf32>
        %swap3A_676 = arith.index_cast %scan3A_495 : i32 to index
        %swap3A_677 = arith.constant 16 : index
        %swap3A_678 = tpu.vector_load %arg15[%swap3A_676, %swap3A_677] {strides = array<i32>} : memref<64x128xf32, #tpu.memory_space<vmem>>, vector<16xf32>,
        tpu.vector_store %arg15[%swap3A_676, %swap3A_677], %mul3A_675 {strides = array<i32>} : memref<64x128xf32, #tpu.memory_space<vmem>>, vector<16xf32>,
        %broadcast_in_dim3A_679 = arith.constant 0 : i32
        %broadcast_in_dim3A_680 = vector.broadcast %broadcast_in_dim3A_679 : i32 to vector<16xi32>
        %mul3A_681 = arith.constant 4 : i32
        %mul3A_682 = arith.muli %scan3A_495, %mul3A_681 : i32
        %add3A_683 = arith.constant 0 : i32
        %add3A_684 = arith.addi %mul3A_682, %add3A_683 : i32
        %add3A_685 = vector.broadcast %add3A_684 : i32 to vector<16xi32>
        %add3A_686 = arith.addi %broadcast_in_dim3A_680, %add3A_685 : vector<16xi32>
        tpu.vector_store_idx %arg19[%add3A_686], %exp3A_670 masked %eq3A_62 : memref<256xf32, #tpu.memory_space<vmem>>[vector<16xi32>], vector<16xf32>, vector<16xi1>
        %add3A_687 = arith.addf %sub3A_558, %sub3A_579 : vector<16xf32>
        %reduce_sum3A_688 = arith.constant true
        %reduce_sum3A_689 = vector.broadcast %reduce_sum3A_688 : i1 to vector<16xi1>
        %reduce_sum3A_690 = tpu.scan <sum>, %add3A_687 masked %reduce_sum3A_689 : vector<16xf32>, vector<16xi1> -> vector<16xf32>
        %reduce_sum3A_691 = vector.extract %reduce_sum3A_690[15] : f32 from vector<16xf32>
        %broadcast_in_dim3A_692 = vector.broadcast %reduce_sum3A_691 : f32 to vector<16xf32>
        %exp3A_693 = math.exp %broadcast_in_dim3A_692 : vector<16xf32>
        %mul3A_694 = arith.mulf %exp3A_693, %get3A_540 : vector<16xf32>
        %swap3A_695 = arith.index_cast %scan3A_495 : i32 to index
        %swap3A_696 = arith.constant 32 : index
        %swap3A_697 = tpu.vector_load %arg15[%swap3A_695, %swap3A_696] {strides = array<i32>} : memref<64x128xf32, #tpu.memory_space<vmem>>, vector<16xf32>,
        tpu.vector_store %arg15[%swap3A_695, %swap3A_696], %mul3A_694 {strides = array<i32>} : memref<64x128xf32, #tpu.memory_space<vmem>>, vector<16xf32>,
        %mul3A_698 = arith.mulf %exp3A_693, %get3A_561 : vector<16xf32>
        %swap3A_699 = arith.index_cast %scan3A_495 : i32 to index
        %swap3A_700 = arith.constant 48 : index
        %swap3A_701 = tpu.vector_load %arg15[%swap3A_699, %swap3A_700] {strides = array<i32>} : memref<64x128xf32, #tpu.memory_space<vmem>>, vector<16xf32>,
        tpu.vector_store %arg15[%swap3A_699, %swap3A_700], %mul3A_698 {strides = array<i32>} : memref<64x128xf32, #tpu.memory_space<vmem>>, vector<16xf32>,
        %broadcast_in_dim3A_702 = arith.constant 0 : i32
        %broadcast_in_dim3A_703 = vector.broadcast %broadcast_in_dim3A_702 : i32 to vector<16xi32>
        %mul3A_704 = arith.constant 4 : i32
        %mul3A_705 = arith.muli %scan3A_495, %mul3A_704 : i32
        %add3A_706 = arith.constant 1 : i32
        %add3A_707 = arith.addi %mul3A_705, %add3A_706 : i32
        %add3A_708 = vector.broadcast %add3A_707 : i32 to vector<16xi32>
        %add3A_709 = arith.addi %broadcast_in_dim3A_703, %add3A_708 : vector<16xi32>
        tpu.vector_store_idx %arg19[%add3A_709], %exp3A_693 masked %eq3A_62 : memref<256xf32, #tpu.memory_space<vmem>>[vector<16xi32>], vector<16xf32>, vector<16xi1>
        %add3A_710 = arith.addf %sub3A_600, %sub3A_621 : vector<16xf32>
        %reduce_sum3A_711 = arith.constant true
        %reduce_sum3A_712 = vector.broadcast %reduce_sum3A_711 : i1 to vector<16xi1>
        %reduce_sum3A_713 = tpu.scan <sum>, %add3A_710 masked %reduce_sum3A_712 : vector<16xf32>, vector<16xi1> -> vector<16xf32>
        %reduce_sum3A_714 = vector.extract %reduce_sum3A_713[15] : f32 from vector<16xf32>
        %broadcast_in_dim3A_715 = vector.broadcast %reduce_sum3A_714 : f32 to vector<16xf32>
        %exp3A_716 = math.exp %broadcast_in_dim3A_715 : vector<16xf32>
        %mul3A_717 = arith.mulf %exp3A_716, %get3A_582 : vector<16xf32>
        %swap3A_718 = arith.index_cast %scan3A_495 : i32 to index
        %swap3A_719 = arith.constant 64 : index
        %swap3A_720 = tpu.vector_load %arg15[%swap3A_718, %swap3A_719] {strides = array<i32>} : memref<64x128xf32, #tpu.memory_space<vmem>>, vector<16xf32>,
        tpu.vector_store %arg15[%swap3A_718, %swap3A_719], %mul3A_717 {strides = array<i32>} : memref<64x128xf32, #tpu.memory_space<vmem>>, vector<16xf32>,
        %mul3A_721 = arith.mulf %exp3A_716, %get3A_603 : vector<16xf32>
        %swap3A_722 = arith.index_cast %scan3A_495 : i32 to index
        %swap3A_723 = arith.constant 80 : index
        %swap3A_724 = tpu.vector_load %arg15[%swap3A_722, %swap3A_723] {strides = array<i32>} : memref<64x128xf32, #tpu.memory_space<vmem>>, vector<16xf32>,
        tpu.vector_store %arg15[%swap3A_722, %swap3A_723], %mul3A_721 {strides = array<i32>} : memref<64x128xf32, #tpu.memory_space<vmem>>, vector<16xf32>,
        %broadcast_in_dim3A_725 = arith.constant 0 : i32
        %broadcast_in_dim3A_726 = vector.broadcast %broadcast_in_dim3A_725 : i32 to vector<16xi32>
        %mul3A_727 = arith.constant 4 : i32
        %mul3A_728 = arith.muli %scan3A_495, %mul3A_727 : i32
        %add3A_729 = arith.constant 2 : i32
        %add3A_730 = arith.addi %mul3A_728, %add3A_729 : i32
        %add3A_731 = vector.broadcast %add3A_730 : i32 to vector<16xi32>
        %add3A_732 = arith.addi %broadcast_in_dim3A_726, %add3A_731 : vector<16xi32>
        tpu.vector_store_idx %arg19[%add3A_732], %exp3A_716 masked %eq3A_62 : memref<256xf32, #tpu.memory_space<vmem>>[vector<16xi32>], vector<16xf32>, vector<16xi1>
        %add3A_733 = arith.addf %sub3A_642, %sub3A_663 : vector<16xf32>
        %reduce_sum3A_734 = arith.constant true
        %reduce_sum3A_735 = vector.broadcast %reduce_sum3A_734 : i1 to vector<16xi1>
        %reduce_sum3A_736 = tpu.scan <sum>, %add3A_733 masked %reduce_sum3A_735 : vector<16xf32>, vector<16xi1> -> vector<16xf32>
        %reduce_sum3A_737 = vector.extract %reduce_sum3A_736[15] : f32 from vector<16xf32>
        %broadcast_in_dim3A_738 = vector.broadcast %reduce_sum3A_737 : f32 to vector<16xf32>
        %exp3A_739 = math.exp %broadcast_in_dim3A_738 : vector<16xf32>
        %mul3A_740 = arith.mulf %exp3A_739, %get3A_624 : vector<16xf32>
        %swap3A_741 = arith.index_cast %scan3A_495 : i32 to index
        %swap3A_742 = arith.constant 96 : index
        %swap3A_743 = tpu.vector_load %arg15[%swap3A_741, %swap3A_742] {strides = array<i32>} : memref<64x128xf32, #tpu.memory_space<vmem>>, vector<16xf32>,
        tpu.vector_store %arg15[%swap3A_741, %swap3A_742], %mul3A_740 {strides = array<i32>} : memref<64x128xf32, #tpu.memory_space<vmem>>, vector<16xf32>,
        %mul3A_744 = arith.mulf %exp3A_739, %get3A_645 : vector<16xf32>
        %swap3A_745 = arith.index_cast %scan3A_495 : i32 to index
        %swap3A_746 = arith.constant 112 : index
        %swap3A_747 = tpu.vector_load %arg15[%swap3A_745, %swap3A_746] {strides = array<i32>} : memref<64x128xf32, #tpu.memory_space<vmem>>, vector<16xf32>,
        tpu.vector_store %arg15[%swap3A_745, %swap3A_746], %mul3A_744 {strides = array<i32>} : memref<64x128xf32, #tpu.memory_space<vmem>>, vector<16xf32>,
        %broadcast_in_dim3A_748 = arith.constant 0 : i32
        %broadcast_in_dim3A_749 = vector.broadcast %broadcast_in_dim3A_748 : i32 to vector<16xi32>
        %mul3A_750 = arith.constant 4 : i32
        %mul3A_751 = arith.muli %scan3A_495, %mul3A_750 : i32
        %add3A_752 = arith.constant 3 : i32
        %add3A_753 = arith.addi %mul3A_751, %add3A_752 : i32
        %add3A_754 = vector.broadcast %add3A_753 : i32 to vector<16xi32>
        %add3A_755 = arith.addi %broadcast_in_dim3A_749, %add3A_754 : vector<16xi32>
        tpu.vector_store_idx %arg19[%add3A_755], %exp3A_739 masked %eq3A_62 : memref<256xf32, #tpu.memory_space<vmem>>[vector<16xi32>], vector<16xf32>, vector<16xi1>
        %scan3A_756 = arith.constant 0 : i32
        scf.yield %scan3A_756 : i32
      }
      %scan3A_146 = arith.constant 64 : i32
      %mul3A_147 = arith.constant 9984 : i32
      %mul3A_148 = arith.muli %add3A, %mul3A_147 : i32
      %mul3A_149 = arith.constant 64 : i32
      %mul3A_150 = arith.muli %mul3A_133, %mul3A_149 : i32
      %add3A_151 = arith.addi %mul3A_148, %mul3A_150 : i32
      %get3A_152 = arith.constant 0 : index
      %get3A_153 = tpu.vector_load %arg11[%get3A_152] {strides = array<i32>} : memref<64xi32, #tpu.memory_space<vmem>>, vector<16xi32>,
      %swap3A = arith.constant 0 : index
      %swap3A_154 = tpu.vector_load %arg13[%swap3A] {strides = array<i32>} : memref<64xi32, #tpu.memory_space<vmem>>, vector<16xi32>,
      tpu.vector_store %arg13[%swap3A], %get3A_153 {strides = array<i32>} : memref<64xi32, #tpu.memory_space<vmem>>, vector<16xi32>,
      %get3A_155 = arith.constant 16 : index
      %get3A_156 = tpu.vector_load %arg11[%get3A_155] {strides = array<i32>} : memref<64xi32, #tpu.memory_space<vmem>>, vector<16xi32>,
      %swap3A_157 = arith.constant 16 : index
      %swap3A_158 = tpu.vector_load %arg13[%swap3A_157] {strides = array<i32>} : memref<64xi32, #tpu.memory_space<vmem>>, vector<16xi32>,
      tpu.vector_store %arg13[%swap3A_157], %get3A_156 {strides = array<i32>} : memref<64xi32, #tpu.memory_space<vmem>>, vector<16xi32>,
      %get3A_159 = arith.constant 32 : index
      %get3A_160 = tpu.vector_load %arg11[%get3A_159] {strides = array<i32>} : memref<64xi32, #tpu.memory_space<vmem>>, vector<16xi32>,
      %swap3A_161 = arith.constant 32 : index
      %swap3A_162 = tpu.vector_load %arg13[%swap3A_161] {strides = array<i32>} : memref<64xi32, #tpu.memory_space<vmem>>, vector<16xi32>,
      tpu.vector_store %arg13[%swap3A_161], %get3A_160 {strides = array<i32>} : memref<64xi32, #tpu.memory_space<vmem>>, vector<16xi32>,
      %get3A_163 = arith.constant 48 : index
      %get3A_164 = tpu.vector_load %arg11[%get3A_163] {strides = array<i32>} : memref<64xi32, #tpu.memory_space<vmem>>, vector<16xi32>,
      %swap3A_165 = arith.constant 48 : index
      %swap3A_166 = tpu.vector_load %arg13[%swap3A_165] {strides = array<i32>} : memref<64xi32, #tpu.memory_space<vmem>>, vector<16xi32>,
      tpu.vector_store %arg13[%swap3A_165], %get3A_164 {strides = array<i32>} : memref<64xi32, #tpu.memory_space<vmem>>, vector<16xi32>,
      %dma_start3A_167 = arith.constant 0 : i32
      %dma_start3A_168 = arith.constant 0 : i32
      %dma_start3A_169 = tpu.memref_slice %arg22[%dma_start3A_167, %dma_start3A_168] : memref<10000x128xf32, #tpu.memory_space<vmem_shared>> -> memref<10000x128xf32, #tpu.memory_space<vmem_shared>>
      tpu.enqueue_indirect_dma source(%arg15 : memref<64x128xf32, #tpu.memory_space<vmem>>) target(%dma_start3A_169 : memref<10000x128xf32, #tpu.memory_space<vmem_shared>>) offsets(%arg13 : memref<64xi32, #tpu.memory_space<vmem>>) semaphore(%arg25 : memref<!tpu.dma_semaphore, #tpu.memory_space<semaphore_mem>>) {add = true}
      %mul3A_170 = arith.constant 4 : i32
      %mul3A_171 = arith.muli %add3A_151, %mul3A_170 : i32
      %dma_start3A_172 = tpu.memref_slice %arg8[%mul3A_171] : memref<1280000xf32, #tpu.memory_space<hbm>> -> memref<256xf32, #tpu.memory_space<hbm>>
      %dma_start3A_173 = tpu.memref_slice %arg8[%mul3A_171] : memref<1280000xf32, #tpu.memory_space<hbm>> -> memref<256xf32, #tpu.memory_space<hbm>>
      tpu.enqueue_dma source(%arg19 : memref<256xf32, #tpu.memory_space<vmem>>) target(%dma_start3A_173 : memref<256xf32, #tpu.memory_space<hbm>>) target_semaphore(%arg27 : memref<!tpu.dma_semaphore, #tpu.memory_space<semaphore_mem>>)
      %add3A_174 = arith.constant 1 : i32
      %add3A_175 = arith.addi %mul3A_133, %add3A_174 : i32
      %lt3A_176 = arith.constant 156 : i32
      %lt3A_177 = arith.cmpi slt, %add3A_175, %lt3A_176 : i32
      %convert_element_type3A_178 = arith.extui %lt3A_177 : i1 to i32
      %cond3A_179 = arith.constant 0 : i32
      %cond3A_180 = arith.cmpi ne, %convert_element_type3A_178, %cond3A_179 : i32
      scf.if %cond3A_180 {
        %gt3A = arith.constant 0 : i32
        %gt3A_234 = arith.cmpi sgt, %mul3A_133, %gt3A : i32
        %convert_element_type3A_235 = arith.extui %gt3A_234 : i1 to i32
        %cond3A_236 = arith.constant 0 : i32
        %cond3A_237 = arith.cmpi ne, %convert_element_type3A_235, %cond3A_236 : i32
        scf.if %cond3A_237 {
          %sub3A_259 = arith.constant 1 : i32
          %sub3A_260 = arith.subi %mul3A_133, %sub3A_259 : i32
          %mul3A_261 = arith.constant 9984 : i32
          %mul3A_262 = arith.muli %add3A, %mul3A_261 : i32
          %mul3A_263 = arith.constant 64 : i32
          %mul3A_264 = arith.muli %sub3A_260, %mul3A_263 : i32
          %add3A_265 = arith.addi %mul3A_262, %mul3A_264 : i32
          %dma_wait3A_266 = arith.constant 0 : i32
          %dma_wait3A_267 = arith.constant 0 : i32
          %dma_wait3A_268 = tpu.memref_slice %arg22[%dma_wait3A_266, %dma_wait3A_267] : memref<10000x128xf32, #tpu.memory_space<vmem_shared>> -> memref<10000x128xf32, #tpu.memory_space<vmem_shared>>
          tpu.wait_indirect_dma semaphore(%arg26 : memref<!tpu.dma_semaphore, #tpu.memory_space<semaphore_mem>>) src(%arg16 : memref<64x128xf32, #tpu.memory_space<vmem>>) dst(%dma_wait3A_268 : memref<10000x128xf32, #tpu.memory_space<vmem_shared>>)
          %mul3A_269 = arith.constant 4 : i32
          %mul3A_270 = arith.muli %add3A_265, %mul3A_269 : i32
          %dma_wait3A_271 = tpu.memref_slice %arg8[%mul3A_270] : memref<1280000xf32, #tpu.memory_space<hbm>> -> memref<256xf32, #tpu.memory_space<hbm>>
          %dma_wait3A_272 = tpu.memref_slice %arg8[%mul3A_270] : memref<1280000xf32, #tpu.memory_space<hbm>> -> memref<256xf32, #tpu.memory_space<hbm>>
          tpu.wait_dma2 semaphore(%arg28 : memref<!tpu.dma_semaphore, #tpu.memory_space<semaphore_mem>>) src(%arg20 : memref<256xf32, #tpu.memory_space<vmem>>) dst(%dma_wait3A_272 : memref<256xf32, #tpu.memory_space<hbm>>)
        } else {
        }
        %dma_wait3A_238 = arith.constant 0 : i32
        %dma_wait3A_239 = tpu.memref_slice %arg4[%dma_wait3A_238] : memref<320000xi32, #tpu.memory_space<hbm>> -> memref<64xi32, #tpu.memory_space<hbm>>
        %dma_wait3A_240 = arith.constant 0 : i32
        %dma_wait3A_241 = tpu.memref_slice %arg4[%dma_wait3A_240] : memref<320000xi32, #tpu.memory_space<hbm>> -> memref<64xi32, #tpu.memory_space<hbm>>
        tpu.wait_dma2 semaphore(%arg30 : memref<!tpu.dma_semaphore, #tpu.memory_space<semaphore_mem>>) src(%dma_wait3A_241 : memref<64xi32, #tpu.memory_space<hbm>>) dst(%arg10 : memref<64xi32, #tpu.memory_space<vmem>>)
        %dma_wait3A_242 = arith.constant 0 : i32
        %dma_wait3A_243 = tpu.memref_slice %arg5[%dma_wait3A_242] : memref<320000xi32, #tpu.memory_space<hbm>> -> memref<64xi32, #tpu.memory_space<hbm>>
        %dma_wait3A_244 = arith.constant 0 : i32
        %dma_wait3A_245 = tpu.memref_slice %arg5[%dma_wait3A_244] : memref<320000xi32, #tpu.memory_space<hbm>> -> memref<64xi32, #tpu.memory_space<hbm>>
        tpu.wait_dma2 semaphore(%arg30 : memref<!tpu.dma_semaphore, #tpu.memory_space<semaphore_mem>>) src(%dma_wait3A_245 : memref<64xi32, #tpu.memory_space<hbm>>) dst(%arg12 : memref<64xi32, #tpu.memory_space<vmem>>)
        %dma_start3A_246 = arith.constant 0 : i32
        %dma_start3A_247 = arith.constant 0 : i32
        %dma_start3A_248 = tpu.memref_slice %arg2[%dma_start3A_246, %dma_start3A_247] : memref<10000x128xf32, #tpu.memory_space<hbm>> -> memref<10000x128xf32, #tpu.memory_space<hbm>>
        tpu.enqueue_indirect_dma source(%dma_start3A_248 : memref<10000x128xf32, #tpu.memory_space<hbm>>) target(%arg16 : memref<64x128xf32, #tpu.memory_space<vmem>>) offsets(%arg10 : memref<64xi32, #tpu.memory_space<vmem>>) semaphore(%arg24 : memref<!tpu.dma_semaphore, #tpu.memory_space<semaphore_mem>>)
        %dma_start3A_249 = arith.constant 0 : i32
        %dma_start3A_250 = arith.constant 0 : i32
        %dma_start3A_251 = tpu.memref_slice %arg3[%dma_start3A_249, %dma_start3A_250] : memref<10000x128xf32, #tpu.memory_space<hbm>> -> memref<10000x128xf32, #tpu.memory_space<hbm>>
        tpu.enqueue_indirect_dma source(%dma_start3A_251 : memref<10000x128xf32, #tpu.memory_space<hbm>>) target(%arg18 : memref<64x128xf32, #tpu.memory_space<vmem>>) offsets(%arg12 : memref<64xi32, #tpu.memory_space<vmem>>) semaphore(%arg24 : memref<!tpu.dma_semaphore, #tpu.memory_space<semaphore_mem>>)
        %add3A_252 = arith.constant 2 : i32
        %add3A_253 = arith.addi %mul3A_133, %add3A_252 : i32
        %lt3A_254 = arith.constant 156 : i32
        %lt3A_255 = arith.cmpi slt, %add3A_253, %lt3A_254 : i32
        %convert_element_type3A_256 = arith.extui %lt3A_255 : i1 to i32
        %cond3A_257 = arith.constant 0 : i32
        %cond3A_258 = arith.cmpi ne, %convert_element_type3A_256, %cond3A_257 : i32
        scf.if %cond3A_258 {
          %add3A_259 = arith.constant 2 : i32
          %add3A_260 = arith.addi %mul3A_133, %add3A_259 : i32
          %mul3A_261 = arith.constant 9984 : i32
          %mul3A_262 = arith.muli %add3A, %mul3A_261 : i32
          %mul3A_263 = arith.constant 64 : i32
          %mul3A_264 = arith.muli %add3A_260, %mul3A_263 : i32
          %add3A_265 = arith.addi %mul3A_262, %mul3A_264 : i32
          %dma_start3A_266 = tpu.memref_slice %arg4[%add3A_265] : memref<320000xi32, #tpu.memory_space<hbm>> -> memref<64xi32, #tpu.memory_space<hbm>>
          %dma_start3A_267 = tpu.memref_slice %arg4[%add3A_265] : memref<320000xi32, #tpu.memory_space<hbm>> -> memref<64xi32, #tpu.memory_space<hbm>>
          tpu.enqueue_dma source(%dma_start3A_267 : memref<64xi32, #tpu.memory_space<hbm>>) target(%arg9 : memref<64xi32, #tpu.memory_space<vmem>>) target_semaphore(%arg29 : memref<!tpu.dma_semaphore, #tpu.memory_space<semaphore_mem>>)
          %dma_start3A_268 = tpu.memref_slice %arg5[%add3A_265] : memref<320000xi32, #tpu.memory_space<hbm>> -> memref<64xi32, #tpu.memory_space<hbm>>
          %dma_start3A_269 = tpu.memref_slice %arg5[%add3A_265] : memref<320000xi32, #tpu.memory_space<hbm>> -> memref<64xi32, #tpu.memory_space<hbm>>
          tpu.enqueue_dma source(%dma_start3A_269 : memref<64xi32, #tpu.memory_space<hbm>>) target(%arg11 : memref<64xi32, #tpu.memory_space<vmem>>) target_semaphore(%arg29 : memref<!tpu.dma_semaphore, #tpu.memory_space<semaphore_mem>>)
        } else {
        }
      } else {
      }
      %mul3A_181 = arith.constant 2 : i32
      %mul3A_182 = arith.muli %mul3A_181, %scan3A_130 : i32
      %add3A_183 = arith.constant 1 : i32
      %add3A_184 = arith.addi %mul3A_182, %add3A_183 : i32
      %dma_wait3A_185 = arith.constant 0 : i32
      %dma_wait3A_186 = arith.constant 0 : i32
      %dma_wait3A_187 = tpu.memref_slice %arg2[%dma_wait3A_185, %dma_wait3A_186] : memref<10000x128xf32, #tpu.memory_space<hbm>> -> memref<10000x128xf32, #tpu.memory_space<hbm>>
      tpu.wait_indirect_dma semaphore(%arg24 : memref<!tpu.dma_semaphore, #tpu.memory_space<semaphore_mem>>) src(%dma_wait3A_187 : memref<10000x128xf32, #tpu.memory_space<hbm>>) dst(%arg16 : memref<64x128xf32, #tpu.memory_space<vmem>>)
      %dma_wait3A_188 = arith.constant 0 : i32
      %dma_wait3A_189 = arith.constant 0 : i32
      %dma_wait3A_190 = tpu.memref_slice %arg3[%dma_wait3A_188, %dma_wait3A_189] : memref<10000x128xf32, #tpu.memory_space<hbm>> -> memref<10000x128xf32, #tpu.memory_space<hbm>>
      tpu.wait_indirect_dma semaphore(%arg24 : memref<!tpu.dma_semaphore, #tpu.memory_space<semaphore_mem>>) src(%dma_wait3A_190 : memref<10000x128xf32, #tpu.memory_space<hbm>>) dst(%arg18 : memref<64x128xf32, #tpu.memory_space<vmem>>)
      %scan3A_191 = arith.constant 0 : i32
      %scan3A_192 = arith.constant 0 : i32
      %scan3A_193 = arith.constant 64 : i32
      %scan3A_194 = arith.addi %scan3A_192, %scan3A_193 : i32
      %scan3A_195 = arith.constant 2 : i32
      %scan3A_196 = scf.for %scan3A_234 = %scan3A_192 to %scan3A_194 step %scan3A_195 iter_args(%scan3A_235 = %scan3A_191) -> (i32)  : i32 {
        %get3A_236 = arith.index_cast %scan3A_234 : i32 to index
        %get3A_237 = arith.constant 0 : index
        %get3A_238 = tpu.vector_load %arg16[%get3A_236, %get3A_237] {strides = array<i32>} : memref<64x128xf32, #tpu.memory_space<vmem>>, vector<16xf32>,
        %get3A_239 = arith.index_cast %scan3A_234 : i32 to index
        %get3A_240 = arith.constant 0 : index
        %get3A_241 = tpu.vector_load %arg18[%get3A_239, %get3A_240] {strides = array<i32>} : memref<64x128xf32, #tpu.memory_space<vmem>>, vector<16xf32>,
        %add3A_242 = arith.addf %get3A_238, %get3A_241 : vector<16xf32>
        %exp3A = math.exp %add3A_242 : vector<16xf32>
        %add3A_243 = arith.constant 1.000000e+00 : f32
        %add3A_244 = vector.broadcast %add3A_243 : f32 to vector<16xf32>
        %add3A_245 = arith.addf %add3A_244, %exp3A : vector<16xf32>
        %mul3A_246 = arith.mulf %add3A_245, %add3A_245 : vector<16xf32>
        %add3A_247 = arith.constant 1.000000e+00 : f32
        %add3A_248 = vector.broadcast %add3A_247 : f32 to vector<16xf32>
        %add3A_249 = arith.addf %mul3A_246, %add3A_248 : vector<16xf32>
        %div3A = arith.constant 2.000000e+00 : f32
        %div3A_250 = vector.broadcast %div3A : f32 to vector<16xf32>
        %div3A_251 = arith.divf %div3A_250, %add3A_249 : vector<16xf32>
        %mul3A_252 = arith.mulf %get3A_45, %add3A_242 : vector<16xf32>
        %mul3A_253 = arith.mulf %mul3A_252, %div3A_251 : vector<16xf32>
        %sub3A_254 = arith.subf %mul3A_252, %mul3A_253 : vector<16xf32>
        %get3A_255 = arith.index_cast %scan3A_234 : i32 to index
        %get3A_256 = arith.constant 16 : index
        %get3A_257 = tpu.vector_load %arg16[%get3A_255, %get3A_256] {strides = array<i32>} : memref<64x128xf32, #tpu.memory_space<vmem>>, vector<16xf32>,
        %get3A_258 = arith.index_cast %scan3A_234 : i32 to index
        %get3A_259 = arith.constant 16 : index
        %get3A_260 = tpu.vector_load %arg18[%get3A_258, %get3A_259] {strides = array<i32>} : memref<64x128xf32, #tpu.memory_space<vmem>>, vector<16xf32>,
        %add3A_261 = arith.addf %get3A_257, %get3A_260 : vector<16xf32>
        %exp3A_262 = math.exp %add3A_261 : vector<16xf32>
        %add3A_263 = arith.constant 1.000000e+00 : f32
        %add3A_264 = vector.broadcast %add3A_263 : f32 to vector<16xf32>
        %add3A_265 = arith.addf %add3A_264, %exp3A_262 : vector<16xf32>
        %mul3A_266 = arith.mulf %add3A_265, %add3A_265 : vector<16xf32>
        %add3A_267 = arith.constant 1.000000e+00 : f32
        %add3A_268 = vector.broadcast %add3A_267 : f32 to vector<16xf32>
        %add3A_269 = arith.addf %mul3A_266, %add3A_268 : vector<16xf32>
        %div3A_270 = arith.constant 2.000000e+00 : f32
        %div3A_271 = vector.broadcast %div3A_270 : f32 to vector<16xf32>
        %div3A_272 = arith.divf %div3A_271, %add3A_269 : vector<16xf32>
        %mul3A_273 = arith.mulf %get3A_47, %add3A_261 : vector<16xf32>
        %mul3A_274 = arith.mulf %mul3A_273, %div3A_272 : vector<16xf32>
        %sub3A_275 = arith.subf %mul3A_273, %mul3A_274 : vector<16xf32>
        %get3A_276 = arith.index_cast %scan3A_234 : i32 to index
        %get3A_277 = arith.constant 32 : index
        %get3A_278 = tpu.vector_load %arg16[%get3A_276, %get3A_277] {strides = array<i32>} : memref<64x128xf32, #tpu.memory_space<vmem>>, vector<16xf32>,
        %get3A_279 = arith.index_cast %scan3A_234 : i32 to index
        %get3A_280 = arith.constant 32 : index
        %get3A_281 = tpu.vector_load %arg18[%get3A_279, %get3A_280] {strides = array<i32>} : memref<64x128xf32, #tpu.memory_space<vmem>>, vector<16xf32>,
        %add3A_282 = arith.addf %get3A_278, %get3A_281 : vector<16xf32>
        %exp3A_283 = math.exp %add3A_282 : vector<16xf32>
        %add3A_284 = arith.constant 1.000000e+00 : f32
        %add3A_285 = vector.broadcast %add3A_284 : f32 to vector<16xf32>
        %add3A_286 = arith.addf %add3A_285, %exp3A_283 : vector<16xf32>
        %mul3A_287 = arith.mulf %add3A_286, %add3A_286 : vector<16xf32>
        %add3A_288 = arith.constant 1.000000e+00 : f32
        %add3A_289 = vector.broadcast %add3A_288 : f32 to vector<16xf32>
        %add3A_290 = arith.addf %mul3A_287, %add3A_289 : vector<16xf32>
        %div3A_291 = arith.constant 2.000000e+00 : f32
        %div3A_292 = vector.broadcast %div3A_291 : f32 to vector<16xf32>
        %div3A_293 = arith.divf %div3A_292, %add3A_290 : vector<16xf32>
        %mul3A_294 = arith.mulf %get3A_49, %add3A_282 : vector<16xf32>
        %mul3A_295 = arith.mulf %mul3A_294, %div3A_293 : vector<16xf32>
        %sub3A_296 = arith.subf %mul3A_294, %mul3A_295 : vector<16xf32>
        %get3A_297 = arith.index_cast %scan3A_234 : i32 to index
        %get3A_298 = arith.constant 48 : index
        %get3A_299 = tpu.vector_load %arg16[%get3A_297, %get3A_298] {strides = array<i32>} : memref<64x128xf32, #tpu.memory_space<vmem>>, vector<16xf32>,
        %get3A_300 = arith.index_cast %scan3A_234 : i32 to index
        %get3A_301 = arith.constant 48 : index
        %get3A_302 = tpu.vector_load %arg18[%get3A_300, %get3A_301] {strides = array<i32>} : memref<64x128xf32, #tpu.memory_space<vmem>>, vector<16xf32>,
        %add3A_303 = arith.addf %get3A_299, %get3A_302 : vector<16xf32>
        %exp3A_304 = math.exp %add3A_303 : vector<16xf32>
        %add3A_305 = arith.constant 1.000000e+00 : f32
        %add3A_306 = vector.broadcast %add3A_305 : f32 to vector<16xf32>
        %add3A_307 = arith.addf %add3A_306, %exp3A_304 : vector<16xf32>
        %mul3A_308 = arith.mulf %add3A_307, %add3A_307 : vector<16xf32>
        %add3A_309 = arith.constant 1.000000e+00 : f32
        %add3A_310 = vector.broadcast %add3A_309 : f32 to vector<16xf32>
        %add3A_311 = arith.addf %mul3A_308, %add3A_310 : vector<16xf32>
        %div3A_312 = arith.constant 2.000000e+00 : f32
        %div3A_313 = vector.broadcast %div3A_312 : f32 to vector<16xf32>
        %div3A_314 = arith.divf %div3A_313, %add3A_311 : vector<16xf32>
        %mul3A_315 = arith.mulf %get3A_51, %add3A_303 : vector<16xf32>
        %mul3A_316 = arith.mulf %mul3A_315, %div3A_314 : vector<16xf32>
        %sub3A_317 = arith.subf %mul3A_315, %mul3A_316 : vector<16xf32>
        %get3A_318 = arith.index_cast %scan3A_234 : i32 to index
        %get3A_319 = arith.constant 64 : index
        %get3A_320 = tpu.vector_load %arg16[%get3A_318, %get3A_319] {strides = array<i32>} : memref<64x128xf32, #tpu.memory_space<vmem>>, vector<16xf32>,
        %get3A_321 = arith.index_cast %scan3A_234 : i32 to index
        %get3A_322 = arith.constant 64 : index
        %get3A_323 = tpu.vector_load %arg18[%get3A_321, %get3A_322] {strides = array<i32>} : memref<64x128xf32, #tpu.memory_space<vmem>>, vector<16xf32>,
        %add3A_324 = arith.addf %get3A_320, %get3A_323 : vector<16xf32>
        %exp3A_325 = math.exp %add3A_324 : vector<16xf32>
        %add3A_326 = arith.constant 1.000000e+00 : f32
        %add3A_327 = vector.broadcast %add3A_326 : f32 to vector<16xf32>
        %add3A_328 = arith.addf %add3A_327, %exp3A_325 : vector<16xf32>
        %mul3A_329 = arith.mulf %add3A_328, %add3A_328 : vector<16xf32>
        %add3A_330 = arith.constant 1.000000e+00 : f32
        %add3A_331 = vector.broadcast %add3A_330 : f32 to vector<16xf32>
        %add3A_332 = arith.addf %mul3A_329, %add3A_331 : vector<16xf32>
        %div3A_333 = arith.constant 2.000000e+00 : f32
        %div3A_334 = vector.broadcast %div3A_333 : f32 to vector<16xf32>
        %div3A_335 = arith.divf %div3A_334, %add3A_332 : vector<16xf32>
        %mul3A_336 = arith.mulf %get3A_53, %add3A_324 : vector<16xf32>
        %mul3A_337 = arith.mulf %mul3A_336, %div3A_335 : vector<16xf32>
        %sub3A_338 = arith.subf %mul3A_336, %mul3A_337 : vector<16xf32>
        %get3A_339 = arith.index_cast %scan3A_234 : i32 to index
        %get3A_340 = arith.constant 80 : index
        %get3A_341 = tpu.vector_load %arg16[%get3A_339, %get3A_340] {strides = array<i32>} : memref<64x128xf32, #tpu.memory_space<vmem>>, vector<16xf32>,
        %get3A_342 = arith.index_cast %scan3A_234 : i32 to index
        %get3A_343 = arith.constant 80 : index
        %get3A_344 = tpu.vector_load %arg18[%get3A_342, %get3A_343] {strides = array<i32>} : memref<64x128xf32, #tpu.memory_space<vmem>>, vector<16xf32>,
        %add3A_345 = arith.addf %get3A_341, %get3A_344 : vector<16xf32>
        %exp3A_346 = math.exp %add3A_345 : vector<16xf32>
        %add3A_347 = arith.constant 1.000000e+00 : f32
        %add3A_348 = vector.broadcast %add3A_347 : f32 to vector<16xf32>
        %add3A_349 = arith.addf %add3A_348, %exp3A_346 : vector<16xf32>
        %mul3A_350 = arith.mulf %add3A_349, %add3A_349 : vector<16xf32>
        %add3A_351 = arith.constant 1.000000e+00 : f32
        %add3A_352 = vector.broadcast %add3A_351 : f32 to vector<16xf32>
        %add3A_353 = arith.addf %mul3A_350, %add3A_352 : vector<16xf32>
        %div3A_354 = arith.constant 2.000000e+00 : f32
        %div3A_355 = vector.broadcast %div3A_354 : f32 to vector<16xf32>
        %div3A_356 = arith.divf %div3A_355, %add3A_353 : vector<16xf32>
        %mul3A_357 = arith.mulf %get3A_55, %add3A_345 : vector<16xf32>
        %mul3A_358 = arith.mulf %mul3A_357, %div3A_356 : vector<16xf32>
        %sub3A_359 = arith.subf %mul3A_357, %mul3A_358 : vector<16xf32>
        %get3A_360 = arith.index_cast %scan3A_234 : i32 to index
        %get3A_361 = arith.constant 96 : index
        %get3A_362 = tpu.vector_load %arg16[%get3A_360, %get3A_361] {strides = array<i32>} : memref<64x128xf32, #tpu.memory_space<vmem>>, vector<16xf32>,
        %get3A_363 = arith.index_cast %scan3A_234 : i32 to index
        %get3A_364 = arith.constant 96 : index
        %get3A_365 = tpu.vector_load %arg18[%get3A_363, %get3A_364] {strides = array<i32>} : memref<64x128xf32, #tpu.memory_space<vmem>>, vector<16xf32>,
        %add3A_366 = arith.addf %get3A_362, %get3A_365 : vector<16xf32>
        %exp3A_367 = math.exp %add3A_366 : vector<16xf32>
        %add3A_368 = arith.constant 1.000000e+00 : f32
        %add3A_369 = vector.broadcast %add3A_368 : f32 to vector<16xf32>
        %add3A_370 = arith.addf %add3A_369, %exp3A_367 : vector<16xf32>
        %mul3A_371 = arith.mulf %add3A_370, %add3A_370 : vector<16xf32>
        %add3A_372 = arith.constant 1.000000e+00 : f32
        %add3A_373 = vector.broadcast %add3A_372 : f32 to vector<16xf32>
        %add3A_374 = arith.addf %mul3A_371, %add3A_373 : vector<16xf32>
        %div3A_375 = arith.constant 2.000000e+00 : f32
        %div3A_376 = vector.broadcast %div3A_375 : f32 to vector<16xf32>
        %div3A_377 = arith.divf %div3A_376, %add3A_374 : vector<16xf32>
        %mul3A_378 = arith.mulf %get3A_57, %add3A_366 : vector<16xf32>
        %mul3A_379 = arith.mulf %mul3A_378, %div3A_377 : vector<16xf32>
        %sub3A_380 = arith.subf %mul3A_378, %mul3A_379 : vector<16xf32>
        %get3A_381 = arith.index_cast %scan3A_234 : i32 to index
        %get3A_382 = arith.constant 112 : index
        %get3A_383 = tpu.vector_load %arg16[%get3A_381, %get3A_382] {strides = array<i32>} : memref<64x128xf32, #tpu.memory_space<vmem>>, vector<16xf32>,
        %get3A_384 = arith.index_cast %scan3A_234 : i32 to index
        %get3A_385 = arith.constant 112 : index
        %get3A_386 = tpu.vector_load %arg18[%get3A_384, %get3A_385] {strides = array<i32>} : memref<64x128xf32, #tpu.memory_space<vmem>>, vector<16xf32>,
        %add3A_387 = arith.addf %get3A_383, %get3A_386 : vector<16xf32>
        %exp3A_388 = math.exp %add3A_387 : vector<16xf32>
        %add3A_389 = arith.constant 1.000000e+00 : f32
        %add3A_390 = vector.broadcast %add3A_389 : f32 to vector<16xf32>
        %add3A_391 = arith.addf %add3A_390, %exp3A_388 : vector<16xf32>
        %mul3A_392 = arith.mulf %add3A_391, %add3A_391 : vector<16xf32>
        %add3A_393 = arith.constant 1.000000e+00 : f32
        %add3A_394 = vector.broadcast %add3A_393 : f32 to vector<16xf32>
        %add3A_395 = arith.addf %mul3A_392, %add3A_394 : vector<16xf32>
        %div3A_396 = arith.constant 2.000000e+00 : f32
        %div3A_397 = vector.broadcast %div3A_396 : f32 to vector<16xf32>
        %div3A_398 = arith.divf %div3A_397, %add3A_395 : vector<16xf32>
        %mul3A_399 = arith.mulf %get3A_59, %add3A_387 : vector<16xf32>
        %mul3A_400 = arith.mulf %mul3A_399, %div3A_398 : vector<16xf32>
        %sub3A_401 = arith.subf %mul3A_399, %mul3A_400 : vector<16xf32>
        %add3A_402 = arith.addf %sub3A_254, %sub3A_275 : vector<16xf32>
        %reduce_sum3A = arith.constant true
        %reduce_sum3A_403 = vector.broadcast %reduce_sum3A : i1 to vector<16xi1>
        %reduce_sum3A_404 = tpu.scan <sum>, %add3A_402 masked %reduce_sum3A_403 : vector<16xf32>, vector<16xi1> -> vector<16xf32>
        %reduce_sum3A_405 = vector.extract %reduce_sum3A_404[15] : f32 from vector<16xf32>
        %broadcast_in_dim3A_406 = vector.broadcast %reduce_sum3A_405 : f32 to vector<16xf32>
        %exp3A_407 = math.exp %broadcast_in_dim3A_406 : vector<16xf32>
        %mul3A_408 = arith.mulf %exp3A_407, %get3A_238 : vector<16xf32>
        %swap3A_409 = arith.index_cast %scan3A_234 : i32 to index
        %swap3A_410 = arith.constant 0 : index
        %swap3A_411 = tpu.vector_load %arg16[%swap3A_409, %swap3A_410] {strides = array<i32>} : memref<64x128xf32, #tpu.memory_space<vmem>>, vector<16xf32>,
        tpu.vector_store %arg16[%swap3A_409, %swap3A_410], %mul3A_408 {strides = array<i32>} : memref<64x128xf32, #tpu.memory_space<vmem>>, vector<16xf32>,
        %mul3A_412 = arith.mulf %exp3A_407, %get3A_257 : vector<16xf32>
        %swap3A_413 = arith.index_cast %scan3A_234 : i32 to index
        %swap3A_414 = arith.constant 16 : index
        %swap3A_415 = tpu.vector_load %arg16[%swap3A_413, %swap3A_414] {strides = array<i32>} : memref<64x128xf32, #tpu.memory_space<vmem>>, vector<16xf32>,
        tpu.vector_store %arg16[%swap3A_413, %swap3A_414], %mul3A_412 {strides = array<i32>} : memref<64x128xf32, #tpu.memory_space<vmem>>, vector<16xf32>,
        %broadcast_in_dim3A_416 = arith.constant 0 : i32
        %broadcast_in_dim3A_417 = vector.broadcast %broadcast_in_dim3A_416 : i32 to vector<16xi32>
        %mul3A_418 = arith.constant 4 : i32
        %mul3A_419 = arith.muli %scan3A_234, %mul3A_418 : i32
        %add3A_420 = arith.constant 0 : i32
        %add3A_421 = arith.addi %mul3A_419, %add3A_420 : i32
        %add3A_422 = vector.broadcast %add3A_421 : i32 to vector<16xi32>
        %add3A_423 = arith.addi %broadcast_in_dim3A_417, %add3A_422 : vector<16xi32>
        tpu.vector_store_idx %arg20[%add3A_423], %exp3A_407 masked %eq3A_62 : memref<256xf32, #tpu.memory_space<vmem>>[vector<16xi32>], vector<16xf32>, vector<16xi1>
        %add3A_424 = arith.addf %sub3A_296, %sub3A_317 : vector<16xf32>
        %reduce_sum3A_425 = arith.constant true
        %reduce_sum3A_426 = vector.broadcast %reduce_sum3A_425 : i1 to vector<16xi1>
        %reduce_sum3A_427 = tpu.scan <sum>, %add3A_424 masked %reduce_sum3A_426 : vector<16xf32>, vector<16xi1> -> vector<16xf32>
        %reduce_sum3A_428 = vector.extract %reduce_sum3A_427[15] : f32 from vector<16xf32>
        %broadcast_in_dim3A_429 = vector.broadcast %reduce_sum3A_428 : f32 to vector<16xf32>
        %exp3A_430 = math.exp %broadcast_in_dim3A_429 : vector<16xf32>
        %mul3A_431 = arith.mulf %exp3A_430, %get3A_278 : vector<16xf32>
        %swap3A_432 = arith.index_cast %scan3A_234 : i32 to index
        %swap3A_433 = arith.constant 32 : index
        %swap3A_434 = tpu.vector_load %arg16[%swap3A_432, %swap3A_433] {strides = array<i32>} : memref<64x128xf32, #tpu.memory_space<vmem>>, vector<16xf32>,
        tpu.vector_store %arg16[%swap3A_432, %swap3A_433], %mul3A_431 {strides = array<i32>} : memref<64x128xf32, #tpu.memory_space<vmem>>, vector<16xf32>,
        %mul3A_435 = arith.mulf %exp3A_430, %get3A_299 : vector<16xf32>
        %swap3A_436 = arith.index_cast %scan3A_234 : i32 to index
        %swap3A_437 = arith.constant 48 : index
        %swap3A_438 = tpu.vector_load %arg16[%swap3A_436, %swap3A_437] {strides = array<i32>} : memref<64x128xf32, #tpu.memory_space<vmem>>, vector<16xf32>,
        tpu.vector_store %arg16[%swap3A_436, %swap3A_437], %mul3A_435 {strides = array<i32>} : memref<64x128xf32, #tpu.memory_space<vmem>>, vector<16xf32>,
        %broadcast_in_dim3A_439 = arith.constant 0 : i32
        %broadcast_in_dim3A_440 = vector.broadcast %broadcast_in_dim3A_439 : i32 to vector<16xi32>
        %mul3A_441 = arith.constant 4 : i32
        %mul3A_442 = arith.muli %scan3A_234, %mul3A_441 : i32
        %add3A_443 = arith.constant 1 : i32
        %add3A_444 = arith.addi %mul3A_442, %add3A_443 : i32
        %add3A_445 = vector.broadcast %add3A_444 : i32 to vector<16xi32>
        %add3A_446 = arith.addi %broadcast_in_dim3A_440, %add3A_445 : vector<16xi32>
        tpu.vector_store_idx %arg20[%add3A_446], %exp3A_430 masked %eq3A_62 : memref<256xf32, #tpu.memory_space<vmem>>[vector<16xi32>], vector<16xf32>, vector<16xi1>
        %add3A_447 = arith.addf %sub3A_338, %sub3A_359 : vector<16xf32>
        %reduce_sum3A_448 = arith.constant true
        %reduce_sum3A_449 = vector.broadcast %reduce_sum3A_448 : i1 to vector<16xi1>
        %reduce_sum3A_450 = tpu.scan <sum>, %add3A_447 masked %reduce_sum3A_449 : vector<16xf32>, vector<16xi1> -> vector<16xf32>
        %reduce_sum3A_451 = vector.extract %reduce_sum3A_450[15] : f32 from vector<16xf32>
        %broadcast_in_dim3A_452 = vector.broadcast %reduce_sum3A_451 : f32 to vector<16xf32>
        %exp3A_453 = math.exp %broadcast_in_dim3A_452 : vector<16xf32>
        %mul3A_454 = arith.mulf %exp3A_453, %get3A_320 : vector<16xf32>
        %swap3A_455 = arith.index_cast %scan3A_234 : i32 to index
        %swap3A_456 = arith.constant 64 : index
        %swap3A_457 = tpu.vector_load %arg16[%swap3A_455, %swap3A_456] {strides = array<i32>} : memref<64x128xf32, #tpu.memory_space<vmem>>, vector<16xf32>,
        tpu.vector_store %arg16[%swap3A_455, %swap3A_456], %mul3A_454 {strides = array<i32>} : memref<64x128xf32, #tpu.memory_space<vmem>>, vector<16xf32>,
        %mul3A_458 = arith.mulf %exp3A_453, %get3A_341 : vector<16xf32>
        %swap3A_459 = arith.index_cast %scan3A_234 : i32 to index
        %swap3A_460 = arith.constant 80 : index
        %swap3A_461 = tpu.vector_load %arg16[%swap3A_459, %swap3A_460] {strides = array<i32>} : memref<64x128xf32, #tpu.memory_space<vmem>>, vector<16xf32>,
        tpu.vector_store %arg16[%swap3A_459, %swap3A_460], %mul3A_458 {strides = array<i32>} : memref<64x128xf32, #tpu.memory_space<vmem>>, vector<16xf32>,
        %broadcast_in_dim3A_462 = arith.constant 0 : i32
        %broadcast_in_dim3A_463 = vector.broadcast %broadcast_in_dim3A_462 : i32 to vector<16xi32>
        %mul3A_464 = arith.constant 4 : i32
        %mul3A_465 = arith.muli %scan3A_234, %mul3A_464 : i32
        %add3A_466 = arith.constant 2 : i32
        %add3A_467 = arith.addi %mul3A_465, %add3A_466 : i32
        %add3A_468 = vector.broadcast %add3A_467 : i32 to vector<16xi32>
        %add3A_469 = arith.addi %broadcast_in_dim3A_463, %add3A_468 : vector<16xi32>
        tpu.vector_store_idx %arg20[%add3A_469], %exp3A_453 masked %eq3A_62 : memref<256xf32, #tpu.memory_space<vmem>>[vector<16xi32>], vector<16xf32>, vector<16xi1>
        %add3A_470 = arith.addf %sub3A_380, %sub3A_401 : vector<16xf32>
        %reduce_sum3A_471 = arith.constant true
        %reduce_sum3A_472 = vector.broadcast %reduce_sum3A_471 : i1 to vector<16xi1>
        %reduce_sum3A_473 = tpu.scan <sum>, %add3A_470 masked %reduce_sum3A_472 : vector<16xf32>, vector<16xi1> -> vector<16xf32>
        %reduce_sum3A_474 = vector.extract %reduce_sum3A_473[15] : f32 from vector<16xf32>
        %broadcast_in_dim3A_475 = vector.broadcast %reduce_sum3A_474 : f32 to vector<16xf32>
        %exp3A_476 = math.exp %broadcast_in_dim3A_475 : vector<16xf32>
        %mul3A_477 = arith.mulf %exp3A_476, %get3A_362 : vector<16xf32>
        %swap3A_478 = arith.index_cast %scan3A_234 : i32 to index
        %swap3A_479 = arith.constant 96 : index
        %swap3A_480 = tpu.vector_load %arg16[%swap3A_478, %swap3A_479] {strides = array<i32>} : memref<64x128xf32, #tpu.memory_space<vmem>>, vector<16xf32>,
        tpu.vector_store %arg16[%swap3A_478, %swap3A_479], %mul3A_477 {strides = array<i32>} : memref<64x128xf32, #tpu.memory_space<vmem>>, vector<16xf32>,
        %mul3A_481 = arith.mulf %exp3A_476, %get3A_383 : vector<16xf32>
        %swap3A_482 = arith.index_cast %scan3A_234 : i32 to index
        %swap3A_483 = arith.constant 112 : index
        %swap3A_484 = tpu.vector_load %arg16[%swap3A_482, %swap3A_483] {strides = array<i32>} : memref<64x128xf32, #tpu.memory_space<vmem>>, vector<16xf32>,
        tpu.vector_store %arg16[%swap3A_482, %swap3A_483], %mul3A_481 {strides = array<i32>} : memref<64x128xf32, #tpu.memory_space<vmem>>, vector<16xf32>,
        %broadcast_in_dim3A_485 = arith.constant 0 : i32
        %broadcast_in_dim3A_486 = vector.broadcast %broadcast_in_dim3A_485 : i32 to vector<16xi32>
        %mul3A_487 = arith.constant 4 : i32
        %mul3A_488 = arith.muli %scan3A_234, %mul3A_487 : i32
        %add3A_489 = arith.constant 3 : i32
        %add3A_490 = arith.addi %mul3A_488, %add3A_489 : i32
        %add3A_491 = vector.broadcast %add3A_490 : i32 to vector<16xi32>
        %add3A_492 = arith.addi %broadcast_in_dim3A_486, %add3A_491 : vector<16xi32>
        tpu.vector_store_idx %arg20[%add3A_492], %exp3A_476 masked %eq3A_62 : memref<256xf32, #tpu.memory_space<vmem>>[vector<16xi32>], vector<16xf32>, vector<16xi1>
        %scan3A_493 = arith.constant 0 : i32
        %scan3A_494 = arith.constant 1 : i32
        %scan3A_495 = arith.addi %scan3A_234, %scan3A_494 : i32
        %get3A_496 = arith.index_cast %scan3A_495 : i32 to index
        %get3A_497 = arith.constant 0 : index
        %get3A_498 = tpu.vector_load %arg16[%get3A_496, %get3A_497] {strides = array<i32>} : memref<64x128xf32, #tpu.memory_space<vmem>>, vector<16xf32>,
        %get3A_499 = arith.index_cast %scan3A_495 : i32 to index
        %get3A_500 = arith.constant 0 : index
        %get3A_501 = tpu.vector_load %arg18[%get3A_499, %get3A_500] {strides = array<i32>} : memref<64x128xf32, #tpu.memory_space<vmem>>, vector<16xf32>,
        %add3A_502 = arith.addf %get3A_498, %get3A_501 : vector<16xf32>
        %exp3A_503 = math.exp %add3A_502 : vector<16xf32>
        %add3A_504 = arith.constant 1.000000e+00 : f32
        %add3A_505 = vector.broadcast %add3A_504 : f32 to vector<16xf32>
        %add3A_506 = arith.addf %add3A_505, %exp3A_503 : vector<16xf32>
        %mul3A_507 = arith.mulf %add3A_506, %add3A_506 : vector<16xf32>
        %add3A_508 = arith.constant 1.000000e+00 : f32
        %add3A_509 = vector.broadcast %add3A_508 : f32 to vector<16xf32>
        %add3A_510 = arith.addf %mul3A_507, %add3A_509 : vector<16xf32>
        %div3A_511 = arith.constant 2.000000e+00 : f32
        %div3A_512 = vector.broadcast %div3A_511 : f32 to vector<16xf32>
        %div3A_513 = arith.divf %div3A_512, %add3A_510 : vector<16xf32>
        %mul3A_514 = arith.mulf %get3A_45, %add3A_502 : vector<16xf32>
        %mul3A_515 = arith.mulf %mul3A_514, %div3A_513 : vector<16xf32>
        %sub3A_516 = arith.subf %mul3A_514, %mul3A_515 : vector<16xf32>
        %get3A_517 = arith.index_cast %scan3A_495 : i32 to index
        %get3A_518 = arith.constant 16 : index
        %get3A_519 = tpu.vector_load %arg16[%get3A_517, %get3A_518] {strides = array<i32>} : memref<64x128xf32, #tpu.memory_space<vmem>>, vector<16xf32>,
        %get3A_520 = arith.index_cast %scan3A_495 : i32 to index
        %get3A_521 = arith.constant 16 : index
        %get3A_522 = tpu.vector_load %arg18[%get3A_520, %get3A_521] {strides = array<i32>} : memref<64x128xf32, #tpu.memory_space<vmem>>, vector<16xf32>,
        %add3A_523 = arith.addf %get3A_519, %get3A_522 : vector<16xf32>
        %exp3A_524 = math.exp %add3A_523 : vector<16xf32>
        %add3A_525 = arith.constant 1.000000e+00 : f32
        %add3A_526 = vector.broadcast %add3A_525 : f32 to vector<16xf32>
        %add3A_527 = arith.addf %add3A_526, %exp3A_524 : vector<16xf32>
        %mul3A_528 = arith.mulf %add3A_527, %add3A_527 : vector<16xf32>
        %add3A_529 = arith.constant 1.000000e+00 : f32
        %add3A_530 = vector.broadcast %add3A_529 : f32 to vector<16xf32>
        %add3A_531 = arith.addf %mul3A_528, %add3A_530 : vector<16xf32>
        %div3A_532 = arith.constant 2.000000e+00 : f32
        %div3A_533 = vector.broadcast %div3A_532 : f32 to vector<16xf32>
        %div3A_534 = arith.divf %div3A_533, %add3A_531 : vector<16xf32>
        %mul3A_535 = arith.mulf %get3A_47, %add3A_523 : vector<16xf32>
        %mul3A_536 = arith.mulf %mul3A_535, %div3A_534 : vector<16xf32>
        %sub3A_537 = arith.subf %mul3A_535, %mul3A_536 : vector<16xf32>
        %get3A_538 = arith.index_cast %scan3A_495 : i32 to index
        %get3A_539 = arith.constant 32 : index
        %get3A_540 = tpu.vector_load %arg16[%get3A_538, %get3A_539] {strides = array<i32>} : memref<64x128xf32, #tpu.memory_space<vmem>>, vector<16xf32>,
        %get3A_541 = arith.index_cast %scan3A_495 : i32 to index
        %get3A_542 = arith.constant 32 : index
        %get3A_543 = tpu.vector_load %arg18[%get3A_541, %get3A_542] {strides = array<i32>} : memref<64x128xf32, #tpu.memory_space<vmem>>, vector<16xf32>,
        %add3A_544 = arith.addf %get3A_540, %get3A_543 : vector<16xf32>
        %exp3A_545 = math.exp %add3A_544 : vector<16xf32>
        %add3A_546 = arith.constant 1.000000e+00 : f32
        %add3A_547 = vector.broadcast %add3A_546 : f32 to vector<16xf32>
        %add3A_548 = arith.addf %add3A_547, %exp3A_545 : vector<16xf32>
        %mul3A_549 = arith.mulf %add3A_548, %add3A_548 : vector<16xf32>
        %add3A_550 = arith.constant 1.000000e+00 : f32
        %add3A_551 = vector.broadcast %add3A_550 : f32 to vector<16xf32>
        %add3A_552 = arith.addf %mul3A_549, %add3A_551 : vector<16xf32>
        %div3A_553 = arith.constant 2.000000e+00 : f32
        %div3A_554 = vector.broadcast %div3A_553 : f32 to vector<16xf32>
        %div3A_555 = arith.divf %div3A_554, %add3A_552 : vector<16xf32>
        %mul3A_556 = arith.mulf %get3A_49, %add3A_544 : vector<16xf32>
        %mul3A_557 = arith.mulf %mul3A_556, %div3A_555 : vector<16xf32>
        %sub3A_558 = arith.subf %mul3A_556, %mul3A_557 : vector<16xf32>
        %get3A_559 = arith.index_cast %scan3A_495 : i32 to index
        %get3A_560 = arith.constant 48 : index
        %get3A_561 = tpu.vector_load %arg16[%get3A_559, %get3A_560] {strides = array<i32>} : memref<64x128xf32, #tpu.memory_space<vmem>>, vector<16xf32>,
        %get3A_562 = arith.index_cast %scan3A_495 : i32 to index
        %get3A_563 = arith.constant 48 : index
        %get3A_564 = tpu.vector_load %arg18[%get3A_562, %get3A_563] {strides = array<i32>} : memref<64x128xf32, #tpu.memory_space<vmem>>, vector<16xf32>,
        %add3A_565 = arith.addf %get3A_561, %get3A_564 : vector<16xf32>
        %exp3A_566 = math.exp %add3A_565 : vector<16xf32>
        %add3A_567 = arith.constant 1.000000e+00 : f32
        %add3A_568 = vector.broadcast %add3A_567 : f32 to vector<16xf32>
        %add3A_569 = arith.addf %add3A_568, %exp3A_566 : vector<16xf32>
        %mul3A_570 = arith.mulf %add3A_569, %add3A_569 : vector<16xf32>
        %add3A_571 = arith.constant 1.000000e+00 : f32
        %add3A_572 = vector.broadcast %add3A_571 : f32 to vector<16xf32>
        %add3A_573 = arith.addf %mul3A_570, %add3A_572 : vector<16xf32>
        %div3A_574 = arith.constant 2.000000e+00 : f32
        %div3A_575 = vector.broadcast %div3A_574 : f32 to vector<16xf32>
        %div3A_576 = arith.divf %div3A_575, %add3A_573 : vector<16xf32>
        %mul3A_577 = arith.mulf %get3A_51, %add3A_565 : vector<16xf32>
        %mul3A_578 = arith.mulf %mul3A_577, %div3A_576 : vector<16xf32>
        %sub3A_579 = arith.subf %mul3A_577, %mul3A_578 : vector<16xf32>
        %get3A_580 = arith.index_cast %scan3A_495 : i32 to index
        %get3A_581 = arith.constant 64 : index
        %get3A_582 = tpu.vector_load %arg16[%get3A_580, %get3A_581] {strides = array<i32>} : memref<64x128xf32, #tpu.memory_space<vmem>>, vector<16xf32>,
        %get3A_583 = arith.index_cast %scan3A_495 : i32 to index
        %get3A_584 = arith.constant 64 : index
        %get3A_585 = tpu.vector_load %arg18[%get3A_583, %get3A_584] {strides = array<i32>} : memref<64x128xf32, #tpu.memory_space<vmem>>, vector<16xf32>,
        %add3A_586 = arith.addf %get3A_582, %get3A_585 : vector<16xf32>
        %exp3A_587 = math.exp %add3A_586 : vector<16xf32>
        %add3A_588 = arith.constant 1.000000e+00 : f32
        %add3A_589 = vector.broadcast %add3A_588 : f32 to vector<16xf32>
        %add3A_590 = arith.addf %add3A_589, %exp3A_587 : vector<16xf32>
        %mul3A_591 = arith.mulf %add3A_590, %add3A_590 : vector<16xf32>
        %add3A_592 = arith.constant 1.000000e+00 : f32
        %add3A_593 = vector.broadcast %add3A_592 : f32 to vector<16xf32>
        %add3A_594 = arith.addf %mul3A_591, %add3A_593 : vector<16xf32>
        %div3A_595 = arith.constant 2.000000e+00 : f32
        %div3A_596 = vector.broadcast %div3A_595 : f32 to vector<16xf32>
        %div3A_597 = arith.divf %div3A_596, %add3A_594 : vector<16xf32>
        %mul3A_598 = arith.mulf %get3A_53, %add3A_586 : vector<16xf32>
        %mul3A_599 = arith.mulf %mul3A_598, %div3A_597 : vector<16xf32>
        %sub3A_600 = arith.subf %mul3A_598, %mul3A_599 : vector<16xf32>
        %get3A_601 = arith.index_cast %scan3A_495 : i32 to index
        %get3A_602 = arith.constant 80 : index
        %get3A_603 = tpu.vector_load %arg16[%get3A_601, %get3A_602] {strides = array<i32>} : memref<64x128xf32, #tpu.memory_space<vmem>>, vector<16xf32>,
        %get3A_604 = arith.index_cast %scan3A_495 : i32 to index
        %get3A_605 = arith.constant 80 : index
        %get3A_606 = tpu.vector_load %arg18[%get3A_604, %get3A_605] {strides = array<i32>} : memref<64x128xf32, #tpu.memory_space<vmem>>, vector<16xf32>,
        %add3A_607 = arith.addf %get3A_603, %get3A_606 : vector<16xf32>
        %exp3A_608 = math.exp %add3A_607 : vector<16xf32>
        %add3A_609 = arith.constant 1.000000e+00 : f32
        %add3A_610 = vector.broadcast %add3A_609 : f32 to vector<16xf32>
        %add3A_611 = arith.addf %add3A_610, %exp3A_608 : vector<16xf32>
        %mul3A_612 = arith.mulf %add3A_611, %add3A_611 : vector<16xf32>
        %add3A_613 = arith.constant 1.000000e+00 : f32
        %add3A_614 = vector.broadcast %add3A_613 : f32 to vector<16xf32>
        %add3A_615 = arith.addf %mul3A_612, %add3A_614 : vector<16xf32>
        %div3A_616 = arith.constant 2.000000e+00 : f32
        %div3A_617 = vector.broadcast %div3A_616 : f32 to vector<16xf32>
        %div3A_618 = arith.divf %div3A_617, %add3A_615 : vector<16xf32>
        %mul3A_619 = arith.mulf %get3A_55, %add3A_607 : vector<16xf32>
        %mul3A_620 = arith.mulf %mul3A_619, %div3A_618 : vector<16xf32>
        %sub3A_621 = arith.subf %mul3A_619, %mul3A_620 : vector<16xf32>
        %get3A_622 = arith.index_cast %scan3A_495 : i32 to index
        %get3A_623 = arith.constant 96 : index
        %get3A_624 = tpu.vector_load %arg16[%get3A_622, %get3A_623] {strides = array<i32>} : memref<64x128xf32, #tpu.memory_space<vmem>>, vector<16xf32>,
        %get3A_625 = arith.index_cast %scan3A_495 : i32 to index
        %get3A_626 = arith.constant 96 : index
        %get3A_627 = tpu.vector_load %arg18[%get3A_625, %get3A_626] {strides = array<i32>} : memref<64x128xf32, #tpu.memory_space<vmem>>, vector<16xf32>,
        %add3A_628 = arith.addf %get3A_624, %get3A_627 : vector<16xf32>
        %exp3A_629 = math.exp %add3A_628 : vector<16xf32>
        %add3A_630 = arith.constant 1.000000e+00 : f32
        %add3A_631 = vector.broadcast %add3A_630 : f32 to vector<16xf32>
        %add3A_632 = arith.addf %add3A_631, %exp3A_629 : vector<16xf32>
        %mul3A_633 = arith.mulf %add3A_632, %add3A_632 : vector<16xf32>
        %add3A_634 = arith.constant 1.000000e+00 : f32
        %add3A_635 = vector.broadcast %add3A_634 : f32 to vector<16xf32>
        %add3A_636 = arith.addf %mul3A_633, %add3A_635 : vector<16xf32>
        %div3A_637 = arith.constant 2.000000e+00 : f32
        %div3A_638 = vector.broadcast %div3A_637 : f32 to vector<16xf32>
        %div3A_639 = arith.divf %div3A_638, %add3A_636 : vector<16xf32>
        %mul3A_640 = arith.mulf %get3A_57, %add3A_628 : vector<16xf32>
        %mul3A_641 = arith.mulf %mul3A_640, %div3A_639 : vector<16xf32>
        %sub3A_642 = arith.subf %mul3A_640, %mul3A_641 : vector<16xf32>
        %get3A_643 = arith.index_cast %scan3A_495 : i32 to index
        %get3A_644 = arith.constant 112 : index
        %get3A_645 = tpu.vector_load %arg16[%get3A_643, %get3A_644] {strides = array<i32>} : memref<64x128xf32, #tpu.memory_space<vmem>>, vector<16xf32>,
        %get3A_646 = arith.index_cast %scan3A_495 : i32 to index
        %get3A_647 = arith.constant 112 : index
        %get3A_648 = tpu.vector_load %arg18[%get3A_646, %get3A_647] {strides = array<i32>} : memref<64x128xf32, #tpu.memory_space<vmem>>, vector<16xf32>,
        %add3A_649 = arith.addf %get3A_645, %get3A_648 : vector<16xf32>
        %exp3A_650 = math.exp %add3A_649 : vector<16xf32>
        %add3A_651 = arith.constant 1.000000e+00 : f32
        %add3A_652 = vector.broadcast %add3A_651 : f32 to vector<16xf32>
        %add3A_653 = arith.addf %add3A_652, %exp3A_650 : vector<16xf32>
        %mul3A_654 = arith.mulf %add3A_653, %add3A_653 : vector<16xf32>
        %add3A_655 = arith.constant 1.000000e+00 : f32
        %add3A_656 = vector.broadcast %add3A_655 : f32 to vector<16xf32>
        %add3A_657 = arith.addf %mul3A_654, %add3A_656 : vector<16xf32>
        %div3A_658 = arith.constant 2.000000e+00 : f32
        %div3A_659 = vector.broadcast %div3A_658 : f32 to vector<16xf32>
        %div3A_660 = arith.divf %div3A_659, %add3A_657 : vector<16xf32>
        %mul3A_661 = arith.mulf %get3A_59, %add3A_649 : vector<16xf32>
        %mul3A_662 = arith.mulf %mul3A_661, %div3A_660 : vector<16xf32>
        %sub3A_663 = arith.subf %mul3A_661, %mul3A_662 : vector<16xf32>
        %add3A_664 = arith.addf %sub3A_516, %sub3A_537 : vector<16xf32>
        %reduce_sum3A_665 = arith.constant true
        %reduce_sum3A_666 = vector.broadcast %reduce_sum3A_665 : i1 to vector<16xi1>
        %reduce_sum3A_667 = tpu.scan <sum>, %add3A_664 masked %reduce_sum3A_666 : vector<16xf32>, vector<16xi1> -> vector<16xf32>
        %reduce_sum3A_668 = vector.extract %reduce_sum3A_667[15] : f32 from vector<16xf32>
        %broadcast_in_dim3A_669 = vector.broadcast %reduce_sum3A_668 : f32 to vector<16xf32>
        %exp3A_670 = math.exp %broadcast_in_dim3A_669 : vector<16xf32>
        %mul3A_671 = arith.mulf %exp3A_670, %get3A_498 : vector<16xf32>
        %swap3A_672 = arith.index_cast %scan3A_495 : i32 to index
        %swap3A_673 = arith.constant 0 : index
        %swap3A_674 = tpu.vector_load %arg16[%swap3A_672, %swap3A_673] {strides = array<i32>} : memref<64x128xf32, #tpu.memory_space<vmem>>, vector<16xf32>,
        tpu.vector_store %arg16[%swap3A_672, %swap3A_673], %mul3A_671 {strides = array<i32>} : memref<64x128xf32, #tpu.memory_space<vmem>>, vector<16xf32>,
        %mul3A_675 = arith.mulf %exp3A_670, %get3A_519 : vector<16xf32>
        %swap3A_676 = arith.index_cast %scan3A_495 : i32 to index
        %swap3A_677 = arith.constant 16 : index
        %swap3A_678 = tpu.vector_load %arg16[%swap3A_676, %swap3A_677] {strides = array<i32>} : memref<64x128xf32, #tpu.memory_space<vmem>>, vector<16xf32>,
        tpu.vector_store %arg16[%swap3A_676, %swap3A_677], %mul3A_675 {strides = array<i32>} : memref<64x128xf32, #tpu.memory_space<vmem>>, vector<16xf32>,
        %broadcast_in_dim3A_679 = arith.constant 0 : i32
        %broadcast_in_dim3A_680 = vector.broadcast %broadcast_in_dim3A_679 : i32 to vector<16xi32>
        %mul3A_681 = arith.constant 4 : i32
        %mul3A_682 = arith.muli %scan3A_495, %mul3A_681 : i32
        %add3A_683 = arith.constant 0 : i32
        %add3A_684 = arith.addi %mul3A_682, %add3A_683 : i32
        %add3A_685 = vector.broadcast %add3A_684 : i32 to vector<16xi32>
        %add3A_686 = arith.addi %broadcast_in_dim3A_680, %add3A_685 : vector<16xi32>
        tpu.vector_store_idx %arg20[%add3A_686], %exp3A_670 masked %eq3A_62 : memref<256xf32, #tpu.memory_space<vmem>>[vector<16xi32>], vector<16xf32>, vector<16xi1>
        %add3A_687 = arith.addf %sub3A_558, %sub3A_579 : vector<16xf32>
        %reduce_sum3A_688 = arith.constant true
        %reduce_sum3A_689 = vector.broadcast %reduce_sum3A_688 : i1 to vector<16xi1>
        %reduce_sum3A_690 = tpu.scan <sum>, %add3A_687 masked %reduce_sum3A_689 : vector<16xf32>, vector<16xi1> -> vector<16xf32>
        %reduce_sum3A_691 = vector.extract %reduce_sum3A_690[15] : f32 from vector<16xf32>
        %broadcast_in_dim3A_692 = vector.broadcast %reduce_sum3A_691 : f32 to vector<16xf32>
        %exp3A_693 = math.exp %broadcast_in_dim3A_692 : vector<16xf32>
        %mul3A_694 = arith.mulf %exp3A_693, %get3A_540 : vector<16xf32>
        %swap3A_695 = arith.index_cast %scan3A_495 : i32 to index
        %swap3A_696 = arith.constant 32 : index
        %swap3A_697 = tpu.vector_load %arg16[%swap3A_695, %swap3A_696] {strides = array<i32>} : memref<64x128xf32, #tpu.memory_space<vmem>>, vector<16xf32>,
        tpu.vector_store %arg16[%swap3A_695, %swap3A_696], %mul3A_694 {strides = array<i32>} : memref<64x128xf32, #tpu.memory_space<vmem>>, vector<16xf32>,
        %mul3A_698 = arith.mulf %exp3A_693, %get3A_561 : vector<16xf32>
        %swap3A_699 = arith.index_cast %scan3A_495 : i32 to index
        %swap3A_700 = arith.constant 48 : index
        %swap3A_701 = tpu.vector_load %arg16[%swap3A_699, %swap3A_700] {strides = array<i32>} : memref<64x128xf32, #tpu.memory_space<vmem>>, vector<16xf32>,
        tpu.vector_store %arg16[%swap3A_699, %swap3A_700], %mul3A_698 {strides = array<i32>} : memref<64x128xf32, #tpu.memory_space<vmem>>, vector<16xf32>,
        %broadcast_in_dim3A_702 = arith.constant 0 : i32
        %broadcast_in_dim3A_703 = vector.broadcast %broadcast_in_dim3A_702 : i32 to vector<16xi32>
        %mul3A_704 = arith.constant 4 : i32
        %mul3A_705 = arith.muli %scan3A_495, %mul3A_704 : i32
        %add3A_706 = arith.constant 1 : i32
        %add3A_707 = arith.addi %mul3A_705, %add3A_706 : i32
        %add3A_708 = vector.broadcast %add3A_707 : i32 to vector<16xi32>
        %add3A_709 = arith.addi %broadcast_in_dim3A_703, %add3A_708 : vector<16xi32>
        tpu.vector_store_idx %arg20[%add3A_709], %exp3A_693 masked %eq3A_62 : memref<256xf32, #tpu.memory_space<vmem>>[vector<16xi32>], vector<16xf32>, vector<16xi1>
        %add3A_710 = arith.addf %sub3A_600, %sub3A_621 : vector<16xf32>
        %reduce_sum3A_711 = arith.constant true
        %reduce_sum3A_712 = vector.broadcast %reduce_sum3A_711 : i1 to vector<16xi1>
        %reduce_sum3A_713 = tpu.scan <sum>, %add3A_710 masked %reduce_sum3A_712 : vector<16xf32>, vector<16xi1> -> vector<16xf32>
        %reduce_sum3A_714 = vector.extract %reduce_sum3A_713[15] : f32 from vector<16xf32>
        %broadcast_in_dim3A_715 = vector.broadcast %reduce_sum3A_714 : f32 to vector<16xf32>
        %exp3A_716 = math.exp %broadcast_in_dim3A_715 : vector<16xf32>
        %mul3A_717 = arith.mulf %exp3A_716, %get3A_582 : vector<16xf32>
        %swap3A_718 = arith.index_cast %scan3A_495 : i32 to index
        %swap3A_719 = arith.constant 64 : index
        %swap3A_720 = tpu.vector_load %arg16[%swap3A_718, %swap3A_719] {strides = array<i32>} : memref<64x128xf32, #tpu.memory_space<vmem>>, vector<16xf32>,
        tpu.vector_store %arg16[%swap3A_718, %swap3A_719], %mul3A_717 {strides = array<i32>} : memref<64x128xf32, #tpu.memory_space<vmem>>, vector<16xf32>,
        %mul3A_721 = arith.mulf %exp3A_716, %get3A_603 : vector<16xf32>
        %swap3A_722 = arith.index_cast %scan3A_495 : i32 to index
        %swap3A_723 = arith.constant 80 : index
        %swap3A_724 = tpu.vector_load %arg16[%swap3A_722, %swap3A_723] {strides = array<i32>} : memref<64x128xf32, #tpu.memory_space<vmem>>, vector<16xf32>,
        tpu.vector_store %arg16[%swap3A_722, %swap3A_723], %mul3A_721 {strides = array<i32>} : memref<64x128xf32, #tpu.memory_space<vmem>>, vector<16xf32>,
        %broadcast_in_dim3A_725 = arith.constant 0 : i32
        %broadcast_in_dim3A_726 = vector.broadcast %broadcast_in_dim3A_725 : i32 to vector<16xi32>
        %mul3A_727 = arith.constant 4 : i32
        %mul3A_728 = arith.muli %scan3A_495, %mul3A_727 : i32
        %add3A_729 = arith.constant 2 : i32
        %add3A_730 = arith.addi %mul3A_728, %add3A_729 : i32
        %add3A_731 = vector.broadcast %add3A_730 : i32 to vector<16xi32>
        %add3A_732 = arith.addi %broadcast_in_dim3A_726, %add3A_731 : vector<16xi32>
        tpu.vector_store_idx %arg20[%add3A_732], %exp3A_716 masked %eq3A_62 : memref<256xf32, #tpu.memory_space<vmem>>[vector<16xi32>], vector<16xf32>, vector<16xi1>
        %add3A_733 = arith.addf %sub3A_642, %sub3A_663 : vector<16xf32>
        %reduce_sum3A_734 = arith.constant true
        %reduce_sum3A_735 = vector.broadcast %reduce_sum3A_734 : i1 to vector<16xi1>
        %reduce_sum3A_736 = tpu.scan <sum>, %add3A_733 masked %reduce_sum3A_735 : vector<16xf32>, vector<16xi1> -> vector<16xf32>
        %reduce_sum3A_737 = vector.extract %reduce_sum3A_736[15] : f32 from vector<16xf32>
        %broadcast_in_dim3A_738 = vector.broadcast %reduce_sum3A_737 : f32 to vector<16xf32>
        %exp3A_739 = math.exp %broadcast_in_dim3A_738 : vector<16xf32>
        %mul3A_740 = arith.mulf %exp3A_739, %get3A_624 : vector<16xf32>
        %swap3A_741 = arith.index_cast %scan3A_495 : i32 to index
        %swap3A_742 = arith.constant 96 : index
        %swap3A_743 = tpu.vector_load %arg16[%swap3A_741, %swap3A_742] {strides = array<i32>} : memref<64x128xf32, #tpu.memory_space<vmem>>, vector<16xf32>,
        tpu.vector_store %arg16[%swap3A_741, %swap3A_742], %mul3A_740 {strides = array<i32>} : memref<64x128xf32, #tpu.memory_space<vmem>>, vector<16xf32>,
        %mul3A_744 = arith.mulf %exp3A_739, %get3A_645 : vector<16xf32>
        %swap3A_745 = arith.index_cast %scan3A_495 : i32 to index
        %swap3A_746 = arith.constant 112 : index
        %swap3A_747 = tpu.vector_load %arg16[%swap3A_745, %swap3A_746] {strides = array<i32>} : memref<64x128xf32, #tpu.memory_space<vmem>>, vector<16xf32>,
        tpu.vector_store %arg16[%swap3A_745, %swap3A_746], %mul3A_744 {strides = array<i32>} : memref<64x128xf32, #tpu.memory_space<vmem>>, vector<16xf32>,
        %broadcast_in_dim3A_748 = arith.constant 0 : i32
        %broadcast_in_dim3A_749 = vector.broadcast %broadcast_in_dim3A_748 : i32 to vector<16xi32>
        %mul3A_750 = arith.constant 4 : i32
        %mul3A_751 = arith.muli %scan3A_495, %mul3A_750 : i32
        %add3A_752 = arith.constant 3 : i32
        %add3A_753 = arith.addi %mul3A_751, %add3A_752 : i32
        %add3A_754 = vector.broadcast %add3A_753 : i32 to vector<16xi32>
        %add3A_755 = arith.addi %broadcast_in_dim3A_749, %add3A_754 : vector<16xi32>
        tpu.vector_store_idx %arg20[%add3A_755], %exp3A_739 masked %eq3A_62 : memref<256xf32, #tpu.memory_space<vmem>>[vector<16xi32>], vector<16xf32>, vector<16xi1>
        %scan3A_756 = arith.constant 0 : i32
        scf.yield %scan3A_756 : i32
      }
      %scan3A_197 = arith.constant 64 : i32
      %mul3A_198 = arith.constant 9984 : i32
      %mul3A_199 = arith.muli %add3A, %mul3A_198 : i32
      %mul3A_200 = arith.constant 64 : i32
      %mul3A_201 = arith.muli %add3A_184, %mul3A_200 : i32
      %add3A_202 = arith.addi %mul3A_199, %mul3A_201 : i32
      %get3A_203 = arith.constant 0 : index
      %get3A_204 = tpu.vector_load %arg12[%get3A_203] {strides = array<i32>} : memref<64xi32, #tpu.memory_space<vmem>>, vector<16xi32>,
      %swap3A_205 = arith.constant 0 : index
      %swap3A_206 = tpu.vector_load %arg14[%swap3A_205] {strides = array<i32>} : memref<64xi32, #tpu.memory_space<vmem>>, vector<16xi32>,
      tpu.vector_store %arg14[%swap3A_205], %get3A_204 {strides = array<i32>} : memref<64xi32, #tpu.memory_space<vmem>>, vector<16xi32>,
      %get3A_207 = arith.constant 16 : index
      %get3A_208 = tpu.vector_load %arg12[%get3A_207] {strides = array<i32>} : memref<64xi32, #tpu.memory_space<vmem>>, vector<16xi32>,
      %swap3A_209 = arith.constant 16 : index
      %swap3A_210 = tpu.vector_load %arg14[%swap3A_209] {strides = array<i32>} : memref<64xi32, #tpu.memory_space<vmem>>, vector<16xi32>,
      tpu.vector_store %arg14[%swap3A_209], %get3A_208 {strides = array<i32>} : memref<64xi32, #tpu.memory_space<vmem>>, vector<16xi32>,
      %get3A_211 = arith.constant 32 : index
      %get3A_212 = tpu.vector_load %arg12[%get3A_211] {strides = array<i32>} : memref<64xi32, #tpu.memory_space<vmem>>, vector<16xi32>,
      %swap3A_213 = arith.constant 32 : index
      %swap3A_214 = tpu.vector_load %arg14[%swap3A_213] {strides = array<i32>} : memref<64xi32, #tpu.memory_space<vmem>>, vector<16xi32>,
      tpu.vector_store %arg14[%swap3A_213], %get3A_212 {strides = array<i32>} : memref<64xi32, #tpu.memory_space<vmem>>, vector<16xi32>,
      %get3A_215 = arith.constant 48 : index
      %get3A_216 = tpu.vector_load %arg12[%get3A_215] {strides = array<i32>} : memref<64xi32, #tpu.memory_space<vmem>>, vector<16xi32>,
      %swap3A_217 = arith.constant 48 : index
      %swap3A_218 = tpu.vector_load %arg14[%swap3A_217] {strides = array<i32>} : memref<64xi32, #tpu.memory_space<vmem>>, vector<16xi32>,
      tpu.vector_store %arg14[%swap3A_217], %get3A_216 {strides = array<i32>} : memref<64xi32, #tpu.memory_space<vmem>>, vector<16xi32>,
      %dma_start3A_219 = arith.constant 0 : i32
      %dma_start3A_220 = arith.constant 0 : i32
      %dma_start3A_221 = tpu.memref_slice %arg22[%dma_start3A_219, %dma_start3A_220] : memref<10000x128xf32, #tpu.memory_space<vmem_shared>> -> memref<10000x128xf32, #tpu.memory_space<vmem_shared>>
      tpu.enqueue_indirect_dma source(%arg16 : memref<64x128xf32, #tpu.memory_space<vmem>>) target(%dma_start3A_221 : memref<10000x128xf32, #tpu.memory_space<vmem_shared>>) offsets(%arg14 : memref<64xi32, #tpu.memory_space<vmem>>) semaphore(%arg26 : memref<!tpu.dma_semaphore, #tpu.memory_space<semaphore_mem>>) {add = true}
      %mul3A_222 = arith.constant 4 : i32
      %mul3A_223 = arith.muli %add3A_202, %mul3A_222 : i32
      %dma_start3A_224 = tpu.memref_slice %arg8[%mul3A_223] : memref<1280000xf32, #tpu.memory_space<hbm>> -> memref<256xf32, #tpu.memory_space<hbm>>
      %dma_start3A_225 = tpu.memref_slice %arg8[%mul3A_223] : memref<1280000xf32, #tpu.memory_space<hbm>> -> memref<256xf32, #tpu.memory_space<hbm>>
      tpu.enqueue_dma source(%arg20 : memref<256xf32, #tpu.memory_space<vmem>>) target(%dma_start3A_225 : memref<256xf32, #tpu.memory_space<hbm>>) target_semaphore(%arg28 : memref<!tpu.dma_semaphore, #tpu.memory_space<semaphore_mem>>)
      %add3A_226 = arith.constant 1 : i32
      %add3A_227 = arith.addi %add3A_184, %add3A_226 : i32
      %lt3A_228 = arith.constant 156 : i32
      %lt3A_229 = arith.cmpi slt, %add3A_227, %lt3A_228 : i32
      %convert_element_type3A_230 = arith.extui %lt3A_229 : i1 to i32
      %cond3A_231 = arith.constant 0 : i32
      %cond3A_232 = arith.cmpi ne, %convert_element_type3A_230, %cond3A_231 : i32
      scf.if %cond3A_232 {
        %gt3A = arith.constant 0 : i32
        %gt3A_234 = arith.cmpi sgt, %add3A_184, %gt3A : i32
        %convert_element_type3A_235 = arith.extui %gt3A_234 : i1 to i32
        %cond3A_236 = arith.constant 0 : i32
        %cond3A_237 = arith.cmpi ne, %convert_element_type3A_235, %cond3A_236 : i32
        scf.if %cond3A_237 {
          %sub3A_259 = arith.constant 1 : i32
          %sub3A_260 = arith.subi %add3A_184, %sub3A_259 : i32
          %mul3A_261 = arith.constant 9984 : i32
          %mul3A_262 = arith.muli %add3A, %mul3A_261 : i32
          %mul3A_263 = arith.constant 64 : i32
          %mul3A_264 = arith.muli %sub3A_260, %mul3A_263 : i32
          %add3A_265 = arith.addi %mul3A_262, %mul3A_264 : i32
          %dma_wait3A_266 = arith.constant 0 : i32
          %dma_wait3A_267 = arith.constant 0 : i32
          %dma_wait3A_268 = tpu.memref_slice %arg22[%dma_wait3A_266, %dma_wait3A_267] : memref<10000x128xf32, #tpu.memory_space<vmem_shared>> -> memref<10000x128xf32, #tpu.memory_space<vmem_shared>>
          tpu.wait_indirect_dma semaphore(%arg25 : memref<!tpu.dma_semaphore, #tpu.memory_space<semaphore_mem>>) src(%arg15 : memref<64x128xf32, #tpu.memory_space<vmem>>) dst(%dma_wait3A_268 : memref<10000x128xf32, #tpu.memory_space<vmem_shared>>)
          %mul3A_269 = arith.constant 4 : i32
          %mul3A_270 = arith.muli %add3A_265, %mul3A_269 : i32
          %dma_wait3A_271 = tpu.memref_slice %arg8[%mul3A_270] : memref<1280000xf32, #tpu.memory_space<hbm>> -> memref<256xf32, #tpu.memory_space<hbm>>
          %dma_wait3A_272 = tpu.memref_slice %arg8[%mul3A_270] : memref<1280000xf32, #tpu.memory_space<hbm>> -> memref<256xf32, #tpu.memory_space<hbm>>
          tpu.wait_dma2 semaphore(%arg27 : memref<!tpu.dma_semaphore, #tpu.memory_space<semaphore_mem>>) src(%arg19 : memref<256xf32, #tpu.memory_space<vmem>>) dst(%dma_wait3A_272 : memref<256xf32, #tpu.memory_space<hbm>>)
        } else {
        }
        %dma_wait3A_238 = arith.constant 0 : i32
        %dma_wait3A_239 = tpu.memref_slice %arg4[%dma_wait3A_238] : memref<320000xi32, #tpu.memory_space<hbm>> -> memref<64xi32, #tpu.memory_space<hbm>>
        %dma_wait3A_240 = arith.constant 0 : i32
        %dma_wait3A_241 = tpu.memref_slice %arg4[%dma_wait3A_240] : memref<320000xi32, #tpu.memory_space<hbm>> -> memref<64xi32, #tpu.memory_space<hbm>>
        tpu.wait_dma2 semaphore(%arg29 : memref<!tpu.dma_semaphore, #tpu.memory_space<semaphore_mem>>) src(%dma_wait3A_241 : memref<64xi32, #tpu.memory_space<hbm>>) dst(%arg9 : memref<64xi32, #tpu.memory_space<vmem>>)
        %dma_wait3A_242 = arith.constant 0 : i32
        %dma_wait3A_243 = tpu.memref_slice %arg5[%dma_wait3A_242] : memref<320000xi32, #tpu.memory_space<hbm>> -> memref<64xi32, #tpu.memory_space<hbm>>
        %dma_wait3A_244 = arith.constant 0 : i32
        %dma_wait3A_245 = tpu.memref_slice %arg5[%dma_wait3A_244] : memref<320000xi32, #tpu.memory_space<hbm>> -> memref<64xi32, #tpu.memory_space<hbm>>
        tpu.wait_dma2 semaphore(%arg29 : memref<!tpu.dma_semaphore, #tpu.memory_space<semaphore_mem>>) src(%dma_wait3A_245 : memref<64xi32, #tpu.memory_space<hbm>>) dst(%arg11 : memref<64xi32, #tpu.memory_space<vmem>>)
        %dma_start3A_246 = arith.constant 0 : i32
        %dma_start3A_247 = arith.constant 0 : i32
        %dma_start3A_248 = tpu.memref_slice %arg2[%dma_start3A_246, %dma_start3A_247] : memref<10000x128xf32, #tpu.memory_space<hbm>> -> memref<10000x128xf32, #tpu.memory_space<hbm>>
        tpu.enqueue_indirect_dma source(%dma_start3A_248 : memref<10000x128xf32, #tpu.memory_space<hbm>>) target(%arg15 : memref<64x128xf32, #tpu.memory_space<vmem>>) offsets(%arg9 : memref<64xi32, #tpu.memory_space<vmem>>) semaphore(%arg23 : memref<!tpu.dma_semaphore, #tpu.memory_space<semaphore_mem>>)
        %dma_start3A_249 = arith.constant 0 : i32
        %dma_start3A_250 = arith.constant 0 : i32
        %dma_start3A_251 = tpu.memref_slice %arg3[%dma_start3A_249, %dma_start3A_250] : memref<10000x128xf32, #tpu.memory_space<hbm>> -> memref<10000x128xf32, #tpu.memory_space<hbm>>
        tpu.enqueue_indirect_dma source(%dma_start3A_251 : memref<10000x128xf32, #tpu.memory_space<hbm>>) target(%arg17 : memref<64x128xf32, #tpu.memory_space<vmem>>) offsets(%arg11 : memref<64xi32, #tpu.memory_space<vmem>>) semaphore(%arg23 : memref<!tpu.dma_semaphore, #tpu.memory_space<semaphore_mem>>)
        %add3A_252 = arith.constant 2 : i32
        %add3A_253 = arith.addi %add3A_184, %add3A_252 : i32
        %lt3A_254 = arith.constant 156 : i32
        %lt3A_255 = arith.cmpi slt, %add3A_253, %lt3A_254 : i32
        %convert_element_type3A_256 = arith.extui %lt3A_255 : i1 to i32
        %cond3A_257 = arith.constant 0 : i32
        %cond3A_258 = arith.cmpi ne, %convert_element_type3A_256, %cond3A_257 : i32
        scf.if %cond3A_258 {
          %add3A_259 = arith.constant 2 : i32
          %add3A_260 = arith.addi %add3A_184, %add3A_259 : i32
          %mul3A_261 = arith.constant 9984 : i32
          %mul3A_262 = arith.muli %add3A, %mul3A_261 : i32
          %mul3A_263 = arith.constant 64 : i32
          %mul3A_264 = arith.muli %add3A_260, %mul3A_263 : i32
          %add3A_265 = arith.addi %mul3A_262, %mul3A_264 : i32
          %dma_start3A_266 = tpu.memref_slice %arg4[%add3A_265] : memref<320000xi32, #tpu.memory_space<hbm>> -> memref<64xi32, #tpu.memory_space<hbm>>
          %dma_start3A_267 = tpu.memref_slice %arg4[%add3A_265] : memref<320000xi32, #tpu.memory_space<hbm>> -> memref<64xi32, #tpu.memory_space<hbm>>
          tpu.enqueue_dma source(%dma_start3A_267 : memref<64xi32, #tpu.memory_space<hbm>>) target(%arg10 : memref<64xi32, #tpu.memory_space<vmem>>) target_semaphore(%arg30 : memref<!tpu.dma_semaphore, #tpu.memory_space<semaphore_mem>>)
          %dma_start3A_268 = tpu.memref_slice %arg5[%add3A_265] : memref<320000xi32, #tpu.memory_space<hbm>> -> memref<64xi32, #tpu.memory_space<hbm>>
          %dma_start3A_269 = tpu.memref_slice %arg5[%add3A_265] : memref<320000xi32, #tpu.memory_space<hbm>> -> memref<64xi32, #tpu.memory_space<hbm>>
          tpu.enqueue_dma source(%dma_start3A_269 : memref<64xi32, #tpu.memory_space<hbm>>) target(%arg12 : memref<64xi32, #tpu.memory_space<vmem>>) target_semaphore(%arg30 : memref<!tpu.dma_semaphore, #tpu.memory_space<semaphore_mem>>)
        } else {
        }
      } else {
      }
      %scan3A_233 = arith.constant 0 : i32
      scf.yield %scan3A_233 : i32
    }
    %scan3A_97 = arith.constant 78 : i32
    %mul3A_98 = arith.constant 9984 : i32
    %mul3A_99 = arith.muli %add3A, %mul3A_98 : i32
    %add3A_100 = arith.constant 9856 : i32
    %add3A_101 = arith.addi %mul3A_99, %add3A_100 : i32
    %dma_wait3A_102 = arith.constant 0 : i32
    %dma_wait3A_103 = arith.constant 0 : i32
    %dma_wait3A_104 = tpu.memref_slice %arg22[%dma_wait3A_102, %dma_wait3A_103] : memref<10000x128xf32, #tpu.memory_space<vmem_shared>> -> memref<10000x128xf32, #tpu.memory_space<vmem_shared>>
    tpu.wait_indirect_dma semaphore(%arg25 : memref<!tpu.dma_semaphore, #tpu.memory_space<semaphore_mem>>) src(%arg15 : memref<64x128xf32, #tpu.memory_space<vmem>>) dst(%dma_wait3A_104 : memref<10000x128xf32, #tpu.memory_space<vmem_shared>>)
    %mul3A_105 = arith.constant 4 : i32
    %mul3A_106 = arith.muli %add3A_101, %mul3A_105 : i32
    %dma_wait3A_107 = tpu.memref_slice %arg8[%mul3A_106] : memref<1280000xf32, #tpu.memory_space<hbm>> -> memref<256xf32, #tpu.memory_space<hbm>>
    %dma_wait3A_108 = tpu.memref_slice %arg8[%mul3A_106] : memref<1280000xf32, #tpu.memory_space<hbm>> -> memref<256xf32, #tpu.memory_space<hbm>>
    tpu.wait_dma2 semaphore(%arg27 : memref<!tpu.dma_semaphore, #tpu.memory_space<semaphore_mem>>) src(%arg19 : memref<256xf32, #tpu.memory_space<vmem>>) dst(%dma_wait3A_108 : memref<256xf32, #tpu.memory_space<hbm>>)
    %mul3A_109 = arith.constant 9984 : i32
    %mul3A_110 = arith.muli %add3A, %mul3A_109 : i32
    %add3A_111 = arith.constant 9920 : i32
    %add3A_112 = arith.addi %mul3A_110, %add3A_111 : i32
    %dma_wait3A_113 = arith.constant 0 : i32
    %dma_wait3A_114 = arith.constant 0 : i32
    %dma_wait3A_115 = tpu.memref_slice %arg22[%dma_wait3A_113, %dma_wait3A_114] : memref<10000x128xf32, #tpu.memory_space<vmem_shared>> -> memref<10000x128xf32, #tpu.memory_space<vmem_shared>>
    tpu.wait_indirect_dma semaphore(%arg26 : memref<!tpu.dma_semaphore, #tpu.memory_space<semaphore_mem>>) src(%arg16 : memref<64x128xf32, #tpu.memory_space<vmem>>) dst(%dma_wait3A_115 : memref<10000x128xf32, #tpu.memory_space<vmem_shared>>)
    %mul3A_116 = arith.constant 4 : i32
    %mul3A_117 = arith.muli %add3A_112, %mul3A_116 : i32
    %dma_wait3A_118 = tpu.memref_slice %arg8[%mul3A_117] : memref<1280000xf32, #tpu.memory_space<hbm>> -> memref<256xf32, #tpu.memory_space<hbm>>
    %dma_wait3A_119 = tpu.memref_slice %arg8[%mul3A_117] : memref<1280000xf32, #tpu.memory_space<hbm>> -> memref<256xf32, #tpu.memory_space<hbm>>
    tpu.wait_dma2 semaphore(%arg28 : memref<!tpu.dma_semaphore, #tpu.memory_space<semaphore_mem>>) src(%arg20 : memref<256xf32, #tpu.memory_space<vmem>>) dst(%dma_wait3A_119 : memref<256xf32, #tpu.memory_space<hbm>>)
    %lt3A = arith.constant 8 : i32
    %lt3A_120 = arith.cmpi slt, %add3A, %lt3A : i32
    %convert_element_type3A_121 = arith.extui %lt3A_120 : i1 to i32
    %cond3A_122 = arith.constant 0 : i32
    %cond3A_123 = arith.cmpi ne, %convert_element_type3A_121, %cond3A_122 : i32
    scf.if %cond3A_123 {
      %mul3A_130 = arith.constant 64 : i32
      %mul3A_131 = arith.muli %add3A, %mul3A_130 : i32
      %add3A_132 = arith.constant 319488 : i32
      %add3A_133 = arith.addi %add3A_132, %mul3A_131 : i32
      "tpu.region"() ({
        %run_scoped3A = tpu.sem_alloc : memref<!tpu.dma_semaphore, #tpu.memory_space<semaphore_mem>>
        %dma_start3A_170 = tpu.memref_slice %arg4[%add3A_133] : memref<320000xi32, #tpu.memory_space<hbm>> -> memref<64xi32, #tpu.memory_space<hbm>>
        %dma_start3A_171 = tpu.memref_slice %arg4[%add3A_133] : memref<320000xi32, #tpu.memory_space<hbm>> -> memref<64xi32, #tpu.memory_space<hbm>>
        tpu.enqueue_dma source(%dma_start3A_171 : memref<64xi32, #tpu.memory_space<hbm>>) target(%arg9 : memref<64xi32, #tpu.memory_space<vmem>>) target_semaphore(%run_scoped3A : memref<!tpu.dma_semaphore, #tpu.memory_space<semaphore_mem>>)
        %dma_wait3A_172 = tpu.memref_slice %arg4[%add3A_133] : memref<320000xi32, #tpu.memory_space<hbm>> -> memref<64xi32, #tpu.memory_space<hbm>>
        %dma_wait3A_173 = tpu.memref_slice %arg4[%add3A_133] : memref<320000xi32, #tpu.memory_space<hbm>> -> memref<64xi32, #tpu.memory_space<hbm>>
        tpu.wait_dma2 semaphore(%run_scoped3A : memref<!tpu.dma_semaphore, #tpu.memory_space<semaphore_mem>>) src(%dma_wait3A_173 : memref<64xi32, #tpu.memory_space<hbm>>) dst(%arg9 : memref<64xi32, #tpu.memory_space<vmem>>)
        tpu.yield
      }) : () -> ()
      "tpu.region"() ({
        %run_scoped3A = tpu.sem_alloc : memref<!tpu.dma_semaphore, #tpu.memory_space<semaphore_mem>>
        %dma_start3A_170 = tpu.memref_slice %arg5[%add3A_133] : memref<320000xi32, #tpu.memory_space<hbm>> -> memref<64xi32, #tpu.memory_space<hbm>>
        %dma_start3A_171 = tpu.memref_slice %arg5[%add3A_133] : memref<320000xi32, #tpu.memory_space<hbm>> -> memref<64xi32, #tpu.memory_space<hbm>>
        tpu.enqueue_dma source(%dma_start3A_171 : memref<64xi32, #tpu.memory_space<hbm>>) target(%arg11 : memref<64xi32, #tpu.memory_space<vmem>>) target_semaphore(%run_scoped3A : memref<!tpu.dma_semaphore, #tpu.memory_space<semaphore_mem>>)
        %dma_wait3A_172 = tpu.memref_slice %arg5[%add3A_133] : memref<320000xi32, #tpu.memory_space<hbm>> -> memref<64xi32, #tpu.memory_space<hbm>>
        %dma_wait3A_173 = tpu.memref_slice %arg5[%add3A_133] : memref<320000xi32, #tpu.memory_space<hbm>> -> memref<64xi32, #tpu.memory_space<hbm>>
        tpu.wait_dma2 semaphore(%run_scoped3A : memref<!tpu.dma_semaphore, #tpu.memory_space<semaphore_mem>>) src(%dma_wait3A_173 : memref<64xi32, #tpu.memory_space<hbm>>) dst(%arg11 : memref<64xi32, #tpu.memory_space<vmem>>)
        tpu.yield
      }) : () -> ()
      %dma_start3A_134 = arith.constant 0 : i32
      %dma_start3A_135 = arith.constant 0 : i32
      %dma_start3A_136 = tpu.memref_slice %arg2[%dma_start3A_134, %dma_start3A_135] : memref<10000x128xf32, #tpu.memory_space<hbm>> -> memref<10000x128xf32, #tpu.memory_space<hbm>>
      tpu.enqueue_indirect_dma source(%dma_start3A_136 : memref<10000x128xf32, #tpu.memory_space<hbm>>) target(%arg15 : memref<64x128xf32, #tpu.memory_space<vmem>>) offsets(%arg9 : memref<64xi32, #tpu.memory_space<vmem>>) semaphore(%arg23 : memref<!tpu.dma_semaphore, #tpu.memory_space<semaphore_mem>>)
      %dma_start3A_137 = arith.constant 0 : i32
      %dma_start3A_138 = arith.constant 0 : i32
      %dma_start3A_139 = tpu.memref_slice %arg3[%dma_start3A_137, %dma_start3A_138] : memref<10000x128xf32, #tpu.memory_space<hbm>> -> memref<10000x128xf32, #tpu.memory_space<hbm>>
      tpu.enqueue_indirect_dma source(%dma_start3A_139 : memref<10000x128xf32, #tpu.memory_space<hbm>>) target(%arg17 : memref<64x128xf32, #tpu.memory_space<vmem>>) offsets(%arg11 : memref<64xi32, #tpu.memory_space<vmem>>) semaphore(%arg23 : memref<!tpu.dma_semaphore, #tpu.memory_space<semaphore_mem>>)
      %dma_wait3A_140 = arith.constant 0 : i32
      %dma_wait3A_141 = arith.constant 0 : i32
      %dma_wait3A_142 = tpu.memref_slice %arg2[%dma_wait3A_140, %dma_wait3A_141] : memref<10000x128xf32, #tpu.memory_space<hbm>> -> memref<10000x128xf32, #tpu.memory_space<hbm>>
      tpu.wait_indirect_dma semaphore(%arg23 : memref<!tpu.dma_semaphore, #tpu.memory_space<semaphore_mem>>) src(%dma_wait3A_142 : memref<10000x128xf32, #tpu.memory_space<hbm>>) dst(%arg15 : memref<64x128xf32, #tpu.memory_space<vmem>>)
      %dma_wait3A_143 = arith.constant 0 : i32
      %dma_wait3A_144 = arith.constant 0 : i32
      %dma_wait3A_145 = tpu.memref_slice %arg3[%dma_wait3A_143, %dma_wait3A_144] : memref<10000x128xf32, #tpu.memory_space<hbm>> -> memref<10000x128xf32, #tpu.memory_space<hbm>>
      tpu.wait_indirect_dma semaphore(%arg23 : memref<!tpu.dma_semaphore, #tpu.memory_space<semaphore_mem>>) src(%dma_wait3A_145 : memref<10000x128xf32, #tpu.memory_space<hbm>>) dst(%arg17 : memref<64x128xf32, #tpu.memory_space<vmem>>)
      %scan3A_146 = arith.constant 0 : i32
      %scan3A_147 = arith.constant 0 : i32
      %scan3A_148 = arith.constant 64 : i32
      %scan3A_149 = arith.addi %scan3A_147, %scan3A_148 : i32
      %scan3A_150 = arith.constant 2 : i32
      %scan3A_151 = scf.for %scan3A_170 = %scan3A_147 to %scan3A_149 step %scan3A_150 iter_args(%scan3A_171 = %scan3A_146) -> (i32)  : i32 {
        %get3A_172 = arith.index_cast %scan3A_170 : i32 to index
        %get3A_173 = arith.constant 0 : index
        %get3A_174 = tpu.vector_load %arg15[%get3A_172, %get3A_173] {strides = array<i32>} : memref<64x128xf32, #tpu.memory_space<vmem>>, vector<16xf32>,
        %get3A_175 = arith.index_cast %scan3A_170 : i32 to index
        %get3A_176 = arith.constant 0 : index
        %get3A_177 = tpu.vector_load %arg17[%get3A_175, %get3A_176] {strides = array<i32>} : memref<64x128xf32, #tpu.memory_space<vmem>>, vector<16xf32>,
        %add3A_178 = arith.addf %get3A_174, %get3A_177 : vector<16xf32>
        %exp3A = math.exp %add3A_178 : vector<16xf32>
        %add3A_179 = arith.constant 1.000000e+00 : f32
        %add3A_180 = vector.broadcast %add3A_179 : f32 to vector<16xf32>
        %add3A_181 = arith.addf %add3A_180, %exp3A : vector<16xf32>
        %mul3A_182 = arith.mulf %add3A_181, %add3A_181 : vector<16xf32>
        %add3A_183 = arith.constant 1.000000e+00 : f32
        %add3A_184 = vector.broadcast %add3A_183 : f32 to vector<16xf32>
        %add3A_185 = arith.addf %mul3A_182, %add3A_184 : vector<16xf32>
        %div3A = arith.constant 2.000000e+00 : f32
        %div3A_186 = vector.broadcast %div3A : f32 to vector<16xf32>
        %div3A_187 = arith.divf %div3A_186, %add3A_185 : vector<16xf32>
        %mul3A_188 = arith.mulf %get3A_45, %add3A_178 : vector<16xf32>
        %mul3A_189 = arith.mulf %mul3A_188, %div3A_187 : vector<16xf32>
        %sub3A_190 = arith.subf %mul3A_188, %mul3A_189 : vector<16xf32>
        %get3A_191 = arith.index_cast %scan3A_170 : i32 to index
        %get3A_192 = arith.constant 16 : index
        %get3A_193 = tpu.vector_load %arg15[%get3A_191, %get3A_192] {strides = array<i32>} : memref<64x128xf32, #tpu.memory_space<vmem>>, vector<16xf32>,
        %get3A_194 = arith.index_cast %scan3A_170 : i32 to index
        %get3A_195 = arith.constant 16 : index
        %get3A_196 = tpu.vector_load %arg17[%get3A_194, %get3A_195] {strides = array<i32>} : memref<64x128xf32, #tpu.memory_space<vmem>>, vector<16xf32>,
        %add3A_197 = arith.addf %get3A_193, %get3A_196 : vector<16xf32>
        %exp3A_198 = math.exp %add3A_197 : vector<16xf32>
        %add3A_199 = arith.constant 1.000000e+00 : f32
        %add3A_200 = vector.broadcast %add3A_199 : f32 to vector<16xf32>
        %add3A_201 = arith.addf %add3A_200, %exp3A_198 : vector<16xf32>
        %mul3A_202 = arith.mulf %add3A_201, %add3A_201 : vector<16xf32>
        %add3A_203 = arith.constant 1.000000e+00 : f32
        %add3A_204 = vector.broadcast %add3A_203 : f32 to vector<16xf32>
        %add3A_205 = arith.addf %mul3A_202, %add3A_204 : vector<16xf32>
        %div3A_206 = arith.constant 2.000000e+00 : f32
        %div3A_207 = vector.broadcast %div3A_206 : f32 to vector<16xf32>
        %div3A_208 = arith.divf %div3A_207, %add3A_205 : vector<16xf32>
        %mul3A_209 = arith.mulf %get3A_47, %add3A_197 : vector<16xf32>
        %mul3A_210 = arith.mulf %mul3A_209, %div3A_208 : vector<16xf32>
        %sub3A_211 = arith.subf %mul3A_209, %mul3A_210 : vector<16xf32>
        %get3A_212 = arith.index_cast %scan3A_170 : i32 to index
        %get3A_213 = arith.constant 32 : index
        %get3A_214 = tpu.vector_load %arg15[%get3A_212, %get3A_213] {strides = array<i32>} : memref<64x128xf32, #tpu.memory_space<vmem>>, vector<16xf32>,
        %get3A_215 = arith.index_cast %scan3A_170 : i32 to index
        %get3A_216 = arith.constant 32 : index
        %get3A_217 = tpu.vector_load %arg17[%get3A_215, %get3A_216] {strides = array<i32>} : memref<64x128xf32, #tpu.memory_space<vmem>>, vector<16xf32>,
        %add3A_218 = arith.addf %get3A_214, %get3A_217 : vector<16xf32>
        %exp3A_219 = math.exp %add3A_218 : vector<16xf32>
        %add3A_220 = arith.constant 1.000000e+00 : f32
        %add3A_221 = vector.broadcast %add3A_220 : f32 to vector<16xf32>
        %add3A_222 = arith.addf %add3A_221, %exp3A_219 : vector<16xf32>
        %mul3A_223 = arith.mulf %add3A_222, %add3A_222 : vector<16xf32>
        %add3A_224 = arith.constant 1.000000e+00 : f32
        %add3A_225 = vector.broadcast %add3A_224 : f32 to vector<16xf32>
        %add3A_226 = arith.addf %mul3A_223, %add3A_225 : vector<16xf32>
        %div3A_227 = arith.constant 2.000000e+00 : f32
        %div3A_228 = vector.broadcast %div3A_227 : f32 to vector<16xf32>
        %div3A_229 = arith.divf %div3A_228, %add3A_226 : vector<16xf32>
        %mul3A_230 = arith.mulf %get3A_49, %add3A_218 : vector<16xf32>
        %mul3A_231 = arith.mulf %mul3A_230, %div3A_229 : vector<16xf32>
        %sub3A_232 = arith.subf %mul3A_230, %mul3A_231 : vector<16xf32>
        %get3A_233 = arith.index_cast %scan3A_170 : i32 to index
        %get3A_234 = arith.constant 48 : index
        %get3A_235 = tpu.vector_load %arg15[%get3A_233, %get3A_234] {strides = array<i32>} : memref<64x128xf32, #tpu.memory_space<vmem>>, vector<16xf32>,
        %get3A_236 = arith.index_cast %scan3A_170 : i32 to index
        %get3A_237 = arith.constant 48 : index
        %get3A_238 = tpu.vector_load %arg17[%get3A_236, %get3A_237] {strides = array<i32>} : memref<64x128xf32, #tpu.memory_space<vmem>>, vector<16xf32>,
        %add3A_239 = arith.addf %get3A_235, %get3A_238 : vector<16xf32>
        %exp3A_240 = math.exp %add3A_239 : vector<16xf32>
        %add3A_241 = arith.constant 1.000000e+00 : f32
        %add3A_242 = vector.broadcast %add3A_241 : f32 to vector<16xf32>
        %add3A_243 = arith.addf %add3A_242, %exp3A_240 : vector<16xf32>
        %mul3A_244 = arith.mulf %add3A_243, %add3A_243 : vector<16xf32>
        %add3A_245 = arith.constant 1.000000e+00 : f32
        %add3A_246 = vector.broadcast %add3A_245 : f32 to vector<16xf32>
        %add3A_247 = arith.addf %mul3A_244, %add3A_246 : vector<16xf32>
        %div3A_248 = arith.constant 2.000000e+00 : f32
        %div3A_249 = vector.broadcast %div3A_248 : f32 to vector<16xf32>
        %div3A_250 = arith.divf %div3A_249, %add3A_247 : vector<16xf32>
        %mul3A_251 = arith.mulf %get3A_51, %add3A_239 : vector<16xf32>
        %mul3A_252 = arith.mulf %mul3A_251, %div3A_250 : vector<16xf32>
        %sub3A_253 = arith.subf %mul3A_251, %mul3A_252 : vector<16xf32>
        %get3A_254 = arith.index_cast %scan3A_170 : i32 to index
        %get3A_255 = arith.constant 64 : index
        %get3A_256 = tpu.vector_load %arg15[%get3A_254, %get3A_255] {strides = array<i32>} : memref<64x128xf32, #tpu.memory_space<vmem>>, vector<16xf32>,
        %get3A_257 = arith.index_cast %scan3A_170 : i32 to index
        %get3A_258 = arith.constant 64 : index
        %get3A_259 = tpu.vector_load %arg17[%get3A_257, %get3A_258] {strides = array<i32>} : memref<64x128xf32, #tpu.memory_space<vmem>>, vector<16xf32>,
        %add3A_260 = arith.addf %get3A_256, %get3A_259 : vector<16xf32>
        %exp3A_261 = math.exp %add3A_260 : vector<16xf32>
        %add3A_262 = arith.constant 1.000000e+00 : f32
        %add3A_263 = vector.broadcast %add3A_262 : f32 to vector<16xf32>
        %add3A_264 = arith.addf %add3A_263, %exp3A_261 : vector<16xf32>
        %mul3A_265 = arith.mulf %add3A_264, %add3A_264 : vector<16xf32>
        %add3A_266 = arith.constant 1.000000e+00 : f32
        %add3A_267 = vector.broadcast %add3A_266 : f32 to vector<16xf32>
        %add3A_268 = arith.addf %mul3A_265, %add3A_267 : vector<16xf32>
        %div3A_269 = arith.constant 2.000000e+00 : f32
        %div3A_270 = vector.broadcast %div3A_269 : f32 to vector<16xf32>
        %div3A_271 = arith.divf %div3A_270, %add3A_268 : vector<16xf32>
        %mul3A_272 = arith.mulf %get3A_53, %add3A_260 : vector<16xf32>
        %mul3A_273 = arith.mulf %mul3A_272, %div3A_271 : vector<16xf32>
        %sub3A_274 = arith.subf %mul3A_272, %mul3A_273 : vector<16xf32>
        %get3A_275 = arith.index_cast %scan3A_170 : i32 to index
        %get3A_276 = arith.constant 80 : index
        %get3A_277 = tpu.vector_load %arg15[%get3A_275, %get3A_276] {strides = array<i32>} : memref<64x128xf32, #tpu.memory_space<vmem>>, vector<16xf32>,
        %get3A_278 = arith.index_cast %scan3A_170 : i32 to index
        %get3A_279 = arith.constant 80 : index
        %get3A_280 = tpu.vector_load %arg17[%get3A_278, %get3A_279] {strides = array<i32>} : memref<64x128xf32, #tpu.memory_space<vmem>>, vector<16xf32>,
        %add3A_281 = arith.addf %get3A_277, %get3A_280 : vector<16xf32>
        %exp3A_282 = math.exp %add3A_281 : vector<16xf32>
        %add3A_283 = arith.constant 1.000000e+00 : f32
        %add3A_284 = vector.broadcast %add3A_283 : f32 to vector<16xf32>
        %add3A_285 = arith.addf %add3A_284, %exp3A_282 : vector<16xf32>
        %mul3A_286 = arith.mulf %add3A_285, %add3A_285 : vector<16xf32>
        %add3A_287 = arith.constant 1.000000e+00 : f32
        %add3A_288 = vector.broadcast %add3A_287 : f32 to vector<16xf32>
        %add3A_289 = arith.addf %mul3A_286, %add3A_288 : vector<16xf32>
        %div3A_290 = arith.constant 2.000000e+00 : f32
        %div3A_291 = vector.broadcast %div3A_290 : f32 to vector<16xf32>
        %div3A_292 = arith.divf %div3A_291, %add3A_289 : vector<16xf32>
        %mul3A_293 = arith.mulf %get3A_55, %add3A_281 : vector<16xf32>
        %mul3A_294 = arith.mulf %mul3A_293, %div3A_292 : vector<16xf32>
        %sub3A_295 = arith.subf %mul3A_293, %mul3A_294 : vector<16xf32>
        %get3A_296 = arith.index_cast %scan3A_170 : i32 to index
        %get3A_297 = arith.constant 96 : index
        %get3A_298 = tpu.vector_load %arg15[%get3A_296, %get3A_297] {strides = array<i32>} : memref<64x128xf32, #tpu.memory_space<vmem>>, vector<16xf32>,
        %get3A_299 = arith.index_cast %scan3A_170 : i32 to index
        %get3A_300 = arith.constant 96 : index
        %get3A_301 = tpu.vector_load %arg17[%get3A_299, %get3A_300] {strides = array<i32>} : memref<64x128xf32, #tpu.memory_space<vmem>>, vector<16xf32>,
        %add3A_302 = arith.addf %get3A_298, %get3A_301 : vector<16xf32>
        %exp3A_303 = math.exp %add3A_302 : vector<16xf32>
        %add3A_304 = arith.constant 1.000000e+00 : f32
        %add3A_305 = vector.broadcast %add3A_304 : f32 to vector<16xf32>
        %add3A_306 = arith.addf %add3A_305, %exp3A_303 : vector<16xf32>
        %mul3A_307 = arith.mulf %add3A_306, %add3A_306 : vector<16xf32>
        %add3A_308 = arith.constant 1.000000e+00 : f32
        %add3A_309 = vector.broadcast %add3A_308 : f32 to vector<16xf32>
        %add3A_310 = arith.addf %mul3A_307, %add3A_309 : vector<16xf32>
        %div3A_311 = arith.constant 2.000000e+00 : f32
        %div3A_312 = vector.broadcast %div3A_311 : f32 to vector<16xf32>
        %div3A_313 = arith.divf %div3A_312, %add3A_310 : vector<16xf32>
        %mul3A_314 = arith.mulf %get3A_57, %add3A_302 : vector<16xf32>
        %mul3A_315 = arith.mulf %mul3A_314, %div3A_313 : vector<16xf32>
        %sub3A_316 = arith.subf %mul3A_314, %mul3A_315 : vector<16xf32>
        %get3A_317 = arith.index_cast %scan3A_170 : i32 to index
        %get3A_318 = arith.constant 112 : index
        %get3A_319 = tpu.vector_load %arg15[%get3A_317, %get3A_318] {strides = array<i32>} : memref<64x128xf32, #tpu.memory_space<vmem>>, vector<16xf32>,
        %get3A_320 = arith.index_cast %scan3A_170 : i32 to index
        %get3A_321 = arith.constant 112 : index
        %get3A_322 = tpu.vector_load %arg17[%get3A_320, %get3A_321] {strides = array<i32>} : memref<64x128xf32, #tpu.memory_space<vmem>>, vector<16xf32>,
        %add3A_323 = arith.addf %get3A_319, %get3A_322 : vector<16xf32>
        %exp3A_324 = math.exp %add3A_323 : vector<16xf32>
        %add3A_325 = arith.constant 1.000000e+00 : f32
        %add3A_326 = vector.broadcast %add3A_325 : f32 to vector<16xf32>
        %add3A_327 = arith.addf %add3A_326, %exp3A_324 : vector<16xf32>
        %mul3A_328 = arith.mulf %add3A_327, %add3A_327 : vector<16xf32>
        %add3A_329 = arith.constant 1.000000e+00 : f32
        %add3A_330 = vector.broadcast %add3A_329 : f32 to vector<16xf32>
        %add3A_331 = arith.addf %mul3A_328, %add3A_330 : vector<16xf32>
        %div3A_332 = arith.constant 2.000000e+00 : f32
        %div3A_333 = vector.broadcast %div3A_332 : f32 to vector<16xf32>
        %div3A_334 = arith.divf %div3A_333, %add3A_331 : vector<16xf32>
        %mul3A_335 = arith.mulf %get3A_59, %add3A_323 : vector<16xf32>
        %mul3A_336 = arith.mulf %mul3A_335, %div3A_334 : vector<16xf32>
        %sub3A_337 = arith.subf %mul3A_335, %mul3A_336 : vector<16xf32>
        %add3A_338 = arith.addf %sub3A_190, %sub3A_211 : vector<16xf32>
        %reduce_sum3A = arith.constant true
        %reduce_sum3A_339 = vector.broadcast %reduce_sum3A : i1 to vector<16xi1>
        %reduce_sum3A_340 = tpu.scan <sum>, %add3A_338 masked %reduce_sum3A_339 : vector<16xf32>, vector<16xi1> -> vector<16xf32>
        %reduce_sum3A_341 = vector.extract %reduce_sum3A_340[15] : f32 from vector<16xf32>
        %broadcast_in_dim3A_342 = vector.broadcast %reduce_sum3A_341 : f32 to vector<16xf32>
        %exp3A_343 = math.exp %broadcast_in_dim3A_342 : vector<16xf32>
        %mul3A_344 = arith.mulf %exp3A_343, %get3A_174 : vector<16xf32>
        %swap3A_345 = arith.index_cast %scan3A_170 : i32 to index
        %swap3A_346 = arith.constant 0 : index
        %swap3A_347 = tpu.vector_load %arg15[%swap3A_345, %swap3A_346] {strides = array<i32>} : memref<64x128xf32, #tpu.memory_space<vmem>>, vector<16xf32>,
        tpu.vector_store %arg15[%swap3A_345, %swap3A_346], %mul3A_344 {strides = array<i32>} : memref<64x128xf32, #tpu.memory_space<vmem>>, vector<16xf32>,
        %mul3A_348 = arith.mulf %exp3A_343, %get3A_193 : vector<16xf32>
        %swap3A_349 = arith.index_cast %scan3A_170 : i32 to index
        %swap3A_350 = arith.constant 16 : index
        %swap3A_351 = tpu.vector_load %arg15[%swap3A_349, %swap3A_350] {strides = array<i32>} : memref<64x128xf32, #tpu.memory_space<vmem>>, vector<16xf32>,
        tpu.vector_store %arg15[%swap3A_349, %swap3A_350], %mul3A_348 {strides = array<i32>} : memref<64x128xf32, #tpu.memory_space<vmem>>, vector<16xf32>,
        %broadcast_in_dim3A_352 = arith.constant 0 : i32
        %broadcast_in_dim3A_353 = vector.broadcast %broadcast_in_dim3A_352 : i32 to vector<16xi32>
        %mul3A_354 = arith.constant 4 : i32
        %mul3A_355 = arith.muli %scan3A_170, %mul3A_354 : i32
        %add3A_356 = arith.constant 0 : i32
        %add3A_357 = arith.addi %mul3A_355, %add3A_356 : i32
        %add3A_358 = vector.broadcast %add3A_357 : i32 to vector<16xi32>
        %add3A_359 = arith.addi %broadcast_in_dim3A_353, %add3A_358 : vector<16xi32>
        tpu.vector_store_idx %arg19[%add3A_359], %exp3A_343 masked %eq3A_62 : memref<256xf32, #tpu.memory_space<vmem>>[vector<16xi32>], vector<16xf32>, vector<16xi1>
        %add3A_360 = arith.addf %sub3A_232, %sub3A_253 : vector<16xf32>
        %reduce_sum3A_361 = arith.constant true
        %reduce_sum3A_362 = vector.broadcast %reduce_sum3A_361 : i1 to vector<16xi1>
        %reduce_sum3A_363 = tpu.scan <sum>, %add3A_360 masked %reduce_sum3A_362 : vector<16xf32>, vector<16xi1> -> vector<16xf32>
        %reduce_sum3A_364 = vector.extract %reduce_sum3A_363[15] : f32 from vector<16xf32>
        %broadcast_in_dim3A_365 = vector.broadcast %reduce_sum3A_364 : f32 to vector<16xf32>
        %exp3A_366 = math.exp %broadcast_in_dim3A_365 : vector<16xf32>
        %mul3A_367 = arith.mulf %exp3A_366, %get3A_214 : vector<16xf32>
        %swap3A_368 = arith.index_cast %scan3A_170 : i32 to index
        %swap3A_369 = arith.constant 32 : index
        %swap3A_370 = tpu.vector_load %arg15[%swap3A_368, %swap3A_369] {strides = array<i32>} : memref<64x128xf32, #tpu.memory_space<vmem>>, vector<16xf32>,
        tpu.vector_store %arg15[%swap3A_368, %swap3A_369], %mul3A_367 {strides = array<i32>} : memref<64x128xf32, #tpu.memory_space<vmem>>, vector<16xf32>,
        %mul3A_371 = arith.mulf %exp3A_366, %get3A_235 : vector<16xf32>
        %swap3A_372 = arith.index_cast %scan3A_170 : i32 to index
        %swap3A_373 = arith.constant 48 : index
        %swap3A_374 = tpu.vector_load %arg15[%swap3A_372, %swap3A_373] {strides = array<i32>} : memref<64x128xf32, #tpu.memory_space<vmem>>, vector<16xf32>,
        tpu.vector_store %arg15[%swap3A_372, %swap3A_373], %mul3A_371 {strides = array<i32>} : memref<64x128xf32, #tpu.memory_space<vmem>>, vector<16xf32>,
        %broadcast_in_dim3A_375 = arith.constant 0 : i32
        %broadcast_in_dim3A_376 = vector.broadcast %broadcast_in_dim3A_375 : i32 to vector<16xi32>
        %mul3A_377 = arith.constant 4 : i32
        %mul3A_378 = arith.muli %scan3A_170, %mul3A_377 : i32
        %add3A_379 = arith.constant 1 : i32
        %add3A_380 = arith.addi %mul3A_378, %add3A_379 : i32
        %add3A_381 = vector.broadcast %add3A_380 : i32 to vector<16xi32>
        %add3A_382 = arith.addi %broadcast_in_dim3A_376, %add3A_381 : vector<16xi32>
        tpu.vector_store_idx %arg19[%add3A_382], %exp3A_366 masked %eq3A_62 : memref<256xf32, #tpu.memory_space<vmem>>[vector<16xi32>], vector<16xf32>, vector<16xi1>
        %add3A_383 = arith.addf %sub3A_274, %sub3A_295 : vector<16xf32>
        %reduce_sum3A_384 = arith.constant true
        %reduce_sum3A_385 = vector.broadcast %reduce_sum3A_384 : i1 to vector<16xi1>
        %reduce_sum3A_386 = tpu.scan <sum>, %add3A_383 masked %reduce_sum3A_385 : vector<16xf32>, vector<16xi1> -> vector<16xf32>
        %reduce_sum3A_387 = vector.extract %reduce_sum3A_386[15] : f32 from vector<16xf32>
        %broadcast_in_dim3A_388 = vector.broadcast %reduce_sum3A_387 : f32 to vector<16xf32>
        %exp3A_389 = math.exp %broadcast_in_dim3A_388 : vector<16xf32>
        %mul3A_390 = arith.mulf %exp3A_389, %get3A_256 : vector<16xf32>
        %swap3A_391 = arith.index_cast %scan3A_170 : i32 to index
        %swap3A_392 = arith.constant 64 : index
        %swap3A_393 = tpu.vector_load %arg15[%swap3A_391, %swap3A_392] {strides = array<i32>} : memref<64x128xf32, #tpu.memory_space<vmem>>, vector<16xf32>,
        tpu.vector_store %arg15[%swap3A_391, %swap3A_392], %mul3A_390 {strides = array<i32>} : memref<64x128xf32, #tpu.memory_space<vmem>>, vector<16xf32>,
        %mul3A_394 = arith.mulf %exp3A_389, %get3A_277 : vector<16xf32>
        %swap3A_395 = arith.index_cast %scan3A_170 : i32 to index
        %swap3A_396 = arith.constant 80 : index
        %swap3A_397 = tpu.vector_load %arg15[%swap3A_395, %swap3A_396] {strides = array<i32>} : memref<64x128xf32, #tpu.memory_space<vmem>>, vector<16xf32>,
        tpu.vector_store %arg15[%swap3A_395, %swap3A_396], %mul3A_394 {strides = array<i32>} : memref<64x128xf32, #tpu.memory_space<vmem>>, vector<16xf32>,
        %broadcast_in_dim3A_398 = arith.constant 0 : i32
        %broadcast_in_dim3A_399 = vector.broadcast %broadcast_in_dim3A_398 : i32 to vector<16xi32>
        %mul3A_400 = arith.constant 4 : i32
        %mul3A_401 = arith.muli %scan3A_170, %mul3A_400 : i32
        %add3A_402 = arith.constant 2 : i32
        %add3A_403 = arith.addi %mul3A_401, %add3A_402 : i32
        %add3A_404 = vector.broadcast %add3A_403 : i32 to vector<16xi32>
        %add3A_405 = arith.addi %broadcast_in_dim3A_399, %add3A_404 : vector<16xi32>
        tpu.vector_store_idx %arg19[%add3A_405], %exp3A_389 masked %eq3A_62 : memref<256xf32, #tpu.memory_space<vmem>>[vector<16xi32>], vector<16xf32>, vector<16xi1>
        %add3A_406 = arith.addf %sub3A_316, %sub3A_337 : vector<16xf32>
        %reduce_sum3A_407 = arith.constant true
        %reduce_sum3A_408 = vector.broadcast %reduce_sum3A_407 : i1 to vector<16xi1>
        %reduce_sum3A_409 = tpu.scan <sum>, %add3A_406 masked %reduce_sum3A_408 : vector<16xf32>, vector<16xi1> -> vector<16xf32>
        %reduce_sum3A_410 = vector.extract %reduce_sum3A_409[15] : f32 from vector<16xf32>
        %broadcast_in_dim3A_411 = vector.broadcast %reduce_sum3A_410 : f32 to vector<16xf32>
        %exp3A_412 = math.exp %broadcast_in_dim3A_411 : vector<16xf32>
        %mul3A_413 = arith.mulf %exp3A_412, %get3A_298 : vector<16xf32>
        %swap3A_414 = arith.index_cast %scan3A_170 : i32 to index
        %swap3A_415 = arith.constant 96 : index
        %swap3A_416 = tpu.vector_load %arg15[%swap3A_414, %swap3A_415] {strides = array<i32>} : memref<64x128xf32, #tpu.memory_space<vmem>>, vector<16xf32>,
        tpu.vector_store %arg15[%swap3A_414, %swap3A_415], %mul3A_413 {strides = array<i32>} : memref<64x128xf32, #tpu.memory_space<vmem>>, vector<16xf32>,
        %mul3A_417 = arith.mulf %exp3A_412, %get3A_319 : vector<16xf32>
        %swap3A_418 = arith.index_cast %scan3A_170 : i32 to index
        %swap3A_419 = arith.constant 112 : index
        %swap3A_420 = tpu.vector_load %arg15[%swap3A_418, %swap3A_419] {strides = array<i32>} : memref<64x128xf32, #tpu.memory_space<vmem>>, vector<16xf32>,
        tpu.vector_store %arg15[%swap3A_418, %swap3A_419], %mul3A_417 {strides = array<i32>} : memref<64x128xf32, #tpu.memory_space<vmem>>, vector<16xf32>,
        %broadcast_in_dim3A_421 = arith.constant 0 : i32
        %broadcast_in_dim3A_422 = vector.broadcast %broadcast_in_dim3A_421 : i32 to vector<16xi32>
        %mul3A_423 = arith.constant 4 : i32
        %mul3A_424 = arith.muli %scan3A_170, %mul3A_423 : i32
        %add3A_425 = arith.constant 3 : i32
        %add3A_426 = arith.addi %mul3A_424, %add3A_425 : i32
        %add3A_427 = vector.broadcast %add3A_426 : i32 to vector<16xi32>
        %add3A_428 = arith.addi %broadcast_in_dim3A_422, %add3A_427 : vector<16xi32>
        tpu.vector_store_idx %arg19[%add3A_428], %exp3A_412 masked %eq3A_62 : memref<256xf32, #tpu.memory_space<vmem>>[vector<16xi32>], vector<16xf32>, vector<16xi1>
        %scan3A_429 = arith.constant 0 : i32
        %scan3A_430 = arith.constant 1 : i32
        %scan3A_431 = arith.addi %scan3A_170, %scan3A_430 : i32
        %get3A_432 = arith.index_cast %scan3A_431 : i32 to index
        %get3A_433 = arith.constant 0 : index
        %get3A_434 = tpu.vector_load %arg15[%get3A_432, %get3A_433] {strides = array<i32>} : memref<64x128xf32, #tpu.memory_space<vmem>>, vector<16xf32>,
        %get3A_435 = arith.index_cast %scan3A_431 : i32 to index
        %get3A_436 = arith.constant 0 : index
        %get3A_437 = tpu.vector_load %arg17[%get3A_435, %get3A_436] {strides = array<i32>} : memref<64x128xf32, #tpu.memory_space<vmem>>, vector<16xf32>,
        %add3A_438 = arith.addf %get3A_434, %get3A_437 : vector<16xf32>
        %exp3A_439 = math.exp %add3A_438 : vector<16xf32>
        %add3A_440 = arith.constant 1.000000e+00 : f32
        %add3A_441 = vector.broadcast %add3A_440 : f32 to vector<16xf32>
        %add3A_442 = arith.addf %add3A_441, %exp3A_439 : vector<16xf32>
        %mul3A_443 = arith.mulf %add3A_442, %add3A_442 : vector<16xf32>
        %add3A_444 = arith.constant 1.000000e+00 : f32
        %add3A_445 = vector.broadcast %add3A_444 : f32 to vector<16xf32>
        %add3A_446 = arith.addf %mul3A_443, %add3A_445 : vector<16xf32>
        %div3A_447 = arith.constant 2.000000e+00 : f32
        %div3A_448 = vector.broadcast %div3A_447 : f32 to vector<16xf32>
        %div3A_449 = arith.divf %div3A_448, %add3A_446 : vector<16xf32>
        %mul3A_450 = arith.mulf %get3A_45, %add3A_438 : vector<16xf32>
        %mul3A_451 = arith.mulf %mul3A_450, %div3A_449 : vector<16xf32>
        %sub3A_452 = arith.subf %mul3A_450, %mul3A_451 : vector<16xf32>
        %get3A_453 = arith.index_cast %scan3A_431 : i32 to index
        %get3A_454 = arith.constant 16 : index
        %get3A_455 = tpu.vector_load %arg15[%get3A_453, %get3A_454] {strides = array<i32>} : memref<64x128xf32, #tpu.memory_space<vmem>>, vector<16xf32>,
        %get3A_456 = arith.index_cast %scan3A_431 : i32 to index
        %get3A_457 = arith.constant 16 : index
        %get3A_458 = tpu.vector_load %arg17[%get3A_456, %get3A_457] {strides = array<i32>} : memref<64x128xf32, #tpu.memory_space<vmem>>, vector<16xf32>,
        %add3A_459 = arith.addf %get3A_455, %get3A_458 : vector<16xf32>
        %exp3A_460 = math.exp %add3A_459 : vector<16xf32>
        %add3A_461 = arith.constant 1.000000e+00 : f32
        %add3A_462 = vector.broadcast %add3A_461 : f32 to vector<16xf32>
        %add3A_463 = arith.addf %add3A_462, %exp3A_460 : vector<16xf32>
        %mul3A_464 = arith.mulf %add3A_463, %add3A_463 : vector<16xf32>
        %add3A_465 = arith.constant 1.000000e+00 : f32
        %add3A_466 = vector.broadcast %add3A_465 : f32 to vector<16xf32>
        %add3A_467 = arith.addf %mul3A_464, %add3A_466 : vector<16xf32>
        %div3A_468 = arith.constant 2.000000e+00 : f32
        %div3A_469 = vector.broadcast %div3A_468 : f32 to vector<16xf32>
        %div3A_470 = arith.divf %div3A_469, %add3A_467 : vector<16xf32>
        %mul3A_471 = arith.mulf %get3A_47, %add3A_459 : vector<16xf32>
        %mul3A_472 = arith.mulf %mul3A_471, %div3A_470 : vector<16xf32>
        %sub3A_473 = arith.subf %mul3A_471, %mul3A_472 : vector<16xf32>
        %get3A_474 = arith.index_cast %scan3A_431 : i32 to index
        %get3A_475 = arith.constant 32 : index
        %get3A_476 = tpu.vector_load %arg15[%get3A_474, %get3A_475] {strides = array<i32>} : memref<64x128xf32, #tpu.memory_space<vmem>>, vector<16xf32>,
        %get3A_477 = arith.index_cast %scan3A_431 : i32 to index
        %get3A_478 = arith.constant 32 : index
        %get3A_479 = tpu.vector_load %arg17[%get3A_477, %get3A_478] {strides = array<i32>} : memref<64x128xf32, #tpu.memory_space<vmem>>, vector<16xf32>,
        %add3A_480 = arith.addf %get3A_476, %get3A_479 : vector<16xf32>
        %exp3A_481 = math.exp %add3A_480 : vector<16xf32>
        %add3A_482 = arith.constant 1.000000e+00 : f32
        %add3A_483 = vector.broadcast %add3A_482 : f32 to vector<16xf32>
        %add3A_484 = arith.addf %add3A_483, %exp3A_481 : vector<16xf32>
        %mul3A_485 = arith.mulf %add3A_484, %add3A_484 : vector<16xf32>
        %add3A_486 = arith.constant 1.000000e+00 : f32
        %add3A_487 = vector.broadcast %add3A_486 : f32 to vector<16xf32>
        %add3A_488 = arith.addf %mul3A_485, %add3A_487 : vector<16xf32>
        %div3A_489 = arith.constant 2.000000e+00 : f32
        %div3A_490 = vector.broadcast %div3A_489 : f32 to vector<16xf32>
        %div3A_491 = arith.divf %div3A_490, %add3A_488 : vector<16xf32>
        %mul3A_492 = arith.mulf %get3A_49, %add3A_480 : vector<16xf32>
        %mul3A_493 = arith.mulf %mul3A_492, %div3A_491 : vector<16xf32>
        %sub3A_494 = arith.subf %mul3A_492, %mul3A_493 : vector<16xf32>
        %get3A_495 = arith.index_cast %scan3A_431 : i32 to index
        %get3A_496 = arith.constant 48 : index
        %get3A_497 = tpu.vector_load %arg15[%get3A_495, %get3A_496] {strides = array<i32>} : memref<64x128xf32, #tpu.memory_space<vmem>>, vector<16xf32>,
        %get3A_498 = arith.index_cast %scan3A_431 : i32 to index
        %get3A_499 = arith.constant 48 : index
        %get3A_500 = tpu.vector_load %arg17[%get3A_498, %get3A_499] {strides = array<i32>} : memref<64x128xf32, #tpu.memory_space<vmem>>, vector<16xf32>,
        %add3A_501 = arith.addf %get3A_497, %get3A_500 : vector<16xf32>
        %exp3A_502 = math.exp %add3A_501 : vector<16xf32>
        %add3A_503 = arith.constant 1.000000e+00 : f32
        %add3A_504 = vector.broadcast %add3A_503 : f32 to vector<16xf32>
        %add3A_505 = arith.addf %add3A_504, %exp3A_502 : vector<16xf32>
        %mul3A_506 = arith.mulf %add3A_505, %add3A_505 : vector<16xf32>
        %add3A_507 = arith.constant 1.000000e+00 : f32
        %add3A_508 = vector.broadcast %add3A_507 : f32 to vector<16xf32>
        %add3A_509 = arith.addf %mul3A_506, %add3A_508 : vector<16xf32>
        %div3A_510 = arith.constant 2.000000e+00 : f32
        %div3A_511 = vector.broadcast %div3A_510 : f32 to vector<16xf32>
        %div3A_512 = arith.divf %div3A_511, %add3A_509 : vector<16xf32>
        %mul3A_513 = arith.mulf %get3A_51, %add3A_501 : vector<16xf32>
        %mul3A_514 = arith.mulf %mul3A_513, %div3A_512 : vector<16xf32>
        %sub3A_515 = arith.subf %mul3A_513, %mul3A_514 : vector<16xf32>
        %get3A_516 = arith.index_cast %scan3A_431 : i32 to index
        %get3A_517 = arith.constant 64 : index
        %get3A_518 = tpu.vector_load %arg15[%get3A_516, %get3A_517] {strides = array<i32>} : memref<64x128xf32, #tpu.memory_space<vmem>>, vector<16xf32>,
        %get3A_519 = arith.index_cast %scan3A_431 : i32 to index
        %get3A_520 = arith.constant 64 : index
        %get3A_521 = tpu.vector_load %arg17[%get3A_519, %get3A_520] {strides = array<i32>} : memref<64x128xf32, #tpu.memory_space<vmem>>, vector<16xf32>,
        %add3A_522 = arith.addf %get3A_518, %get3A_521 : vector<16xf32>
        %exp3A_523 = math.exp %add3A_522 : vector<16xf32>
        %add3A_524 = arith.constant 1.000000e+00 : f32
        %add3A_525 = vector.broadcast %add3A_524 : f32 to vector<16xf32>
        %add3A_526 = arith.addf %add3A_525, %exp3A_523 : vector<16xf32>
        %mul3A_527 = arith.mulf %add3A_526, %add3A_526 : vector<16xf32>
        %add3A_528 = arith.constant 1.000000e+00 : f32
        %add3A_529 = vector.broadcast %add3A_528 : f32 to vector<16xf32>
        %add3A_530 = arith.addf %mul3A_527, %add3A_529 : vector<16xf32>
        %div3A_531 = arith.constant 2.000000e+00 : f32
        %div3A_532 = vector.broadcast %div3A_531 : f32 to vector<16xf32>
        %div3A_533 = arith.divf %div3A_532, %add3A_530 : vector<16xf32>
        %mul3A_534 = arith.mulf %get3A_53, %add3A_522 : vector<16xf32>
        %mul3A_535 = arith.mulf %mul3A_534, %div3A_533 : vector<16xf32>
        %sub3A_536 = arith.subf %mul3A_534, %mul3A_535 : vector<16xf32>
        %get3A_537 = arith.index_cast %scan3A_431 : i32 to index
        %get3A_538 = arith.constant 80 : index
        %get3A_539 = tpu.vector_load %arg15[%get3A_537, %get3A_538] {strides = array<i32>} : memref<64x128xf32, #tpu.memory_space<vmem>>, vector<16xf32>,
        %get3A_540 = arith.index_cast %scan3A_431 : i32 to index
        %get3A_541 = arith.constant 80 : index
        %get3A_542 = tpu.vector_load %arg17[%get3A_540, %get3A_541] {strides = array<i32>} : memref<64x128xf32, #tpu.memory_space<vmem>>, vector<16xf32>,
        %add3A_543 = arith.addf %get3A_539, %get3A_542 : vector<16xf32>
        %exp3A_544 = math.exp %add3A_543 : vector<16xf32>
        %add3A_545 = arith.constant 1.000000e+00 : f32
        %add3A_546 = vector.broadcast %add3A_545 : f32 to vector<16xf32>
        %add3A_547 = arith.addf %add3A_546, %exp3A_544 : vector<16xf32>
        %mul3A_548 = arith.mulf %add3A_547, %add3A_547 : vector<16xf32>
        %add3A_549 = arith.constant 1.000000e+00 : f32
        %add3A_550 = vector.broadcast %add3A_549 : f32 to vector<16xf32>
        %add3A_551 = arith.addf %mul3A_548, %add3A_550 : vector<16xf32>
        %div3A_552 = arith.constant 2.000000e+00 : f32
        %div3A_553 = vector.broadcast %div3A_552 : f32 to vector<16xf32>
        %div3A_554 = arith.divf %div3A_553, %add3A_551 : vector<16xf32>
        %mul3A_555 = arith.mulf %get3A_55, %add3A_543 : vector<16xf32>
        %mul3A_556 = arith.mulf %mul3A_555, %div3A_554 : vector<16xf32>
        %sub3A_557 = arith.subf %mul3A_555, %mul3A_556 : vector<16xf32>
        %get3A_558 = arith.index_cast %scan3A_431 : i32 to index
        %get3A_559 = arith.constant 96 : index
        %get3A_560 = tpu.vector_load %arg15[%get3A_558, %get3A_559] {strides = array<i32>} : memref<64x128xf32, #tpu.memory_space<vmem>>, vector<16xf32>,
        %get3A_561 = arith.index_cast %scan3A_431 : i32 to index
        %get3A_562 = arith.constant 96 : index
        %get3A_563 = tpu.vector_load %arg17[%get3A_561, %get3A_562] {strides = array<i32>} : memref<64x128xf32, #tpu.memory_space<vmem>>, vector<16xf32>,
        %add3A_564 = arith.addf %get3A_560, %get3A_563 : vector<16xf32>
        %exp3A_565 = math.exp %add3A_564 : vector<16xf32>
        %add3A_566 = arith.constant 1.000000e+00 : f32
        %add3A_567 = vector.broadcast %add3A_566 : f32 to vector<16xf32>
        %add3A_568 = arith.addf %add3A_567, %exp3A_565 : vector<16xf32>
        %mul3A_569 = arith.mulf %add3A_568, %add3A_568 : vector<16xf32>
        %add3A_570 = arith.constant 1.000000e+00 : f32
        %add3A_571 = vector.broadcast %add3A_570 : f32 to vector<16xf32>
        %add3A_572 = arith.addf %mul3A_569, %add3A_571 : vector<16xf32>
        %div3A_573 = arith.constant 2.000000e+00 : f32
        %div3A_574 = vector.broadcast %div3A_573 : f32 to vector<16xf32>
        %div3A_575 = arith.divf %div3A_574, %add3A_572 : vector<16xf32>
        %mul3A_576 = arith.mulf %get3A_57, %add3A_564 : vector<16xf32>
        %mul3A_577 = arith.mulf %mul3A_576, %div3A_575 : vector<16xf32>
        %sub3A_578 = arith.subf %mul3A_576, %mul3A_577 : vector<16xf32>
        %get3A_579 = arith.index_cast %scan3A_431 : i32 to index
        %get3A_580 = arith.constant 112 : index
        %get3A_581 = tpu.vector_load %arg15[%get3A_579, %get3A_580] {strides = array<i32>} : memref<64x128xf32, #tpu.memory_space<vmem>>, vector<16xf32>,
        %get3A_582 = arith.index_cast %scan3A_431 : i32 to index
        %get3A_583 = arith.constant 112 : index
        %get3A_584 = tpu.vector_load %arg17[%get3A_582, %get3A_583] {strides = array<i32>} : memref<64x128xf32, #tpu.memory_space<vmem>>, vector<16xf32>,
        %add3A_585 = arith.addf %get3A_581, %get3A_584 : vector<16xf32>
        %exp3A_586 = math.exp %add3A_585 : vector<16xf32>
        %add3A_587 = arith.constant 1.000000e+00 : f32
        %add3A_588 = vector.broadcast %add3A_587 : f32 to vector<16xf32>
        %add3A_589 = arith.addf %add3A_588, %exp3A_586 : vector<16xf32>
        %mul3A_590 = arith.mulf %add3A_589, %add3A_589 : vector<16xf32>
        %add3A_591 = arith.constant 1.000000e+00 : f32
        %add3A_592 = vector.broadcast %add3A_591 : f32 to vector<16xf32>
        %add3A_593 = arith.addf %mul3A_590, %add3A_592 : vector<16xf32>
        %div3A_594 = arith.constant 2.000000e+00 : f32
        %div3A_595 = vector.broadcast %div3A_594 : f32 to vector<16xf32>
        %div3A_596 = arith.divf %div3A_595, %add3A_593 : vector<16xf32>
        %mul3A_597 = arith.mulf %get3A_59, %add3A_585 : vector<16xf32>
        %mul3A_598 = arith.mulf %mul3A_597, %div3A_596 : vector<16xf32>
        %sub3A_599 = arith.subf %mul3A_597, %mul3A_598 : vector<16xf32>
        %add3A_600 = arith.addf %sub3A_452, %sub3A_473 : vector<16xf32>
        %reduce_sum3A_601 = arith.constant true
        %reduce_sum3A_602 = vector.broadcast %reduce_sum3A_601 : i1 to vector<16xi1>
        %reduce_sum3A_603 = tpu.scan <sum>, %add3A_600 masked %reduce_sum3A_602 : vector<16xf32>, vector<16xi1> -> vector<16xf32>
        %reduce_sum3A_604 = vector.extract %reduce_sum3A_603[15] : f32 from vector<16xf32>
        %broadcast_in_dim3A_605 = vector.broadcast %reduce_sum3A_604 : f32 to vector<16xf32>
        %exp3A_606 = math.exp %broadcast_in_dim3A_605 : vector<16xf32>
        %mul3A_607 = arith.mulf %exp3A_606, %get3A_434 : vector<16xf32>
        %swap3A_608 = arith.index_cast %scan3A_431 : i32 to index
        %swap3A_609 = arith.constant 0 : index
        %swap3A_610 = tpu.vector_load %arg15[%swap3A_608, %swap3A_609] {strides = array<i32>} : memref<64x128xf32, #tpu.memory_space<vmem>>, vector<16xf32>,
        tpu.vector_store %arg15[%swap3A_608, %swap3A_609], %mul3A_607 {strides = array<i32>} : memref<64x128xf32, #tpu.memory_space<vmem>>, vector<16xf32>,
        %mul3A_611 = arith.mulf %exp3A_606, %get3A_455 : vector<16xf32>
        %swap3A_612 = arith.index_cast %scan3A_431 : i32 to index
        %swap3A_613 = arith.constant 16 : index
        %swap3A_614 = tpu.vector_load %arg15[%swap3A_612, %swap3A_613] {strides = array<i32>} : memref<64x128xf32, #tpu.memory_space<vmem>>, vector<16xf32>,
        tpu.vector_store %arg15[%swap3A_612, %swap3A_613], %mul3A_611 {strides = array<i32>} : memref<64x128xf32, #tpu.memory_space<vmem>>, vector<16xf32>,
        %broadcast_in_dim3A_615 = arith.constant 0 : i32
        %broadcast_in_dim3A_616 = vector.broadcast %broadcast_in_dim3A_615 : i32 to vector<16xi32>
        %mul3A_617 = arith.constant 4 : i32
        %mul3A_618 = arith.muli %scan3A_431, %mul3A_617 : i32
        %add3A_619 = arith.constant 0 : i32
        %add3A_620 = arith.addi %mul3A_618, %add3A_619 : i32
        %add3A_621 = vector.broadcast %add3A_620 : i32 to vector<16xi32>
        %add3A_622 = arith.addi %broadcast_in_dim3A_616, %add3A_621 : vector<16xi32>
        tpu.vector_store_idx %arg19[%add3A_622], %exp3A_606 masked %eq3A_62 : memref<256xf32, #tpu.memory_space<vmem>>[vector<16xi32>], vector<16xf32>, vector<16xi1>
        %add3A_623 = arith.addf %sub3A_494, %sub3A_515 : vector<16xf32>
        %reduce_sum3A_624 = arith.constant true
        %reduce_sum3A_625 = vector.broadcast %reduce_sum3A_624 : i1 to vector<16xi1>
        %reduce_sum3A_626 = tpu.scan <sum>, %add3A_623 masked %reduce_sum3A_625 : vector<16xf32>, vector<16xi1> -> vector<16xf32>
        %reduce_sum3A_627 = vector.extract %reduce_sum3A_626[15] : f32 from vector<16xf32>
        %broadcast_in_dim3A_628 = vector.broadcast %reduce_sum3A_627 : f32 to vector<16xf32>
        %exp3A_629 = math.exp %broadcast_in_dim3A_628 : vector<16xf32>
        %mul3A_630 = arith.mulf %exp3A_629, %get3A_476 : vector<16xf32>
        %swap3A_631 = arith.index_cast %scan3A_431 : i32 to index
        %swap3A_632 = arith.constant 32 : index
        %swap3A_633 = tpu.vector_load %arg15[%swap3A_631, %swap3A_632] {strides = array<i32>} : memref<64x128xf32, #tpu.memory_space<vmem>>, vector<16xf32>,
        tpu.vector_store %arg15[%swap3A_631, %swap3A_632], %mul3A_630 {strides = array<i32>} : memref<64x128xf32, #tpu.memory_space<vmem>>, vector<16xf32>,
        %mul3A_634 = arith.mulf %exp3A_629, %get3A_497 : vector<16xf32>
        %swap3A_635 = arith.index_cast %scan3A_431 : i32 to index
        %swap3A_636 = arith.constant 48 : index
        %swap3A_637 = tpu.vector_load %arg15[%swap3A_635, %swap3A_636] {strides = array<i32>} : memref<64x128xf32, #tpu.memory_space<vmem>>, vector<16xf32>,
        tpu.vector_store %arg15[%swap3A_635, %swap3A_636], %mul3A_634 {strides = array<i32>} : memref<64x128xf32, #tpu.memory_space<vmem>>, vector<16xf32>,
        %broadcast_in_dim3A_638 = arith.constant 0 : i32
        %broadcast_in_dim3A_639 = vector.broadcast %broadcast_in_dim3A_638 : i32 to vector<16xi32>
        %mul3A_640 = arith.constant 4 : i32
        %mul3A_641 = arith.muli %scan3A_431, %mul3A_640 : i32
        %add3A_642 = arith.constant 1 : i32
        %add3A_643 = arith.addi %mul3A_641, %add3A_642 : i32
        %add3A_644 = vector.broadcast %add3A_643 : i32 to vector<16xi32>
        %add3A_645 = arith.addi %broadcast_in_dim3A_639, %add3A_644 : vector<16xi32>
        tpu.vector_store_idx %arg19[%add3A_645], %exp3A_629 masked %eq3A_62 : memref<256xf32, #tpu.memory_space<vmem>>[vector<16xi32>], vector<16xf32>, vector<16xi1>
        %add3A_646 = arith.addf %sub3A_536, %sub3A_557 : vector<16xf32>
        %reduce_sum3A_647 = arith.constant true
        %reduce_sum3A_648 = vector.broadcast %reduce_sum3A_647 : i1 to vector<16xi1>
        %reduce_sum3A_649 = tpu.scan <sum>, %add3A_646 masked %reduce_sum3A_648 : vector<16xf32>, vector<16xi1> -> vector<16xf32>
        %reduce_sum3A_650 = vector.extract %reduce_sum3A_649[15] : f32 from vector<16xf32>
        %broadcast_in_dim3A_651 = vector.broadcast %reduce_sum3A_650 : f32 to vector<16xf32>
        %exp3A_652 = math.exp %broadcast_in_dim3A_651 : vector<16xf32>
        %mul3A_653 = arith.mulf %exp3A_652, %get3A_518 : vector<16xf32>
        %swap3A_654 = arith.index_cast %scan3A_431 : i32 to index
        %swap3A_655 = arith.constant 64 : index
        %swap3A_656 = tpu.vector_load %arg15[%swap3A_654, %swap3A_655] {strides = array<i32>} : memref<64x128xf32, #tpu.memory_space<vmem>>, vector<16xf32>,
        tpu.vector_store %arg15[%swap3A_654, %swap3A_655], %mul3A_653 {strides = array<i32>} : memref<64x128xf32, #tpu.memory_space<vmem>>, vector<16xf32>,
        %mul3A_657 = arith.mulf %exp3A_652, %get3A_539 : vector<16xf32>
        %swap3A_658 = arith.index_cast %scan3A_431 : i32 to index
        %swap3A_659 = arith.constant 80 : index
        %swap3A_660 = tpu.vector_load %arg15[%swap3A_658, %swap3A_659] {strides = array<i32>} : memref<64x128xf32, #tpu.memory_space<vmem>>, vector<16xf32>,
        tpu.vector_store %arg15[%swap3A_658, %swap3A_659], %mul3A_657 {strides = array<i32>} : memref<64x128xf32, #tpu.memory_space<vmem>>, vector<16xf32>,
        %broadcast_in_dim3A_661 = arith.constant 0 : i32
        %broadcast_in_dim3A_662 = vector.broadcast %broadcast_in_dim3A_661 : i32 to vector<16xi32>
        %mul3A_663 = arith.constant 4 : i32
        %mul3A_664 = arith.muli %scan3A_431, %mul3A_663 : i32
        %add3A_665 = arith.constant 2 : i32
        %add3A_666 = arith.addi %mul3A_664, %add3A_665 : i32
        %add3A_667 = vector.broadcast %add3A_666 : i32 to vector<16xi32>
        %add3A_668 = arith.addi %broadcast_in_dim3A_662, %add3A_667 : vector<16xi32>
        tpu.vector_store_idx %arg19[%add3A_668], %exp3A_652 masked %eq3A_62 : memref<256xf32, #tpu.memory_space<vmem>>[vector<16xi32>], vector<16xf32>, vector<16xi1>
        %add3A_669 = arith.addf %sub3A_578, %sub3A_599 : vector<16xf32>
        %reduce_sum3A_670 = arith.constant true
        %reduce_sum3A_671 = vector.broadcast %reduce_sum3A_670 : i1 to vector<16xi1>
        %reduce_sum3A_672 = tpu.scan <sum>, %add3A_669 masked %reduce_sum3A_671 : vector<16xf32>, vector<16xi1> -> vector<16xf32>
        %reduce_sum3A_673 = vector.extract %reduce_sum3A_672[15] : f32 from vector<16xf32>
        %broadcast_in_dim3A_674 = vector.broadcast %reduce_sum3A_673 : f32 to vector<16xf32>
        %exp3A_675 = math.exp %broadcast_in_dim3A_674 : vector<16xf32>
        %mul3A_676 = arith.mulf %exp3A_675, %get3A_560 : vector<16xf32>
        %swap3A_677 = arith.index_cast %scan3A_431 : i32 to index
        %swap3A_678 = arith.constant 96 : index
        %swap3A_679 = tpu.vector_load %arg15[%swap3A_677, %swap3A_678] {strides = array<i32>} : memref<64x128xf32, #tpu.memory_space<vmem>>, vector<16xf32>,
        tpu.vector_store %arg15[%swap3A_677, %swap3A_678], %mul3A_676 {strides = array<i32>} : memref<64x128xf32, #tpu.memory_space<vmem>>, vector<16xf32>,
        %mul3A_680 = arith.mulf %exp3A_675, %get3A_581 : vector<16xf32>
        %swap3A_681 = arith.index_cast %scan3A_431 : i32 to index
        %swap3A_682 = arith.constant 112 : index
        %swap3A_683 = tpu.vector_load %arg15[%swap3A_681, %swap3A_682] {strides = array<i32>} : memref<64x128xf32, #tpu.memory_space<vmem>>, vector<16xf32>,
        tpu.vector_store %arg15[%swap3A_681, %swap3A_682], %mul3A_680 {strides = array<i32>} : memref<64x128xf32, #tpu.memory_space<vmem>>, vector<16xf32>,
        %broadcast_in_dim3A_684 = arith.constant 0 : i32
        %broadcast_in_dim3A_685 = vector.broadcast %broadcast_in_dim3A_684 : i32 to vector<16xi32>
        %mul3A_686 = arith.constant 4 : i32
        %mul3A_687 = arith.muli %scan3A_431, %mul3A_686 : i32
        %add3A_688 = arith.constant 3 : i32
        %add3A_689 = arith.addi %mul3A_687, %add3A_688 : i32
        %add3A_690 = vector.broadcast %add3A_689 : i32 to vector<16xi32>
        %add3A_691 = arith.addi %broadcast_in_dim3A_685, %add3A_690 : vector<16xi32>
        tpu.vector_store_idx %arg19[%add3A_691], %exp3A_675 masked %eq3A_62 : memref<256xf32, #tpu.memory_space<vmem>>[vector<16xi32>], vector<16xf32>, vector<16xi1>
        %scan3A_692 = arith.constant 0 : i32
        scf.yield %scan3A_692 : i32
      }
      %scan3A_152 = arith.constant 64 : i32
      %get3A_153 = arith.constant 0 : index
      %get3A_154 = tpu.vector_load %arg11[%get3A_153] {strides = array<i32>} : memref<64xi32, #tpu.memory_space<vmem>>, vector<16xi32>,
      %swap3A = arith.constant 0 : index
      %swap3A_155 = tpu.vector_load %arg13[%swap3A] {strides = array<i32>} : memref<64xi32, #tpu.memory_space<vmem>>, vector<16xi32>,
      tpu.vector_store %arg13[%swap3A], %get3A_154 {strides = array<i32>} : memref<64xi32, #tpu.memory_space<vmem>>, vector<16xi32>,
      %get3A_156 = arith.constant 16 : index
      %get3A_157 = tpu.vector_load %arg11[%get3A_156] {strides = array<i32>} : memref<64xi32, #tpu.memory_space<vmem>>, vector<16xi32>,
      %swap3A_158 = arith.constant 16 : index
      %swap3A_159 = tpu.vector_load %arg13[%swap3A_158] {strides = array<i32>} : memref<64xi32, #tpu.memory_space<vmem>>, vector<16xi32>,
      tpu.vector_store %arg13[%swap3A_158], %get3A_157 {strides = array<i32>} : memref<64xi32, #tpu.memory_space<vmem>>, vector<16xi32>,
      %get3A_160 = arith.constant 32 : index
      %get3A_161 = tpu.vector_load %arg11[%get3A_160] {strides = array<i32>} : memref<64xi32, #tpu.memory_space<vmem>>, vector<16xi32>,
      %swap3A_162 = arith.constant 32 : index
      %swap3A_163 = tpu.vector_load %arg13[%swap3A_162] {strides = array<i32>} : memref<64xi32, #tpu.memory_space<vmem>>, vector<16xi32>,
      tpu.vector_store %arg13[%swap3A_162], %get3A_161 {strides = array<i32>} : memref<64xi32, #tpu.memory_space<vmem>>, vector<16xi32>,
      %get3A_164 = arith.constant 48 : index
      %get3A_165 = tpu.vector_load %arg11[%get3A_164] {strides = array<i32>} : memref<64xi32, #tpu.memory_space<vmem>>, vector<16xi32>,
      %swap3A_166 = arith.constant 48 : index
      %swap3A_167 = tpu.vector_load %arg13[%swap3A_166] {strides = array<i32>} : memref<64xi32, #tpu.memory_space<vmem>>, vector<16xi32>,
      tpu.vector_store %arg13[%swap3A_166], %get3A_165 {strides = array<i32>} : memref<64xi32, #tpu.memory_space<vmem>>, vector<16xi32>,
      "tpu.region"() ({
        %run_scoped3A = tpu.sem_alloc : memref<!tpu.dma_semaphore, #tpu.memory_space<semaphore_mem>>
        %dma_start3A_170 = arith.constant 0 : i32
        %dma_start3A_171 = arith.constant 0 : i32
        %dma_start3A_172 = tpu.memref_slice %arg22[%dma_start3A_170, %dma_start3A_171] : memref<10000x128xf32, #tpu.memory_space<vmem_shared>> -> memref<10000x128xf32, #tpu.memory_space<vmem_shared>>
        tpu.enqueue_indirect_dma source(%arg15 : memref<64x128xf32, #tpu.memory_space<vmem>>) target(%dma_start3A_172 : memref<10000x128xf32, #tpu.memory_space<vmem_shared>>) offsets(%arg13 : memref<64xi32, #tpu.memory_space<vmem>>) semaphore(%run_scoped3A : memref<!tpu.dma_semaphore, #tpu.memory_space<semaphore_mem>>) {add = true}
        %dma_wait3A_173 = arith.constant 0 : i32
        %dma_wait3A_174 = arith.constant 0 : i32
        %dma_wait3A_175 = tpu.memref_slice %arg22[%dma_wait3A_173, %dma_wait3A_174] : memref<10000x128xf32, #tpu.memory_space<vmem_shared>> -> memref<10000x128xf32, #tpu.memory_space<vmem_shared>>
        tpu.wait_indirect_dma semaphore(%run_scoped3A : memref<!tpu.dma_semaphore, #tpu.memory_space<semaphore_mem>>) src(%arg15 : memref<64x128xf32, #tpu.memory_space<vmem>>) dst(%dma_wait3A_175 : memref<10000x128xf32, #tpu.memory_space<vmem_shared>>)
        tpu.yield
      }) : () -> ()
      %mul3A_168 = arith.constant 4 : i32
      %mul3A_169 = arith.muli %add3A_133, %mul3A_168 : i32
      "tpu.region"() ({
        %run_scoped3A = tpu.sem_alloc : memref<!tpu.dma_semaphore, #tpu.memory_space<semaphore_mem>>
        %dma_start3A_170 = tpu.memref_slice %arg8[%mul3A_169] : memref<1280000xf32, #tpu.memory_space<hbm>> -> memref<256xf32, #tpu.memory_space<hbm>>
        %dma_start3A_171 = tpu.memref_slice %arg8[%mul3A_169] : memref<1280000xf32, #tpu.memory_space<hbm>> -> memref<256xf32, #tpu.memory_space<hbm>>
        tpu.enqueue_dma source(%arg19 : memref<256xf32, #tpu.memory_space<vmem>>) target(%dma_start3A_171 : memref<256xf32, #tpu.memory_space<hbm>>) target_semaphore(%run_scoped3A : memref<!tpu.dma_semaphore, #tpu.memory_space<semaphore_mem>>)
        %dma_wait3A_172 = tpu.memref_slice %arg8[%mul3A_169] : memref<1280000xf32, #tpu.memory_space<hbm>> -> memref<256xf32, #tpu.memory_space<hbm>>
        %dma_wait3A_173 = tpu.memref_slice %arg8[%mul3A_169] : memref<1280000xf32, #tpu.memory_space<hbm>> -> memref<256xf32, #tpu.memory_space<hbm>>
        tpu.wait_dma2 semaphore(%run_scoped3A : memref<!tpu.dma_semaphore, #tpu.memory_space<semaphore_mem>>) src(%arg19 : memref<256xf32, #tpu.memory_space<vmem>>) dst(%dma_wait3A_173 : memref<256xf32, #tpu.memory_space<hbm>>)
        tpu.yield
      }) : () -> ()
    } else {
    }
    %barrier3A_124 = arith.constant 0 : index
    tpu.barrier barrier_id(%barrier3A_124)
    "tpu.region"() ({
      %run_scoped3A = tpu.sem_alloc : memref<!tpu.dma_semaphore, #tpu.memory_space<semaphore_mem>>
      %dma_start3A_130 = arith.constant 0 : i32
      %dma_start3A_131 = tpu.memref_slice %arg7[%arg0, %mul3A_9, %dma_start3A_130] : memref<2x10000x128xf32, #tpu.memory_space<hbm>> -> memref<1x624x128xf32, #tpu.memory_space<hbm>>
      %dma_start3A_132 = tpu.memref_squeeze %dma_start3A_131 : memref<1x624x128xf32, #tpu.memory_space<hbm>> -> memref<624x128xf32, #tpu.memory_space<hbm>>
      %dma_start3A_133 = arith.constant 0 : i32
      %dma_start3A_134 = tpu.memref_slice %arg22[%mul3A_9, %dma_start3A_133] : memref<10000x128xf32, #tpu.memory_space<vmem_shared>> -> memref<624x128xf32, #tpu.memory_space<vmem_shared>>
      tpu.enqueue_dma source(%dma_start3A_134 : memref<624x128xf32, #tpu.memory_space<vmem_shared>>) target(%dma_start3A_132 : memref<624x128xf32, #tpu.memory_space<hbm>>) target_semaphore(%run_scoped3A : memref<!tpu.dma_semaphore, #tpu.memory_space<semaphore_mem>>)
      %dma_wait3A_135 = arith.constant 0 : i32
      %dma_wait3A_136 = tpu.memref_slice %arg7[%arg0, %mul3A_9, %dma_wait3A_135] : memref<2x10000x128xf32, #tpu.memory_space<hbm>> -> memref<1x624x128xf32, #tpu.memory_space<hbm>>
      %dma_wait3A_137 = tpu.memref_squeeze %dma_wait3A_136 : memref<1x624x128xf32, #tpu.memory_space<hbm>> -> memref<624x128xf32, #tpu.memory_space<hbm>>
      %dma_wait3A_138 = arith.constant 0 : i32
      %dma_wait3A_139 = tpu.memref_slice %arg22[%mul3A_9, %dma_wait3A_138] : memref<10000x128xf32, #tpu.memory_space<vmem_shared>> -> memref<624x128xf32, #tpu.memory_space<vmem_shared>>
      tpu.wait_dma2 semaphore(%run_scoped3A : memref<!tpu.dma_semaphore, #tpu.memory_space<semaphore_mem>>) src(%dma_wait3A_139 : memref<624x128xf32, #tpu.memory_space<vmem_shared>>) dst(%dma_wait3A_137 : memref<624x128xf32, #tpu.memory_space<hbm>>)
      tpu.yield
    }) : () -> ()
    %eq3A_125 = arith.constant 15 : i32
    %eq3A_126 = arith.cmpi eq, %arg1, %eq3A_125 : i32
    %convert_element_type3A_127 = arith.extui %eq3A_126 : i1 to i32
    %cond3A_128 = arith.constant 0 : i32
    %cond3A_129 = arith.cmpi ne, %convert_element_type3A_127, %cond3A_128 : i32
    scf.if %cond3A_129 {
      "tpu.region"() ({
        %run_scoped3A = tpu.sem_alloc : memref<!tpu.dma_semaphore, #tpu.memory_space<semaphore_mem>>
        %dma_start3A_130 = arith.constant 9984 : i32
        %dma_start3A_131 = arith.constant 0 : i32
        %dma_start3A_132 = tpu.memref_slice %arg7[%arg0, %dma_start3A_130, %dma_start3A_131] : memref<2x10000x128xf32, #tpu.memory_space<hbm>> -> memref<1x16x128xf32, #tpu.memory_space<hbm>>
        %dma_start3A_133 = tpu.memref_squeeze %dma_start3A_132 : memref<1x16x128xf32, #tpu.memory_space<hbm>> -> memref<16x128xf32, #tpu.memory_space<hbm>>
        %dma_start3A_134 = arith.constant 9984 : i32
        %dma_start3A_135 = arith.constant 0 : i32
        %dma_start3A_136 = tpu.memref_slice %arg22[%dma_start3A_134, %dma_start3A_135] : memref<10000x128xf32, #tpu.memory_space<vmem_shared>> -> memref<16x128xf32, #tpu.memory_space<vmem_shared>>
        tpu.enqueue_dma source(%dma_start3A_136 : memref<16x128xf32, #tpu.memory_space<vmem_shared>>) target(%dma_start3A_133 : memref<16x128xf32, #tpu.memory_space<hbm>>) target_semaphore(%run_scoped3A : memref<!tpu.dma_semaphore, #tpu.memory_space<semaphore_mem>>)
        %dma_wait3A_137 = arith.constant 9984 : i32
        %dma_wait3A_138 = arith.constant 0 : i32
        %dma_wait3A_139 = tpu.memref_slice %arg7[%arg0, %dma_wait3A_137, %dma_wait3A_138] : memref<2x10000x128xf32, #tpu.memory_space<hbm>> -> memref<1x16x128xf32, #tpu.memory_space<hbm>>
        %dma_wait3A_140 = tpu.memref_squeeze %dma_wait3A_139 : memref<1x16x128xf32, #tpu.memory_space<hbm>> -> memref<16x128xf32, #tpu.memory_space<hbm>>
        %dma_wait3A_141 = arith.constant 9984 : i32
        %dma_wait3A_142 = arith.constant 0 : i32
        %dma_wait3A_143 = tpu.memref_slice %arg22[%dma_wait3A_141, %dma_wait3A_142] : memref<10000x128xf32, #tpu.memory_space<vmem_shared>> -> memref<16x128xf32, #tpu.memory_space<vmem_shared>>
        tpu.wait_dma2 semaphore(%run_scoped3A : memref<!tpu.dma_semaphore, #tpu.memory_space<semaphore_mem>>) src(%dma_wait3A_143 : memref<16x128xf32, #tpu.memory_space<vmem_shared>>) dst(%dma_wait3A_140 : memref<16x128xf32, #tpu.memory_space<hbm>>)
        tpu.yield
      }) : () -> ()
    } else {
    }
    return
  }
}

#map = affine_map<(d0, d1) -> (0)>
#map1 = affine_map<(d0, d1) -> (0, 0, 0)>
module attributes {stable_mosaic.version = 14 : i64} {
  func.func @_pass2_body(%arg0: i32, %arg1: i32, %arg2: memref<320000xi32, #tpu.memory_space<hbm>>, %arg3: memref<1280000xf32, #tpu.memory_space<hbm>>, %arg4: memref<2x10000x128xf32, #tpu.memory_space<hbm>>, %arg5: memref<64xi32, #tpu.memory_space<vmem>>, %arg6: memref<256xf32, #tpu.memory_space<vmem>>, %arg7: memref<64x128xf32, #tpu.memory_space<vmem>>, %arg8: memref<10000x128xf32, #tpu.memory_space<vmem_shared>>, %arg9: memref<!tpu.dma_semaphore, #tpu.memory_space<semaphore_mem>>) attributes {dimension_semantics = [#tpu.dimension_semantics<core_parallel>, #tpu.dimension_semantics<subcore_parallel>], iteration_bounds = array<i64: 2, 16>, scalar_prefetch = 0 : i64, scratch_operands = 5 : i64, tpu.core_type = #tpu.core_type<sc_vector_subcore>, window_params = [{transform_indices = #map}, {transform_indices = #map}, {transform_indices = #map1}]} {
    %mul3A = arith.constant 2 : i32
    %mul3A_0 = arith.muli %arg1, %mul3A : i32
    %add3A = arith.addi %mul3A_0, %arg0 : i32
    %broadcast_in_dim3A = arith.constant 0.000000e+00 : f32
    %broadcast_in_dim3A_1 = vector.broadcast %broadcast_in_dim3A : f32 to vector<16xf32>
    %iota3A = tpu.iota {dimensions = array<i32: 0>} : vector<16xi32>
    %scan3A = arith.constant 0 : i32
    %scan3A_2 = arith.constant 0 : i32
    %scan3A_3 = arith.constant 64 : i32
    %scan3A_4 = arith.addi %scan3A_2, %scan3A_3 : i32
    %scan3A_5 = arith.constant 1 : i32
    %scan3A_6 = scf.for %scan3A_50 = %scan3A_2 to %scan3A_4 step %scan3A_5 iter_args(%scan3A_51 = %scan3A) -> (i32)  : i32 {
      %swap3A = arith.index_cast %scan3A_50 : i32 to index
      %swap3A_52 = arith.constant 0 : index
      %swap3A_53 = tpu.vector_load %arg7[%swap3A, %swap3A_52] {strides = array<i32>} : memref<64x128xf32, #tpu.memory_space<vmem>>, vector<16xf32>,
      tpu.vector_store %arg7[%swap3A, %swap3A_52], %broadcast_in_dim3A_1 {strides = array<i32>} : memref<64x128xf32, #tpu.memory_space<vmem>>, vector<16xf32>,
      %swap3A_54 = arith.index_cast %scan3A_50 : i32 to index
      %swap3A_55 = arith.constant 16 : index
      %swap3A_56 = tpu.vector_load %arg7[%swap3A_54, %swap3A_55] {strides = array<i32>} : memref<64x128xf32, #tpu.memory_space<vmem>>, vector<16xf32>,
      tpu.vector_store %arg7[%swap3A_54, %swap3A_55], %broadcast_in_dim3A_1 {strides = array<i32>} : memref<64x128xf32, #tpu.memory_space<vmem>>, vector<16xf32>,
      %swap3A_57 = arith.index_cast %scan3A_50 : i32 to index
      %swap3A_58 = arith.constant 32 : index
      %swap3A_59 = tpu.vector_load %arg7[%swap3A_57, %swap3A_58] {strides = array<i32>} : memref<64x128xf32, #tpu.memory_space<vmem>>, vector<16xf32>,
      tpu.vector_store %arg7[%swap3A_57, %swap3A_58], %broadcast_in_dim3A_1 {strides = array<i32>} : memref<64x128xf32, #tpu.memory_space<vmem>>, vector<16xf32>,
      %swap3A_60 = arith.index_cast %scan3A_50 : i32 to index
      %swap3A_61 = arith.constant 48 : index
      %swap3A_62 = tpu.vector_load %arg7[%swap3A_60, %swap3A_61] {strides = array<i32>} : memref<64x128xf32, #tpu.memory_space<vmem>>, vector<16xf32>,
      tpu.vector_store %arg7[%swap3A_60, %swap3A_61], %broadcast_in_dim3A_1 {strides = array<i32>} : memref<64x128xf32, #tpu.memory_space<vmem>>, vector<16xf32>,
      %swap3A_63 = arith.index_cast %scan3A_50 : i32 to index
      %swap3A_64 = arith.constant 64 : index
      %swap3A_65 = tpu.vector_load %arg7[%swap3A_63, %swap3A_64] {strides = array<i32>} : memref<64x128xf32, #tpu.memory_space<vmem>>, vector<16xf32>,
      tpu.vector_store %arg7[%swap3A_63, %swap3A_64], %broadcast_in_dim3A_1 {strides = array<i32>} : memref<64x128xf32, #tpu.memory_space<vmem>>, vector<16xf32>,
      %swap3A_66 = arith.index_cast %scan3A_50 : i32 to index
      %swap3A_67 = arith.constant 80 : index
      %swap3A_68 = tpu.vector_load %arg7[%swap3A_66, %swap3A_67] {strides = array<i32>} : memref<64x128xf32, #tpu.memory_space<vmem>>, vector<16xf32>,
      tpu.vector_store %arg7[%swap3A_66, %swap3A_67], %broadcast_in_dim3A_1 {strides = array<i32>} : memref<64x128xf32, #tpu.memory_space<vmem>>, vector<16xf32>,
      %swap3A_69 = arith.index_cast %scan3A_50 : i32 to index
      %swap3A_70 = arith.constant 96 : index
      %swap3A_71 = tpu.vector_load %arg7[%swap3A_69, %swap3A_70] {strides = array<i32>} : memref<64x128xf32, #tpu.memory_space<vmem>>, vector<16xf32>,
      tpu.vector_store %arg7[%swap3A_69, %swap3A_70], %broadcast_in_dim3A_1 {strides = array<i32>} : memref<64x128xf32, #tpu.memory_space<vmem>>, vector<16xf32>,
      %swap3A_72 = arith.index_cast %scan3A_50 : i32 to index
      %swap3A_73 = arith.constant 112 : index
      %swap3A_74 = tpu.vector_load %arg7[%swap3A_72, %swap3A_73] {strides = array<i32>} : memref<64x128xf32, #tpu.memory_space<vmem>>, vector<16xf32>,
      tpu.vector_store %arg7[%swap3A_72, %swap3A_73], %broadcast_in_dim3A_1 {strides = array<i32>} : memref<64x128xf32, #tpu.memory_space<vmem>>, vector<16xf32>,
      %scan3A_75 = arith.constant 0 : i32
      scf.yield %scan3A_75 : i32
    }
    %scan3A_7 = arith.constant 64 : i32
    %mul3A_8 = arith.constant 624 : i32
    %mul3A_9 = arith.muli %arg1, %mul3A_8 : i32
    %add3A_10 = arith.constant 0 : i32
    %add3A_11 = arith.addi %mul3A_9, %add3A_10 : i32
    "tpu.region"() ({
      %run_scoped3A = tpu.sem_alloc : memref<!tpu.dma_semaphore, #tpu.memory_space<semaphore_mem>>
      %dma_start3A = arith.constant 0 : i32
      %dma_start3A_50 = tpu.memref_slice %arg8[%add3A_11, %dma_start3A] : memref<10000x128xf32, #tpu.memory_space<vmem_shared>> -> memref<64x128xf32, #tpu.memory_space<vmem_shared>>
      %dma_start3A_51 = arith.constant 0 : i32
      %dma_start3A_52 = tpu.memref_slice %arg8[%add3A_11, %dma_start3A_51] : memref<10000x128xf32, #tpu.memory_space<vmem_shared>> -> memref<64x128xf32, #tpu.memory_space<vmem_shared>>
      tpu.enqueue_dma source(%arg7 : memref<64x128xf32, #tpu.memory_space<vmem>>) target(%dma_start3A_52 : memref<64x128xf32, #tpu.memory_space<vmem_shared>>) target_semaphore(%run_scoped3A : memref<!tpu.dma_semaphore, #tpu.memory_space<semaphore_mem>>)
      %dma_wait3A = arith.constant 0 : i32
      %dma_wait3A_53 = tpu.memref_slice %arg8[%add3A_11, %dma_wait3A] : memref<10000x128xf32, #tpu.memory_space<vmem_shared>> -> memref<64x128xf32, #tpu.memory_space<vmem_shared>>
      %dma_wait3A_54 = arith.constant 0 : i32
      %dma_wait3A_55 = tpu.memref_slice %arg8[%add3A_11, %dma_wait3A_54] : memref<10000x128xf32, #tpu.memory_space<vmem_shared>> -> memref<64x128xf32, #tpu.memory_space<vmem_shared>>
      tpu.wait_dma2 semaphore(%run_scoped3A : memref<!tpu.dma_semaphore, #tpu.memory_space<semaphore_mem>>) src(%arg7 : memref<64x128xf32, #tpu.memory_space<vmem>>) dst(%dma_wait3A_55 : memref<64x128xf32, #tpu.memory_space<vmem_shared>>)
      tpu.yield
    }) : () -> ()
    %add3A_12 = arith.constant 64 : i32
    %add3A_13 = arith.addi %mul3A_9, %add3A_12 : i32
    "tpu.region"() ({
      %run_scoped3A = tpu.sem_alloc : memref<!tpu.dma_semaphore, #tpu.memory_space<semaphore_mem>>
      %dma_start3A = arith.constant 0 : i32
      %dma_start3A_50 = tpu.memref_slice %arg8[%add3A_13, %dma_start3A] : memref<10000x128xf32, #tpu.memory_space<vmem_shared>> -> memref<64x128xf32, #tpu.memory_space<vmem_shared>>
      %dma_start3A_51 = arith.constant 0 : i32
      %dma_start3A_52 = tpu.memref_slice %arg8[%add3A_13, %dma_start3A_51] : memref<10000x128xf32, #tpu.memory_space<vmem_shared>> -> memref<64x128xf32, #tpu.memory_space<vmem_shared>>
      tpu.enqueue_dma source(%arg7 : memref<64x128xf32, #tpu.memory_space<vmem>>) target(%dma_start3A_52 : memref<64x128xf32, #tpu.memory_space<vmem_shared>>) target_semaphore(%run_scoped3A : memref<!tpu.dma_semaphore, #tpu.memory_space<semaphore_mem>>)
      %dma_wait3A = arith.constant 0 : i32
      %dma_wait3A_53 = tpu.memref_slice %arg8[%add3A_13, %dma_wait3A] : memref<10000x128xf32, #tpu.memory_space<vmem_shared>> -> memref<64x128xf32, #tpu.memory_space<vmem_shared>>
      %dma_wait3A_54 = arith.constant 0 : i32
      %dma_wait3A_55 = tpu.memref_slice %arg8[%add3A_13, %dma_wait3A_54] : memref<10000x128xf32, #tpu.memory_space<vmem_shared>> -> memref<64x128xf32, #tpu.memory_space<vmem_shared>>
      tpu.wait_dma2 semaphore(%run_scoped3A : memref<!tpu.dma_semaphore, #tpu.memory_space<semaphore_mem>>) src(%arg7 : memref<64x128xf32, #tpu.memory_space<vmem>>) dst(%dma_wait3A_55 : memref<64x128xf32, #tpu.memory_space<vmem_shared>>)
      tpu.yield
    }) : () -> ()
    %add3A_14 = arith.constant 128 : i32
    %add3A_15 = arith.addi %mul3A_9, %add3A_14 : i32
    "tpu.region"() ({
      %run_scoped3A = tpu.sem_alloc : memref<!tpu.dma_semaphore, #tpu.memory_space<semaphore_mem>>
      %dma_start3A = arith.constant 0 : i32
      %dma_start3A_50 = tpu.memref_slice %arg8[%add3A_15, %dma_start3A] : memref<10000x128xf32, #tpu.memory_space<vmem_shared>> -> memref<64x128xf32, #tpu.memory_space<vmem_shared>>
      %dma_start3A_51 = arith.constant 0 : i32
      %dma_start3A_52 = tpu.memref_slice %arg8[%add3A_15, %dma_start3A_51] : memref<10000x128xf32, #tpu.memory_space<vmem_shared>> -> memref<64x128xf32, #tpu.memory_space<vmem_shared>>
      tpu.enqueue_dma source(%arg7 : memref<64x128xf32, #tpu.memory_space<vmem>>) target(%dma_start3A_52 : memref<64x128xf32, #tpu.memory_space<vmem_shared>>) target_semaphore(%run_scoped3A : memref<!tpu.dma_semaphore, #tpu.memory_space<semaphore_mem>>)
      %dma_wait3A = arith.constant 0 : i32
      %dma_wait3A_53 = tpu.memref_slice %arg8[%add3A_15, %dma_wait3A] : memref<10000x128xf32, #tpu.memory_space<vmem_shared>> -> memref<64x128xf32, #tpu.memory_space<vmem_shared>>
      %dma_wait3A_54 = arith.constant 0 : i32
      %dma_wait3A_55 = tpu.memref_slice %arg8[%add3A_15, %dma_wait3A_54] : memref<10000x128xf32, #tpu.memory_space<vmem_shared>> -> memref<64x128xf32, #tpu.memory_space<vmem_shared>>
      tpu.wait_dma2 semaphore(%run_scoped3A : memref<!tpu.dma_semaphore, #tpu.memory_space<semaphore_mem>>) src(%arg7 : memref<64x128xf32, #tpu.memory_space<vmem>>) dst(%dma_wait3A_55 : memref<64x128xf32, #tpu.memory_space<vmem_shared>>)
      tpu.yield
    }) : () -> ()
    %add3A_16 = arith.constant 192 : i32
    %add3A_17 = arith.addi %mul3A_9, %add3A_16 : i32
    "tpu.region"() ({
      %run_scoped3A = tpu.sem_alloc : memref<!tpu.dma_semaphore, #tpu.memory_space<semaphore_mem>>
      %dma_start3A = arith.constant 0 : i32
      %dma_start3A_50 = tpu.memref_slice %arg8[%add3A_17, %dma_start3A] : memref<10000x128xf32, #tpu.memory_space<vmem_shared>> -> memref<64x128xf32, #tpu.memory_space<vmem_shared>>
      %dma_start3A_51 = arith.constant 0 : i32
      %dma_start3A_52 = tpu.memref_slice %arg8[%add3A_17, %dma_start3A_51] : memref<10000x128xf32, #tpu.memory_space<vmem_shared>> -> memref<64x128xf32, #tpu.memory_space<vmem_shared>>
      tpu.enqueue_dma source(%arg7 : memref<64x128xf32, #tpu.memory_space<vmem>>) target(%dma_start3A_52 : memref<64x128xf32, #tpu.memory_space<vmem_shared>>) target_semaphore(%run_scoped3A : memref<!tpu.dma_semaphore, #tpu.memory_space<semaphore_mem>>)
      %dma_wait3A = arith.constant 0 : i32
      %dma_wait3A_53 = tpu.memref_slice %arg8[%add3A_17, %dma_wait3A] : memref<10000x128xf32, #tpu.memory_space<vmem_shared>> -> memref<64x128xf32, #tpu.memory_space<vmem_shared>>
      %dma_wait3A_54 = arith.constant 0 : i32
      %dma_wait3A_55 = tpu.memref_slice %arg8[%add3A_17, %dma_wait3A_54] : memref<10000x128xf32, #tpu.memory_space<vmem_shared>> -> memref<64x128xf32, #tpu.memory_space<vmem_shared>>
      tpu.wait_dma2 semaphore(%run_scoped3A : memref<!tpu.dma_semaphore, #tpu.memory_space<semaphore_mem>>) src(%arg7 : memref<64x128xf32, #tpu.memory_space<vmem>>) dst(%dma_wait3A_55 : memref<64x128xf32, #tpu.memory_space<vmem_shared>>)
      tpu.yield
    }) : () -> ()
    %add3A_18 = arith.constant 256 : i32
    %add3A_19 = arith.addi %mul3A_9, %add3A_18 : i32
    "tpu.region"() ({
      %run_scoped3A = tpu.sem_alloc : memref<!tpu.dma_semaphore, #tpu.memory_space<semaphore_mem>>
      %dma_start3A = arith.constant 0 : i32
      %dma_start3A_50 = tpu.memref_slice %arg8[%add3A_19, %dma_start3A] : memref<10000x128xf32, #tpu.memory_space<vmem_shared>> -> memref<64x128xf32, #tpu.memory_space<vmem_shared>>
      %dma_start3A_51 = arith.constant 0 : i32
      %dma_start3A_52 = tpu.memref_slice %arg8[%add3A_19, %dma_start3A_51] : memref<10000x128xf32, #tpu.memory_space<vmem_shared>> -> memref<64x128xf32, #tpu.memory_space<vmem_shared>>
      tpu.enqueue_dma source(%arg7 : memref<64x128xf32, #tpu.memory_space<vmem>>) target(%dma_start3A_52 : memref<64x128xf32, #tpu.memory_space<vmem_shared>>) target_semaphore(%run_scoped3A : memref<!tpu.dma_semaphore, #tpu.memory_space<semaphore_mem>>)
      %dma_wait3A = arith.constant 0 : i32
      %dma_wait3A_53 = tpu.memref_slice %arg8[%add3A_19, %dma_wait3A] : memref<10000x128xf32, #tpu.memory_space<vmem_shared>> -> memref<64x128xf32, #tpu.memory_space<vmem_shared>>
      %dma_wait3A_54 = arith.constant 0 : i32
      %dma_wait3A_55 = tpu.memref_slice %arg8[%add3A_19, %dma_wait3A_54] : memref<10000x128xf32, #tpu.memory_space<vmem_shared>> -> memref<64x128xf32, #tpu.memory_space<vmem_shared>>
      tpu.wait_dma2 semaphore(%run_scoped3A : memref<!tpu.dma_semaphore, #tpu.memory_space<semaphore_mem>>) src(%arg7 : memref<64x128xf32, #tpu.memory_space<vmem>>) dst(%dma_wait3A_55 : memref<64x128xf32, #tpu.memory_space<vmem_shared>>)
      tpu.yield
    }) : () -> ()
    %add3A_20 = arith.constant 320 : i32
    %add3A_21 = arith.addi %mul3A_9, %add3A_20 : i32
    "tpu.region"() ({
      %run_scoped3A = tpu.sem_alloc : memref<!tpu.dma_semaphore, #tpu.memory_space<semaphore_mem>>
      %dma_start3A = arith.constant 0 : i32
      %dma_start3A_50 = tpu.memref_slice %arg8[%add3A_21, %dma_start3A] : memref<10000x128xf32, #tpu.memory_space<vmem_shared>> -> memref<64x128xf32, #tpu.memory_space<vmem_shared>>
      %dma_start3A_51 = arith.constant 0 : i32
      %dma_start3A_52 = tpu.memref_slice %arg8[%add3A_21, %dma_start3A_51] : memref<10000x128xf32, #tpu.memory_space<vmem_shared>> -> memref<64x128xf32, #tpu.memory_space<vmem_shared>>
      tpu.enqueue_dma source(%arg7 : memref<64x128xf32, #tpu.memory_space<vmem>>) target(%dma_start3A_52 : memref<64x128xf32, #tpu.memory_space<vmem_shared>>) target_semaphore(%run_scoped3A : memref<!tpu.dma_semaphore, #tpu.memory_space<semaphore_mem>>)
      %dma_wait3A = arith.constant 0 : i32
      %dma_wait3A_53 = tpu.memref_slice %arg8[%add3A_21, %dma_wait3A] : memref<10000x128xf32, #tpu.memory_space<vmem_shared>> -> memref<64x128xf32, #tpu.memory_space<vmem_shared>>
      %dma_wait3A_54 = arith.constant 0 : i32
      %dma_wait3A_55 = tpu.memref_slice %arg8[%add3A_21, %dma_wait3A_54] : memref<10000x128xf32, #tpu.memory_space<vmem_shared>> -> memref<64x128xf32, #tpu.memory_space<vmem_shared>>
      tpu.wait_dma2 semaphore(%run_scoped3A : memref<!tpu.dma_semaphore, #tpu.memory_space<semaphore_mem>>) src(%arg7 : memref<64x128xf32, #tpu.memory_space<vmem>>) dst(%dma_wait3A_55 : memref<64x128xf32, #tpu.memory_space<vmem_shared>>)
      tpu.yield
    }) : () -> ()
    %add3A_22 = arith.constant 384 : i32
    %add3A_23 = arith.addi %mul3A_9, %add3A_22 : i32
    "tpu.region"() ({
      %run_scoped3A = tpu.sem_alloc : memref<!tpu.dma_semaphore, #tpu.memory_space<semaphore_mem>>
      %dma_start3A = arith.constant 0 : i32
      %dma_start3A_50 = tpu.memref_slice %arg8[%add3A_23, %dma_start3A] : memref<10000x128xf32, #tpu.memory_space<vmem_shared>> -> memref<64x128xf32, #tpu.memory_space<vmem_shared>>
      %dma_start3A_51 = arith.constant 0 : i32
      %dma_start3A_52 = tpu.memref_slice %arg8[%add3A_23, %dma_start3A_51] : memref<10000x128xf32, #tpu.memory_space<vmem_shared>> -> memref<64x128xf32, #tpu.memory_space<vmem_shared>>
      tpu.enqueue_dma source(%arg7 : memref<64x128xf32, #tpu.memory_space<vmem>>) target(%dma_start3A_52 : memref<64x128xf32, #tpu.memory_space<vmem_shared>>) target_semaphore(%run_scoped3A : memref<!tpu.dma_semaphore, #tpu.memory_space<semaphore_mem>>)
      %dma_wait3A = arith.constant 0 : i32
      %dma_wait3A_53 = tpu.memref_slice %arg8[%add3A_23, %dma_wait3A] : memref<10000x128xf32, #tpu.memory_space<vmem_shared>> -> memref<64x128xf32, #tpu.memory_space<vmem_shared>>
      %dma_wait3A_54 = arith.constant 0 : i32
      %dma_wait3A_55 = tpu.memref_slice %arg8[%add3A_23, %dma_wait3A_54] : memref<10000x128xf32, #tpu.memory_space<vmem_shared>> -> memref<64x128xf32, #tpu.memory_space<vmem_shared>>
      tpu.wait_dma2 semaphore(%run_scoped3A : memref<!tpu.dma_semaphore, #tpu.memory_space<semaphore_mem>>) src(%arg7 : memref<64x128xf32, #tpu.memory_space<vmem>>) dst(%dma_wait3A_55 : memref<64x128xf32, #tpu.memory_space<vmem_shared>>)
      tpu.yield
    }) : () -> ()
    %add3A_24 = arith.constant 448 : i32
    %add3A_25 = arith.addi %mul3A_9, %add3A_24 : i32
    "tpu.region"() ({
      %run_scoped3A = tpu.sem_alloc : memref<!tpu.dma_semaphore, #tpu.memory_space<semaphore_mem>>
      %dma_start3A = arith.constant 0 : i32
      %dma_start3A_50 = tpu.memref_slice %arg8[%add3A_25, %dma_start3A] : memref<10000x128xf32, #tpu.memory_space<vmem_shared>> -> memref<64x128xf32, #tpu.memory_space<vmem_shared>>
      %dma_start3A_51 = arith.constant 0 : i32
      %dma_start3A_52 = tpu.memref_slice %arg8[%add3A_25, %dma_start3A_51] : memref<10000x128xf32, #tpu.memory_space<vmem_shared>> -> memref<64x128xf32, #tpu.memory_space<vmem_shared>>
      tpu.enqueue_dma source(%arg7 : memref<64x128xf32, #tpu.memory_space<vmem>>) target(%dma_start3A_52 : memref<64x128xf32, #tpu.memory_space<vmem_shared>>) target_semaphore(%run_scoped3A : memref<!tpu.dma_semaphore, #tpu.memory_space<semaphore_mem>>)
      %dma_wait3A = arith.constant 0 : i32
      %dma_wait3A_53 = tpu.memref_slice %arg8[%add3A_25, %dma_wait3A] : memref<10000x128xf32, #tpu.memory_space<vmem_shared>> -> memref<64x128xf32, #tpu.memory_space<vmem_shared>>
      %dma_wait3A_54 = arith.constant 0 : i32
      %dma_wait3A_55 = tpu.memref_slice %arg8[%add3A_25, %dma_wait3A_54] : memref<10000x128xf32, #tpu.memory_space<vmem_shared>> -> memref<64x128xf32, #tpu.memory_space<vmem_shared>>
      tpu.wait_dma2 semaphore(%run_scoped3A : memref<!tpu.dma_semaphore, #tpu.memory_space<semaphore_mem>>) src(%arg7 : memref<64x128xf32, #tpu.memory_space<vmem>>) dst(%dma_wait3A_55 : memref<64x128xf32, #tpu.memory_space<vmem_shared>>)
      tpu.yield
    }) : () -> ()
    %add3A_26 = arith.constant 512 : i32
    %add3A_27 = arith.addi %mul3A_9, %add3A_26 : i32
    "tpu.region"() ({
      %run_scoped3A = tpu.sem_alloc : memref<!tpu.dma_semaphore, #tpu.memory_space<semaphore_mem>>
      %dma_start3A = arith.constant 0 : i32
      %dma_start3A_50 = tpu.memref_slice %arg8[%add3A_27, %dma_start3A] : memref<10000x128xf32, #tpu.memory_space<vmem_shared>> -> memref<64x128xf32, #tpu.memory_space<vmem_shared>>
      %dma_start3A_51 = arith.constant 0 : i32
      %dma_start3A_52 = tpu.memref_slice %arg8[%add3A_27, %dma_start3A_51] : memref<10000x128xf32, #tpu.memory_space<vmem_shared>> -> memref<64x128xf32, #tpu.memory_space<vmem_shared>>
      tpu.enqueue_dma source(%arg7 : memref<64x128xf32, #tpu.memory_space<vmem>>) target(%dma_start3A_52 : memref<64x128xf32, #tpu.memory_space<vmem_shared>>) target_semaphore(%run_scoped3A : memref<!tpu.dma_semaphore, #tpu.memory_space<semaphore_mem>>)
      %dma_wait3A = arith.constant 0 : i32
      %dma_wait3A_53 = tpu.memref_slice %arg8[%add3A_27, %dma_wait3A] : memref<10000x128xf32, #tpu.memory_space<vmem_shared>> -> memref<64x128xf32, #tpu.memory_space<vmem_shared>>
      %dma_wait3A_54 = arith.constant 0 : i32
      %dma_wait3A_55 = tpu.memref_slice %arg8[%add3A_27, %dma_wait3A_54] : memref<10000x128xf32, #tpu.memory_space<vmem_shared>> -> memref<64x128xf32, #tpu.memory_space<vmem_shared>>
      tpu.wait_dma2 semaphore(%run_scoped3A : memref<!tpu.dma_semaphore, #tpu.memory_space<semaphore_mem>>) src(%arg7 : memref<64x128xf32, #tpu.memory_space<vmem>>) dst(%dma_wait3A_55 : memref<64x128xf32, #tpu.memory_space<vmem_shared>>)
      tpu.yield
    }) : () -> ()
    %add3A_28 = arith.constant 624 : i32
    %add3A_29 = arith.addi %mul3A_9, %add3A_28 : i32
    %sub3A = arith.constant 48 : i32
    %sub3A_30 = arith.subi %add3A_29, %sub3A : i32
    "tpu.region"() ({
      %run_scoped3A = tpu.sem_alloc : memref<!tpu.dma_semaphore, #tpu.memory_space<semaphore_mem>>
      %dma_start3A = arith.constant 0 : i32
      %dma_start3A_50 = arith.constant 0 : i32
      %dma_start3A_51 = tpu.memref_slice %arg7[%dma_start3A, %dma_start3A_50] : memref<64x128xf32, #tpu.memory_space<vmem>> -> memref<48x128xf32, #tpu.memory_space<vmem>>
      %dma_start3A_52 = arith.constant 0 : i32
      %dma_start3A_53 = tpu.memref_slice %arg8[%sub3A_30, %dma_start3A_52] : memref<10000x128xf32, #tpu.memory_space<vmem_shared>> -> memref<48x128xf32, #tpu.memory_space<vmem_shared>>
      %dma_start3A_54 = arith.constant 0 : i32
      %dma_start3A_55 = tpu.memref_slice %arg8[%sub3A_30, %dma_start3A_54] : memref<10000x128xf32, #tpu.memory_space<vmem_shared>> -> memref<48x128xf32, #tpu.memory_space<vmem_shared>>
      %dma_start3A_56 = arith.constant 0 : i32
      %dma_start3A_57 = arith.constant 0 : i32
      %dma_start3A_58 = tpu.memref_slice %arg7[%dma_start3A_56, %dma_start3A_57] : memref<64x128xf32, #tpu.memory_space<vmem>> -> memref<48x128xf32, #tpu.memory_space<vmem>>
      tpu.enqueue_dma source(%dma_start3A_58 : memref<48x128xf32, #tpu.memory_space<vmem>>) target(%dma_start3A_55 : memref<48x128xf32, #tpu.memory_space<vmem_shared>>) target_semaphore(%run_scoped3A : memref<!tpu.dma_semaphore, #tpu.memory_space<semaphore_mem>>)
      %dma_wait3A = arith.constant 0 : i32
      %dma_wait3A_59 = arith.constant 0 : i32
      %dma_wait3A_60 = tpu.memref_slice %arg7[%dma_wait3A, %dma_wait3A_59] : memref<64x128xf32, #tpu.memory_space<vmem>> -> memref<48x128xf32, #tpu.memory_space<vmem>>
      %dma_wait3A_61 = arith.constant 0 : i32
      %dma_wait3A_62 = tpu.memref_slice %arg8[%sub3A_30, %dma_wait3A_61] : memref<10000x128xf32, #tpu.memory_space<vmem_shared>> -> memref<48x128xf32, #tpu.memory_space<vmem_shared>>
      %dma_wait3A_63 = arith.constant 0 : i32
      %dma_wait3A_64 = tpu.memref_slice %arg8[%sub3A_30, %dma_wait3A_63] : memref<10000x128xf32, #tpu.memory_space<vmem_shared>> -> memref<48x128xf32, #tpu.memory_space<vmem_shared>>
      %dma_wait3A_65 = arith.constant 0 : i32
      %dma_wait3A_66 = arith.constant 0 : i32
      %dma_wait3A_67 = tpu.memref_slice %arg7[%dma_wait3A_65, %dma_wait3A_66] : memref<64x128xf32, #tpu.memory_space<vmem>> -> memref<48x128xf32, #tpu.memory_space<vmem>>
      tpu.wait_dma2 semaphore(%run_scoped3A : memref<!tpu.dma_semaphore, #tpu.memory_space<semaphore_mem>>) src(%dma_wait3A_67 : memref<48x128xf32, #tpu.memory_space<vmem>>) dst(%dma_wait3A_64 : memref<48x128xf32, #tpu.memory_space<vmem_shared>>)
      tpu.yield
    }) : () -> ()
    %eq3A = arith.constant 15 : i32
    %eq3A_31 = arith.cmpi eq, %arg1, %eq3A : i32
    %convert_element_type3A = arith.extui %eq3A_31 : i1 to i32
    %cond3A = arith.constant 0 : i32
    %cond3A_32 = arith.cmpi ne, %convert_element_type3A, %cond3A : i32
    scf.if %cond3A_32 {
      "tpu.region"() ({
        %run_scoped3A = tpu.sem_alloc : memref<!tpu.dma_semaphore, #tpu.memory_space<semaphore_mem>>
        %dma_start3A = arith.constant 0 : i32
        %dma_start3A_50 = arith.constant 0 : i32
        %dma_start3A_51 = tpu.memref_slice %arg7[%dma_start3A, %dma_start3A_50] : memref<64x128xf32, #tpu.memory_space<vmem>> -> memref<16x128xf32, #tpu.memory_space<vmem>>
        %dma_start3A_52 = arith.constant 9984 : i32
        %dma_start3A_53 = arith.constant 0 : i32
        %dma_start3A_54 = tpu.memref_slice %arg8[%dma_start3A_52, %dma_start3A_53] : memref<10000x128xf32, #tpu.memory_space<vmem_shared>> -> memref<16x128xf32, #tpu.memory_space<vmem_shared>>
        %dma_start3A_55 = arith.constant 9984 : i32
        %dma_start3A_56 = arith.constant 0 : i32
        %dma_start3A_57 = tpu.memref_slice %arg8[%dma_start3A_55, %dma_start3A_56] : memref<10000x128xf32, #tpu.memory_space<vmem_shared>> -> memref<16x128xf32, #tpu.memory_space<vmem_shared>>
        %dma_start3A_58 = arith.constant 0 : i32
        %dma_start3A_59 = arith.constant 0 : i32
        %dma_start3A_60 = tpu.memref_slice %arg7[%dma_start3A_58, %dma_start3A_59] : memref<64x128xf32, #tpu.memory_space<vmem>> -> memref<16x128xf32, #tpu.memory_space<vmem>>
        tpu.enqueue_dma source(%dma_start3A_60 : memref<16x128xf32, #tpu.memory_space<vmem>>) target(%dma_start3A_57 : memref<16x128xf32, #tpu.memory_space<vmem_shared>>) target_semaphore(%run_scoped3A : memref<!tpu.dma_semaphore, #tpu.memory_space<semaphore_mem>>)
        %dma_wait3A = arith.constant 0 : i32
        %dma_wait3A_61 = arith.constant 0 : i32
        %dma_wait3A_62 = tpu.memref_slice %arg7[%dma_wait3A, %dma_wait3A_61] : memref<64x128xf32, #tpu.memory_space<vmem>> -> memref<16x128xf32, #tpu.memory_space<vmem>>
        %dma_wait3A_63 = arith.constant 9984 : i32
        %dma_wait3A_64 = arith.constant 0 : i32
        %dma_wait3A_65 = tpu.memref_slice %arg8[%dma_wait3A_63, %dma_wait3A_64] : memref<10000x128xf32, #tpu.memory_space<vmem_shared>> -> memref<16x128xf32, #tpu.memory_space<vmem_shared>>
        %dma_wait3A_66 = arith.constant 9984 : i32
        %dma_wait3A_67 = arith.constant 0 : i32
        %dma_wait3A_68 = tpu.memref_slice %arg8[%dma_wait3A_66, %dma_wait3A_67] : memref<10000x128xf32, #tpu.memory_space<vmem_shared>> -> memref<16x128xf32, #tpu.memory_space<vmem_shared>>
        %dma_wait3A_69 = arith.constant 0 : i32
        %dma_wait3A_70 = arith.constant 0 : i32
        %dma_wait3A_71 = tpu.memref_slice %arg7[%dma_wait3A_69, %dma_wait3A_70] : memref<64x128xf32, #tpu.memory_space<vmem>> -> memref<16x128xf32, #tpu.memory_space<vmem>>
        tpu.wait_dma2 semaphore(%run_scoped3A : memref<!tpu.dma_semaphore, #tpu.memory_space<semaphore_mem>>) src(%dma_wait3A_71 : memref<16x128xf32, #tpu.memory_space<vmem>>) dst(%dma_wait3A_68 : memref<16x128xf32, #tpu.memory_space<vmem_shared>>)
        tpu.yield
      }) : () -> ()
    } else {
    }
    %barrier3A = arith.constant 0 : index
    tpu.barrier barrier_id(%barrier3A)
    %scan3A_33 = arith.constant 0 : i32
    %scan3A_34 = arith.constant 0 : i32
    %scan3A_35 = arith.constant 156 : i32
    %scan3A_36 = arith.addi %scan3A_34, %scan3A_35 : i32
    %scan3A_37 = arith.constant 1 : i32
    %scan3A_38 = scf.for %scan3A_50 = %scan3A_34 to %scan3A_36 step %scan3A_37 iter_args(%scan3A_51 = %scan3A_33) -> (i32)  : i32 {
      %mul3A_52 = arith.constant 9984 : i32
      %mul3A_53 = arith.muli %add3A, %mul3A_52 : i32
      %mul3A_54 = arith.constant 64 : i32
      %mul3A_55 = arith.muli %scan3A_50, %mul3A_54 : i32
      %add3A_56 = arith.addi %mul3A_53, %mul3A_55 : i32
      "tpu.region"() ({
        %run_scoped3A = tpu.sem_alloc : memref<!tpu.dma_semaphore, #tpu.memory_space<semaphore_mem>>
        %dma_start3A = tpu.memref_slice %arg2[%add3A_56] : memref<320000xi32, #tpu.memory_space<hbm>> -> memref<64xi32, #tpu.memory_space<hbm>>
        %dma_start3A_67 = tpu.memref_slice %arg2[%add3A_56] : memref<320000xi32, #tpu.memory_space<hbm>> -> memref<64xi32, #tpu.memory_space<hbm>>
        tpu.enqueue_dma source(%dma_start3A_67 : memref<64xi32, #tpu.memory_space<hbm>>) target(%arg5 : memref<64xi32, #tpu.memory_space<vmem>>) target_semaphore(%run_scoped3A : memref<!tpu.dma_semaphore, #tpu.memory_space<semaphore_mem>>)
        %dma_wait3A = tpu.memref_slice %arg2[%add3A_56] : memref<320000xi32, #tpu.memory_space<hbm>> -> memref<64xi32, #tpu.memory_space<hbm>>
        %dma_wait3A_68 = tpu.memref_slice %arg2[%add3A_56] : memref<320000xi32, #tpu.memory_space<hbm>> -> memref<64xi32, #tpu.memory_space<hbm>>
        tpu.wait_dma2 semaphore(%run_scoped3A : memref<!tpu.dma_semaphore, #tpu.memory_space<semaphore_mem>>) src(%dma_wait3A_68 : memref<64xi32, #tpu.memory_space<hbm>>) dst(%arg5 : memref<64xi32, #tpu.memory_space<vmem>>)
        tpu.yield
      }) : () -> ()
      %mul3A_57 = arith.constant 4 : i32
      %mul3A_58 = arith.muli %add3A_56, %mul3A_57 : i32
      "tpu.region"() ({
        %run_scoped3A = tpu.sem_alloc : memref<!tpu.dma_semaphore, #tpu.memory_space<semaphore_mem>>
        %dma_start3A = tpu.memref_slice %arg3[%mul3A_58] : memref<1280000xf32, #tpu.memory_space<hbm>> -> memref<256xf32, #tpu.memory_space<hbm>>
        %dma_start3A_67 = tpu.memref_slice %arg3[%mul3A_58] : memref<1280000xf32, #tpu.memory_space<hbm>> -> memref<256xf32, #tpu.memory_space<hbm>>
        tpu.enqueue_dma source(%dma_start3A_67 : memref<256xf32, #tpu.memory_space<hbm>>) target(%arg6 : memref<256xf32, #tpu.memory_space<vmem>>) target_semaphore(%run_scoped3A : memref<!tpu.dma_semaphore, #tpu.memory_space<semaphore_mem>>)
        %dma_wait3A = tpu.memref_slice %arg3[%mul3A_58] : memref<1280000xf32, #tpu.memory_space<hbm>> -> memref<256xf32, #tpu.memory_space<hbm>>
        %dma_wait3A_68 = tpu.memref_slice %arg3[%mul3A_58] : memref<1280000xf32, #tpu.memory_space<hbm>> -> memref<256xf32, #tpu.memory_space<hbm>>
        tpu.wait_dma2 semaphore(%run_scoped3A : memref<!tpu.dma_semaphore, #tpu.memory_space<semaphore_mem>>) src(%dma_wait3A_68 : memref<256xf32, #tpu.memory_space<hbm>>) dst(%arg6 : memref<256xf32, #tpu.memory_space<vmem>>)
        tpu.yield
      }) : () -> ()
      %scan3A_59 = arith.constant 0 : i32
      %scan3A_60 = arith.constant 0 : i32
      %scan3A_61 = arith.constant 4 : i32
      %scan3A_62 = arith.addi %scan3A_60, %scan3A_61 : i32
      %scan3A_63 = arith.constant 1 : i32
      %scan3A_64 = scf.for %scan3A_67 = %scan3A_60 to %scan3A_62 step %scan3A_63 iter_args(%scan3A_68 = %scan3A_59) -> (i32)  : i32 {
        %mul3A_69 = arith.constant 16 : i32
        %mul3A_70 = arith.muli %scan3A_67, %mul3A_69 : i32
        %add3A_71 = vector.broadcast %mul3A_70 : i32 to vector<16xi32>
        %add3A_72 = arith.addi %add3A_71, %iota3A : vector<16xi32>
        %broadcast_in_dim3A_73 = arith.constant 0 : i32
        %broadcast_in_dim3A_74 = vector.broadcast %broadcast_in_dim3A_73 : i32 to vector<16xi32>
        %mul3A_75 = arith.constant 64 : i32
        %mul3A_76 = arith.muli %scan3A_67, %mul3A_75 : i32
        %mul3A_77 = arith.constant 4 : i32
        %mul3A_78 = vector.broadcast %mul3A_77 : i32 to vector<16xi32>
        %mul3A_79 = arith.muli %iota3A, %mul3A_78 : vector<16xi32>
        %add3A_80 = vector.broadcast %mul3A_76 : i32 to vector<16xi32>
        %add3A_81 = arith.addi %add3A_80, %mul3A_79 : vector<16xi32>
        %add3A_82 = arith.addi %add3A_81, %broadcast_in_dim3A_74 : vector<16xi32>
        %gather3A = tpu.vector_load_idx %arg6[%add3A_82] : memref<256xf32, #tpu.memory_space<vmem>>[vector<16xi32>], vector<16xf32>,
        tpu.vector_store_idx %arg7[%add3A_72, %broadcast_in_dim3A_74], %gather3A : memref<64x128xf32, #tpu.memory_space<vmem>>[vector<16xi32>, vector<16xi32>], vector<16xf32>,
        %broadcast_in_dim3A_83 = arith.constant 1 : i32
        %broadcast_in_dim3A_84 = vector.broadcast %broadcast_in_dim3A_83 : i32 to vector<16xi32>
        %mul3A_85 = arith.constant 64 : i32
        %mul3A_86 = arith.muli %scan3A_67, %mul3A_85 : i32
        %mul3A_87 = arith.constant 4 : i32
        %mul3A_88 = vector.broadcast %mul3A_87 : i32 to vector<16xi32>
        %mul3A_89 = arith.muli %iota3A, %mul3A_88 : vector<16xi32>
        %add3A_90 = vector.broadcast %mul3A_86 : i32 to vector<16xi32>
        %add3A_91 = arith.addi %add3A_90, %mul3A_89 : vector<16xi32>
        %add3A_92 = arith.addi %add3A_91, %broadcast_in_dim3A_84 : vector<16xi32>
        %gather3A_93 = tpu.vector_load_idx %arg6[%add3A_92] : memref<256xf32, #tpu.memory_space<vmem>>[vector<16xi32>], vector<16xf32>,
        tpu.vector_store_idx %arg7[%add3A_72, %broadcast_in_dim3A_84], %gather3A_93 : memref<64x128xf32, #tpu.memory_space<vmem>>[vector<16xi32>, vector<16xi32>], vector<16xf32>,
        %broadcast_in_dim3A_94 = arith.constant 2 : i32
        %broadcast_in_dim3A_95 = vector.broadcast %broadcast_in_dim3A_94 : i32 to vector<16xi32>
        %mul3A_96 = arith.constant 64 : i32
        %mul3A_97 = arith.muli %scan3A_67, %mul3A_96 : i32
        %mul3A_98 = arith.constant 4 : i32
        %mul3A_99 = vector.broadcast %mul3A_98 : i32 to vector<16xi32>
        %mul3A_100 = arith.muli %iota3A, %mul3A_99 : vector<16xi32>
        %add3A_101 = vector.broadcast %mul3A_97 : i32 to vector<16xi32>
        %add3A_102 = arith.addi %add3A_101, %mul3A_100 : vector<16xi32>
        %add3A_103 = arith.addi %add3A_102, %broadcast_in_dim3A_95 : vector<16xi32>
        %gather3A_104 = tpu.vector_load_idx %arg6[%add3A_103] : memref<256xf32, #tpu.memory_space<vmem>>[vector<16xi32>], vector<16xf32>,
        tpu.vector_store_idx %arg7[%add3A_72, %broadcast_in_dim3A_95], %gather3A_104 : memref<64x128xf32, #tpu.memory_space<vmem>>[vector<16xi32>, vector<16xi32>], vector<16xf32>,
        %broadcast_in_dim3A_105 = arith.constant 3 : i32
        %broadcast_in_dim3A_106 = vector.broadcast %broadcast_in_dim3A_105 : i32 to vector<16xi32>
        %mul3A_107 = arith.constant 64 : i32
        %mul3A_108 = arith.muli %scan3A_67, %mul3A_107 : i32
        %mul3A_109 = arith.constant 4 : i32
        %mul3A_110 = vector.broadcast %mul3A_109 : i32 to vector<16xi32>
        %mul3A_111 = arith.muli %iota3A, %mul3A_110 : vector<16xi32>
        %add3A_112 = vector.broadcast %mul3A_108 : i32 to vector<16xi32>
        %add3A_113 = arith.addi %add3A_112, %mul3A_111 : vector<16xi32>
        %add3A_114 = arith.addi %add3A_113, %broadcast_in_dim3A_106 : vector<16xi32>
        %gather3A_115 = tpu.vector_load_idx %arg6[%add3A_114] : memref<256xf32, #tpu.memory_space<vmem>>[vector<16xi32>], vector<16xf32>,
        tpu.vector_store_idx %arg7[%add3A_72, %broadcast_in_dim3A_106], %gather3A_115 : memref<64x128xf32, #tpu.memory_space<vmem>>[vector<16xi32>, vector<16xi32>], vector<16xf32>,
        %scan3A_116 = arith.constant 0 : i32
        scf.yield %scan3A_116 : i32
      }
      %scan3A_65 = arith.constant 4 : i32
      "tpu.region"() ({
        %run_scoped3A = tpu.sem_alloc : memref<!tpu.dma_semaphore, #tpu.memory_space<semaphore_mem>>
        %dma_start3A = arith.constant 0 : i32
        %dma_start3A_67 = arith.constant 0 : i32
        %dma_start3A_68 = tpu.memref_slice %arg8[%dma_start3A, %dma_start3A_67] : memref<10000x128xf32, #tpu.memory_space<vmem_shared>> -> memref<10000x128xf32, #tpu.memory_space<vmem_shared>>
        tpu.enqueue_indirect_dma source(%arg7 : memref<64x128xf32, #tpu.memory_space<vmem>>) target(%dma_start3A_68 : memref<10000x128xf32, #tpu.memory_space<vmem_shared>>) offsets(%arg5 : memref<64xi32, #tpu.memory_space<vmem>>) semaphore(%run_scoped3A : memref<!tpu.dma_semaphore, #tpu.memory_space<semaphore_mem>>) {add = true}
        %dma_wait3A = arith.constant 0 : i32
        %dma_wait3A_69 = arith.constant 0 : i32
        %dma_wait3A_70 = tpu.memref_slice %arg8[%dma_wait3A, %dma_wait3A_69] : memref<10000x128xf32, #tpu.memory_space<vmem_shared>> -> memref<10000x128xf32, #tpu.memory_space<vmem_shared>>
        tpu.wait_indirect_dma semaphore(%run_scoped3A : memref<!tpu.dma_semaphore, #tpu.memory_space<semaphore_mem>>) src(%arg7 : memref<64x128xf32, #tpu.memory_space<vmem>>) dst(%dma_wait3A_70 : memref<10000x128xf32, #tpu.memory_space<vmem_shared>>)
        tpu.yield
      }) : () -> ()
      %scan3A_66 = arith.constant 0 : i32
      scf.yield %scan3A_66 : i32
    }
    %scan3A_39 = arith.constant 156 : i32
    %lt3A = arith.constant 8 : i32
    %lt3A_40 = arith.cmpi slt, %add3A, %lt3A : i32
    %convert_element_type3A_41 = arith.extui %lt3A_40 : i1 to i32
    %cond3A_42 = arith.constant 0 : i32
    %cond3A_43 = arith.cmpi ne, %convert_element_type3A_41, %cond3A_42 : i32
    scf.if %cond3A_43 {
      %mul3A_50 = arith.constant 64 : i32
      %mul3A_51 = arith.muli %add3A, %mul3A_50 : i32
      %add3A_52 = arith.constant 319488 : i32
      %add3A_53 = arith.addi %add3A_52, %mul3A_51 : i32
      "tpu.region"() ({
        %run_scoped3A = tpu.sem_alloc : memref<!tpu.dma_semaphore, #tpu.memory_space<semaphore_mem>>
        %dma_start3A = tpu.memref_slice %arg2[%add3A_53] : memref<320000xi32, #tpu.memory_space<hbm>> -> memref<64xi32, #tpu.memory_space<hbm>>
        %dma_start3A_63 = tpu.memref_slice %arg2[%add3A_53] : memref<320000xi32, #tpu.memory_space<hbm>> -> memref<64xi32, #tpu.memory_space<hbm>>
        tpu.enqueue_dma source(%dma_start3A_63 : memref<64xi32, #tpu.memory_space<hbm>>) target(%arg5 : memref<64xi32, #tpu.memory_space<vmem>>) target_semaphore(%run_scoped3A : memref<!tpu.dma_semaphore, #tpu.memory_space<semaphore_mem>>)
        %dma_wait3A = tpu.memref_slice %arg2[%add3A_53] : memref<320000xi32, #tpu.memory_space<hbm>> -> memref<64xi32, #tpu.memory_space<hbm>>
        %dma_wait3A_64 = tpu.memref_slice %arg2[%add3A_53] : memref<320000xi32, #tpu.memory_space<hbm>> -> memref<64xi32, #tpu.memory_space<hbm>>
        tpu.wait_dma2 semaphore(%run_scoped3A : memref<!tpu.dma_semaphore, #tpu.memory_space<semaphore_mem>>) src(%dma_wait3A_64 : memref<64xi32, #tpu.memory_space<hbm>>) dst(%arg5 : memref<64xi32, #tpu.memory_space<vmem>>)
        tpu.yield
      }) : () -> ()
      %mul3A_54 = arith.constant 4 : i32
      %mul3A_55 = arith.muli %add3A_53, %mul3A_54 : i32
      "tpu.region"() ({
        %run_scoped3A = tpu.sem_alloc : memref<!tpu.dma_semaphore, #tpu.memory_space<semaphore_mem>>
        %dma_start3A = tpu.memref_slice %arg3[%mul3A_55] : memref<1280000xf32, #tpu.memory_space<hbm>> -> memref<256xf32, #tpu.memory_space<hbm>>
        %dma_start3A_63 = tpu.memref_slice %arg3[%mul3A_55] : memref<1280000xf32, #tpu.memory_space<hbm>> -> memref<256xf32, #tpu.memory_space<hbm>>
        tpu.enqueue_dma source(%dma_start3A_63 : memref<256xf32, #tpu.memory_space<hbm>>) target(%arg6 : memref<256xf32, #tpu.memory_space<vmem>>) target_semaphore(%run_scoped3A : memref<!tpu.dma_semaphore, #tpu.memory_space<semaphore_mem>>)
        %dma_wait3A = tpu.memref_slice %arg3[%mul3A_55] : memref<1280000xf32, #tpu.memory_space<hbm>> -> memref<256xf32, #tpu.memory_space<hbm>>
        %dma_wait3A_64 = tpu.memref_slice %arg3[%mul3A_55] : memref<1280000xf32, #tpu.memory_space<hbm>> -> memref<256xf32, #tpu.memory_space<hbm>>
        tpu.wait_dma2 semaphore(%run_scoped3A : memref<!tpu.dma_semaphore, #tpu.memory_space<semaphore_mem>>) src(%dma_wait3A_64 : memref<256xf32, #tpu.memory_space<hbm>>) dst(%arg6 : memref<256xf32, #tpu.memory_space<vmem>>)
        tpu.yield
      }) : () -> ()
      %scan3A_56 = arith.constant 0 : i32
      %scan3A_57 = arith.constant 0 : i32
      %scan3A_58 = arith.constant 4 : i32
      %scan3A_59 = arith.addi %scan3A_57, %scan3A_58 : i32
      %scan3A_60 = arith.constant 1 : i32
      %scan3A_61 = scf.for %scan3A_63 = %scan3A_57 to %scan3A_59 step %scan3A_60 iter_args(%scan3A_64 = %scan3A_56) -> (i32)  : i32 {
        %mul3A_65 = arith.constant 16 : i32
        %mul3A_66 = arith.muli %scan3A_63, %mul3A_65 : i32
        %add3A_67 = vector.broadcast %mul3A_66 : i32 to vector<16xi32>
        %add3A_68 = arith.addi %add3A_67, %iota3A : vector<16xi32>
        %broadcast_in_dim3A_69 = arith.constant 0 : i32
        %broadcast_in_dim3A_70 = vector.broadcast %broadcast_in_dim3A_69 : i32 to vector<16xi32>
        %mul3A_71 = arith.constant 64 : i32
        %mul3A_72 = arith.muli %scan3A_63, %mul3A_71 : i32
        %mul3A_73 = arith.constant 4 : i32
        %mul3A_74 = vector.broadcast %mul3A_73 : i32 to vector<16xi32>
        %mul3A_75 = arith.muli %iota3A, %mul3A_74 : vector<16xi32>
        %add3A_76 = vector.broadcast %mul3A_72 : i32 to vector<16xi32>
        %add3A_77 = arith.addi %add3A_76, %mul3A_75 : vector<16xi32>
        %add3A_78 = arith.addi %add3A_77, %broadcast_in_dim3A_70 : vector<16xi32>
        %gather3A = tpu.vector_load_idx %arg6[%add3A_78] : memref<256xf32, #tpu.memory_space<vmem>>[vector<16xi32>], vector<16xf32>,
        tpu.vector_store_idx %arg7[%add3A_68, %broadcast_in_dim3A_70], %gather3A : memref<64x128xf32, #tpu.memory_space<vmem>>[vector<16xi32>, vector<16xi32>], vector<16xf32>,
        %broadcast_in_dim3A_79 = arith.constant 1 : i32
        %broadcast_in_dim3A_80 = vector.broadcast %broadcast_in_dim3A_79 : i32 to vector<16xi32>
        %mul3A_81 = arith.constant 64 : i32
        %mul3A_82 = arith.muli %scan3A_63, %mul3A_81 : i32
        %mul3A_83 = arith.constant 4 : i32
        %mul3A_84 = vector.broadcast %mul3A_83 : i32 to vector<16xi32>
        %mul3A_85 = arith.muli %iota3A, %mul3A_84 : vector<16xi32>
        %add3A_86 = vector.broadcast %mul3A_82 : i32 to vector<16xi32>
        %add3A_87 = arith.addi %add3A_86, %mul3A_85 : vector<16xi32>
        %add3A_88 = arith.addi %add3A_87, %broadcast_in_dim3A_80 : vector<16xi32>
        %gather3A_89 = tpu.vector_load_idx %arg6[%add3A_88] : memref<256xf32, #tpu.memory_space<vmem>>[vector<16xi32>], vector<16xf32>,
        tpu.vector_store_idx %arg7[%add3A_68, %broadcast_in_dim3A_80], %gather3A_89 : memref<64x128xf32, #tpu.memory_space<vmem>>[vector<16xi32>, vector<16xi32>], vector<16xf32>,
        %broadcast_in_dim3A_90 = arith.constant 2 : i32
        %broadcast_in_dim3A_91 = vector.broadcast %broadcast_in_dim3A_90 : i32 to vector<16xi32>
        %mul3A_92 = arith.constant 64 : i32
        %mul3A_93 = arith.muli %scan3A_63, %mul3A_92 : i32
        %mul3A_94 = arith.constant 4 : i32
        %mul3A_95 = vector.broadcast %mul3A_94 : i32 to vector<16xi32>
        %mul3A_96 = arith.muli %iota3A, %mul3A_95 : vector<16xi32>
        %add3A_97 = vector.broadcast %mul3A_93 : i32 to vector<16xi32>
        %add3A_98 = arith.addi %add3A_97, %mul3A_96 : vector<16xi32>
        %add3A_99 = arith.addi %add3A_98, %broadcast_in_dim3A_91 : vector<16xi32>
        %gather3A_100 = tpu.vector_load_idx %arg6[%add3A_99] : memref<256xf32, #tpu.memory_space<vmem>>[vector<16xi32>], vector<16xf32>,
        tpu.vector_store_idx %arg7[%add3A_68, %broadcast_in_dim3A_91], %gather3A_100 : memref<64x128xf32, #tpu.memory_space<vmem>>[vector<16xi32>, vector<16xi32>], vector<16xf32>,
        %broadcast_in_dim3A_101 = arith.constant 3 : i32
        %broadcast_in_dim3A_102 = vector.broadcast %broadcast_in_dim3A_101 : i32 to vector<16xi32>
        %mul3A_103 = arith.constant 64 : i32
        %mul3A_104 = arith.muli %scan3A_63, %mul3A_103 : i32
        %mul3A_105 = arith.constant 4 : i32
        %mul3A_106 = vector.broadcast %mul3A_105 : i32 to vector<16xi32>
        %mul3A_107 = arith.muli %iota3A, %mul3A_106 : vector<16xi32>
        %add3A_108 = vector.broadcast %mul3A_104 : i32 to vector<16xi32>
        %add3A_109 = arith.addi %add3A_108, %mul3A_107 : vector<16xi32>
        %add3A_110 = arith.addi %add3A_109, %broadcast_in_dim3A_102 : vector<16xi32>
        %gather3A_111 = tpu.vector_load_idx %arg6[%add3A_110] : memref<256xf32, #tpu.memory_space<vmem>>[vector<16xi32>], vector<16xf32>,
        tpu.vector_store_idx %arg7[%add3A_68, %broadcast_in_dim3A_102], %gather3A_111 : memref<64x128xf32, #tpu.memory_space<vmem>>[vector<16xi32>, vector<16xi32>], vector<16xf32>,
        %scan3A_112 = arith.constant 0 : i32
        scf.yield %scan3A_112 : i32
      }
      %scan3A_62 = arith.constant 4 : i32
      "tpu.region"() ({
        %run_scoped3A = tpu.sem_alloc : memref<!tpu.dma_semaphore, #tpu.memory_space<semaphore_mem>>
        %dma_start3A = arith.constant 0 : i32
        %dma_start3A_63 = arith.constant 0 : i32
        %dma_start3A_64 = tpu.memref_slice %arg8[%dma_start3A, %dma_start3A_63] : memref<10000x128xf32, #tpu.memory_space<vmem_shared>> -> memref<10000x128xf32, #tpu.memory_space<vmem_shared>>
        tpu.enqueue_indirect_dma source(%arg7 : memref<64x128xf32, #tpu.memory_space<vmem>>) target(%dma_start3A_64 : memref<10000x128xf32, #tpu.memory_space<vmem_shared>>) offsets(%arg5 : memref<64xi32, #tpu.memory_space<vmem>>) semaphore(%run_scoped3A : memref<!tpu.dma_semaphore, #tpu.memory_space<semaphore_mem>>) {add = true}
        %dma_wait3A = arith.constant 0 : i32
        %dma_wait3A_65 = arith.constant 0 : i32
        %dma_wait3A_66 = tpu.memref_slice %arg8[%dma_wait3A, %dma_wait3A_65] : memref<10000x128xf32, #tpu.memory_space<vmem_shared>> -> memref<10000x128xf32, #tpu.memory_space<vmem_shared>>
        tpu.wait_indirect_dma semaphore(%run_scoped3A : memref<!tpu.dma_semaphore, #tpu.memory_space<semaphore_mem>>) src(%arg7 : memref<64x128xf32, #tpu.memory_space<vmem>>) dst(%dma_wait3A_66 : memref<10000x128xf32, #tpu.memory_space<vmem_shared>>)
        tpu.yield
      }) : () -> ()
    } else {
    }
    %barrier3A_44 = arith.constant 0 : index
    tpu.barrier barrier_id(%barrier3A_44)
    "tpu.region"() ({
      %run_scoped3A = tpu.sem_alloc : memref<!tpu.dma_semaphore, #tpu.memory_space<semaphore_mem>>
      %dma_start3A = arith.constant 0 : i32
      %dma_start3A_50 = tpu.memref_slice %arg4[%arg0, %mul3A_9, %dma_start3A] : memref<2x10000x128xf32, #tpu.memory_space<hbm>> -> memref<1x624x128xf32, #tpu.memory_space<hbm>>
      %dma_start3A_51 = tpu.memref_squeeze %dma_start3A_50 : memref<1x624x128xf32, #tpu.memory_space<hbm>> -> memref<624x128xf32, #tpu.memory_space<hbm>>
      %dma_start3A_52 = arith.constant 0 : i32
      %dma_start3A_53 = tpu.memref_slice %arg8[%mul3A_9, %dma_start3A_52] : memref<10000x128xf32, #tpu.memory_space<vmem_shared>> -> memref<624x128xf32, #tpu.memory_space<vmem_shared>>
      tpu.enqueue_dma source(%dma_start3A_53 : memref<624x128xf32, #tpu.memory_space<vmem_shared>>) target(%dma_start3A_51 : memref<624x128xf32, #tpu.memory_space<hbm>>) target_semaphore(%run_scoped3A : memref<!tpu.dma_semaphore, #tpu.memory_space<semaphore_mem>>)
      %dma_wait3A = arith.constant 0 : i32
      %dma_wait3A_54 = tpu.memref_slice %arg4[%arg0, %mul3A_9, %dma_wait3A] : memref<2x10000x128xf32, #tpu.memory_space<hbm>> -> memref<1x624x128xf32, #tpu.memory_space<hbm>>
      %dma_wait3A_55 = tpu.memref_squeeze %dma_wait3A_54 : memref<1x624x128xf32, #tpu.memory_space<hbm>> -> memref<624x128xf32, #tpu.memory_space<hbm>>
      %dma_wait3A_56 = arith.constant 0 : i32
      %dma_wait3A_57 = tpu.memref_slice %arg8[%mul3A_9, %dma_wait3A_56] : memref<10000x128xf32, #tpu.memory_space<vmem_shared>> -> memref<624x128xf32, #tpu.memory_space<vmem_shared>>
      tpu.wait_dma2 semaphore(%run_scoped3A : memref<!tpu.dma_semaphore, #tpu.memory_space<semaphore_mem>>) src(%dma_wait3A_57 : memref<624x128xf32, #tpu.memory_space<vmem_shared>>) dst(%dma_wait3A_55 : memref<624x128xf32, #tpu.memory_space<hbm>>)
      tpu.yield
    }) : () -> ()
    %eq3A_45 = arith.constant 15 : i32
    %eq3A_46 = arith.cmpi eq, %arg1, %eq3A_45 : i32
    %convert_element_type3A_47 = arith.extui %eq3A_46 : i1 to i32
    %cond3A_48 = arith.constant 0 : i32
    %cond3A_49 = arith.cmpi ne, %convert_element_type3A_47, %cond3A_48 : i32
    scf.if %cond3A_49 {
      "tpu.region"() ({
        %run_scoped3A = tpu.sem_alloc : memref<!tpu.dma_semaphore, #tpu.memory_space<semaphore_mem>>
        %dma_start3A = arith.constant 9984 : i32
        %dma_start3A_50 = arith.constant 0 : i32
        %dma_start3A_51 = tpu.memref_slice %arg4[%arg0, %dma_start3A, %dma_start3A_50] : memref<2x10000x128xf32, #tpu.memory_space<hbm>> -> memref<1x16x128xf32, #tpu.memory_space<hbm>>
        %dma_start3A_52 = tpu.memref_squeeze %dma_start3A_51 : memref<1x16x128xf32, #tpu.memory_space<hbm>> -> memref<16x128xf32, #tpu.memory_space<hbm>>
        %dma_start3A_53 = arith.constant 9984 : i32
        %dma_start3A_54 = arith.constant 0 : i32
        %dma_start3A_55 = tpu.memref_slice %arg8[%dma_start3A_53, %dma_start3A_54] : memref<10000x128xf32, #tpu.memory_space<vmem_shared>> -> memref<16x128xf32, #tpu.memory_space<vmem_shared>>
        tpu.enqueue_dma source(%dma_start3A_55 : memref<16x128xf32, #tpu.memory_space<vmem_shared>>) target(%dma_start3A_52 : memref<16x128xf32, #tpu.memory_space<hbm>>) target_semaphore(%run_scoped3A : memref<!tpu.dma_semaphore, #tpu.memory_space<semaphore_mem>>)
        %dma_wait3A = arith.constant 9984 : i32
        %dma_wait3A_56 = arith.constant 0 : i32
        %dma_wait3A_57 = tpu.memref_slice %arg4[%arg0, %dma_wait3A, %dma_wait3A_56] : memref<2x10000x128xf32, #tpu.memory_space<hbm>> -> memref<1x16x128xf32, #tpu.memory_space<hbm>>
        %dma_wait3A_58 = tpu.memref_squeeze %dma_wait3A_57 : memref<1x16x128xf32, #tpu.memory_space<hbm>> -> memref<16x128xf32, #tpu.memory_space<hbm>>
        %dma_wait3A_59 = arith.constant 9984 : i32
        %dma_wait3A_60 = arith.constant 0 : i32
        %dma_wait3A_61 = tpu.memref_slice %arg8[%dma_wait3A_59, %dma_wait3A_60] : memref<10000x128xf32, #tpu.memory_space<vmem_shared>> -> memref<16x128xf32, #tpu.memory_space<vmem_shared>>
        tpu.wait_dma2 semaphore(%run_scoped3A : memref<!tpu.dma_semaphore, #tpu.memory_space<semaphore_mem>>) src(%dma_wait3A_61 : memref<16x128xf32, #tpu.memory_space<vmem_shared>>) dst(%dma_wait3A_58 : memref<16x128xf32, #tpu.memory_space<hbm>>)
        tpu.yield
      }) : () -> ()
    } else {
    }
    return
  }
}

module attributes {stable_mosaic.version = 14 : i64} {
  func.func @_proj_body(%arg0: i32, %arg1: memref<1000x128xf32, #tpu.memory_space<vmem>>, %arg2: memref<128x128xf32, #tpu.memory_space<vmem>>, %arg3: memref<128x128xf32, #tpu.memory_space<vmem>>, %arg4: memref<1x128xf32, #tpu.memory_space<vmem>>, %arg5: memref<1x128xf32, #tpu.memory_space<vmem>>, %arg6: memref<1000x128xf32, #tpu.memory_space<vmem>>, %arg7: memref<1000x128xf32, #tpu.memory_space<vmem>>) attributes {dimension_semantics = [#tpu.dimension_semantics<arbitrary>], iteration_bounds = array<i64: 10>, scalar_prefetch = 0 : i64, scratch_operands = 0 : i64, tpu.core_type = #tpu.core_type<tc>, window_params = [{transform_indices = @transform_0, window_bounds = array<i64: 1000, 128>}, {pipeline_mode = #tpu.pipeline_mode<synchronous>, transform_indices = @transform_1, window_bounds = array<i64: 128, 128>}, {pipeline_mode = #tpu.pipeline_mode<synchronous>, transform_indices = @transform_2, window_bounds = array<i64: 128, 128>}, {pipeline_mode = #tpu.pipeline_mode<synchronous>, transform_indices = @transform_3, window_bounds = array<i64: 1, 128>}, {pipeline_mode = #tpu.pipeline_mode<synchronous>, transform_indices = @transform_4, window_bounds = array<i64: 1, 128>}, {transform_indices = @transform_5, window_bounds = array<i64: 1000, 128>}, {transform_indices = @transform_6, window_bounds = array<i64: 1000, 128>}]} {
    %get3A = arith.constant 0 : index
    %get3A_0 = arith.constant 0 : index
    %get3A_1 = vector.load %arg1[%get3A, %get3A_0] : memref<1000x128xf32, #tpu.memory_space<vmem>>, vector<1000x128xf32>
    %get3A_2 = arith.constant 0 : index
    %get3A_3 = arith.constant 0 : index
    %get3A_4 = vector.load %arg2[%get3A_2, %get3A_3] : memref<128x128xf32, #tpu.memory_space<vmem>>, vector<128x128xf32>
    %dot_general3A = arith.constant dense<0.000000e+00> : vector<1000x128xf32>
    %dot_general3A_5 = tpu.matmul %get3A_1, %get3A_4, %dot_general3A {dimension_numbers = #tpu.dot_dimension_numbers<[1], [0], [0], [1], [0, 0, 1, 1], [], []>, transpose_lhs_hint = false} : vector<1000x128xf32>, vector<128x128xf32>, vector<1000x128xf32> -> vector<1000x128xf32>
    %get3A_6 = arith.constant 0 : index
    %get3A_7 = arith.constant 0 : index
    %get3A_8 = vector.load %arg4[%get3A_6, %get3A_7] : memref<1x128xf32, #tpu.memory_space<vmem>>, vector<1x128xf32>
    %add3A = vector.broadcast %get3A_8 : vector<1x128xf32> to vector<1000x128xf32>
    %add3A_9 = arith.addf %dot_general3A_5, %add3A : vector<1000x128xf32>
    %swap3A = arith.constant 0 : index
    %swap3A_10 = arith.constant 0 : index
    %swap3A_11 = vector.load %arg6[%swap3A, %swap3A_10] : memref<1000x128xf32, #tpu.memory_space<vmem>>, vector<1000x128xf32>
    tpu.vector_store %arg6[%swap3A, %swap3A_10], %add3A_9 {strides = array<i32>} : memref<1000x128xf32, #tpu.memory_space<vmem>>, vector<1000x128xf32>,
    %get3A_12 = arith.constant 0 : index
    %get3A_13 = arith.constant 0 : index
    %get3A_14 = vector.load %arg3[%get3A_12, %get3A_13] : memref<128x128xf32, #tpu.memory_space<vmem>>, vector<128x128xf32>
    %dot_general3A_15 = arith.constant dense<0.000000e+00> : vector<1000x128xf32>
    %dot_general3A_16 = tpu.matmul %get3A_1, %get3A_14, %dot_general3A_15 {dimension_numbers = #tpu.dot_dimension_numbers<[1], [0], [0], [1], [0, 0, 1, 1], [], []>, transpose_lhs_hint = false} : vector<1000x128xf32>, vector<128x128xf32>, vector<1000x128xf32> -> vector<1000x128xf32>
    %get3A_17 = arith.constant 0 : index
    %get3A_18 = arith.constant 0 : index
    %get3A_19 = vector.load %arg5[%get3A_17, %get3A_18] : memref<1x128xf32, #tpu.memory_space<vmem>>, vector<1x128xf32>
    %add3A_20 = vector.broadcast %get3A_19 : vector<1x128xf32> to vector<1000x128xf32>
    %add3A_21 = arith.addf %dot_general3A_16, %add3A_20 : vector<1000x128xf32>
    %swap3A_22 = arith.constant 0 : index
    %swap3A_23 = arith.constant 0 : index
    %swap3A_24 = vector.load %arg7[%swap3A_22, %swap3A_23] : memref<1000x128xf32, #tpu.memory_space<vmem>>, vector<1000x128xf32>
    tpu.vector_store %arg7[%swap3A_22, %swap3A_23], %add3A_21 {strides = array<i32>} : memref<1000x128xf32, #tpu.memory_space<vmem>>, vector<1000x128xf32>,
    return
  }
  func.func @transform_0(%arg0: i32) -> (i32, i32) {
    %c0_i32 = arith.constant 0 : i32
    %c0_i32_0 = arith.constant 0 : i32
    return %arg0, %c0_i32 : i32, i32
  }
  func.func @transform_1(%arg0: i32) -> (i32, i32) {
    %c0_i32 = arith.constant 0 : i32
    %c0_i32_0 = arith.constant 0 : i32
    %c0_i32_1 = arith.constant 0 : i32
    return %c0_i32, %c0_i32_0 : i32, i32
  }
  func.func @transform_2(%arg0: i32) -> (i32, i32) {
    %c0_i32 = arith.constant 0 : i32
    %c0_i32_0 = arith.constant 0 : i32
    %c0_i32_1 = arith.constant 0 : i32
    return %c0_i32, %c0_i32_0 : i32, i32
  }
  func.func @transform_3(%arg0: i32) -> (i32, i32) {
    %c0_i32 = arith.constant 0 : i32
    %c0_i32_0 = arith.constant 0 : i32
    %c0_i32_1 = arith.constant 0 : i32
    return %c0_i32, %c0_i32_0 : i32, i32
  }
  func.func @transform_4(%arg0: i32) -> (i32, i32) {
    %c0_i32 = arith.constant 0 : i32
    %c0_i32_0 = arith.constant 0 : i32
    %c0_i32_1 = arith.constant 0 : i32
    return %c0_i32, %c0_i32_0 : i32, i32
  }
  func.func @transform_5(%arg0: i32) -> (i32, i32) {
    %c0_i32 = arith.constant 0 : i32
    %c0_i32_0 = arith.constant 0 : i32
    return %arg0, %c0_i32 : i32, i32
  }
  func.func @transform_6(%arg0: i32) -> (i32, i32) {
    %c0_i32 = arith.constant 0 : i32
    %c0_i32_0 = arith.constant 0 : i32
    return %arg0, %c0_i32 : i32, i32
  }
}

module attributes {stable_mosaic.version = 14 : i64} {
  func.func @_comb_body(%arg0: i32, %arg1: memref<2x1000x128xf32, #tpu.memory_space<vmem>>, %arg2: memref<2x1000x128xf32, #tpu.memory_space<vmem>>, %arg3: memref<128x128xf32, #tpu.memory_space<vmem>>, %arg4: memref<1000x128xf32, #tpu.memory_space<vmem>>) attributes {dimension_semantics = [#tpu.dimension_semantics<arbitrary>], iteration_bounds = array<i64: 10>, scalar_prefetch = 0 : i64, scratch_operands = 0 : i64, tpu.core_type = #tpu.core_type<tc>, window_params = [{transform_indices = @transform_0, window_bounds = array<i64: 2, 1000, 128>}, {transform_indices = @transform_1, window_bounds = array<i64: 2, 1000, 128>}, {pipeline_mode = #tpu.pipeline_mode<synchronous>, transform_indices = @transform_2, window_bounds = array<i64: 128, 128>}, {transform_indices = @transform_3, window_bounds = array<i64: 1000, 128>}]} {
    %get3A = arith.constant 0 : index
    %get3A_0 = arith.constant 0 : index
    %get3A_1 = arith.constant 0 : index
    %get3A_2 = vector.load %arg1[%get3A, %get3A_0, %get3A_1] : memref<2x1000x128xf32, #tpu.memory_space<vmem>>, vector<1x1000x128xf32>
    %get3A_3 = vector.shape_cast %get3A_2 : vector<1x1000x128xf32> to vector<1000x128xf32>
    %get3A_4 = arith.constant 1 : index
    %get3A_5 = arith.constant 0 : index
    %get3A_6 = arith.constant 0 : index
    %get3A_7 = vector.load %arg1[%get3A_4, %get3A_5, %get3A_6] : memref<2x1000x128xf32, #tpu.memory_space<vmem>>, vector<1x1000x128xf32>
    %get3A_8 = vector.shape_cast %get3A_7 : vector<1x1000x128xf32> to vector<1000x128xf32>
    %add3A = arith.addf %get3A_3, %get3A_8 : vector<1000x128xf32>
    %get3A_9 = arith.constant 0 : index
    %get3A_10 = arith.constant 0 : index
    %get3A_11 = arith.constant 0 : index
    %get3A_12 = vector.load %arg2[%get3A_9, %get3A_10, %get3A_11] : memref<2x1000x128xf32, #tpu.memory_space<vmem>>, vector<1x1000x128xf32>
    %get3A_13 = vector.shape_cast %get3A_12 : vector<1x1000x128xf32> to vector<1000x128xf32>
    %get3A_14 = arith.constant 1 : index
    %get3A_15 = arith.constant 0 : index
    %get3A_16 = arith.constant 0 : index
    %get3A_17 = vector.load %arg2[%get3A_14, %get3A_15, %get3A_16] : memref<2x1000x128xf32, #tpu.memory_space<vmem>>, vector<1x1000x128xf32>
    %get3A_18 = vector.shape_cast %get3A_17 : vector<1x1000x128xf32> to vector<1000x128xf32>
    %add3A_19 = arith.addf %get3A_13, %get3A_18 : vector<1000x128xf32>
    %get3A_20 = arith.constant 0 : index
    %get3A_21 = arith.constant 0 : index
    %get3A_22 = vector.load %arg3[%get3A_20, %get3A_21] : memref<128x128xf32, #tpu.memory_space<vmem>>, vector<128x128xf32>
    %dot_general3A = arith.constant dense<0.000000e+00> : vector<1000x128xf32>
    %dot_general3A_23 = tpu.matmul %add3A_19, %get3A_22, %dot_general3A {dimension_numbers = #tpu.dot_dimension_numbers<[1], [0], [0], [1], [0, 0, 1, 1], [], []>, transpose_lhs_hint = false} : vector<1000x128xf32>, vector<128x128xf32>, vector<1000x128xf32> -> vector<1000x128xf32>
    %add3A_24 = arith.constant 9.99999971E-10 : f32
    %add3A_25 = vector.broadcast %add3A_24 : f32 to vector<1000x128xf32>
    %add3A_26 = arith.addf %dot_general3A_23, %add3A_25 : vector<1000x128xf32>
    %div3A = arith.divf %add3A, %add3A_26 : vector<1000x128xf32>
    %swap3A = arith.constant 0 : index
    %swap3A_27 = arith.constant 0 : index
    %swap3A_28 = vector.load %arg4[%swap3A, %swap3A_27] : memref<1000x128xf32, #tpu.memory_space<vmem>>, vector<1000x128xf32>
    tpu.vector_store %arg4[%swap3A, %swap3A_27], %div3A {strides = array<i32>} : memref<1000x128xf32, #tpu.memory_space<vmem>>, vector<1000x128xf32>,
    return
  }
  func.func @transform_0(%arg0: i32) -> (i32, i32, i32) {
    %c0_i32 = arith.constant 0 : i32
    %c0_i32_0 = arith.constant 0 : i32
    %c0_i32_1 = arith.constant 0 : i32
    return %c0_i32, %arg0, %c0_i32_0 : i32, i32, i32
  }
  func.func @transform_1(%arg0: i32) -> (i32, i32, i32) {
    %c0_i32 = arith.constant 0 : i32
    %c0_i32_0 = arith.constant 0 : i32
    %c0_i32_1 = arith.constant 0 : i32
    return %c0_i32, %arg0, %c0_i32_0 : i32, i32, i32
  }
  func.func @transform_2(%arg0: i32) -> (i32, i32) {
    %c0_i32 = arith.constant 0 : i32
    %c0_i32_0 = arith.constant 0 : i32
    %c0_i32_1 = arith.constant 0 : i32
    return %c0_i32, %c0_i32_0 : i32, i32
  }
  func.func @transform_3(%arg0: i32) -> (i32, i32) {
    %c0_i32 = arith.constant 0 : i32
    %c0_i32_0 = arith.constant 0 : i32
    return %arg0, %c0_i32 : i32, i32
  }
}

</mosaic_0001>

<sc_bundles>
// kernel: kernel.6.cloned.1.call-start
scs
__scs_entry_jumppad:
0x0: {  	(pc) =	sbr.rel $0x88, $3  }
0x1: {  	(tag) =	ssettag $0x0;
	lr =	simm.s32 $0x1  }
0x2: {  	[smem:$0x3F99] =	sst lr;
	_ =	strace $0xD0000000  }
0x3: {  	_ = 	snop  }
0x4: {  	_ = 	snop  }
0x5: {  	_ = 	snop  }
0x6: {  	_ = 	snop  }
0x7: {  	_ = 	snop  }
__scs_overlays_trampoline_lowered:
0x8: {  	[smem:$0x3FA8] =	sst s0  }
0x9: {  	[smem:$0x3FA9] =	sst s1  }
0xa: {  	[smem:$0x3FAA] =	sst s2  }
0xb: {  	[smem:$0x3FAB] =	sst s3  }
0xc: {  	[smem:$0x3FAC] =	sst s4  }
0xd: {  	[smem:$0x3FAD] =	sst s5  }
0xe: {  	[smem:$0x3FAE] =	sst s6  }
0xf: {  	[smem:$0x3FAF] =	sst s7  }
0x10: {  	[smem:$0x3FB0] =	sst s8  }
0x11: {  	[smem:$0x3FB1] =	sst s9;
	s0 =	simm.s32 @!p0 $0x0  }
0x12: {  	s1 =	sld [smem:$0x3F97];
	s0 =	simm.s32 @p0 $0x1  }
0x13: {  	[smem:$0x3FB2] =	sst s0;
	s0 =	simm.s32 @!p1 $0x0  }
0x14: {  	s2 =	sld [smem:$0x3F96];
	s0 =	simm.s32 @p1 $0x1  }
0x15: {  	[smem:$0x3FB3] =	sst s0;
	s0 =	simm.s32 @!p2 $0x0  }
0x16: {  	s3 =	sld [smem:$0x3FDB];
	s0 =	simm.s32 @p2 $0x1  }
0x17: {  	s4 =	simm.s32 $0x1BF5;
	[smem:$0x3FB5] =	sst s0  }
0x18: {  	s0 =	sld [smem:$0x3F98];
	_ =	swait.ge [sflag:s4], $0x0  }
0x19: {  	s7 =	sld [smem:$0x3F99]  }
0x1a: {  	s8 =	sadd.s32 $0xFFFFE003, lr  }
0x1b: {  	s9 =	sadd.s32 $0xFFFFFEF7, lr;
	s5 =	simm.s32 $0xFFFFFFFF;
	p2 =	slt.u32 s8, $0xFFFFF086  }
0x1c: {  	p1 =	slt.u32 s9, $0xF7A;
	s5 =	simm.s32 @!p2 $0x0  }
0x1d: {  	s5 =	simm.s32 @p1 $0x1;
	p0 =	seq.s32 s7, s2  }
0x1e: {  	s7 =	smul.u32 @!p0 $0xF7A, s2;
	p2 =	seq.s32 @!p0 s5, $0x0  }
0x1f: {  	s9 =	smul.u32 $0xF7A, s1;
	s8 =	simm.s32 @!p0 $0x1BF5;
	p2 =	por !p2, p0  }
0x20: {  	[sflag:s8] =	ssyncset.s32 @!p0 $0xFFFFF086;
	s6 =	sadd.s32 @!p0 s3, s7;
	s7 =	simm.s32 @!p0 $0x108  }
0x21: {  	s3 =	sadd.s32 s3, s9;
	s6 =	sadd.s32 @!p0 $0x88, s6;
	s7 =	simm.s32 @p2 $0x1082  }
0x22: {  	[simem:s7], [sflag:s8] =	dma.local @!p0 [hbm:s6], $0xF7A  }
0x23: {  	s9 =	sor.u32 $0xD0000000, s2;
	s6 =	simm.s32 $0x108;
	_ =	swait.ge @!p0 [sflag:s8], $0x0  }
0x24: {  	s3 =	sadd.s32 $0x88, s3;
	s6 =	simm.s32 @!p1 $0x1082;
	[sflag:s4] =	ssyncset.s32 $0xFFFFF086  }
0x25: {  	[simem:s6], [sflag:s4] =	dma.local [hbm:s3], $0xF7A  }
0x26: {  	[smem:$0x3F99] =	sst s1;
	(tag) =	ssettag s2;
	_ =	strace s9  }
0x27: {  	s1 =	sld [smem:$0x3FA9]  }
0x28: {  	s2 =	sld [smem:$0x3FAA]  }
0x29: {  	s4 =	sld [smem:$0x3FAC]  }
0x2a: {  	p0 =	seq.s32 s5, $0x0;
	s5 =	sld [smem:$0x3FAD]  }
0x2b: {  	s6 =	sld [smem:$0x3FAE]  }
0x2c: {  	s7 =	sld [smem:$0x3FAF]  }
0x2d: {  	s3 =	simm.s32 $0x108;
	s8 =	sld [smem:$0x3FB0]  }
0x2e: {  	s3 =	simm.s32 @!p0 $0x1082;
	s9 =	sld [smem:$0x3FB1]  }
0x2f: {  	lr =	sadd.s32 s0, s3;
	s0 =	sld [smem:$0x3FA8]  }
0x30: {  	s3 =	sld [smem:$0x3FAB]  }
0x31: {  	[smem:$0x3FB4] =	sst s10  }
0x32: {  	s10 =	sld [smem:$0x3FB2];
	_ =	sdelay $0x3  }
0x33: {  	p0 =	seq.s32 s10, $0x1;
	s10 =	sld [smem:$0x3FB4];
	_ =	sdelay $0x3  }
0x34: {  	[smem:$0x3FB4] =	sst s10  }
0x35: {  	s10 =	sld [smem:$0x3FB3];
	_ =	sdelay $0x3  }
0x36: {  	p1 =	seq.s32 s10, $0x1;
	s10 =	sld [smem:$0x3FB4];
	_ =	sdelay $0x3  }
0x37: {  	[smem:$0x3FB4] =	sst s10  }
0x38: {  	s10 =	sld [smem:$0x3FB5]  }
0x39: {  	_ = 	snop;
	(pc) =	sbr.ind lr, $3  }
0x3a: {  	_ = 	snop  }
0x3b: {  	_ = 	snop  }
0x3c: {  	p2 =	seq.s32 s10, $0x1;
	s10 =	sld [smem:$0x3FB4]  }
0x3d: {  	_ =	shalt  }
0x3e: {  	_ =	shalt  }
0x3f: {  	_ =	shalt  }
0x40: {  	_ =	shalt  }
0x41: {  	_ =	shalt  }
0x42: {  	_ =	shalt  }
0x43: {  	_ =	shalt  }
0x44: {  	_ =	shalt  }
0x45: {  	_ =	shalt  }
0x46: {  	_ =	shalt  }
0x47: {  	_ =	shalt  }
0x48: {  	_ =	shalt  }
0x49: {  	_ =	shalt  }
0x4a: {  	_ =	shalt  }
0x4b: {  	_ =	shalt  }
0x4c: {  	_ =	shalt  }
0x4d: {  	_ =	shalt  }
0x4e: {  	_ =	shalt  }
0x4f: {  	_ =	shalt  }
0x50: {  	_ =	shalt  }
0x51: {  	_ =	shalt  }
0x52: {  	_ =	shalt  }
0x53: {  	_ =	shalt  }
0x54: {  	_ =	shalt  }
0x55: {  	_ =	shalt  }
0x56: {  	_ =	shalt  }
0x57: {  	_ =	shalt  }
0x58: {  	_ =	shalt  }
0x59: {  	_ =	shalt  }
0x5a: {  	_ =	shalt  }
0x5b: {  	_ =	shalt  }
0x5c: {  	_ =	shalt  }
0x5d: {  	_ =	shalt  }
0x5e: {  	_ =	shalt  }
0x5f: {  	_ =	shalt  }
0x60: {  	_ =	shalt  }
0x61: {  	_ =	shalt  }
0x62: {  	_ =	shalt  }
0x63: {  	_ =	shalt  }
0x64: {  	_ =	shalt  }
0x65: {  	_ =	shalt  }
0x66: {  	_ =	shalt  }
0x67: {  	_ =	shalt  }
0x68: {  	_ =	shalt  }
0x69: {  	_ =	shalt  }
0x6a: {  	_ =	shalt  }
0x6b: {  	_ =	shalt  }
0x6c: {  	_ =	shalt  }
0x6d: {  	_ =	shalt  }
0x6e: {  	_ =	shalt  }
0x6f: {  	_ =	shalt  }
0x70: {  	_ =	shalt  }
0x71: {  	_ =	shalt  }
0x72: {  	_ =	shalt  }
0x73: {  	_ =	shalt  }
0x74: {  	_ =	shalt  }
0x75: {  	_ =	shalt  }
0x76: {  	_ =	shalt  }
0x77: {  	_ =	shalt  }
0x78: {  	_ =	shalt  }
0x79: {  	_ =	shalt  }
0x7a: {  	_ =	shalt  }
0x7b: {  	_ =	shalt  }
0x7c: {  	_ =	shalt  }
0x7d: {  	_ =	shalt  }
0x7e: {  	_ =	shalt  }
0x7f: {  	_ =	shalt  }
0x80: {  	_ =	shalt  }
0x81: {  	_ =	shalt  }
0x82: {  	_ =	shalt  }
0x83: {  	_ =	shalt  }
0x84: {  	_ =	shalt  }
0x85: {  	_ =	shalt  }
0x86: {  	_ =	shalt  }
0x87: {  	_ =	shalt  }
.Lfunc_end0:
.L_simem_size_0:
called_computation_lowered:
.L_overlay_start_0:
0x88: {  	s2 =	sld [smem:$0x3FD9]  }
0x89: {  	s3 =	sld [smem:$0x3FFE];
	_ =	sdelay $0x1  }
0x8a: {  	s1 =	srdreg.scid  }
0x8b: {  	s0 =	sand.u32 $0x1, s1  }
0x8c: {  	s17 =	sshll.u32 s0, $0xA;
	s2 =	sadd.s32 s3, s2  }
0x8d: {  	s2 =	sadd.s32 s2, s17  }
0x8e: {  	[smem:$0x3FC0] =	sst s2  }
0x8f: {  	_ = 	snop  }
0x90: {  	s2 =	sld [smem:$0x3FC8]  }
0x91: {  	s18 =	sld [smem:$0x3FC7]  }
0x92: {  	s4 =	sld [smem:$0x3FD0];
	(tm) =	ssettm $0x1  }
0x93: {  	s5 =	sld [smem:$0x3FFB];
	_ =	sdelay $0x3  }
0x94: {  	_ =	strace s5  }
0x95: {  	s5 =	sld [smem:$0x3FFC];
	_ =	sdelay $0x3  }
0x96: {  	_ =	strace s5  }
0x97: {  	s5 =	sld [smem:$0x3FFD];
	_ =	sdelay $0x3  }
0x98: {  	_ =	strace s5  }
0x99: {  	_ =	strace $0x8FFFFFFF  }
0x9a: {  	s19 =	sld [smem:$0x3FDB];
	_ =	sdelay $0x1  }
0x9b: {  	s6 =	simm.s32 $_scs_section_size  }
0x9c: {  	s7 =	simm.s32 $_size__tile_overlayer_lowered;
	s8 =	simm.s32 $_tile_overlayer_lowered  }
0x9d: {  	s22 =	simm.s32 $0x1BFF;
	s21 =	sshll.u32 s8, $0x1;
	s5 =	sadd.s32 s6, s19  }
0x9e: {  	s9 =	simm.s32 $0x0;
	s20 =	sshll.u32 s7, $0x1;
	s7 =	sadd.s32 s21, s5  }
0x9f: {  	[timem:s9], [sflag:s22] =	dma.local [hbm:s7], s20  }
0xa0: {  	_ =	swait.ge [sflag:s22], s20  }
0xa1: {  	s6 =	ssub.s32 $0x0, s20;
	[sflag:s22] =	ssyncset.done $0x0  }
0xa2: {  	[sflag:s22] =	ssyncadd.s32 s6;
	_ =	sdelay $0x1  }
0xa3: {  	s23 =	simm.s32 $0x1B8B  }
0xa4: {  	_ =	swait.ge [sflag:s23], $0x1  }
0xa5: {  	[sflag:s23] =	ssyncset.done $0x0  }
0xa6: {  	s25 =	simm.s32 $0x1B8E;
	s24 =	sld [smem:$0x3FFE];
	[sflag:s23] =	ssyncadd.s32 $0xFFFFFFFF  }
0xa7: {  	s26 =	simm.s32 $execute0_lowered;
	[smem:$0x3FD2] =	sst s25  }
0xa8: {  	s7 =	sshll.u32 s26, $0x1;
	_ =	strace $0x80000046;
	[dreg:$0x1] =	wrdreg $0xFFFFFFFF  }
0xa9: {  	s28 =	simm.s32 $_size_execute0_lowered;
	s5 =	sadd.s32 s5, s7;
	[dreg:$0x0] =	wrdreg $0x0  }
0xaa: {  	s7 =	sshll.u32 s28, $0x1;
	[dreg:$0x2] =	wrdreg s5  }
0xab: {  	[dreg:$0x3] =	wrdreg s7  }
0xac: {  	[dreg:$0x4] =	wrdreg $0xC0  }
0xad: {  	_ =	task [dreg:s9], $0x5FFFF  }
0xae: {  	[dreg:$0x1] =	wrdreg $0xFFFFFFFF  }
0xaf: {  	[dreg:$0x0] =	wrdreg $0x60  }
0xb0: {  	[dreg:$0x2] =	wrdreg s4  }
0xb1: {  	[dreg:$0x3] =	wrdreg s24  }
0xb2: {  	[dreg:$0x4] =	wrdreg s2  }
0xb3: {  	[dreg:$0x5] =	wrdreg s18  }
0xb4: {  	[dreg:$0x6] =	wrdreg $0x85800  }
0xb5: {  	[dreg:$0x7] =	wrdreg $0x9  }
0xb6: {  	_ =	task.clear_ibuf [dreg:s9], $0x8FFFF;
	_ =	strace $0x90000046  }
0xb7: {  	s29 =	simm.s32 $0x9;
	_ =	strace $0x80000048  }
0xb8: {  	_ =	swait.ge [sflag:s29], $0x1  }
0xb9: {  	[sflag:s29] =	ssyncadd.s32 $0xFFFFFFFF  }
0xba: {  	_ =	strace $0x90000048  }
0xbb: {  	_ =	sfence  }
0xbc: {  	s30 =	sld [smem:$0x0];
	_ =	sdelay $0x2  }
0xbd: {  	s31 =	sshll.u32 s1, $0xD;
	s1 =	sshrl.u32 s1, $0x2  }
0xbe: {  	s3 =	sand.u32 $0x4000, s31;
	s1 =	sadd.s32 s1, s30  }
0xbf: {  	s0 =	sor.u32 s3, s0;
	s1 =	sshll.u32 s1, $0x11  }
0xc0: {  	s0 =	sor.u32 s1, s0  }
0xc1: {  	s0 =	sadd.s32 $0x8F2B, s0  }
0xc2: {  	[sflag:s0] =	ssyncadd.remote.s32 $0x1  }
0xc3: {  	_ =	sfence.sel $0xFFFF  }
0xc4: {  	[dreg:$0x0] =	wrdreg $0xFFFFFFFF;
	(pc) =	sbr.abs _section_cstart, $3  }
0xc5: {  	[dreg:$0x1] =	wrdreg $0xFFFFFFFF  }
0xc6: {  	_ =	task.clear_ibuf [dreg:s9], $0x2FFFF;
	_ =	strace $0x9FFFFFFF  }
0xc7: {  	(tm) =	ssettm $0x7FFFFFFF  }
tec
execute0_lowered:
.L_overlay_start_1:
0x0: {  	(tag) =	ssettag $0x1  }
0x1: {  	s0 =	rddreg [dreg:$0x1]  }
0x2: {  	s1 =	rddreg [dreg:$0x2]  }
0x3: {  	s12 =	rddreg [dreg:$0x3]  }
0x4: {  	s4 =	rddreg [dreg:$0x4]  }
0x5: {  	s6 =	simm.s32 $0x0;
	s2 =	srdreg.scid;
	s13 =	stileid.u32  }
0x6: {  	s28 =	simm.s32 $0x2300;
	s30 =	simm.s32 $0x2;
	s31 =	simm.s32 $0x8400  }
0x7: {  	[smem:$0x7FF] =	sst s6;
	s7 =	sadd.s32 $0x2400, s0;
	s2 =	sand.u32 $0x1, s2  }
0x8: {  	s3 =	sshll.u32 s13, $0x1;
	s5 =	sadd.s32 $0x2200, s0;
	s19 =	smul.u32 $0x4E000, s13  }
0x9: {  	s8 =	sadd.s32 $0x50800, s0;
	s9 =	sadd.s32 $0x29600, s0;
	s29 =	smul.u32 $0x13800, s13  }
0xa: {  	p0 =	sne.s32 s13, $0xF;
	p1 =	sgt.u32 s13, $0x3;
	s13 =	simm.s32 $0x40  }
0xb: {  	_ =	strace $0x80000047;
	[dreg:$0x6] =	wrdreg s5;
	s3 =	sor.u32 s2, s3  }
0xc: {  	s10 =	ssub.s32 $0x2, s2;
	s11 =	smul.u32 $0x2700, s3;
	s5 =	sshrl.u32 s19, $0x2  }
0xd: {  	s20 =	sshrl.u32 s10, $0x1;
	s17 =	smul.u32 $0x9C00, s3;
	s14 =	sadd.s32 s5, s4  }
0xe: {  	s0 =	ssub.s32 s10, s20;
	s22 =	sadd.s32 $0x2000, s14;
	[dreg:$0x7] =	wrdreg s14  }
0xf: {  	s21 =	sshrl.u32 s11, $0x3;
	s23 =	sadd.s32 $0x4000, s14;
	[dreg:$0x8] =	wrdreg s22  }
0x10: {  	s18 =	sor.u32 $0x80, s11;
	s11 =	sor.u32 $0xC0, s11;
	[dreg:$0x9] =	wrdreg s23  }
0x11: {  	s3 =	sshll.u32 s3, $0x6;
	s0 =	smax.u32 s0, $0x1;
	[dreg:$0xe] =	wrdreg s11  }
0x12: {  	s3 =	sor.u32 $0x4E000, s3;
	s24 =	sadd.s32 s1, s21;
	[dreg:$0x14] =	wrdreg s0  }
0x13: {  	s15 =	sshrl.u32 s3, $0x3;
	s25 =	sadd.s32 s12, s21;
	[dreg:$0xa] =	wrdreg s24  }
0x14: {  	s3 =	sshrl.u32 s3, $0x1;
	s16 =	sadd.s32 s12, s15;
	[dreg:$0xb] =	wrdreg s25  }
0x15: {  	s2 =	smul.u32 $0x138800, s2;
	s19 =	sadd.s32 s9, s3;
	[dreg:$0x11] =	wrdreg s16  }
0x16: {  	s5 =	sor.u32 $0x8, s21;
	s21 =	sadd.s32 $0x6000, s14;
	[dreg:$0x12] =	wrdreg s19  }
0x17: {  	s22 =	sadd.s32 $0x8000, s14;
	s23 =	sadd.s32 $0xA000, s14;
	[dreg:$0x15] =	wrdreg s21  }
0x18: {  	s3 =	sadd.s32 $0x138000, s4;
	s26 =	sadd.s32 s1, s5;
	[dreg:$0x16] =	wrdreg s22  }
0x19: {  	s5 =	sadd.s32 s12, s5;
	s1 =	sadd.s32 s1, s15;
	[dreg:$0x17] =	wrdreg s23  }
0x1a: {  	s24 =	sadd.s32 $0xC000, s14;
	s25 =	sadd.s32 $0xE000, s14;
	[dreg:$0x1c] =	wrdreg s3  }
0x1b: {  	s23 =	sor.u32 $0x100, s17;
	s19 =	simm.s32 $0x9;
	[dreg:$0xc] =	wrdreg s26  }
0x1c: {  	s12 =	simm.s32 $0x7;
	s15 =	simm.s32 $0x80;
	[dreg:$0xd] =	wrdreg s5  }
0x1d: {  	s16 =	simm.s32 $0x180;
	s21 =	simm.s32 $0x3;
	[dreg:$0x10] =	wrdreg s1  }
0x1e: {  	s22 =	simm.s32 $0x5;
	s5 =	sadd.s32 s29, s2;
	[dreg:$0x18] =	wrdreg s24  }
0x1f: {  	s2 =	sshrl.u32 s2, $0x3;
	[dreg:$0x19] =	wrdreg s25;
	s26 =	sadd.s32 $0x10000, s14  }
.Ltmp0:
0x20: {  	s29 =	sadd.s32 $0x12000, s14;
	s24 =	simm.s32 $0x8300;
	(pc) =	sbr.rel .LBB2_1-.Ltmp0, $4  }
0x21: {  	s5 =	sshrl.u32 s5, $0x3;
	s2 =	sadd.s32 s8, s2;
	[dreg:$0x1a] =	wrdreg s26  }
0x22: {  	[dreg:$0x1b] =	wrdreg s29;
	s26 =	simm.s32 $0x8;
	s5 =	sadd.s32 s8, s5  }
0x23: {  	s20 =	sadd.s32 $0x27000, s2;
	s8 =	simm.s32 $0x300;
	[dreg:$0xf] =	wrdreg s5  }
0x24: {  	v0 =	vimm.f32 $0.0e+00;
	[dreg:$0x13] =	wrdreg s20;
	s20 =	simm.s32 $0x1;
	s5 =	simm.s32 $0x0  }
.LBB2_14:
0x25: {  	s0 =	stileid.u32;
	[bflag:$0x0] =	sbarrier.arrive $0xFFFF  }
0x26: {  	s0 =	sshll.u32 s0, $0x6;
	s14 =	rddreg [dreg:$0x7]  }
0x27: {  	s2 =	rddreg [dreg:$0xf];
	s0 =	sor.u32 $0x1C09, s0;
	s1 =	sshrl.u32 s14, $0x3  }
0x28: {  	[hbm:s2], [sflag:s0] =	dma.local [spmem:s1], $0x2700  }
0x29: {  	_ =	swait.ge [sflag:s19], $0x2700  }
0x2a: {  	[sflag:s19] =	ssyncset.done $0x0;
	s3 =	rddreg [dreg:$0x1c]  }
0x2b: {  	s2 =	rddreg [dreg:$0x13];
	[sflag:s19] =	ssyncadd.s32 $0xFFFFD900;
	s1 =	sshrl.u32 @!p0 s3, $0x3  }
0x2c: {  	[hbm:s2], [sflag:s0] =	dma.local @!p0 [spmem:s1], $0x100  }
0x2d: {  	s0 =	simm.s32 @!p0 $0x9  }
0x2e: {  	_ =	swait.ge @!p0 [sflag:s0], $0x100  }
0x2f: {  	s5 =	sadd.s32 $0x1, s5;
	s29 =	rddreg [dreg:$0x14]  }
0x30: {  	p2 =	sne.s32 s5, s29  }
.Ltmp1:
0x31: {  	_ = 	snop;
	(pc) =	sbr.rel @!p2 .LBB2_15-.Ltmp1, $3  }
0x32: {  	_ =	sdelay $0x1  }
0x33: {  	[sflag:s0] =	ssyncset.done @!p0 $0x0  }
0x34: {  	[sflag:s0] =	ssyncadd.s32 @!p0 $0xFFFFFF00  }
.LBB2_1:
0x35: {  	[dreg:$0x1d] =	wrdreg s5  }
0x36: {  	s0 =	rddreg [dreg:$0x6];
	s1 =	simm.s32 $0x8500  }
0x37: {  	[tilespmem:s1], [sflag:$0x9] =	stream.linear.gather [hbm4b:s0+s6], $0x80, $0x38;
	[tilespmem:$0x1BE00] =	vst v63  }
0x38: {  	_ =	swait.ge [sflag:s19], $0x80  }
0x39: {  	[sflag:s19] =	ssyncset.done $0x0  }
0x3a: {  	s2 =	simm.s32 $0x200;
	s0 =	simm.s32 $0x0;
	[sflag:s19] =	ssyncadd.s32 $0xFFFFFF80  }
.LBB2_2:
0x3b: {  	p2 =	sne.s32 s2, $0x7E00;
	[tilespmem:s0+$0x370] =	vst v0  }
0x3c: {  	[tilespmem:s0+$0x300] =	vst v0  }
0x3d: {  	[tilespmem:s0+$0x310] =	vst v0  }
.Ltmp2:
0x3e: {  	[tilespmem:s0+$0x320] =	vst v0;
	(pc) =	sbr.rel @p2 .LBB2_2-.Ltmp2, $4  }
0x3f: {  	[tilespmem:s0+$0x330] =	vst v0  }
0x40: {  	[tilespmem:s0+$0x340] =	vst v0  }
0x41: {  	[tilespmem:s0+$0x350] =	vst v0  }
0x42: {  	[tilespmem:s0+$0x360] =	vst v0;
	s0 =	sshra.s32 s2, $0x2;
	s2 =	sadd.s32 $0x200, s2  }
0x43: {  	[tilespmem:s0+$0x370] =	vst v0  }
0x44: {  	[tilespmem:s0+$0x300] =	vst v0  }
0x45: {  	[tilespmem:s0+$0x310] =	vst v0  }
0x46: {  	[tilespmem:s0+$0x320] =	vst v0  }
0x47: {  	[tilespmem:s0+$0x330] =	vst v0  }
0x48: {  	[tilespmem:s0+$0x340] =	vst v0  }
0x49: {  	[tilespmem:s0+$0x350] =	vst v0  }
0x4a: {  	[tilespmem:s0+$0x360] =	vst v0  }
0x4b: {  	[spmem:s14] =	stream.linear.scatter [tilespmem:s8], [sflag:$0x9], $0x2000, $0x38;
	[tilespmem:$0x1BE00] =	vst v63  }
0x4c: {  	_ =	swait.ge [sflag:s19], $0x2000  }
0x4d: {  	[sflag:s19] =	ssyncset.done $0x0  }
0x4e: {  	s2 =	rddreg [dreg:$0x8];
	[sflag:s19] =	ssyncadd.s32 $0xFFFFE000  }
0x4f: {  	[spmem:s2] =	stream.linear.scatter [tilespmem:s8], [sflag:$0x9], $0x2000, $0x38;
	[tilespmem:$0x1BE00] =	vst v63  }
0x50: {  	_ =	swait.ge [sflag:s19], $0x2000  }
0x51: {  	[sflag:s19] =	ssyncset.done $0x0  }
0x52: {  	s5 =	rddreg [dreg:$0x9];
	[sflag:s19] =	ssyncadd.s32 $0xFFFFE000  }
0x53: {  	[spmem:s5] =	stream.linear.scatter [tilespmem:s8], [sflag:$0x9], $0x2000, $0x38;
	[tilespmem:$0x1BE00] =	vst v63  }
0x54: {  	_ =	swait.ge [sflag:s19], $0x2000  }
0x55: {  	[sflag:s19] =	ssyncset.done $0x0  }
0x56: {  	s10 =	rddreg [dreg:$0x15];
	[sflag:s19] =	ssyncadd.s32 $0xFFFFE000  }
0x57: {  	[spmem:s10] =	stream.linear.scatter [tilespmem:s8], [sflag:$0x9], $0x2000, $0x38;
	[tilespmem:$0x1BE00] =	vst v63  }
0x58: {  	_ =	swait.ge [sflag:s19], $0x2000  }
0x59: {  	[sflag:s19] =	ssyncset.done $0x0  }
0x5a: {  	s11 =	rddreg [dreg:$0x16];
	[sflag:s19] =	ssyncadd.s32 $0xFFFFE000  }
0x5b: {  	[spmem:s11] =	stream.linear.scatter [tilespmem:s8], [sflag:$0x9], $0x2000, $0x38;
	[tilespmem:$0x1BE00] =	vst v63  }
0x5c: {  	_ =	swait.ge [sflag:s19], $0x2000  }
0x5d: {  	[sflag:s19] =	ssyncset.done $0x0  }
0x5e: {  	s14 =	rddreg [dreg:$0x17];
	[sflag:s19] =	ssyncadd.s32 $0xFFFFE000  }
0x5f: {  	[spmem:s14] =	stream.linear.scatter [tilespmem:s8], [sflag:$0x9], $0x2000, $0x38;
	[tilespmem:$0x1BE00] =	vst v63  }
0x60: {  	_ =	swait.ge [sflag:s19], $0x2000  }
0x61: {  	[sflag:s19] =	ssyncset.done $0x0  }
0x62: {  	s25 =	rddreg [dreg:$0x18];
	[sflag:s19] =	ssyncadd.s32 $0xFFFFE000  }
0x63: {  	[spmem:s25] =	stream.linear.scatter [tilespmem:s8], [sflag:$0x9], $0x2000, $0x38;
	[tilespmem:$0x1BE00] =	vst v63  }
0x64: {  	_ =	swait.ge [sflag:s19], $0x2000  }
0x65: {  	[sflag:s19] =	ssyncset.done $0x0  }
0x66: {  	s29 =	rddreg [dreg:$0x19];
	[sflag:s19] =	ssyncadd.s32 $0xFFFFE000  }
0x67: {  	[spmem:s29] =	stream.linear.scatter [tilespmem:s8], [sflag:$0x9], $0x2000, $0x38;
	[tilespmem:$0x1BE00] =	vst v63  }
0x68: {  	_ =	swait.ge [sflag:s19], $0x2000  }
0x69: {  	[sflag:s19] =	ssyncset.done $0x0  }
0x6a: {  	s1 =	rddreg [dreg:$0x1a];
	[sflag:s19] =	ssyncadd.s32 $0xFFFFE000  }
0x6b: {  	[spmem:s1] =	stream.linear.scatter [tilespmem:s8], [sflag:$0x9], $0x2000, $0x38;
	[tilespmem:$0x1BE00] =	vst v63  }
0x6c: {  	_ =	swait.ge [sflag:s19], $0x2000  }
0x6d: {  	[sflag:s19] =	ssyncset.done $0x0  }
0x6e: {  	s2 =	rddreg [dreg:$0x1b];
	[sflag:s19] =	ssyncadd.s32 $0xFFFFE000  }
0x6f: {  	[spmem:s2] =	stream.linear.scatter [tilespmem:s8], [sflag:$0x9], $0x1800, $0x38;
	[tilespmem:$0x1BE00] =	vst v63  }
0x70: {  	_ =	swait.ge [sflag:s19], $0x1800  }
0x71: {  	[sflag:s19] =	ssyncset.done $0x0  }
0x72: {  	s0 =	simm.s32 @!p0 $0x300;
	[sflag:s19] =	ssyncadd.s32 $0xFFFFE800  }
0x73: {  	[spmem:s3] =	stream.linear.scatter @!p0 [tilespmem:s0], [sflag:$0x9], $0x800, $0x38;
	[tilespmem:$0x1BE00] =	vst v63  }
0x74: {  	s0 =	simm.s32 @!p0 $0x9  }
0x75: {  	_ =	swait.ge @!p0 [sflag:s0], $0x800  }
0x76: {  	[sflag:s0] =	ssyncset.done @!p0 $0x0  }
0x77: {  	[sflag:s0] =	ssyncadd.s32 @!p0 $0xFFFFF800  }
0x78: {  	[bflag:$0x0] =	sbarrier.arrive $0xFFFF  }
0x79: {  	v1 =	vld [tilespmem:$0x8500]  }
0x7a: {  	v2 =	vld [tilespmem:$0x8510]  }
0x7b: {  	v3 =	vld [tilespmem:$0x8520]  }
0x7c: {  	v4 =	vld [tilespmem:$0x8530]  }
0x7d: {  	v5 =	vld [tilespmem:$0x8540]  }
0x7e: {  	v6 =	vld [tilespmem:$0x8550]  }
0x7f: {  	s10 =	simm.s32 $0x0;
	v7 =	vld [tilespmem:$0x8560];
	s5 =	rddreg [dreg:$0xa]  }
0x80: {  	v8 =	vld [tilespmem:$0x8570];
	[tilespmem:s10], [sflag:$0x7] =	stream.linear.gather [hbm4b:s5+s10], $0x40, $0x38  }
0x81: {  	s1 =	simm.s32 $0x100;
	s11 =	rddreg [dreg:$0xb]  }
0x82: {  	[tilespmem:s1], [sflag:$0x7] =	stream.linear.gather [hbm4b:s11+s10], $0x40, $0x38;
	[tilespmem:$0x1BE00] =	vst v63  }
0x83: {  	_ =	swait.ge [sflag:s12], $0x40  }
0x84: {  	[sflag:s12] =	ssyncset.done $0x0  }
0x85: {  	[sflag:s12] =	ssyncadd.s32 $0xFFFFFFC0  }
0x86: {  	_ =	swait.ge [sflag:s12], $0x40  }
0x87: {  	[sflag:s12] =	ssyncset.done $0x0  }
0x88: {  	[sflag:s12] =	ssyncadd.s32 $0xFFFFFFC0  }
0x89: {  	s14 =	rddreg [dreg:$0x0]  }
0x8a: {  	[tilespmem:s8], [sflag:$0x1] =	stream.indirect.gather [hbm4b:s14+s13], $0x80, s10, s13, $0xb8;
	[tilespmem:$0x1BE00] =	vst v63  }
0x8b: {  	s19 =	simm.s32 $0x4300  }
0x8c: {  	[tilespmem:s19], [sflag:$0x1] =	stream.indirect.gather [hbm4b:s7+s13], $0x80, s1, s13, $0xb8;
	[tilespmem:$0x1BE00] =	vst v63  }
0x8d: {  	s25 =	rddreg [dreg:$0xc]  }
0x8e: {  	[tilespmem:s15], [sflag:$0x8] =	stream.linear.gather [hbm4b:s25+s10], $0x40, $0x38;
	[tilespmem:$0x1BE00] =	vst v63  }
0x8f: {  	s29 =	rddreg [dreg:$0xd]  }
0x90: {  	[tilespmem:s16], [sflag:$0x8] =	stream.linear.gather [hbm4b:s29+s10], $0x40, $0x38;
	[tilespmem:$0x1BE00] =	vst v63  }
.LBB2_4:
0x91: {  	_ =	swait.ge [sflag:s20], $0x2000  }
0x92: {  	[sflag:s20] =	ssyncset.done $0x0  }
0x93: {  	[sflag:s20] =	ssyncadd.s32 $0xFFFFE000  }
0x94: {  	_ =	swait.ge [sflag:s20], $0x2000  }
0x95: {  	[sflag:s20] =	ssyncset.done $0x0  }
0x96: {  	s14 =	simm.s32 $0x4380;
	[sflag:s20] =	ssyncadd.s32 $0xFFFFE000  }
0x97: {  	v17 =	vld [tilespmem:s14+$0xFFFFFFF0]  }
0x98: {  	v18 =	vld [tilespmem:s14+$0xFFFFFFD0]  }
0x99: {  	s0 =	simm.s32 $0x380;
	v10 =	vld [tilespmem:s14+$0xFFFFFFB0]  }
0x9a: {  	v16 =	vld [tilespmem:s0+$0xFFFFFF80]  }
0x9b: {  	v15 =	vld [tilespmem:s0+$0xFFFFFF90]  }
0x9c: {  	v9 =	vld [tilespmem:s14+$0xFFFFFF90]  }
0x9d: {  	v12 =	vld [tilespmem:s14+$0xFFFFFF80]  }
0x9e: {  	v11 =	vld [tilespmem:s0+$0xFFFFFFB0]  }
0x9f: {  	v13 =	vld [tilespmem:s14+$0xFFFFFFA0]  }
0xa0: {  	v14 =	vld [tilespmem:s0+$0xFFFFFFA0]  }
0xa1: {  	v21 =	vld [tilespmem:s14+$0xFFFFFFC0];
	v19 =	vadd.f32 v9, v15  }
0xa2: {  	v9 =	vld [tilespmem:s0+$0xFFFFFFD0];
	v20 =	vadd.f32 v12, v16  }
0xa3: {  	v26 =	vld [tilespmem:s14+$0xFFFFFFE0];
	v22 =	vmul.f32 $1.442695020e+00, v19  }
0xa4: {  	v12 =	vld [tilespmem:s0+$0xFFFFFFC0];
	v24 =	vmul.f32 $1.442695020e+00, v20  }
0xa5: {  	v23 =	vadd.f32 v10, v11;
	v10 =	vld [tilespmem:s0+$0xFFFFFFF0];
	(erf) = vpow2.f32 v22  }
0xa6: {  	v25 =	vadd.f32 v13, v14;
	v13 =	vld [tilespmem:s0+$0xFFFFFFE0];
	(erf) = vpow2.f32 v24  }
0xa7: {  	v22 =	vmul.f32 $1.442695020e+00, v23;
	v18 =	vadd.f32 v18, v9  }
0xa8: {  	v40 =	vmul.f32 $1.442695020e+00, v25  }
0xa9: {  	v21 =	vadd.f32 v21, v12;
	(erf) = vpow2.f32 v22;
	v22 =	vmul.f32 $1.442695020e+00, v18  }
0xaa: {  	v17 =	vadd.f32 v17, v10;
	(erf) = vpow2.f32 v40  }
0xab: {  	v41 =	vmul.f32 $1.442695020e+00, v21;
	(erf) = vpow2.f32 v22;
	v22 =	vadd.f32 v26, v13  }
0xac: {  	v42 =	vmul.f32 $1.442695020e+00, v17  }
0xad: {  	(erf) = vpow2.f32 v41;
	v43 =	vmul.f32 $1.442695020e+00, v22  }
0xae: {  	(erf) = vpow2.f32 v42;
	v44 =	vpop (erf)  }
0xaf: {  	(erf) = vpow2.f32 v43;
	v26 =	vadd.f32 $1.000000000e+00, v44;
	v27 =	vpop (erf)  }
0xb0: {  	v45 =	vadd.f32 $1.000000000e+00, v27  }
0xb1: {  	v26 =	vmul.f32 v26, v26  }
0xb2: {  	v46 =	vpop (erf);
	v24 =	vmul.f32 v45, v45  }
0xb3: {  	v27 =	vadd.f32 $1.000000000e+00, v46;
	v28 =	vpop (erf);
	v26 =	vadd.f32 $1.000000000e+00, v26  }
0xb4: {  	v28 =	vadd.f32 $1.000000000e+00, v28;
	v24 =	vadd.f32 $1.000000000e+00, v24  }
0xb5: {  	v27 =	vmul.f32 v27, v27;
	v29 =	vpop (erf);
	(erf) = vrcp.f32 v26  }
0xb6: {  	v29 =	vadd.f32 $1.000000000e+00, v29;
	v28 =	vmul.f32 v28, v28;
	v47 =	vpop (erf);
	(erf) = vrcp.f32 v24  }
0xb7: {  	v27 =	vadd.f32 $1.000000000e+00, v27;
	v26 =	vadd.f32 $1.000000000e+00, v47;
	v49 =	vpop (erf)  }
0xb8: {  	v48 =	vmul.f32 v29, v29;
	v28 =	vadd.f32 $1.000000000e+00, v28;
	v29 =	vadd.f32 $1.000000000e+00, v49;
	v50 =	vpop (erf)  }
0xb9: {  	(erf) = vrcp.f32 v27;
	v26 =	vmul.f32 v26, v26;
	v27 =	vadd.f32 $1.000000000e+00, v50  }
0xba: {  	v24 =	vadd.f32 $1.000000000e+00, v48;
	v51 =	vmul.f32 v29, v29  }
0xbb: {  	(erf) = vrcp.f32 v28;
	v26 =	vadd.f32 $1.000000000e+00, v26;
	v52 =	vmul.f32 v27, v27  }
0xbc: {  	(erf) = vrcp.f32 v24;
	v53 =	vadd.f32 $1.000000000e+00, v51  }
0xbd: {  	(erf) = vrcp.f32 v26;
	v24 =	vadd.f32 $1.000000000e+00, v52  }
0xbe: {  	(erf) = vrcp.f32 v53;
	v54 =	vpop (erf)  }
0xbf: {  	v55 =	vpop (erf);
	(erf) = vrcp.f32 v24  }
0xc0: {  	v19 =	vmul.f32 v19, v2  }
0xc1: {  	v20 =	vmul.f32 v20, v1;
	v26 =	vadd.f32 v54, v54;
	v56 =	vadd.f32 v55, v55;
	_ =	sdelay $0x1  }
0xc2: {  	v57 =	vpop (erf);
	v26 =	vmul.f32 v26, v19;
	v24 =	vmul.f32 v56, v20  }
0xc3: {  	v25 =	vmul.f32 v25, v3;
	v23 =	vmul.f32 v23, v4;
	v27 =	vadd.f32 v57, v57;
	v58 =	vpop (erf)  }
0xc4: {  	v18 =	vmul.f32 v18, v6;
	v19 =	vsub.f32 v19, v26;
	v60 =	vpop (erf);
	v20 =	vsub.f32 v20, v24  }
0xc5: {  	v28 =	vadd.f32 v58, v58;
	v59 =	vmul.f32 v27, v23;
	v61 =	vadd.f32 v60, v60;
	v63 =	vpop (erf)  }
0xc6: {  	v17 =	vmul.f32 v17, v8;
	v30 =	vpop (erf);
	v19 =	vadd.f32 v19, v20  }
0xc7: {  	v62 =	vmul.f32 v28, v25;
	v20 =	vsub.f32 v23, v59;
	v23 =	vmul.f32 v61, v18;
	v32 =	vpop (erf)  }
0xc8: {  	v24 =	vadd.f32 v30, v30;
	(xrf2) =	vadd.scan.msk.f32 $0xffff, v19;
	v19 =	vmul.f32 v22, v7;
	v22 =	vadd.f32 v32, v32  }
0xc9: {  	v21 =	vmul.f32 v21, v5;
	v28 =	vadd.f32 v63, v63;
	v25 =	vsub.f32 v25, v62  }
0xca: {  	v18 =	vsub.f32 v18, v23;
	v23 =	vmul.f32 v24, v17;
	v22 =	vmul.f32 v22, v19  }
0xcb: {  	v31 =	vmul.f32 v28, v21;
	v20 =	vadd.f32 v20, v25  }
0xcc: {  	v17 =	vsub.f32 v17, v23;
	v19 =	vsub.f32 v19, v22  }
0xcd: {  	v21 =	vsub.f32 v21, v31;
	(xrf2) =	vadd.scan.msk.f32 $0xffff, v20  }
0xce: {  	v17 =	vadd.f32 v17, v19  }
0xcf: {  	v18 =	vadd.f32 v18, v21;
	_ =	sdelay $0x1  }
0xd0: {  	(xrf2) =	vadd.scan.msk.f32 $0xffff, v18  }
0xd1: {  	(xrf2) =	vadd.scan.msk.f32 $0xffff, v17;
	v17, _, _ =	vpop (xrf2)  }
0xd2: {  	v17 =	vmul.f32 $1.442695020e+00, v17;
	_ =	sdelay $0x1  }
0xd3: {  	v17 =	vbroadcast v17, $0xF;
	_ =	sdelay $0x1  }
0xd4: {  	v18, _, _ =	vpop (xrf2);
	(erf) = vpow2.f32 v17  }
0xd5: {  	v18 =	vmul.f32 $1.442695020e+00, v18;
	_ =	sdelay $0x1  }
0xd6: {  	v17 =	vbroadcast v18, $0xF;
	_ =	sdelay $0x1  }
0xd7: {  	v18, _, _ =	vpop (xrf2);
	(erf) = vpow2.f32 v17  }
0xd8: {  	v18 =	vmul.f32 $1.442695020e+00, v18;
	_ =	sdelay $0x1  }
0xd9: {  	v17 =	vbroadcast v18, $0xF  }
0xda: {  	s2 =	simm.s32 $0x0;
	v20 =	vpop (erf)  }
0xdb: {  	v19 =	vmov s2;
	v18, _, _ =	vpop (xrf2);
	(erf) = vpow2.f32 v17;
	v16 =	vmul.f32 v20, v16  }
0xdc: {  	v17 =	vand.u32 $0xFFFFFFF8, v19;
	v18 =	vmul.f32 $1.442695020e+00, v18  }
0xdd: {  	v17 =	vbroadcast v17, $0x0  }
0xde: {  	v18 =	vbroadcast v18, $0xF  }
0xdf: {  	s11 =	simm.s32 $0x1;
	v15 =	vmul.f32 v20, v15;
	[tilespmem:s0+$0xFFFFFF80] =	vst v16;
	v16 =	vpop (erf)  }
0xe0: {  	v19 =	vmov s11;
	(erf) = vpow2.f32 v18;
	v14 =	vmul.f32 v16, v14  }
0xe1: {  	v18 =	vand.u32 $0xFFFFFFF9, v19  }
0xe2: {  	s19 =	simm.s32 $0x2;
	v18 =	vbroadcast v18, $0x0;
	[tilespmem:s0+$0xFFFFFF90] =	vst v15  }
0xe3: {  	v19 =	vmov s19;
	[tilespmem:v17+s24+$0x0] =	vst.idx.msk $0x1, v20;
	v11 =	vmul.f32 v16, v11  }
0xe4: {  	v19 =	vand.u32 $0xFFFFFFFA, v19;
	[tilespmem:s0+$0xFFFFFFA0] =	vst v14;
	v14 =	vpop (erf)  }
0xe5: {  	s25 =	simm.s32 $0x3;
	v15 =	vbroadcast v19, $0x0;
	[tilespmem:s0+$0xFFFFFFB0] =	vst v11;
	v11 =	vmul.f32 v14, v12  }
0xe6: {  	v17 =	vmov s25  }
0xe7: {  	v17 =	vand.u32 $0xFFFFFFFB, v17  }
0xe8: {  	[tilespmem:v18+s24+$0x0] =	vst.idx.msk $0x1, v16;
	v12 =	vbroadcast v17, $0x0;
	v9 =	vmul.f32 v14, v9  }
0xe9: {  	[tilespmem:s0+$0xFFFFFFC0] =	vst v11;
	v11 =	vpop (erf)  }
0xea: {  	[tilespmem:s0+$0xFFFFFFD0] =	vst v9;
	v9 =	vmul.f32 v11, v13  }
0xeb: {  	[tilespmem:v15+s24+$0x0] =	vst.idx.msk $0x1, v14;
	v10 =	vmul.f32 v11, v10  }
0xec: {  	[tilespmem:s0+$0xFFFFFFE0] =	vst v9  }
0xed: {  	[tilespmem:s0+$0xFFFFFFF0] =	vst v10  }
0xee: {  	[tilespmem:v12+s24+$0x0] =	vst.idx.msk $0x1, v11  }
0xef: {  	v9 =	vld [tilespmem:s14+$0x20]  }
0xf0: {  	v11 =	vld [tilespmem:s0+$0x20]  }
0xf1: {  	v10 =	vld [tilespmem:s14+$0x30]  }
0xf2: {  	v12 =	vld [tilespmem:s0+$0x30]  }
0xf3: {  	v15 =	vld [tilespmem:s0+$0x0]  }
0xf4: {  	v17 =	vld [tilespmem:s14+$0x0]  }
0xf5: {  	v14 =	vld [tilespmem:s14+$0x10]  }
0xf6: {  	v16 =	vld [tilespmem:s0+$0x10]  }
0xf7: {  	v19 =	vld [tilespmem:s14+$0x50];
	v10 =	vadd.f32 v10, v12  }
0xf8: {  	v20 =	vld [tilespmem:s14+$0x70];
	v9 =	vadd.f32 v9, v11  }
0xf9: {  	v13 =	vld [tilespmem:s0+$0x50];
	v22 =	vadd.f32 v17, v15;
	v21 =	vmul.f32 $1.442695020e+00, v10  }
0xfa: {  	v23 =	vld [tilespmem:s14+$0x40];
	v17 =	vmul.f32 $1.442695020e+00, v9  }
0xfb: {  	v18 =	vld [tilespmem:s0+$0x40];
	v33 =	vadd.f32 v14, v16;
	(erf) = vpow2.f32 v21;
	v21 =	vmul.f32 $1.442695020e+00, v22  }
0xfc: {  	v35 =	vld [tilespmem:s14+$0x60];
	(erf) = vpow2.f32 v17  }
0xfd: {  	v14 =	vld [tilespmem:s0+$0x70];
	v34 =	vmul.f32 $1.442695020e+00, v33;
	(erf) = vpow2.f32 v21  }
0xfe: {  	v17 =	vld [tilespmem:s0+$0x60]  }
0xff: {  	v19 =	vadd.f32 v19, v13;
	(erf) = vpow2.f32 v34  }
0x100: {  	v21 =	vadd.f32 v23, v18  }
0x101: {  	v23 =	vmul.f32 $1.442695020e+00, v19  }
0x102: {  	v20 =	vadd.f32 v20, v14;
	v36 =	vmul.f32 $1.442695020e+00, v21  }
0x103: {  	(erf) = vpow2.f32 v23;
	v23 =	vadd.f32 v35, v17  }
0x104: {  	v37 =	vmul.f32 $1.442695020e+00, v20;
	(erf) = vpow2.f32 v36;
	v38 =	vpop (erf)  }
0x105: {  	v39 =	vmul.f32 $1.442695020e+00, v23;
	v25 =	vadd.f32 $1.000000000e+00, v38;
	v40 =	vpop (erf)  }
0x106: {  	(erf) = vpow2.f32 v37;
	v41 =	vadd.f32 $1.000000000e+00, v40;
	v42 =	vpop (erf)  }
0x107: {  	(erf) = vpow2.f32 v39;
	v25 =	vmul.f32 v25, v25;
	v43 =	vadd.f32 $1.000000000e+00, v42  }
0x108: {  	v44 =	vpop (erf);
	v26 =	vmul.f32 v41, v41  }
0x109: {  	v28 =	vadd.f32 $1.000000000e+00, v44;
	v25 =	vadd.f32 $1.000000000e+00, v25;
	v27 =	vmul.f32 v43, v43  }
0x10a: {  	v26 =	vadd.f32 $1.000000000e+00, v26  }
0x10b: {  	v28 =	vmul.f32 v28, v28;
	(erf) = vrcp.f32 v25;
	v45 =	vadd.f32 $1.000000000e+00, v27  }
0x10c: {  	v46 =	vpop (erf);
	(erf) = vrcp.f32 v26  }
0x10d: {  	v47 =	vpop (erf);
	v27 =	vadd.f32 $1.000000000e+00, v46;
	v28 =	vadd.f32 $1.000000000e+00, v28;
	(erf) = vrcp.f32 v45  }
0x10e: {  	v48 =	vadd.f32 $1.000000000e+00, v47  }
0x10f: {  	v49 =	vmul.f32 v27, v27;
	v50 =	vpop (erf);
	(erf) = vrcp.f32 v28  }
0x110: {  	v25 =	vmul.f32 v48, v48;
	v27 =	vadd.f32 $1.000000000e+00, v50;
	v51 =	vpop (erf)  }
0x111: {  	v26 =	vadd.f32 $1.000000000e+00, v49;
	v28 =	vadd.f32 $1.000000000e+00, v51  }
0x112: {  	v25 =	vadd.f32 $1.000000000e+00, v25;
	v27 =	vmul.f32 v27, v27  }
0x113: {  	(erf) = vrcp.f32 v26;
	v52 =	vmul.f32 v28, v28  }
0x114: {  	v27 =	vadd.f32 $1.000000000e+00, v27;
	(erf) = vrcp.f32 v25;
	v53 =	vpop (erf)  }
0x115: {  	v26 =	vadd.f32 $1.000000000e+00, v52;
	v54 =	vpop (erf)  }
0x116: {  	v9 =	vmul.f32 v9, v3;
	(erf) = vrcp.f32 v27;
	v56 =	vpop (erf)  }
0x117: {  	v22 =	vmul.f32 v22, v1;
	(erf) = vrcp.f32 v26;
	v57 =	vadd.f32 v56, v56  }
0x118: {  	v10 =	vmul.f32 v10, v4;
	v24 =	vmul.f32 v33, v2;
	v25 =	vadd.f32 v53, v53;
	v58 =	vpop (erf)  }
0x119: {  	v55 =	vadd.f32 v54, v54;
	v28 =	vadd.f32 v58, v58;
	v26 =	vmul.f32 v57, v22  }
0x11a: {  	v25 =	vmul.f32 v25, v10  }
0x11b: {  	v27 =	vmul.f32 v55, v9;
	v28 =	vmul.f32 v28, v24;
	v22 =	vsub.f32 v22, v26  }
0x11c: {  	v10 =	vsub.f32 v10, v25;
	v59 =	vpop (erf)  }
0x11d: {  	v19 =	vmul.f32 v19, v6;
	v9 =	vsub.f32 v9, v27;
	v60 =	vpop (erf);
	v24 =	vsub.f32 v24, v28  }
0x11e: {  	v21 =	vmul.f32 v21, v5;
	v25 =	vadd.f32 v59, v59;
	v26 =	vadd.f32 v60, v60  }
0x11f: {  	v20 =	vmul.f32 v20, v8;
	v9 =	vadd.f32 v10, v9;
	v10 =	vadd.f32 v24, v22;
	v22 =	vpop (erf)  }
0x120: {  	v61 =	vmul.f32 v25, v19;
	v62 =	vmul.f32 v26, v21;
	v63 =	vpop (erf)  }
0x121: {  	v23 =	vmul.f32 v23, v7;
	v22 =	vadd.f32 v22, v22;
	(xrf2) =	vadd.scan.msk.f32 $0xffff, v10;
	v26 =	vadd.f32 v63, v63  }
0x122: {  	v19 =	vsub.f32 v19, v61;
	v21 =	vsub.f32 v21, v62;
	(xrf2) =	vadd.scan.msk.f32 $0xffff, v9  }
0x123: {  	v10 =	vmul.f32 v22, v20;
	v22 =	vmul.f32 v26, v23  }
0x124: {  	v9 =	vadd.f32 v19, v21  }
0x125: {  	v10 =	vsub.f32 v20, v10;
	v19 =	vsub.f32 v23, v22;
	_ =	sdelay $0x1  }
0x126: {  	(xrf2) =	vadd.scan.msk.f32 $0xffff, v9;
	v9 =	vadd.f32 v10, v19;
	_ =	sdelay $0x2  }
0x127: {  	(xrf2) =	vadd.scan.msk.f32 $0xffff, v9  }
0x128: {  	v9, _, _ =	vpop (xrf2)  }
0x129: {  	v9 =	vmul.f32 $1.442695020e+00, v9;
	v10, _, _ =	vpop (xrf2)  }
0x12a: {  	v10 =	vmul.f32 $1.442695020e+00, v10  }
0x12b: {  	v9 =	vbroadcast v9, $0xF;
	_ =	sdelay $0x1  }
0x12c: {  	v19 =	vbroadcast v10, $0xF;
	(erf) = vpow2.f32 v9  }
0x12d: {  	v10, _, _ =	vpop (xrf2)  }
0x12e: {  	s29 =	simm.s32 $0x5;
	v21 =	vmul.f32 $1.442695020e+00, v10  }
0x12f: {  	s3 =	simm.s32 $0x6;
	v20 =	vmov s29;
	(erf) = vpow2.f32 v19  }
0x130: {  	s5 =	simm.s32 $0x0;
	s2 =	simm.s32 $0x4;
	v9 =	vmov s3;
	v10 =	vand.u32 $0xFFFFFFFD, v20;
	v19, _, _ =	vpop (xrf2);
	v20 =	vbroadcast v21, $0xF  }
0x131: {  	s11 =	simm.s32 $0x7;
	s19 =	simm.s32 $0x480;
	s25 =	simm.s32 $0x7;
	v9 =	vand.u32 $0xFFFFFFFE, v9;
	v19 =	vmul.f32 $1.442695020e+00, v19  }
.LBB2_5:
0x132: {  	s5 =	sadd.s32 $0x2, s5;
	v21 =	vmov s2;
	s11 =	sadd.s32 $0x8, s11;
	s14 =	sadd.s32 $0x100, s14;
	(erf) = vpow2.f32 v20  }
0x133: {  	s2 =	sadd.s32 $0xFFFFFFFE, s11;
	s3 =	sadd.s32 $0xFFFFFFFF, s11;
	p2 =	slt.u32 s5, $0x3E;
	v20 =	vand.u32 $0xFFFFFFFC, v21;
	v19 =	vbroadcast v19, $0xF  }
0x134: {  	v21 =	vmov s2;
	v22 =	vmov s3;
	v20 =	vbroadcast v20, $0x0  }
0x135: {  	v21 =	vand.u32 $0xFFFFFFFD, v21;
	v22 =	vand.u32 $0xFFFFFFFE, v22;
	v23 =	vpop (erf);
	(erf) = vpow2.f32 v19  }
0x136: {  	v24 =	vmul.f32 v23, v15;
	v16 =	vmul.f32 v23, v16  }
0x137: {  	v19 =	vbroadcast v10, $0x0;
	v10 =	vmov v21  }
0x138: {  	[tilespmem:s0+$0x0] =	vst v24;
	v15 =	vpop (erf)  }
0x139: {  	[tilespmem:s0+$0x10] =	vst v16;
	v21 =	vmul.f32 v15, v11;
	v12 =	vmul.f32 v15, v12  }
0x13a: {  	v16 =	vbroadcast v9, $0x0;
	v9 =	vmov v22;
	[tilespmem:v20+s24+$0x0] =	vst.idx.msk $0x1, v23  }
0x13b: {  	[tilespmem:s0+$0x20] =	vst v21;
	v11 =	vpop (erf)  }
0x13c: {  	[tilespmem:s0+$0x30] =	vst v12;
	v12 =	vmul.f32 v11, v18  }
0x13d: {  	v13 =	vmul.f32 v11, v13;
	[tilespmem:v19+s24+$0x0] =	vst.idx.msk $0x1, v15  }
0x13e: {  	[tilespmem:s0+$0x40] =	vst v12;
	v12 =	vmov s25;
	v15 =	vpop (erf);
	s25 =	smov.u32 s11  }
0x13f: {  	[tilespmem:s0+$0x50] =	vst v13;
	v13 =	vmul.f32 v15, v17  }
0x140: {  	[tilespmem:v16+s24+$0x0] =	vst.idx.msk $0x1, v11;
	v11 =	vmul.f32 v15, v14  }
0x141: {  	[tilespmem:s0+$0x60] =	vst v13  }
0x142: {  	[tilespmem:s0+$0x70] =	vst v11;
	s0 =	smov.u32 s19  }
0x143: {  	[tilespmem:v12+s24+$0x0] =	vst.idx.msk $0x1, v15  }
0x144: {  	v19 =	vld [tilespmem:s14+$0xFFFFFFF0]  }
0x145: {  	v18 =	vld [tilespmem:s14+$0xFFFFFFD0]  }
0x146: {  	v13 =	vld [tilespmem:s14+$0xFFFFFFB0]  }
0x147: {  	v16 =	vld [tilespmem:s19+$0xFFFFFF80]  }
0x148: {  	v17 =	vld [tilespmem:s19+$0xFFFFFF90]  }
0x149: {  	v12 =	vld [tilespmem:s14+$0xFFFFFF90]  }
0x14a: {  	v15 =	vld [tilespmem:s14+$0xFFFFFF80]  }
0x14b: {  	v11 =	vld [tilespmem:s19+$0xFFFFFFB0]  }
0x14c: {  	v20 =	vld [tilespmem:s14+$0xFFFFFFA0]  }
0x14d: {  	v14 =	vld [tilespmem:s19+$0xFFFFFFA0]  }
0x14e: {  	v21 =	vadd.f32 v12, v17;
	v12 =	vld [tilespmem:s19+$0xFFFFFFD0]  }
0x14f: {  	v22 =	vadd.f32 v15, v16;
	v23 =	vld [tilespmem:s14+$0xFFFFFFC0]  }
0x150: {  	v24 =	vmul.f32 $1.442695020e+00, v21;
	v25 =	vadd.f32 v13, v11;
	v15 =	vld [tilespmem:s19+$0xFFFFFFC0]  }
0x151: {  	v26 =	vmul.f32 $1.442695020e+00, v22;
	v13 =	vld [tilespmem:s19+$0xFFFFFFF0]  }
0x152: {  	v20 =	vadd.f32 v20, v14;
	v27 =	vmul.f32 $1.442695020e+00, v25;
	v28 =	vld [tilespmem:s14+$0xFFFFFFE0];
	(erf) = vpow2.f32 v24  }
0x153: {  	v24 =	vadd.f32 v18, v12;
	v18 =	vld [tilespmem:s19+$0xFFFFFFE0];
	(erf) = vpow2.f32 v26  }
0x154: {  	v26 =	vmul.f32 $1.442695020e+00, v20;
	(erf) = vpow2.f32 v27  }
0x155: {  	v23 =	vadd.f32 v23, v15;
	v27 =	vmul.f32 $1.442695020e+00, v24  }
0x156: {  	v19 =	vadd.f32 v19, v13;
	(erf) = vpow2.f32 v26  }
0x157: {  	v26 =	vmul.f32 $1.442695020e+00, v23;
	(erf) = vpow2.f32 v27  }
0x158: {  	v27 =	vadd.f32 v28, v18;
	v29 =	vmul.f32 $1.442695020e+00, v19  }
0x159: {  	(erf) = vpow2.f32 v26  }
0x15a: {  	v26 =	vmul.f32 $1.442695020e+00, v27;
	(erf) = vpow2.f32 v29  }
0x15b: {  	v28 =	vpop (erf)  }
0x15c: {  	v28 =	vadd.f32 $1.000000000e+00, v28;
	v29 =	vpop (erf);
	(erf) = vpow2.f32 v26  }
0x15d: {  	v26 =	vadd.f32 $1.000000000e+00, v29;
	v29 =	vpop (erf)  }
0x15e: {  	v28 =	vmul.f32 v28, v28;
	v29 =	vadd.f32 $1.000000000e+00, v29  }
0x15f: {  	v26 =	vmul.f32 v26, v26;
	v30 =	vpop (erf)  }
0x160: {  	v32 =	vadd.f32 $1.000000000e+00, v28;
	v30 =	vadd.f32 $1.000000000e+00, v30;
	v29 =	vmul.f32 v29, v29;
	v31 =	vpop (erf)  }
0x161: {  	v33 =	vadd.f32 $1.000000000e+00, v26;
	v31 =	vadd.f32 $1.000000000e+00, v31  }
0x162: {  	v30 =	vmul.f32 v30, v30;
	v29 =	vadd.f32 $1.000000000e+00, v29;
	(erf) = vrcp.f32 v32;
	v28 =	vpop (erf)  }
0x163: {  	v28 =	vadd.f32 $1.000000000e+00, v28;
	v32 =	vmul.f32 v31, v31;
	(erf) = vrcp.f32 v33;
	v26 =	vpop (erf)  }
0x164: {  	v30 =	vadd.f32 $1.000000000e+00, v30;
	v26 =	vadd.f32 $1.000000000e+00, v26;
	(erf) = vrcp.f32 v29  }
0x165: {  	v28 =	vmul.f32 v28, v28;
	v29 =	vadd.f32 $1.000000000e+00, v32;
	v31 =	vpop (erf)  }
0x166: {  	v31 =	vadd.f32 $1.000000000e+00, v31;
	v26 =	vmul.f32 v26, v26;
	(erf) = vrcp.f32 v30  }
0x167: {  	v28 =	vadd.f32 $1.000000000e+00, v28;
	(erf) = vrcp.f32 v29  }
0x168: {  	v29 =	vmul.f32 v31, v31;
	v30 =	vadd.f32 $1.000000000e+00, v26  }
0x169: {  	(erf) = vrcp.f32 v28  }
0x16a: {  	v28 =	vadd.f32 $1.000000000e+00, v29;
	(erf) = vrcp.f32 v30  }
0x16b: {  	v26 =	vpop (erf)  }
0x16c: {  	v21 =	vmul.f32 v21, v2;
	v26 =	vadd.f32 v26, v26;
	v29 =	vpop (erf);
	(erf) = vrcp.f32 v28  }
0x16d: {  	v22 =	vmul.f32 v22, v1;
	v28 =	vadd.f32 v29, v29;
	v29 =	vpop (erf)  }
0x16e: {  	v25 =	vmul.f32 v25, v4;
	v26 =	vmul.f32 v26, v21;
	v29 =	vadd.f32 v29, v29  }
0x16f: {  	v20 =	vmul.f32 v20, v3;
	v28 =	vmul.f32 v28, v22;
	v30 =	vpop (erf)  }
0x170: {  	v21 =	vsub.f32 v21, v26;
	v26 =	vadd.f32 v30, v30;
	v31 =	vmul.f32 v29, v25;
	v30 =	vpop (erf)  }
0x171: {  	v24 =	vmul.f32 v24, v6;
	v32 =	vsub.f32 v22, v28;
	v28 =	vadd.f32 v30, v30  }
0x172: {  	v23 =	vmul.f32 v23, v5;
	v26 =	vmul.f32 v26, v20;
	v25 =	vsub.f32 v25, v31;
	v29 =	vpop (erf)  }
0x173: {  	v30 =	vadd.f32 v29, v29;
	v28 =	vmul.f32 v28, v24;
	v21 =	vadd.f32 v21, v32;
	v22 =	vpop (erf)  }
0x174: {  	v19 =	vmul.f32 v19, v8;
	v20 =	vsub.f32 v20, v26;
	v22 =	vadd.f32 v22, v22  }
0x175: {  	v27 =	vmul.f32 v27, v7;
	v26 =	vmul.f32 v30, v23;
	v29 =	vpop (erf);
	(xrf2) =	vadd.scan.msk.f32 $0xffff, v21  }
0x176: {  	v21 =	vadd.f32 v29, v29;
	v22 =	vmul.f32 v22, v19;
	v20 =	vadd.f32 v25, v20  }
0x177: {  	v24 =	vsub.f32 v24, v28;
	v23 =	vsub.f32 v23, v26  }
0x178: {  	v21 =	vmul.f32 v21, v27;
	v19 =	vsub.f32 v19, v22;
	(xrf2) =	vadd.scan.msk.f32 $0xffff, v20  }
0x179: {  	v20 =	vadd.f32 v24, v23  }
0x17a: {  	v21 =	vsub.f32 v27, v21  }
0x17b: {  	(xrf2) =	vadd.scan.msk.f32 $0xffff, v20  }
0x17c: {  	v20 =	vadd.f32 v19, v21;
	_ =	sdelay $0x1  }
0x17d: {  	(xrf2) =	vadd.scan.msk.f32 $0xffff, v20  }
0x17e: {  	v19, _, _ =	vpop (xrf2)  }
0x17f: {  	v19 =	vmul.f32 $1.442695020e+00, v19;
	_ =	sdelay $0x1  }
0x180: {  	v19 =	vbroadcast v19, $0xF;
	v20, _, _ =	vpop (xrf2)  }
0x181: {  	v21 =	vmul.f32 $1.442695020e+00, v20  }
0x182: {  	(erf) = vpow2.f32 v19  }
0x183: {  	v19 =	vbroadcast v21, $0xF;
	v20, _, _ =	vpop (xrf2)  }
0x184: {  	v21 =	vmul.f32 $1.442695020e+00, v20  }
0x185: {  	(erf) = vpow2.f32 v19  }
0x186: {  	s2 =	sadd.s32 $0xFFFFFFF9, s11;
	v19 =	vbroadcast v21, $0xF;
	v20, _, _ =	vpop (xrf2)  }
0x187: {  	v21 =	vmov s2;
	v20 =	vmul.f32 $1.442695020e+00, v20  }
0x188: {  	s2 =	sadd.s32 $0xFFFFFFFA, s11;
	v21 =	vand.u32 $0xFFFFFFF8, v21;
	(erf) = vpow2.f32 v19  }
0x189: {  	v19 =	vbroadcast v21, $0x0;
	v21 =	vmov s2;
	v20 =	vbroadcast v20, $0xF  }
0x18a: {  	s2 =	sadd.s32 $0xFFFFFFFB, s11;
	v21 =	vand.u32 $0xFFFFFFF9, v21  }
0x18b: {  	v22 =	vmov s2;
	v21 =	vbroadcast v21, $0x0;
	v23 =	vpop (erf);
	(erf) = vpow2.f32 v20  }
0x18c: {  	s2 =	sadd.s32 $0xFFFFFFFC, s11;
	v20 =	vand.u32 $0xFFFFFFFA, v22;
	v16 =	vmul.f32 v23, v16;
	v17 =	vmul.f32 v23, v17  }
0x18d: {  	v24 =	vmov s2;
	v20 =	vbroadcast v20, $0x0  }
0x18e: {  	[tilespmem:s19+$0xFFFFFF80] =	vst v16;
	v16 =	vand.u32 $0xFFFFFFFB, v24;
	v22 =	vpop (erf)  }
0x18f: {  	[tilespmem:s19+$0xFFFFFF90] =	vst v17;
	v17 =	vmul.f32 v22, v14;
	v16 =	vbroadcast v16, $0x0  }
0x190: {  	v11 =	vmul.f32 v22, v11;
	[tilespmem:v19+s24+$0x0] =	vst.idx.msk $0x1, v23  }
0x191: {  	[tilespmem:s19+$0xFFFFFFA0] =	vst v17;
	v14 =	vpop (erf)  }
0x192: {  	[tilespmem:s19+$0xFFFFFFB0] =	vst v11;
	v15 =	vmul.f32 v14, v15;
	v12 =	vmul.f32 v14, v12  }
0x193: {  	[tilespmem:v21+s24+$0x0] =	vst.idx.msk $0x1, v22  }
0x194: {  	[tilespmem:s19+$0xFFFFFFC0] =	vst v15;
	v11 =	vpop (erf)  }
0x195: {  	[tilespmem:s19+$0xFFFFFFD0] =	vst v12;
	v12 =	vmul.f32 v11, v18;
	v13 =	vmul.f32 v11, v13  }
0x196: {  	[tilespmem:v20+s24+$0x0] =	vst.idx.msk $0x1, v14  }
0x197: {  	[tilespmem:s19+$0xFFFFFFE0] =	vst v12  }
0x198: {  	[tilespmem:s19+$0xFFFFFFF0] =	vst v13  }
0x199: {  	[tilespmem:v16+s24+$0x0] =	vst.idx.msk $0x1, v11  }
0x19a: {  	v17 =	vld [tilespmem:s14+$0x50]  }
0x19b: {  	v13 =	vld [tilespmem:s14+$0x20]  }
0x19c: {  	v11 =	vld [tilespmem:s19+$0x20]  }
0x19d: {  	v14 =	vld [tilespmem:s14+$0x30]  }
0x19e: {  	v18 =	vld [tilespmem:s14+$0x10]  }
0x19f: {  	v12 =	vld [tilespmem:s19+$0x30]  }
0x1a0: {  	v15 =	vld [tilespmem:s19+$0x0]  }
0x1a1: {  	v16 =	vld [tilespmem:s19+$0x10]  }
0x1a2: {  	v19 =	vld [tilespmem:s14+$0x0];
	_ =	sdelay $0x1  }
0x1a3: {  	v20 =	vadd.f32 v14, v12;
	_ =	sdelay $0x1  }
0x1a4: {  	v21 =	vadd.f32 v13, v11;
	v14 =	vmul.f32 $1.442695020e+00, v20;
	v22 =	vld [tilespmem:s14+$0x70]  }
0x1a5: {  	v23 =	vadd.f32 v18, v16;
	v19 =	vadd.f32 v19, v15;
	v13 =	vld [tilespmem:s19+$0x50]  }
0x1a6: {  	v24 =	vmul.f32 $1.442695020e+00, v21;
	v25 =	vld [tilespmem:s14+$0x40];
	(erf) = vpow2.f32 v14  }
0x1a7: {  	v27 =	vmul.f32 $1.442695020e+00, v23;
	v26 =	vmul.f32 $1.442695020e+00, v19;
	v18 =	vld [tilespmem:s19+$0x40]  }
0x1a8: {  	v14 =	vld [tilespmem:s19+$0x70];
	(erf) = vpow2.f32 v24  }
0x1a9: {  	v24 =	vld [tilespmem:s14+$0x60];
	(erf) = vpow2.f32 v26  }
0x1aa: {  	v26 =	vadd.f32 v17, v13;
	v17 =	vld [tilespmem:s19+$0x60];
	(erf) = vpow2.f32 v27;
	_ =	sdelay $0x1  }
0x1ab: {  	v25 =	vadd.f32 v25, v18;
	v27 =	vmul.f32 $1.442695020e+00, v26  }
0x1ac: {  	v22 =	vadd.f32 v22, v14  }
0x1ad: {  	v28 =	vmul.f32 $1.442695020e+00, v25;
	(erf) = vpow2.f32 v27  }
0x1ae: {  	v24 =	vadd.f32 v24, v17;
	v27 =	vmul.f32 $1.442695020e+00, v22;
	v29 =	vpop (erf)  }
0x1af: {  	v29 =	vadd.f32 $1.000000000e+00, v29;
	(erf) = vpow2.f32 v28  }
0x1b0: {  	v28 =	vmul.f32 $1.442695020e+00, v24;
	v30 =	vpop (erf);
	(erf) = vpow2.f32 v27  }
0x1b1: {  	v27 =	vadd.f32 $1.000000000e+00, v30;
	v29 =	vmul.f32 v29, v29;
	v30 =	vpop (erf)  }
0x1b2: {  	v30 =	vadd.f32 $1.000000000e+00, v30;
	v31 =	vpop (erf);
	(erf) = vpow2.f32 v28  }
0x1b3: {  	v28 =	vadd.f32 $1.000000000e+00, v31;
	v27 =	vmul.f32 v27, v27;
	v29 =	vadd.f32 $1.000000000e+00, v29  }
0x1b4: {  	v31 =	vmul.f32 v30, v30  }
0x1b5: {  	v28 =	vmul.f32 v28, v28;
	v32 =	vadd.f32 $1.000000000e+00, v27;
	(erf) = vrcp.f32 v29  }
0x1b6: {  	v29 =	vadd.f32 $1.000000000e+00, v31;
	v30 =	vpop (erf)  }
0x1b7: {  	v31 =	vadd.f32 $1.000000000e+00, v28;
	v30 =	vadd.f32 $1.000000000e+00, v30;
	(erf) = vrcp.f32 v32  }
0x1b8: {  	(erf) = vrcp.f32 v29;
	v27 =	vpop (erf)  }
0x1b9: {  	v27 =	vadd.f32 $1.000000000e+00, v27;
	v29 =	vmul.f32 v30, v30;
	(erf) = vrcp.f32 v31;
	v28 =	vpop (erf)  }
0x1ba: {  	v28 =	vadd.f32 $1.000000000e+00, v28  }
0x1bb: {  	v27 =	vmul.f32 v27, v27;
	v29 =	vadd.f32 $1.000000000e+00, v29;
	v30 =	vpop (erf)  }
0x1bc: {  	v31 =	vadd.f32 $1.000000000e+00, v30;
	v28 =	vmul.f32 v28, v28  }
0x1bd: {  	v27 =	vadd.f32 $1.000000000e+00, v27;
	(erf) = vrcp.f32 v29  }
0x1be: {  	v31 =	vmul.f32 v31, v31;
	v28 =	vadd.f32 $1.000000000e+00, v28;
	v30 =	vpop (erf)  }
0x1bf: {  	v30 =	vadd.f32 v30, v30;
	(erf) = vrcp.f32 v27  }
0x1c0: {  	v27 =	vadd.f32 $1.000000000e+00, v31;
	v29 =	vpop (erf);
	(erf) = vrcp.f32 v28  }
0x1c1: {  	v21 =	vmul.f32 v21, v3;
	v20 =	vmul.f32 v20, v4;
	v28 =	vadd.f32 v29, v29;
	v29 =	vpop (erf)  }
0x1c2: {  	v19 =	vmul.f32 v19, v1;
	v29 =	vadd.f32 v29, v29;
	v31 =	vpop (erf);
	(erf) = vrcp.f32 v27  }
0x1c3: {  	v23 =	vmul.f32 v23, v2;
	v27 =	vadd.f32 v31, v31;
	v31 =	vmul.f32 v28, v21  }
0x1c4: {  	v30 =	vmul.f32 v30, v20;
	v29 =	vmul.f32 v29, v19  }
0x1c5: {  	v27 =	vmul.f32 v27, v23;
	v31 =	vsub.f32 v21, v31  }
0x1c6: {  	v20 =	vsub.f32 v20, v30;
	v28 =	vpop (erf)  }
0x1c7: {  	v19 =	vsub.f32 v19, v29;
	v29 =	vsub.f32 v23, v27  }
0x1c8: {  	v26 =	vmul.f32 v26, v6;
	v27 =	vadd.f32 v28, v28;
	v20 =	vadd.f32 v20, v31;
	v21 =	vpop (erf)  }
0x1c9: {  	v25 =	vmul.f32 v25, v5;
	v21 =	vadd.f32 v21, v21;
	v19 =	vadd.f32 v29, v19;
	v23 =	vpop (erf)  }
0x1ca: {  	v22 =	vmul.f32 v22, v8;
	v27 =	vmul.f32 v27, v26;
	v23 =	vadd.f32 v23, v23  }
0x1cb: {  	v21 =	vmul.f32 v21, v25;
	v28 =	vpop (erf);
	(xrf2) =	vadd.scan.msk.f32 $0xffff, v19  }
0x1cc: {  	v24 =	vmul.f32 v24, v7;
	v19 =	vadd.f32 v28, v28;
	v23 =	vmul.f32 v23, v22  }
0x1cd: {  	v21 =	vsub.f32 v25, v21;
	v25 =	vsub.f32 v26, v27  }
0x1ce: {  	v19 =	vmul.f32 v19, v24;
	(xrf2) =	vadd.scan.msk.f32 $0xffff, v20  }
0x1cf: {  	v20 =	vadd.f32 v25, v21  }
0x1d0: {  	v21 =	vsub.f32 v22, v23;
	v19 =	vsub.f32 v24, v19  }
0x1d1: {  	(xrf2) =	vadd.scan.msk.f32 $0xffff, v20  }
0x1d2: {  	v20 =	vadd.f32 v21, v19;
	_ =	sdelay $0x1  }
0x1d3: {  	(xrf2) =	vadd.scan.msk.f32 $0xffff, v20  }
0x1d4: {  	v19, _, _ =	vpop (xrf2)  }
0x1d5: {  	v19 =	vmul.f32 $1.442695020e+00, v19;
	_ =	sdelay $0x1  }
0x1d6: {  	v19 =	vbroadcast v19, $0xF;
	v20, _, _ =	vpop (xrf2)  }
0x1d7: {  	v21 =	vmul.f32 $1.442695020e+00, v20  }
0x1d8: {  	(erf) = vpow2.f32 v19  }
.Ltmp3:
0x1d9: {  	v21 =	vbroadcast v21, $0xF;
	v20, _, _ =	vpop (xrf2);
	(pc) =	sbr.rel @p2 .LBB2_5-.Ltmp3, $4  }
0x1da: {  	v20 =	vmul.f32 $1.442695020e+00, v20  }
0x1db: {  	(erf) = vpow2.f32 v21  }
0x1dc: {  	v20 =	vbroadcast v20, $0xF;
	v19, _, _ =	vpop (xrf2)  }
0x1dd: {  	s2 =	sadd.s32 $0xFFFFFFFD, s11;
	s19 =	sadd.s32 $0x100, s19;
	v19 =	vmul.f32 $1.442695020e+00, v19  }
0x1de: {  	v21 =	vmov s2;
	_ =	sdelay $0x2  }
0x1df: {  	(erf) = vpow2.f32 v20;
	v20 =	vand.u32 $0xFFFFFFFC, v21;
	v21 =	vpop (erf)  }
0x1e0: {  	v15 =	vmul.f32 v21, v15  }
0x1e1: {  	v19 =	vbroadcast v19, $0xF  }
0x1e2: {  	v20 =	vbroadcast v20, $0x0  }
0x1e3: {  	(erf) = vpow2.f32 v19  }
0x1e4: {  	v10 =	vbroadcast v10, $0x0;
	[tilespmem:s0+$0x0] =	vst v15;
	v15 =	vpop (erf)  }
0x1e5: {  	v16 =	vmul.f32 v21, v16;
	v11 =	vmul.f32 v15, v11;
	_ =	sdelay $0x1  }
0x1e6: {  	[tilespmem:s0+$0x10] =	vst v16  }
0x1e7: {  	v9 =	vbroadcast v9, $0x0;
	[tilespmem:v20+s24+$0x0] =	vst.idx.msk $0x1, v21;
	v12 =	vmul.f32 v15, v12  }
0x1e8: {  	[tilespmem:s0+$0x20] =	vst v11;
	v11 =	vpop (erf)  }
0x1e9: {  	[tilespmem:s0+$0x30] =	vst v12;
	v12 =	vmul.f32 v11, v18  }
0x1ea: {  	[tilespmem:v10+s24+$0x0] =	vst.idx.msk $0x1, v15;
	v10 =	vmul.f32 v11, v13  }
0x1eb: {  	v13 =	vpop (erf);
	[tilespmem:s0+$0x40] =	vst v12;
	v12 =	vmov s25  }
0x1ec: {  	[tilespmem:s0+$0x50] =	vst v10;
	v10 =	vmul.f32 v13, v17  }
0x1ed: {  	[tilespmem:v9+s24+$0x0] =	vst.idx.msk $0x1, v11;
	v9 =	vmul.f32 v13, v14  }
0x1ee: {  	[tilespmem:s0+$0x60] =	vst v10  }
0x1ef: {  	[tilespmem:s0+$0x70] =	vst v9  }
0x1f0: {  	[tilespmem:v12+s24+$0x0] =	vst.idx.msk $0x1, v13  }
0x1f1: {  	v9 =	vld [tilespmem:$0x100]  }
0x1f2: {  	v10 =	vld [tilespmem:$0x110]  }
0x1f3: {  	v11 =	vld [tilespmem:$0x120]  }
0x1f4: {  	v12 =	vld [tilespmem:$0x130];
	_ =	sdelay $0x1  }
0x1f5: {  	[tilespmem:$0x200] =	vst v9  }
0x1f6: {  	s29 =	sshll.u32 s10, $0x9;
	[tilespmem:$0x210] =	vst v10  }
0x1f7: {  	s2 =	sadd.s32 s17, s29;
	[tilespmem:$0x220] =	vst v11  }
0x1f8: {  	s1 =	simm.s32 $0x200;
	s0 =	sshrl.u32 s2, $0x3;
	[tilespmem:$0x230] =	vst v12  }
0x1f9: {  	[spmem:s4] =	stream.indirect.scatter.add.f32 [tilespmem:s8], [sflag:$0x3], $0x80, s1, s13, $0xb8;
	[tilespmem:$0x1BE00] =	vst v63  }
0x1fa: {  	p2 =	seq.s32 s10, $0x0;
	s0 =	sadd.s32 s9, s0  }
0x1fb: {  	[hbm4b:s0+s6] =	stream.linear.scatter [tilespmem:s24], [sflag:$0x5], $0x100, $0x38;
	[tilespmem:$0x1BE00] =	vst v63  }
0x1fc: {  	s0 =	simm.s32 @!p2 $0x4  }
0x1fd: {  	_ =	swait.ge @!p2 [sflag:s0], $0x2000  }
0x1fe: {  	[sflag:s0] =	ssyncset.done @!p2 $0x0  }
0x1ff: {  	[sflag:s0] =	ssyncadd.s32 @!p2 $0xFFFFE000;
	s0 =	simm.s32 @!p2 $0x6  }
0x200: {  	_ =	swait.ge @!p2 [sflag:s0], $0x100  }
0x201: {  	[sflag:s0] =	ssyncset.done @!p2 $0x0  }
0x202: {  	[sflag:s0] =	ssyncadd.s32 @!p2 $0xFFFFFF00  }
0x203: {  	_ =	swait.ge [sflag:s26], $0x40  }
0x204: {  	[sflag:s26] =	ssyncset.done $0x0  }
0x205: {  	[sflag:s26] =	ssyncadd.s32 $0xFFFFFFC0  }
0x206: {  	_ =	swait.ge [sflag:s26], $0x40  }
0x207: {  	[sflag:s26] =	ssyncset.done $0x0  }
0x208: {  	s0 =	sshll.u32 s10, $0x7;
	p2 =	seq.s32 s10, $0x4D;
	[sflag:s26] =	ssyncadd.s32 $0xFFFFFFC0  }
0x209: {  	s2 =	sadd.s32 @!p2 s0, s18;
	s3 =	rddreg [dreg:$0x0]  }
0x20a: {  	[tilespmem:s28], [sflag:$0x2] =	stream.indirect.gather [hbm4b:s3+s13], $0x80, s15, s13, $0xb8;
	[tilespmem:$0x1BE00] =	vst v63  }
0x20b: {  	s5 =	simm.s32 $0x6300;
	s2 =	sshrl.u32 @!p2 s2, $0x3;
	s1 =	rddreg [dreg:$0x2]  }
0x20c: {  	[tilespmem:s5], [sflag:$0x2] =	stream.indirect.gather [hbm4b:s7+s13], $0x80, s16, s13, $0xb8;
	[tilespmem:$0x1BE00] =	vst v63  }
0x20d: {  	s3 =	sadd.s32 @!p2 s1, s2;
	s1 =	rddreg [dreg:$0x3];
	s5 =	simm.s32 @!p2 $0x0  }
0x20e: {  	[tilespmem:s5], [sflag:$0x7] =	stream.linear.gather @!p2 [hbm4b:s3+s5], $0x40, $0x38;
	[tilespmem:$0x1BE00] =	vst v63  }
0x20f: {  	s2 =	sadd.s32 @!p2 s1, s2;
	s3 =	simm.s32 @!p2 $0x100  }
0x210: {  	[tilespmem:s3], [sflag:$0x7] =	stream.linear.gather @!p2 [hbm4b:s2+s5], $0x40, $0x38;
	[tilespmem:$0x1BE00] =	vst v63  }
0x211: {  	_ =	swait.ge [sflag:s30], $0x2000  }
0x212: {  	[sflag:s30] =	ssyncset.done $0x0  }
0x213: {  	[sflag:s30] =	ssyncadd.s32 $0xFFFFE000  }
0x214: {  	_ =	swait.ge [sflag:s30], $0x2000  }
0x215: {  	[sflag:s30] =	ssyncset.done $0x0  }
0x216: {  	s25 =	simm.s32 $0x6380;
	[sflag:s30] =	ssyncadd.s32 $0xFFFFE000  }
0x217: {  	v17 =	vld [tilespmem:s25+$0xFFFFFFF0]  }
0x218: {  	v18 =	vld [tilespmem:s25+$0xFFFFFFD0]  }
0x219: {  	s14 =	simm.s32 $0x2380;
	v10 =	vld [tilespmem:s25+$0xFFFFFFB0]  }
0x21a: {  	v16 =	vld [tilespmem:s14+$0xFFFFFF80]  }
0x21b: {  	v15 =	vld [tilespmem:s14+$0xFFFFFF90]  }
0x21c: {  	v9 =	vld [tilespmem:s25+$0xFFFFFF90]  }
0x21d: {  	v12 =	vld [tilespmem:s25+$0xFFFFFF80]  }
0x21e: {  	v11 =	vld [tilespmem:s14+$0xFFFFFFB0]  }
0x21f: {  	v13 =	vld [tilespmem:s25+$0xFFFFFFA0]  }
0x220: {  	v14 =	vld [tilespmem:s14+$0xFFFFFFA0]  }
0x221: {  	v21 =	vld [tilespmem:s25+$0xFFFFFFC0];
	v19 =	vadd.f32 v9, v15  }
0x222: {  	v9 =	vld [tilespmem:s14+$0xFFFFFFD0];
	v20 =	vadd.f32 v12, v16  }
0x223: {  	v26 =	vld [tilespmem:s25+$0xFFFFFFE0];
	v22 =	vmul.f32 $1.442695020e+00, v19  }
0x224: {  	v12 =	vld [tilespmem:s14+$0xFFFFFFC0];
	v24 =	vmul.f32 $1.442695020e+00, v20  }
0x225: {  	v23 =	vadd.f32 v10, v11;
	v10 =	vld [tilespmem:s14+$0xFFFFFFF0];
	(erf) = vpow2.f32 v22  }
0x226: {  	v25 =	vadd.f32 v13, v14;
	v13 =	vld [tilespmem:s14+$0xFFFFFFE0];
	(erf) = vpow2.f32 v24  }
0x227: {  	v22 =	vmul.f32 $1.442695020e+00, v23;
	v18 =	vadd.f32 v18, v9  }
0x228: {  	v40 =	vmul.f32 $1.442695020e+00, v25  }
0x229: {  	v21 =	vadd.f32 v21, v12;
	(erf) = vpow2.f32 v22;
	v22 =	vmul.f32 $1.442695020e+00, v18  }
0x22a: {  	v17 =	vadd.f32 v17, v10;
	(erf) = vpow2.f32 v40  }
0x22b: {  	v41 =	vmul.f32 $1.442695020e+00, v21;
	(erf) = vpow2.f32 v22;
	v22 =	vadd.f32 v26, v13  }
0x22c: {  	v42 =	vmul.f32 $1.442695020e+00, v17  }
0x22d: {  	(erf) = vpow2.f32 v41;
	v43 =	vmul.f32 $1.442695020e+00, v22  }
0x22e: {  	(erf) = vpow2.f32 v42;
	v44 =	vpop (erf)  }
0x22f: {  	(erf) = vpow2.f32 v43;
	v26 =	vadd.f32 $1.000000000e+00, v44;
	v27 =	vpop (erf)  }
0x230: {  	v45 =	vadd.f32 $1.000000000e+00, v27  }
0x231: {  	v26 =	vmul.f32 v26, v26  }
0x232: {  	v46 =	vpop (erf);
	v24 =	vmul.f32 v45, v45  }
0x233: {  	v27 =	vadd.f32 $1.000000000e+00, v46;
	v28 =	vpop (erf);
	v26 =	vadd.f32 $1.000000000e+00, v26  }
0x234: {  	v28 =	vadd.f32 $1.000000000e+00, v28;
	v24 =	vadd.f32 $1.000000000e+00, v24  }
0x235: {  	v27 =	vmul.f32 v27, v27;
	v29 =	vpop (erf);
	(erf) = vrcp.f32 v26  }
0x236: {  	v29 =	vadd.f32 $1.000000000e+00, v29;
	v28 =	vmul.f32 v28, v28;
	v47 =	vpop (erf);
	(erf) = vrcp.f32 v24  }
0x237: {  	v27 =	vadd.f32 $1.000000000e+00, v27;
	v26 =	vadd.f32 $1.000000000e+00, v47;
	v49 =	vpop (erf)  }
0x238: {  	v48 =	vmul.f32 v29, v29;
	v28 =	vadd.f32 $1.000000000e+00, v28;
	v29 =	vadd.f32 $1.000000000e+00, v49;
	v50 =	vpop (erf)  }
0x239: {  	(erf) = vrcp.f32 v27;
	v26 =	vmul.f32 v26, v26;
	v27 =	vadd.f32 $1.000000000e+00, v50  }
0x23a: {  	v24 =	vadd.f32 $1.000000000e+00, v48;
	v51 =	vmul.f32 v29, v29  }
0x23b: {  	(erf) = vrcp.f32 v28;
	v26 =	vadd.f32 $1.000000000e+00, v26;
	v52 =	vmul.f32 v27, v27  }
0x23c: {  	(erf) = vrcp.f32 v24;
	v53 =	vadd.f32 $1.000000000e+00, v51  }
0x23d: {  	(erf) = vrcp.f32 v26;
	v24 =	vadd.f32 $1.000000000e+00, v52  }
0x23e: {  	(erf) = vrcp.f32 v53;
	v54 =	vpop (erf)  }
0x23f: {  	v55 =	vpop (erf);
	(erf) = vrcp.f32 v24  }
0x240: {  	v19 =	vmul.f32 v19, v2  }
0x241: {  	v20 =	vmul.f32 v20, v1;
	v26 =	vadd.f32 v54, v54;
	v56 =	vadd.f32 v55, v55;
	_ =	sdelay $0x1  }
0x242: {  	v57 =	vpop (erf);
	v26 =	vmul.f32 v26, v19;
	v24 =	vmul.f32 v56, v20  }
0x243: {  	v25 =	vmul.f32 v25, v3;
	v23 =	vmul.f32 v23, v4;
	v27 =	vadd.f32 v57, v57;
	v58 =	vpop (erf)  }
0x244: {  	v18 =	vmul.f32 v18, v6;
	v19 =	vsub.f32 v19, v26;
	v60 =	vpop (erf);
	v20 =	vsub.f32 v20, v24  }
0x245: {  	v28 =	vadd.f32 v58, v58;
	v59 =	vmul.f32 v27, v23;
	v61 =	vadd.f32 v60, v60;
	v63 =	vpop (erf)  }
0x246: {  	v17 =	vmul.f32 v17, v8;
	v30 =	vpop (erf);
	v19 =	vadd.f32 v19, v20  }
0x247: {  	v62 =	vmul.f32 v28, v25;
	v20 =	vsub.f32 v23, v59;
	v23 =	vmul.f32 v61, v18;
	v32 =	vpop (erf)  }
0x248: {  	v24 =	vadd.f32 v30, v30;
	(xrf2) =	vadd.scan.msk.f32 $0xffff, v19;
	v19 =	vmul.f32 v22, v7;
	v22 =	vadd.f32 v32, v32  }
0x249: {  	v21 =	vmul.f32 v21, v5;
	v28 =	vadd.f32 v63, v63;
	v25 =	vsub.f32 v25, v62  }
0x24a: {  	v18 =	vsub.f32 v18, v23;
	v23 =	vmul.f32 v24, v17;
	v22 =	vmul.f32 v22, v19  }
0x24b: {  	v31 =	vmul.f32 v28, v21;
	v20 =	vadd.f32 v20, v25  }
0x24c: {  	v17 =	vsub.f32 v17, v23;
	v19 =	vsub.f32 v19, v22  }
0x24d: {  	v21 =	vsub.f32 v21, v31;
	(xrf2) =	vadd.scan.msk.f32 $0xffff, v20  }
0x24e: {  	v17 =	vadd.f32 v17, v19  }
0x24f: {  	v18 =	vadd.f32 v18, v21;
	_ =	sdelay $0x1  }
0x250: {  	(xrf2) =	vadd.scan.msk.f32 $0xffff, v18  }
0x251: {  	(xrf2) =	vadd.scan.msk.f32 $0xffff, v17;
	v17, _, _ =	vpop (xrf2)  }
0x252: {  	v17 =	vmul.f32 $1.442695020e+00, v17;
	_ =	sdelay $0x1  }
0x253: {  	v17 =	vbroadcast v17, $0xF;
	_ =	sdelay $0x1  }
0x254: {  	v18, _, _ =	vpop (xrf2);
	(erf) = vpow2.f32 v17  }
0x255: {  	v18 =	vmul.f32 $1.442695020e+00, v18;
	_ =	sdelay $0x1  }
0x256: {  	v17 =	vbroadcast v18, $0xF;
	_ =	sdelay $0x1  }
0x257: {  	v18, _, _ =	vpop (xrf2);
	(erf) = vpow2.f32 v17  }
0x258: {  	v18 =	vmul.f32 $1.442695020e+00, v18;
	_ =	sdelay $0x1  }
0x259: {  	v17 =	vbroadcast v18, $0xF  }
0x25a: {  	s11 =	simm.s32 $0x0;
	v20 =	vpop (erf)  }
0x25b: {  	v19 =	vmov s11;
	v18, _, _ =	vpop (xrf2);
	(erf) = vpow2.f32 v17;
	v16 =	vmul.f32 v20, v16  }
0x25c: {  	v17 =	vand.u32 $0xFFFFFFF8, v19;
	v18 =	vmul.f32 $1.442695020e+00, v18  }
0x25d: {  	v17 =	vbroadcast v17, $0x0  }
0x25e: {  	v18 =	vbroadcast v18, $0xF  }
0x25f: {  	s19 =	simm.s32 $0x1;
	v15 =	vmul.f32 v20, v15;
	[tilespmem:s14+$0xFFFFFF80] =	vst v16;
	v16 =	vpop (erf)  }
0x260: {  	v19 =	vmov s19;
	(erf) = vpow2.f32 v18;
	v14 =	vmul.f32 v16, v14  }
0x261: {  	v18 =	vand.u32 $0xFFFFFFF9, v19  }
0x262: {  	s1 =	simm.s32 $0x2;
	v18 =	vbroadcast v18, $0x0;
	[tilespmem:s14+$0xFFFFFF90] =	vst v15  }
0x263: {  	v19 =	vmov s1;
	[tilespmem:v17+s31+$0x0] =	vst.idx.msk $0x1, v20;
	v11 =	vmul.f32 v16, v11  }
0x264: {  	v19 =	vand.u32 $0xFFFFFFFA, v19;
	[tilespmem:s14+$0xFFFFFFA0] =	vst v14;
	v14 =	vpop (erf)  }
0x265: {  	s3 =	simm.s32 $0x3;
	v15 =	vbroadcast v19, $0x0;
	[tilespmem:s14+$0xFFFFFFB0] =	vst v11;
	v11 =	vmul.f32 v14, v12  }
0x266: {  	v17 =	vmov s3  }
0x267: {  	v17 =	vand.u32 $0xFFFFFFFB, v17  }
0x268: {  	[tilespmem:v18+s31+$0x0] =	vst.idx.msk $0x1, v16;
	v12 =	vbroadcast v17, $0x0;
	v9 =	vmul.f32 v14, v9  }
0x269: {  	[tilespmem:s14+$0xFFFFFFC0] =	vst v11;
	v11 =	vpop (erf)  }
0x26a: {  	[tilespmem:s14+$0xFFFFFFD0] =	vst v9;
	v9 =	vmul.f32 v11, v13  }
0x26b: {  	[tilespmem:v15+s31+$0x0] =	vst.idx.msk $0x1, v14;
	v10 =	vmul.f32 v11, v10  }
0x26c: {  	[tilespmem:s14+$0xFFFFFFE0] =	vst v9  }
0x26d: {  	[tilespmem:s14+$0xFFFFFFF0] =	vst v10  }
0x26e: {  	[tilespmem:v12+s31+$0x0] =	vst.idx.msk $0x1, v11  }
0x26f: {  	v9 =	vld [tilespmem:s25+$0x20]  }
0x270: {  	v11 =	vld [tilespmem:s14+$0x20]  }
0x271: {  	v10 =	vld [tilespmem:s25+$0x30]  }
0x272: {  	v12 =	vld [tilespmem:s14+$0x30]  }
0x273: {  	v15 =	vld [tilespmem:s14+$0x0]  }
0x274: {  	v17 =	vld [tilespmem:s25+$0x0]  }
0x275: {  	v14 =	vld [tilespmem:s25+$0x10]  }
0x276: {  	v16 =	vld [tilespmem:s14+$0x10]  }
0x277: {  	v19 =	vld [tilespmem:s25+$0x50];
	v10 =	vadd.f32 v10, v12  }
0x278: {  	v20 =	vld [tilespmem:s25+$0x70];
	v9 =	vadd.f32 v9, v11  }
0x279: {  	v13 =	vld [tilespmem:s14+$0x50];
	v22 =	vadd.f32 v17, v15;
	v21 =	vmul.f32 $1.442695020e+00, v10  }
0x27a: {  	v23 =	vld [tilespmem:s25+$0x40];
	v17 =	vmul.f32 $1.442695020e+00, v9  }
0x27b: {  	v18 =	vld [tilespmem:s14+$0x40];
	v33 =	vadd.f32 v14, v16;
	(erf) = vpow2.f32 v21;
	v21 =	vmul.f32 $1.442695020e+00, v22  }
0x27c: {  	v35 =	vld [tilespmem:s25+$0x60];
	(erf) = vpow2.f32 v17  }
0x27d: {  	v14 =	vld [tilespmem:s14+$0x70];
	v34 =	vmul.f32 $1.442695020e+00, v33;
	(erf) = vpow2.f32 v21  }
0x27e: {  	v17 =	vld [tilespmem:s14+$0x60]  }
0x27f: {  	v19 =	vadd.f32 v19, v13;
	(erf) = vpow2.f32 v34  }
0x280: {  	v21 =	vadd.f32 v23, v18  }
0x281: {  	v23 =	vmul.f32 $1.442695020e+00, v19  }
0x282: {  	v20 =	vadd.f32 v20, v14;
	v36 =	vmul.f32 $1.442695020e+00, v21  }
0x283: {  	(erf) = vpow2.f32 v23;
	v23 =	vadd.f32 v35, v17  }
0x284: {  	v37 =	vmul.f32 $1.442695020e+00, v20;
	(erf) = vpow2.f32 v36;
	v38 =	vpop (erf)  }
0x285: {  	v39 =	vmul.f32 $1.442695020e+00, v23;
	v25 =	vadd.f32 $1.000000000e+00, v38;
	v40 =	vpop (erf)  }
0x286: {  	(erf) = vpow2.f32 v37;
	v41 =	vadd.f32 $1.000000000e+00, v40;
	v42 =	vpop (erf)  }
0x287: {  	(erf) = vpow2.f32 v39;
	v25 =	vmul.f32 v25, v25;
	v43 =	vadd.f32 $1.000000000e+00, v42  }
0x288: {  	v44 =	vpop (erf);
	v26 =	vmul.f32 v41, v41  }
0x289: {  	v28 =	vadd.f32 $1.000000000e+00, v44;
	v25 =	vadd.f32 $1.000000000e+00, v25;
	v27 =	vmul.f32 v43, v43  }
0x28a: {  	v26 =	vadd.f32 $1.000000000e+00, v26  }
0x28b: {  	v28 =	vmul.f32 v28, v28;
	(erf) = vrcp.f32 v25;
	v45 =	vadd.f32 $1.000000000e+00, v27  }
0x28c: {  	v46 =	vpop (erf);
	(erf) = vrcp.f32 v26  }
0x28d: {  	v47 =	vpop (erf);
	v27 =	vadd.f32 $1.000000000e+00, v46;
	v28 =	vadd.f32 $1.000000000e+00, v28;
	(erf) = vrcp.f32 v45  }
0x28e: {  	v48 =	vadd.f32 $1.000000000e+00, v47  }
0x28f: {  	v49 =	vmul.f32 v27, v27;
	v50 =	vpop (erf);
	(erf) = vrcp.f32 v28  }
0x290: {  	v25 =	vmul.f32 v48, v48;
	v27 =	vadd.f32 $1.000000000e+00, v50;
	v51 =	vpop (erf)  }
0x291: {  	v26 =	vadd.f32 $1.000000000e+00, v49;
	v28 =	vadd.f32 $1.000000000e+00, v51  }
0x292: {  	v25 =	vadd.f32 $1.000000000e+00, v25;
	v27 =	vmul.f32 v27, v27  }
0x293: {  	(erf) = vrcp.f32 v26;
	v52 =	vmul.f32 v28, v28  }
0x294: {  	v27 =	vadd.f32 $1.000000000e+00, v27;
	(erf) = vrcp.f32 v25;
	v53 =	vpop (erf)  }
0x295: {  	v26 =	vadd.f32 $1.000000000e+00, v52;
	v54 =	vpop (erf)  }
0x296: {  	v9 =	vmul.f32 v9, v3;
	(erf) = vrcp.f32 v27;
	v56 =	vpop (erf)  }
0x297: {  	v22 =	vmul.f32 v22, v1;
	(erf) = vrcp.f32 v26;
	v57 =	vadd.f32 v56, v56  }
0x298: {  	v10 =	vmul.f32 v10, v4;
	v24 =	vmul.f32 v33, v2;
	v25 =	vadd.f32 v53, v53;
	v58 =	vpop (erf)  }
0x299: {  	v55 =	vadd.f32 v54, v54;
	v28 =	vadd.f32 v58, v58;
	v26 =	vmul.f32 v57, v22  }
0x29a: {  	v25 =	vmul.f32 v25, v10  }
0x29b: {  	v27 =	vmul.f32 v55, v9;
	v28 =	vmul.f32 v28, v24;
	v22 =	vsub.f32 v22, v26  }
0x29c: {  	v10 =	vsub.f32 v10, v25;
	v59 =	vpop (erf)  }
0x29d: {  	v19 =	vmul.f32 v19, v6;
	v9 =	vsub.f32 v9, v27;
	v60 =	vpop (erf);
	v24 =	vsub.f32 v24, v28  }
0x29e: {  	v21 =	vmul.f32 v21, v5;
	v25 =	vadd.f32 v59, v59;
	v26 =	vadd.f32 v60, v60  }
0x29f: {  	v20 =	vmul.f32 v20, v8;
	v9 =	vadd.f32 v10, v9;
	v10 =	vadd.f32 v24, v22;
	v22 =	vpop (erf)  }
0x2a0: {  	v61 =	vmul.f32 v25, v19;
	v62 =	vmul.f32 v26, v21;
	v63 =	vpop (erf)  }
0x2a1: {  	v23 =	vmul.f32 v23, v7;
	v22 =	vadd.f32 v22, v22;
	(xrf2) =	vadd.scan.msk.f32 $0xffff, v10;
	v26 =	vadd.f32 v63, v63  }
0x2a2: {  	v19 =	vsub.f32 v19, v61;
	v21 =	vsub.f32 v21, v62;
	(xrf2) =	vadd.scan.msk.f32 $0xffff, v9  }
0x2a3: {  	v10 =	vmul.f32 v22, v20;
	v22 =	vmul.f32 v26, v23  }
0x2a4: {  	v9 =	vadd.f32 v19, v21  }
0x2a5: {  	v10 =	vsub.f32 v20, v10;
	v19 =	vsub.f32 v23, v22;
	_ =	sdelay $0x1  }
0x2a6: {  	(xrf2) =	vadd.scan.msk.f32 $0xffff, v9;
	v9 =	vadd.f32 v10, v19;
	_ =	sdelay $0x2  }
0x2a7: {  	(xrf2) =	vadd.scan.msk.f32 $0xffff, v9  }
0x2a8: {  	v9, _, _ =	vpop (xrf2)  }
0x2a9: {  	v9 =	vmul.f32 $1.442695020e+00, v9;
	v10, _, _ =	vpop (xrf2)  }
0x2aa: {  	v10 =	vmul.f32 $1.442695020e+00, v10  }
0x2ab: {  	v9 =	vbroadcast v9, $0xF;
	_ =	sdelay $0x1  }
0x2ac: {  	v19 =	vbroadcast v10, $0xF;
	(erf) = vpow2.f32 v9  }
0x2ad: {  	v10, _, _ =	vpop (xrf2)  }
0x2ae: {  	s5 =	simm.s32 $0x5;
	v21 =	vmul.f32 $1.442695020e+00, v10  }
0x2af: {  	s11 =	simm.s32 $0x6;
	v20 =	vmov s5;
	(erf) = vpow2.f32 v19  }
0x2b0: {  	s2 =	simm.s32 $0x2480;
	s19 =	simm.s32 $0x0;
	v9 =	vmov s11;
	v10 =	vand.u32 $0xFFFFFFFD, v20;
	v19, _, _ =	vpop (xrf2);
	v20 =	vbroadcast v21, $0xF  }
0x2b1: {  	s3 =	simm.s32 $0x4;
	s5 =	simm.s32 $0x7;
	s11 =	simm.s32 $0x7;
	v9 =	vand.u32 $0xFFFFFFFE, v9;
	v19 =	vmul.f32 $1.442695020e+00, v19  }
.LBB2_7:
0x2b2: {  	s19 =	sadd.s32 $0x2, s19;
	v21 =	vmov s3;
	s5 =	sadd.s32 $0x8, s5;
	s25 =	sadd.s32 $0x100, s25;
	(erf) = vpow2.f32 v20  }
0x2b3: {  	s3 =	sadd.s32 $0xFFFFFFFE, s5;
	s1 =	sadd.s32 $0xFFFFFFFF, s5;
	p3 =	slt.u32 s19, $0x3E;
	v20 =	vand.u32 $0xFFFFFFFC, v21;
	v19 =	vbroadcast v19, $0xF  }
0x2b4: {  	v21 =	vmov s3;
	v22 =	vmov s1;
	v20 =	vbroadcast v20, $0x0  }
0x2b5: {  	v21 =	vand.u32 $0xFFFFFFFD, v21;
	v22 =	vand.u32 $0xFFFFFFFE, v22;
	v23 =	vpop (erf);
	(erf) = vpow2.f32 v19  }
0x2b6: {  	v24 =	vmul.f32 v23, v15;
	v16 =	vmul.f32 v23, v16  }
0x2b7: {  	v19 =	vbroadcast v10, $0x0;
	v10 =	vmov v21  }
0x2b8: {  	[tilespmem:s14+$0x0] =	vst v24;
	v15 =	vpop (erf)  }
0x2b9: {  	[tilespmem:s14+$0x10] =	vst v16;
	v21 =	vmul.f32 v15, v11;
	v12 =	vmul.f32 v15, v12  }
0x2ba: {  	v16 =	vbroadcast v9, $0x0;
	v9 =	vmov v22;
	[tilespmem:v20+s31+$0x0] =	vst.idx.msk $0x1, v23  }
0x2bb: {  	[tilespmem:s14+$0x20] =	vst v21;
	v11 =	vpop (erf)  }
0x2bc: {  	[tilespmem:s14+$0x30] =	vst v12;
	v12 =	vmul.f32 v11, v18  }
0x2bd: {  	v13 =	vmul.f32 v11, v13;
	[tilespmem:v19+s31+$0x0] =	vst.idx.msk $0x1, v15  }
0x2be: {  	[tilespmem:s14+$0x40] =	vst v12;
	v12 =	vmov s11;
	v15 =	vpop (erf);
	s11 =	smov.u32 s5  }
0x2bf: {  	[tilespmem:s14+$0x50] =	vst v13;
	v13 =	vmul.f32 v15, v17  }
0x2c0: {  	[tilespmem:v16+s31+$0x0] =	vst.idx.msk $0x1, v11;
	v11 =	vmul.f32 v15, v14  }
0x2c1: {  	[tilespmem:s14+$0x60] =	vst v13  }
0x2c2: {  	[tilespmem:s14+$0x70] =	vst v11;
	s14 =	smov.u32 s2  }
0x2c3: {  	[tilespmem:v12+s31+$0x0] =	vst.idx.msk $0x1, v15  }
0x2c4: {  	v19 =	vld [tilespmem:s25+$0xFFFFFFF0]  }
0x2c5: {  	v18 =	vld [tilespmem:s25+$0xFFFFFFD0]  }
0x2c6: {  	v13 =	vld [tilespmem:s25+$0xFFFFFFB0]  }
0x2c7: {  	v16 =	vld [tilespmem:s2+$0xFFFFFF80]  }
0x2c8: {  	v17 =	vld [tilespmem:s2+$0xFFFFFF90]  }
0x2c9: {  	v12 =	vld [tilespmem:s25+$0xFFFFFF90]  }
0x2ca: {  	v15 =	vld [tilespmem:s25+$0xFFFFFF80]  }
0x2cb: {  	v11 =	vld [tilespmem:s2+$0xFFFFFFB0]  }
0x2cc: {  	v20 =	vld [tilespmem:s25+$0xFFFFFFA0]  }
0x2cd: {  	v14 =	vld [tilespmem:s2+$0xFFFFFFA0]  }
0x2ce: {  	v21 =	vadd.f32 v12, v17;
	v12 =	vld [tilespmem:s2+$0xFFFFFFD0]  }
0x2cf: {  	v22 =	vadd.f32 v15, v16;
	v23 =	vld [tilespmem:s25+$0xFFFFFFC0]  }
0x2d0: {  	v24 =	vmul.f32 $1.442695020e+00, v21;
	v25 =	vadd.f32 v13, v11;
	v15 =	vld [tilespmem:s2+$0xFFFFFFC0]  }
0x2d1: {  	v26 =	vmul.f32 $1.442695020e+00, v22;
	v13 =	vld [tilespmem:s2+$0xFFFFFFF0]  }
0x2d2: {  	v20 =	vadd.f32 v20, v14;
	v27 =	vmul.f32 $1.442695020e+00, v25;
	v28 =	vld [tilespmem:s25+$0xFFFFFFE0];
	(erf) = vpow2.f32 v24  }
0x2d3: {  	v24 =	vadd.f32 v18, v12;
	v18 =	vld [tilespmem:s2+$0xFFFFFFE0];
	(erf) = vpow2.f32 v26  }
0x2d4: {  	v26 =	vmul.f32 $1.442695020e+00, v20;
	(erf) = vpow2.f32 v27  }
0x2d5: {  	v23 =	vadd.f32 v23, v15;
	v27 =	vmul.f32 $1.442695020e+00, v24  }
0x2d6: {  	v19 =	vadd.f32 v19, v13;
	(erf) = vpow2.f32 v26  }
0x2d7: {  	v26 =	vmul.f32 $1.442695020e+00, v23;
	(erf) = vpow2.f32 v27  }
0x2d8: {  	v27 =	vadd.f32 v28, v18;
	v29 =	vmul.f32 $1.442695020e+00, v19  }
0x2d9: {  	(erf) = vpow2.f32 v26  }
0x2da: {  	v26 =	vmul.f32 $1.442695020e+00, v27;
	(erf) = vpow2.f32 v29  }
0x2db: {  	v28 =	vpop (erf)  }
0x2dc: {  	v28 =	vadd.f32 $1.000000000e+00, v28;
	v29 =	vpop (erf);
	(erf) = vpow2.f32 v26  }
0x2dd: {  	v26 =	vadd.f32 $1.000000000e+00, v29;
	v29 =	vpop (erf)  }
0x2de: {  	v28 =	vmul.f32 v28, v28;
	v29 =	vadd.f32 $1.000000000e+00, v29  }
0x2df: {  	v26 =	vmul.f32 v26, v26;
	v30 =	vpop (erf)  }
0x2e0: {  	v32 =	vadd.f32 $1.000000000e+00, v28;
	v30 =	vadd.f32 $1.000000000e+00, v30;
	v29 =	vmul.f32 v29, v29;
	v31 =	vpop (erf)  }
0x2e1: {  	v33 =	vadd.f32 $1.000000000e+00, v26;
	v31 =	vadd.f32 $1.000000000e+00, v31  }
0x2e2: {  	v30 =	vmul.f32 v30, v30;
	v29 =	vadd.f32 $1.000000000e+00, v29;
	(erf) = vrcp.f32 v32;
	v28 =	vpop (erf)  }
0x2e3: {  	v28 =	vadd.f32 $1.000000000e+00, v28;
	v32 =	vmul.f32 v31, v31;
	(erf) = vrcp.f32 v33;
	v26 =	vpop (erf)  }
0x2e4: {  	v30 =	vadd.f32 $1.000000000e+00, v30;
	v26 =	vadd.f32 $1.000000000e+00, v26;
	(erf) = vrcp.f32 v29  }
0x2e5: {  	v28 =	vmul.f32 v28, v28;
	v29 =	vadd.f32 $1.000000000e+00, v32;
	v31 =	vpop (erf)  }
0x2e6: {  	v31 =	vadd.f32 $1.000000000e+00, v31;
	v26 =	vmul.f32 v26, v26;
	(erf) = vrcp.f32 v30  }
0x2e7: {  	v28 =	vadd.f32 $1.000000000e+00, v28;
	(erf) = vrcp.f32 v29  }
0x2e8: {  	v29 =	vmul.f32 v31, v31;
	v30 =	vadd.f32 $1.000000000e+00, v26  }
0x2e9: {  	(erf) = vrcp.f32 v28  }
0x2ea: {  	v28 =	vadd.f32 $1.000000000e+00, v29;
	(erf) = vrcp.f32 v30  }
0x2eb: {  	v26 =	vpop (erf)  }
0x2ec: {  	v21 =	vmul.f32 v21, v2;
	v26 =	vadd.f32 v26, v26;
	v29 =	vpop (erf);
	(erf) = vrcp.f32 v28  }
0x2ed: {  	v22 =	vmul.f32 v22, v1;
	v28 =	vadd.f32 v29, v29;
	v29 =	vpop (erf)  }
0x2ee: {  	v25 =	vmul.f32 v25, v4;
	v26 =	vmul.f32 v26, v21;
	v29 =	vadd.f32 v29, v29  }
0x2ef: {  	v20 =	vmul.f32 v20, v3;
	v28 =	vmul.f32 v28, v22;
	v30 =	vpop (erf)  }
0x2f0: {  	v21 =	vsub.f32 v21, v26;
	v26 =	vadd.f32 v30, v30;
	v31 =	vmul.f32 v29, v25;
	v30 =	vpop (erf)  }
0x2f1: {  	v24 =	vmul.f32 v24, v6;
	v32 =	vsub.f32 v22, v28;
	v28 =	vadd.f32 v30, v30  }
0x2f2: {  	v23 =	vmul.f32 v23, v5;
	v26 =	vmul.f32 v26, v20;
	v25 =	vsub.f32 v25, v31;
	v29 =	vpop (erf)  }
0x2f3: {  	v30 =	vadd.f32 v29, v29;
	v28 =	vmul.f32 v28, v24;
	v21 =	vadd.f32 v21, v32;
	v22 =	vpop (erf)  }
0x2f4: {  	v19 =	vmul.f32 v19, v8;
	v20 =	vsub.f32 v20, v26;
	v22 =	vadd.f32 v22, v22  }
0x2f5: {  	v27 =	vmul.f32 v27, v7;
	v26 =	vmul.f32 v30, v23;
	v29 =	vpop (erf);
	(xrf2) =	vadd.scan.msk.f32 $0xffff, v21  }
0x2f6: {  	v21 =	vadd.f32 v29, v29;
	v22 =	vmul.f32 v22, v19;
	v20 =	vadd.f32 v25, v20  }
0x2f7: {  	v24 =	vsub.f32 v24, v28;
	v23 =	vsub.f32 v23, v26  }
0x2f8: {  	v21 =	vmul.f32 v21, v27;
	v19 =	vsub.f32 v19, v22;
	(xrf2) =	vadd.scan.msk.f32 $0xffff, v20  }
0x2f9: {  	v20 =	vadd.f32 v24, v23  }
0x2fa: {  	v21 =	vsub.f32 v27, v21  }
0x2fb: {  	(xrf2) =	vadd.scan.msk.f32 $0xffff, v20  }
0x2fc: {  	v20 =	vadd.f32 v19, v21;
	_ =	sdelay $0x1  }
0x2fd: {  	(xrf2) =	vadd.scan.msk.f32 $0xffff, v20  }
0x2fe: {  	v19, _, _ =	vpop (xrf2)  }
0x2ff: {  	v19 =	vmul.f32 $1.442695020e+00, v19;
	_ =	sdelay $0x1  }
0x300: {  	v19 =	vbroadcast v19, $0xF;
	v20, _, _ =	vpop (xrf2)  }
0x301: {  	v21 =	vmul.f32 $1.442695020e+00, v20  }
0x302: {  	(erf) = vpow2.f32 v19  }
0x303: {  	v19 =	vbroadcast v21, $0xF;
	v20, _, _ =	vpop (xrf2)  }
0x304: {  	v21 =	vmul.f32 $1.442695020e+00, v20  }
0x305: {  	(erf) = vpow2.f32 v19  }
0x306: {  	s1 =	sadd.s32 $0xFFFFFFF9, s5;
	v19 =	vbroadcast v21, $0xF;
	v20, _, _ =	vpop (xrf2)  }
0x307: {  	v21 =	vmov s1;
	v20 =	vmul.f32 $1.442695020e+00, v20  }
0x308: {  	s1 =	sadd.s32 $0xFFFFFFFA, s5;
	v21 =	vand.u32 $0xFFFFFFF8, v21;
	(erf) = vpow2.f32 v19  }
0x309: {  	v19 =	vbroadcast v21, $0x0;
	v21 =	vmov s1;
	v20 =	vbroadcast v20, $0xF  }
0x30a: {  	s1 =	sadd.s32 $0xFFFFFFFB, s5;
	v21 =	vand.u32 $0xFFFFFFF9, v21  }
0x30b: {  	v22 =	vmov s1;
	v21 =	vbroadcast v21, $0x0;
	v23 =	vpop (erf);
	(erf) = vpow2.f32 v20  }
0x30c: {  	s1 =	sadd.s32 $0xFFFFFFFC, s5;
	v20 =	vand.u32 $0xFFFFFFFA, v22;
	v16 =	vmul.f32 v23, v16;
	v17 =	vmul.f32 v23, v17  }
0x30d: {  	v24 =	vmov s1;
	v20 =	vbroadcast v20, $0x0  }
0x30e: {  	[tilespmem:s2+$0xFFFFFF80] =	vst v16;
	v16 =	vand.u32 $0xFFFFFFFB, v24;
	v22 =	vpop (erf)  }
0x30f: {  	[tilespmem:s2+$0xFFFFFF90] =	vst v17;
	v17 =	vmul.f32 v22, v14;
	v16 =	vbroadcast v16, $0x0  }
0x310: {  	v11 =	vmul.f32 v22, v11;
	[tilespmem:v19+s31+$0x0] =	vst.idx.msk $0x1, v23  }
0x311: {  	[tilespmem:s2+$0xFFFFFFA0] =	vst v17;
	v14 =	vpop (erf)  }
0x312: {  	[tilespmem:s2+$0xFFFFFFB0] =	vst v11;
	v15 =	vmul.f32 v14, v15;
	v12 =	vmul.f32 v14, v12  }
0x313: {  	[tilespmem:v21+s31+$0x0] =	vst.idx.msk $0x1, v22  }
0x314: {  	[tilespmem:s2+$0xFFFFFFC0] =	vst v15;
	v11 =	vpop (erf)  }
0x315: {  	[tilespmem:s2+$0xFFFFFFD0] =	vst v12;
	v12 =	vmul.f32 v11, v18;
	v13 =	vmul.f32 v11, v13  }
0x316: {  	[tilespmem:v20+s31+$0x0] =	vst.idx.msk $0x1, v14  }
0x317: {  	[tilespmem:s2+$0xFFFFFFE0] =	vst v12  }
0x318: {  	[tilespmem:s2+$0xFFFFFFF0] =	vst v13  }
0x319: {  	[tilespmem:v16+s31+$0x0] =	vst.idx.msk $0x1, v11  }
0x31a: {  	v17 =	vld [tilespmem:s25+$0x50]  }
0x31b: {  	v13 =	vld [tilespmem:s25+$0x20]  }
0x31c: {  	v11 =	vld [tilespmem:s2+$0x20]  }
0x31d: {  	v14 =	vld [tilespmem:s25+$0x30]  }
0x31e: {  	v18 =	vld [tilespmem:s25+$0x10]  }
0x31f: {  	v12 =	vld [tilespmem:s2+$0x30]  }
0x320: {  	v15 =	vld [tilespmem:s2+$0x0]  }
0x321: {  	v16 =	vld [tilespmem:s2+$0x10]  }
0x322: {  	v19 =	vld [tilespmem:s25+$0x0];
	_ =	sdelay $0x1  }
0x323: {  	v20 =	vadd.f32 v14, v12;
	_ =	sdelay $0x1  }
0x324: {  	v21 =	vadd.f32 v13, v11;
	v14 =	vmul.f32 $1.442695020e+00, v20;
	v22 =	vld [tilespmem:s25+$0x70]  }
0x325: {  	v23 =	vadd.f32 v18, v16;
	v19 =	vadd.f32 v19, v15;
	v13 =	vld [tilespmem:s2+$0x50]  }
0x326: {  	v24 =	vmul.f32 $1.442695020e+00, v21;
	v25 =	vld [tilespmem:s25+$0x40];
	(erf) = vpow2.f32 v14  }
0x327: {  	v27 =	vmul.f32 $1.442695020e+00, v23;
	v26 =	vmul.f32 $1.442695020e+00, v19;
	v18 =	vld [tilespmem:s2+$0x40]  }
0x328: {  	v14 =	vld [tilespmem:s2+$0x70];
	(erf) = vpow2.f32 v24  }
0x329: {  	v24 =	vld [tilespmem:s25+$0x60];
	(erf) = vpow2.f32 v26  }
0x32a: {  	v26 =	vadd.f32 v17, v13;
	v17 =	vld [tilespmem:s2+$0x60];
	(erf) = vpow2.f32 v27;
	_ =	sdelay $0x1  }
0x32b: {  	v25 =	vadd.f32 v25, v18;
	v27 =	vmul.f32 $1.442695020e+00, v26  }
0x32c: {  	v22 =	vadd.f32 v22, v14  }
0x32d: {  	v28 =	vmul.f32 $1.442695020e+00, v25;
	(erf) = vpow2.f32 v27  }
0x32e: {  	v24 =	vadd.f32 v24, v17;
	v27 =	vmul.f32 $1.442695020e+00, v22;
	v29 =	vpop (erf)  }
0x32f: {  	v29 =	vadd.f32 $1.000000000e+00, v29;
	(erf) = vpow2.f32 v28  }
0x330: {  	v28 =	vmul.f32 $1.442695020e+00, v24;
	v30 =	vpop (erf);
	(erf) = vpow2.f32 v27  }
0x331: {  	v27 =	vadd.f32 $1.000000000e+00, v30;
	v29 =	vmul.f32 v29, v29;
	v30 =	vpop (erf)  }
0x332: {  	v30 =	vadd.f32 $1.000000000e+00, v30;
	v31 =	vpop (erf);
	(erf) = vpow2.f32 v28  }
0x333: {  	v28 =	vadd.f32 $1.000000000e+00, v31;
	v27 =	vmul.f32 v27, v27;
	v29 =	vadd.f32 $1.000000000e+00, v29  }
0x334: {  	v31 =	vmul.f32 v30, v30  }
0x335: {  	v28 =	vmul.f32 v28, v28;
	v32 =	vadd.f32 $1.000000000e+00, v27;
	(erf) = vrcp.f32 v29  }
0x336: {  	v29 =	vadd.f32 $1.000000000e+00, v31;
	v30 =	vpop (erf)  }
0x337: {  	v31 =	vadd.f32 $1.000000000e+00, v28;
	v30 =	vadd.f32 $1.000000000e+00, v30;
	(erf) = vrcp.f32 v32  }
0x338: {  	(erf) = vrcp.f32 v29;
	v27 =	vpop (erf)  }
0x339: {  	v27 =	vadd.f32 $1.000000000e+00, v27;
	v29 =	vmul.f32 v30, v30;
	(erf) = vrcp.f32 v31;
	v28 =	vpop (erf)  }
0x33a: {  	v28 =	vadd.f32 $1.000000000e+00, v28  }
0x33b: {  	v27 =	vmul.f32 v27, v27;
	v29 =	vadd.f32 $1.000000000e+00, v29;
	v30 =	vpop (erf)  }
0x33c: {  	v31 =	vadd.f32 $1.000000000e+00, v30;
	v28 =	vmul.f32 v28, v28  }
0x33d: {  	v27 =	vadd.f32 $1.000000000e+00, v27;
	(erf) = vrcp.f32 v29  }
0x33e: {  	v31 =	vmul.f32 v31, v31;
	v28 =	vadd.f32 $1.000000000e+00, v28;
	v30 =	vpop (erf)  }
0x33f: {  	v30 =	vadd.f32 v30, v30;
	(erf) = vrcp.f32 v27  }
0x340: {  	v27 =	vadd.f32 $1.000000000e+00, v31;
	v29 =	vpop (erf);
	(erf) = vrcp.f32 v28  }
0x341: {  	v21 =	vmul.f32 v21, v3;
	v20 =	vmul.f32 v20, v4;
	v28 =	vadd.f32 v29, v29;
	v29 =	vpop (erf)  }
0x342: {  	v19 =	vmul.f32 v19, v1;
	v29 =	vadd.f32 v29, v29;
	v31 =	vpop (erf);
	(erf) = vrcp.f32 v27  }
0x343: {  	v23 =	vmul.f32 v23, v2;
	v27 =	vadd.f32 v31, v31;
	v31 =	vmul.f32 v28, v21  }
0x344: {  	v30 =	vmul.f32 v30, v20;
	v29 =	vmul.f32 v29, v19  }
0x345: {  	v27 =	vmul.f32 v27, v23;
	v31 =	vsub.f32 v21, v31  }
0x346: {  	v20 =	vsub.f32 v20, v30;
	v28 =	vpop (erf)  }
0x347: {  	v19 =	vsub.f32 v19, v29;
	v29 =	vsub.f32 v23, v27  }
0x348: {  	v26 =	vmul.f32 v26, v6;
	v27 =	vadd.f32 v28, v28;
	v20 =	vadd.f32 v20, v31;
	v21 =	vpop (erf)  }
0x349: {  	v25 =	vmul.f32 v25, v5;
	v21 =	vadd.f32 v21, v21;
	v19 =	vadd.f32 v29, v19;
	v23 =	vpop (erf)  }
0x34a: {  	v22 =	vmul.f32 v22, v8;
	v27 =	vmul.f32 v27, v26;
	v23 =	vadd.f32 v23, v23  }
0x34b: {  	v21 =	vmul.f32 v21, v25;
	v28 =	vpop (erf);
	(xrf2) =	vadd.scan.msk.f32 $0xffff, v19  }
0x34c: {  	v24 =	vmul.f32 v24, v7;
	v19 =	vadd.f32 v28, v28;
	v23 =	vmul.f32 v23, v22  }
0x34d: {  	v21 =	vsub.f32 v25, v21;
	v25 =	vsub.f32 v26, v27  }
0x34e: {  	v19 =	vmul.f32 v19, v24;
	(xrf2) =	vadd.scan.msk.f32 $0xffff, v20  }
0x34f: {  	v20 =	vadd.f32 v25, v21  }
0x350: {  	v21 =	vsub.f32 v22, v23;
	v19 =	vsub.f32 v24, v19  }
0x351: {  	(xrf2) =	vadd.scan.msk.f32 $0xffff, v20  }
0x352: {  	v20 =	vadd.f32 v21, v19;
	_ =	sdelay $0x1  }
0x353: {  	(xrf2) =	vadd.scan.msk.f32 $0xffff, v20  }
0x354: {  	v19, _, _ =	vpop (xrf2)  }
0x355: {  	v19 =	vmul.f32 $1.442695020e+00, v19;
	_ =	sdelay $0x1  }
0x356: {  	v19 =	vbroadcast v19, $0xF;
	v20, _, _ =	vpop (xrf2)  }
0x357: {  	v21 =	vmul.f32 $1.442695020e+00, v20  }
0x358: {  	(erf) = vpow2.f32 v19  }
.Ltmp4:
0x359: {  	v21 =	vbroadcast v21, $0xF;
	v20, _, _ =	vpop (xrf2);
	(pc) =	sbr.rel @p3 .LBB2_7-.Ltmp4, $4  }
0x35a: {  	v20 =	vmul.f32 $1.442695020e+00, v20  }
0x35b: {  	(erf) = vpow2.f32 v21  }
0x35c: {  	v20 =	vbroadcast v20, $0xF;
	v19, _, _ =	vpop (xrf2)  }
0x35d: {  	s3 =	sadd.s32 $0xFFFFFFFD, s5;
	s2 =	sadd.s32 $0x100, s2;
	v19 =	vmul.f32 $1.442695020e+00, v19  }
0x35e: {  	_ =	sdelay $0x1  }
0x35f: {  	v21 =	vmov s3;
	(erf) = vpow2.f32 v20  }
0x360: {  	v58 =	vand.u32 $0xFFFFFFFC, v21;
	v19 =	vbroadcast v19, $0xF  }
0x361: {  	v20 =	vbroadcast v58, $0x0  }
0x362: {  	v59 =	vpop (erf);
	(erf) = vpow2.f32 v19  }
0x363: {  	v10 =	vbroadcast v10, $0x0;
	v15 =	vmul.f32 v59, v15;
	v60 =	vpop (erf)  }
0x364: {  	v16 =	vmul.f32 v59, v16;
	v11 =	vmul.f32 v60, v11  }
0x365: {  	[tilespmem:s14+$0x0] =	vst v15  }
0x366: {  	[tilespmem:s14+$0x10] =	vst v16  }
0x367: {  	v9 =	vbroadcast v9, $0x0;
	v12 =	vmul.f32 v60, v12;
	[tilespmem:v20+s31+$0x0] =	vst.idx.msk $0x1, v59  }
0x368: {  	[tilespmem:s14+$0x20] =	vst v11;
	v11 =	vpop (erf)  }
0x369: {  	[tilespmem:s14+$0x30] =	vst v12;
	v61 =	vmul.f32 v11, v18  }
0x36a: {  	[tilespmem:v10+s31+$0x0] =	vst.idx.msk $0x1, v60;
	v10 =	vmul.f32 v11, v13  }
0x36b: {  	v62 =	vmov s11;
	v63 =	vpop (erf);
	[tilespmem:s14+$0x40] =	vst v61  }
0x36c: {  	[tilespmem:s14+$0x50] =	vst v10;
	v10 =	vmul.f32 v63, v17  }
0x36d: {  	[tilespmem:v9+s31+$0x0] =	vst.idx.msk $0x1, v11;
	v9 =	vmul.f32 v63, v14  }
0x36e: {  	[tilespmem:s14+$0x60] =	vst v10  }
0x36f: {  	[tilespmem:s14+$0x70] =	vst v9  }
0x370: {  	[tilespmem:v62+s31+$0x0] =	vst.idx.msk $0x1, v63  }
0x371: {  	v9 =	vld [tilespmem:$0x180]  }
0x372: {  	v10 =	vld [tilespmem:$0x190]  }
0x373: {  	v11 =	vld [tilespmem:$0x1A0]  }
0x374: {  	v12 =	vld [tilespmem:$0x1B0];
	_ =	sdelay $0x1  }
0x375: {  	[tilespmem:$0x280] =	vst v9  }
0x376: {  	[tilespmem:$0x290] =	vst v10  }
0x377: {  	[tilespmem:$0x2A0] =	vst v11  }
0x378: {  	s1 =	simm.s32 $0x280;
	s29 =	sadd.s32 s29, s23;
	[tilespmem:$0x2B0] =	vst v12  }
0x379: {  	[spmem:s4] =	stream.indirect.scatter.add.f32 [tilespmem:s28], [sflag:$0x4], $0x80, s1, s13, $0xb8;
	[tilespmem:$0x1BE00] =	vst v63  }
0x37a: {  	s1 =	sshrl.u32 s29, $0x3  }
0x37b: {  	s1 =	sadd.s32 s9, s1  }
0x37c: {  	[hbm4b:s1+s6] =	stream.linear.scatter [tilespmem:s31], [sflag:$0x6], $0x100, $0x38;
	[tilespmem:$0x1BE00] =	vst v63  }
0x37d: {  	_ =	swait.ge [sflag:s21], $0x2000  }
.Ltmp5:
0x37e: {  	[sflag:s21] =	ssyncset.done $0x0;
	(pc) =	sbr.rel @p2 .LBB2_10-.Ltmp5, $4  }
0x37f: {  	[sflag:s21] =	ssyncadd.s32 $0xFFFFE000  }
0x380: {  	_ =	swait.ge [sflag:s22], $0x100  }
0x381: {  	[sflag:s22] =	ssyncset.done $0x0  }
0x382: {  	[sflag:s22] =	ssyncadd.s32 $0xFFFFFF00  }
0x383: {  	_ =	swait.ge [sflag:s12], $0x40  }
0x384: {  	[sflag:s12] =	ssyncset.done $0x0  }
0x385: {  	[sflag:s12] =	ssyncadd.s32 $0xFFFFFFC0  }
0x386: {  	_ =	swait.ge [sflag:s12], $0x40  }
0x387: {  	[sflag:s12] =	ssyncset.done $0x0  }
0x388: {  	s19 =	rddreg [dreg:$0xe];
	[sflag:s12] =	ssyncadd.s32 $0xFFFFFFC0  }
0x389: {  	s1 =	rddreg [dreg:$0x0]  }
0x38a: {  	[tilespmem:s8], [sflag:$0x1] =	stream.indirect.gather [hbm4b:s1+s13], $0x80, s6, s13, $0xb8;
	[tilespmem:$0x1BE00] =	vst v63  }
0x38b: {  	s14 =	simm.s32 $0x100;
	s2 =	simm.s32 $0x4300;
	s0 =	sadd.s32 s0, s19  }
0x38c: {  	[tilespmem:s2], [sflag:$0x1] =	stream.indirect.gather [hbm4b:s7+s13], $0x80, s14, s13, $0xb8;
	[tilespmem:$0x1BE00] =	vst v63  }
.Ltmp6:
0x38d: {  	s0 =	sshrl.u32 s0, $0x3;
	s25 =	rddreg [dreg:$0x2];
	(pc) =	sbr.rel .LBB2_4-.Ltmp6, $4  }
0x38e: {  	s29 =	rddreg [dreg:$0x3];
	s1 =	sadd.s32 s25, s0  }
0x38f: {  	[tilespmem:s15], [sflag:$0x8] =	stream.linear.gather [hbm4b:s1+s6], $0x40, $0x38;
	[tilespmem:$0x1BE00] =	vst v63  }
0x390: {  	s10 =	sadd.s32 $0x1, s10;
	s0 =	sadd.s32 s29, s0  }
0x391: {  	[tilespmem:s16], [sflag:$0x8] =	stream.linear.gather [hbm4b:s0+s6], $0x40, $0x38;
	[tilespmem:$0x1BE00] =	vst v63  }
.LBB2_10:
0x392: {  	s0 =	simm.s32 $0x4  }
0x393: {  	_ =	swait.ge [sflag:s0], $0x2000  }
.Ltmp7:
0x394: {  	[sflag:s0] =	ssyncset.done $0x0;
	(pc) =	sbr.rel @p1 .LBB2_14-.Ltmp7, $4  }
0x395: {  	s29 =	simm.s32 $0x6;
	[sflag:s0] =	ssyncadd.s32 $0xFFFFE000  }
0x396: {  	_ =	swait.ge [sflag:s29], $0x100  }
0x397: {  	[sflag:s29] =	ssyncset.done $0x0  }
0x398: {  	s19 =	simm.s32 $0x9;
	s5 =	rddreg [dreg:$0x1d];
	[sflag:s29] =	ssyncadd.s32 $0xFFFFFF00  }
0x399: {  	s0 =	rddreg [dreg:$0x10]  }
0x39a: {  	[tilespmem:s6], [sflag:$0x9] =	stream.linear.gather [hbm4b:s0+s6], $0x40, $0x38;
	[tilespmem:$0x1BE00] =	vst v63  }
0x39b: {  	_ =	swait.ge [sflag:s19], $0x40  }
0x39c: {  	[sflag:s19] =	ssyncset.done $0x0  }
0x39d: {  	s1 =	simm.s32 $0x100;
	s29 =	rddreg [dreg:$0x11];
	[sflag:s19] =	ssyncadd.s32 $0xFFFFFFC0  }
0x39e: {  	[tilespmem:s1], [sflag:$0x9] =	stream.linear.gather [hbm4b:s29+s6], $0x40, $0x38;
	[tilespmem:$0x1BE00] =	vst v63  }
0x39f: {  	_ =	swait.ge [sflag:s19], $0x40  }
0x3a0: {  	[sflag:s19] =	ssyncset.done $0x0  }
0x3a1: {  	[sflag:s19] =	ssyncadd.s32 $0xFFFFFFC0  }
0x3a2: {  	s2 =	rddreg [dreg:$0x0]  }
0x3a3: {  	[tilespmem:s8], [sflag:$0x1] =	stream.indirect.gather [hbm4b:s2+s13], $0x80, s6, s13, $0xb8;
	[tilespmem:$0x1BE00] =	vst v63  }
0x3a4: {  	s3 =	simm.s32 $0x4300  }
0x3a5: {  	[tilespmem:s3], [sflag:$0x1] =	stream.indirect.gather [hbm4b:s7+s13], $0x80, s1, s13, $0xb8;
	[tilespmem:$0x1BE00] =	vst v63  }
0x3a6: {  	_ =	swait.ge [sflag:s20], $0x2000  }
0x3a7: {  	[sflag:s20] =	ssyncset.done $0x0  }
0x3a8: {  	[sflag:s20] =	ssyncadd.s32 $0xFFFFE000  }
0x3a9: {  	_ =	swait.ge [sflag:s20], $0x2000  }
0x3aa: {  	[sflag:s20] =	ssyncset.done $0x0  }
0x3ab: {  	s10 =	simm.s32 $0x4380;
	[sflag:s20] =	ssyncadd.s32 $0xFFFFE000  }
0x3ac: {  	v17 =	vld [tilespmem:s10+$0xFFFFFFF0]  }
0x3ad: {  	v18 =	vld [tilespmem:s10+$0xFFFFFFD0]  }
0x3ae: {  	s0 =	simm.s32 $0x380;
	v10 =	vld [tilespmem:s10+$0xFFFFFFB0]  }
0x3af: {  	v16 =	vld [tilespmem:s0+$0xFFFFFF80]  }
0x3b0: {  	v15 =	vld [tilespmem:s0+$0xFFFFFF90]  }
0x3b1: {  	v9 =	vld [tilespmem:s10+$0xFFFFFF90]  }
0x3b2: {  	v12 =	vld [tilespmem:s10+$0xFFFFFF80]  }
0x3b3: {  	v11 =	vld [tilespmem:s0+$0xFFFFFFB0]  }
0x3b4: {  	v13 =	vld [tilespmem:s10+$0xFFFFFFA0]  }
0x3b5: {  	v14 =	vld [tilespmem:s0+$0xFFFFFFA0]  }
0x3b6: {  	v21 =	vld [tilespmem:s10+$0xFFFFFFC0];
	v19 =	vadd.f32 v9, v15  }
0x3b7: {  	v9 =	vld [tilespmem:s0+$0xFFFFFFD0];
	v20 =	vadd.f32 v12, v16  }
0x3b8: {  	v26 =	vld [tilespmem:s10+$0xFFFFFFE0];
	v22 =	vmul.f32 $1.442695020e+00, v19  }
0x3b9: {  	v12 =	vld [tilespmem:s0+$0xFFFFFFC0];
	v24 =	vmul.f32 $1.442695020e+00, v20  }
0x3ba: {  	v23 =	vadd.f32 v10, v11;
	v10 =	vld [tilespmem:s0+$0xFFFFFFF0];
	(erf) = vpow2.f32 v22  }
0x3bb: {  	v25 =	vadd.f32 v13, v14;
	v13 =	vld [tilespmem:s0+$0xFFFFFFE0];
	(erf) = vpow2.f32 v24  }
0x3bc: {  	v22 =	vmul.f32 $1.442695020e+00, v23;
	v18 =	vadd.f32 v18, v9  }
0x3bd: {  	v40 =	vmul.f32 $1.442695020e+00, v25  }
0x3be: {  	v21 =	vadd.f32 v21, v12;
	(erf) = vpow2.f32 v22;
	v22 =	vmul.f32 $1.442695020e+00, v18  }
0x3bf: {  	v17 =	vadd.f32 v17, v10;
	(erf) = vpow2.f32 v40  }
0x3c0: {  	v41 =	vmul.f32 $1.442695020e+00, v21;
	(erf) = vpow2.f32 v22;
	v22 =	vadd.f32 v26, v13  }
0x3c1: {  	v42 =	vmul.f32 $1.442695020e+00, v17  }
0x3c2: {  	(erf) = vpow2.f32 v41;
	v43 =	vmul.f32 $1.442695020e+00, v22  }
0x3c3: {  	(erf) = vpow2.f32 v42;
	v44 =	vpop (erf)  }
0x3c4: {  	(erf) = vpow2.f32 v43;
	v26 =	vadd.f32 $1.000000000e+00, v44;
	v27 =	vpop (erf)  }
0x3c5: {  	v45 =	vadd.f32 $1.000000000e+00, v27  }
0x3c6: {  	v26 =	vmul.f32 v26, v26  }
0x3c7: {  	v46 =	vpop (erf);
	v24 =	vmul.f32 v45, v45  }
0x3c8: {  	v27 =	vadd.f32 $1.000000000e+00, v46;
	v28 =	vpop (erf);
	v26 =	vadd.f32 $1.000000000e+00, v26  }
0x3c9: {  	v28 =	vadd.f32 $1.000000000e+00, v28;
	v24 =	vadd.f32 $1.000000000e+00, v24  }
0x3ca: {  	v27 =	vmul.f32 v27, v27;
	v29 =	vpop (erf);
	(erf) = vrcp.f32 v26  }
0x3cb: {  	v29 =	vadd.f32 $1.000000000e+00, v29;
	v28 =	vmul.f32 v28, v28;
	v47 =	vpop (erf);
	(erf) = vrcp.f32 v24  }
0x3cc: {  	v27 =	vadd.f32 $1.000000000e+00, v27;
	v26 =	vadd.f32 $1.000000000e+00, v47;
	v49 =	vpop (erf)  }
0x3cd: {  	v48 =	vmul.f32 v29, v29;
	v28 =	vadd.f32 $1.000000000e+00, v28;
	v29 =	vadd.f32 $1.000000000e+00, v49;
	v50 =	vpop (erf)  }
0x3ce: {  	(erf) = vrcp.f32 v27;
	v26 =	vmul.f32 v26, v26;
	v27 =	vadd.f32 $1.000000000e+00, v50  }
0x3cf: {  	v24 =	vadd.f32 $1.000000000e+00, v48;
	v51 =	vmul.f32 v29, v29  }
0x3d0: {  	(erf) = vrcp.f32 v28;
	v26 =	vadd.f32 $1.000000000e+00, v26;
	v52 =	vmul.f32 v27, v27  }
0x3d1: {  	(erf) = vrcp.f32 v24;
	v53 =	vadd.f32 $1.000000000e+00, v51  }
0x3d2: {  	(erf) = vrcp.f32 v26;
	v24 =	vadd.f32 $1.000000000e+00, v52  }
0x3d3: {  	(erf) = vrcp.f32 v53;
	v54 =	vpop (erf)  }
0x3d4: {  	v55 =	vpop (erf);
	(erf) = vrcp.f32 v24  }
0x3d5: {  	v19 =	vmul.f32 v19, v2  }
0x3d6: {  	v20 =	vmul.f32 v20, v1;
	v26 =	vadd.f32 v54, v54;
	v56 =	vadd.f32 v55, v55;
	_ =	sdelay $0x1  }
0x3d7: {  	v57 =	vpop (erf);
	v26 =	vmul.f32 v26, v19;
	v24 =	vmul.f32 v56, v20  }
0x3d8: {  	v25 =	vmul.f32 v25, v3;
	v23 =	vmul.f32 v23, v4;
	v27 =	vadd.f32 v57, v57;
	v58 =	vpop (erf)  }
0x3d9: {  	v18 =	vmul.f32 v18, v6;
	v19 =	vsub.f32 v19, v26;
	v60 =	vpop (erf);
	v20 =	vsub.f32 v20, v24  }
0x3da: {  	v28 =	vadd.f32 v58, v58;
	v59 =	vmul.f32 v27, v23;
	v61 =	vadd.f32 v60, v60;
	v63 =	vpop (erf)  }
0x3db: {  	v17 =	vmul.f32 v17, v8;
	v30 =	vpop (erf);
	v19 =	vadd.f32 v19, v20  }
0x3dc: {  	v62 =	vmul.f32 v28, v25;
	v20 =	vsub.f32 v23, v59;
	v23 =	vmul.f32 v61, v18;
	v32 =	vpop (erf)  }
0x3dd: {  	v24 =	vadd.f32 v30, v30;
	(xrf2) =	vadd.scan.msk.f32 $0xffff, v19;
	v19 =	vmul.f32 v22, v7;
	v22 =	vadd.f32 v32, v32  }
0x3de: {  	v21 =	vmul.f32 v21, v5;
	v28 =	vadd.f32 v63, v63;
	v25 =	vsub.f32 v25, v62  }
0x3df: {  	v18 =	vsub.f32 v18, v23;
	v23 =	vmul.f32 v24, v17;
	v22 =	vmul.f32 v22, v19  }
0x3e0: {  	v31 =	vmul.f32 v28, v21;
	v20 =	vadd.f32 v20, v25  }
0x3e1: {  	v17 =	vsub.f32 v17, v23;
	v19 =	vsub.f32 v19, v22  }
0x3e2: {  	v21 =	vsub.f32 v21, v31;
	(xrf2) =	vadd.scan.msk.f32 $0xffff, v20  }
0x3e3: {  	v17 =	vadd.f32 v17, v19  }
0x3e4: {  	v18 =	vadd.f32 v18, v21;
	_ =	sdelay $0x1  }
0x3e5: {  	(xrf2) =	vadd.scan.msk.f32 $0xffff, v18  }
0x3e6: {  	(xrf2) =	vadd.scan.msk.f32 $0xffff, v17;
	v17, _, _ =	vpop (xrf2)  }
0x3e7: {  	v17 =	vmul.f32 $1.442695020e+00, v17;
	_ =	sdelay $0x1  }
0x3e8: {  	v17 =	vbroadcast v17, $0xF;
	_ =	sdelay $0x1  }
0x3e9: {  	v18, _, _ =	vpop (xrf2);
	(erf) = vpow2.f32 v17  }
0x3ea: {  	v18 =	vmul.f32 $1.442695020e+00, v18;
	_ =	sdelay $0x1  }
0x3eb: {  	v17 =	vbroadcast v18, $0xF;
	_ =	sdelay $0x1  }
0x3ec: {  	v18, _, _ =	vpop (xrf2);
	(erf) = vpow2.f32 v17  }
0x3ed: {  	v18 =	vmul.f32 $1.442695020e+00, v18;
	_ =	sdelay $0x1  }
0x3ee: {  	v17 =	vbroadcast v18, $0xF  }
0x3ef: {  	s5 =	simm.s32 $0x0;
	v20 =	vpop (erf)  }
0x3f0: {  	v19 =	vmov s5;
	v18, _, _ =	vpop (xrf2);
	(erf) = vpow2.f32 v17;
	v16 =	vmul.f32 v20, v16  }
0x3f1: {  	v17 =	vand.u32 $0xFFFFFFF8, v19;
	v18 =	vmul.f32 $1.442695020e+00, v18  }
0x3f2: {  	v17 =	vbroadcast v17, $0x0  }
0x3f3: {  	v18 =	vbroadcast v18, $0xF  }
0x3f4: {  	s11 =	simm.s32 $0x1;
	v15 =	vmul.f32 v20, v15;
	[tilespmem:s0+$0xFFFFFF80] =	vst v16;
	v16 =	vpop (erf)  }
0x3f5: {  	v19 =	vmov s11;
	(erf) = vpow2.f32 v18;
	v14 =	vmul.f32 v16, v14  }
0x3f6: {  	v18 =	vand.u32 $0xFFFFFFF9, v19  }
0x3f7: {  	s14 =	simm.s32 $0x2;
	v18 =	vbroadcast v18, $0x0;
	[tilespmem:s0+$0xFFFFFF90] =	vst v15  }
0x3f8: {  	v19 =	vmov s14;
	[tilespmem:v17+s24+$0x0] =	vst.idx.msk $0x1, v20;
	v11 =	vmul.f32 v16, v11  }
0x3f9: {  	v19 =	vand.u32 $0xFFFFFFFA, v19;
	[tilespmem:s0+$0xFFFFFFA0] =	vst v14;
	v14 =	vpop (erf)  }
0x3fa: {  	s25 =	simm.s32 $0x3;
	v15 =	vbroadcast v19, $0x0;
	[tilespmem:s0+$0xFFFFFFB0] =	vst v11;
	v11 =	vmul.f32 v14, v12  }
0x3fb: {  	v17 =	vmov s25  }
0x3fc: {  	v17 =	vand.u32 $0xFFFFFFFB, v17  }
0x3fd: {  	[tilespmem:v18+s24+$0x0] =	vst.idx.msk $0x1, v16;
	v12 =	vbroadcast v17, $0x0;
	v9 =	vmul.f32 v14, v9  }
0x3fe: {  	[tilespmem:s0+$0xFFFFFFC0] =	vst v11;
	v11 =	vpop (erf)  }
0x3ff: {  	[tilespmem:s0+$0xFFFFFFD0] =	vst v9;
	v9 =	vmul.f32 v11, v13  }
0x400: {  	[tilespmem:v15+s24+$0x0] =	vst.idx.msk $0x1, v14;
	v10 =	vmul.f32 v11, v10  }
0x401: {  	[tilespmem:s0+$0xFFFFFFE0] =	vst v9  }
0x402: {  	[tilespmem:s0+$0xFFFFFFF0] =	vst v10  }
0x403: {  	[tilespmem:v12+s24+$0x0] =	vst.idx.msk $0x1, v11  }
0x404: {  	v9 =	vld [tilespmem:s10+$0x20]  }
0x405: {  	v11 =	vld [tilespmem:s0+$0x20]  }
0x406: {  	v10 =	vld [tilespmem:s10+$0x30]  }
0x407: {  	v12 =	vld [tilespmem:s0+$0x30]  }
0x408: {  	v15 =	vld [tilespmem:s0+$0x0]  }
0x409: {  	v17 =	vld [tilespmem:s10+$0x0]  }
0x40a: {  	v14 =	vld [tilespmem:s10+$0x10]  }
0x40b: {  	v16 =	vld [tilespmem:s0+$0x10]  }
0x40c: {  	v19 =	vld [tilespmem:s10+$0x50];
	v10 =	vadd.f32 v10, v12  }
0x40d: {  	v20 =	vld [tilespmem:s10+$0x70];
	v9 =	vadd.f32 v9, v11  }
0x40e: {  	v13 =	vld [tilespmem:s0+$0x50];
	v22 =	vadd.f32 v17, v15;
	v21 =	vmul.f32 $1.442695020e+00, v10  }
0x40f: {  	v23 =	vld [tilespmem:s10+$0x40];
	v17 =	vmul.f32 $1.442695020e+00, v9  }
0x410: {  	v18 =	vld [tilespmem:s0+$0x40];
	v33 =	vadd.f32 v14, v16;
	(erf) = vpow2.f32 v21;
	v21 =	vmul.f32 $1.442695020e+00, v22  }
0x411: {  	v35 =	vld [tilespmem:s10+$0x60];
	(erf) = vpow2.f32 v17  }
0x412: {  	v14 =	vld [tilespmem:s0+$0x70];
	v34 =	vmul.f32 $1.442695020e+00, v33;
	(erf) = vpow2.f32 v21  }
0x413: {  	v17 =	vld [tilespmem:s0+$0x60]  }
0x414: {  	v19 =	vadd.f32 v19, v13;
	(erf) = vpow2.f32 v34  }
0x415: {  	v21 =	vadd.f32 v23, v18  }
0x416: {  	v23 =	vmul.f32 $1.442695020e+00, v19  }
0x417: {  	v20 =	vadd.f32 v20, v14;
	v36 =	vmul.f32 $1.442695020e+00, v21  }
0x418: {  	(erf) = vpow2.f32 v23;
	v23 =	vadd.f32 v35, v17  }
0x419: {  	v37 =	vmul.f32 $1.442695020e+00, v20;
	(erf) = vpow2.f32 v36;
	v38 =	vpop (erf)  }
0x41a: {  	v39 =	vmul.f32 $1.442695020e+00, v23;
	v25 =	vadd.f32 $1.000000000e+00, v38;
	v40 =	vpop (erf)  }
0x41b: {  	(erf) = vpow2.f32 v37;
	v41 =	vadd.f32 $1.000000000e+00, v40;
	v42 =	vpop (erf)  }
0x41c: {  	(erf) = vpow2.f32 v39;
	v25 =	vmul.f32 v25, v25;
	v43 =	vadd.f32 $1.000000000e+00, v42  }
0x41d: {  	v44 =	vpop (erf);
	v26 =	vmul.f32 v41, v41  }
0x41e: {  	v28 =	vadd.f32 $1.000000000e+00, v44;
	v25 =	vadd.f32 $1.000000000e+00, v25;
	v27 =	vmul.f32 v43, v43  }
0x41f: {  	v26 =	vadd.f32 $1.000000000e+00, v26  }
0x420: {  	v28 =	vmul.f32 v28, v28;
	(erf) = vrcp.f32 v25;
	v45 =	vadd.f32 $1.000000000e+00, v27  }
0x421: {  	v46 =	vpop (erf);
	(erf) = vrcp.f32 v26  }
0x422: {  	v47 =	vpop (erf);
	v27 =	vadd.f32 $1.000000000e+00, v46;
	v28 =	vadd.f32 $1.000000000e+00, v28;
	(erf) = vrcp.f32 v45  }
0x423: {  	v48 =	vadd.f32 $1.000000000e+00, v47  }
0x424: {  	v49 =	vmul.f32 v27, v27;
	v50 =	vpop (erf);
	(erf) = vrcp.f32 v28  }
0x425: {  	v25 =	vmul.f32 v48, v48;
	v27 =	vadd.f32 $1.000000000e+00, v50;
	v51 =	vpop (erf)  }
0x426: {  	v26 =	vadd.f32 $1.000000000e+00, v49;
	v28 =	vadd.f32 $1.000000000e+00, v51  }
0x427: {  	v25 =	vadd.f32 $1.000000000e+00, v25;
	v27 =	vmul.f32 v27, v27  }
0x428: {  	(erf) = vrcp.f32 v26;
	v52 =	vmul.f32 v28, v28  }
0x429: {  	v27 =	vadd.f32 $1.000000000e+00, v27;
	(erf) = vrcp.f32 v25;
	v53 =	vpop (erf)  }
0x42a: {  	v26 =	vadd.f32 $1.000000000e+00, v52;
	v54 =	vpop (erf)  }
0x42b: {  	v9 =	vmul.f32 v9, v3;
	(erf) = vrcp.f32 v27;
	v56 =	vpop (erf)  }
0x42c: {  	v22 =	vmul.f32 v22, v1;
	(erf) = vrcp.f32 v26;
	v57 =	vadd.f32 v56, v56  }
0x42d: {  	v10 =	vmul.f32 v10, v4;
	v24 =	vmul.f32 v33, v2;
	v25 =	vadd.f32 v53, v53;
	v58 =	vpop (erf)  }
0x42e: {  	v55 =	vadd.f32 v54, v54;
	v28 =	vadd.f32 v58, v58;
	v26 =	vmul.f32 v57, v22  }
0x42f: {  	v25 =	vmul.f32 v25, v10  }
0x430: {  	v27 =	vmul.f32 v55, v9;
	v28 =	vmul.f32 v28, v24;
	v22 =	vsub.f32 v22, v26  }
0x431: {  	v10 =	vsub.f32 v10, v25;
	v59 =	vpop (erf)  }
0x432: {  	v19 =	vmul.f32 v19, v6;
	v9 =	vsub.f32 v9, v27;
	v60 =	vpop (erf);
	v24 =	vsub.f32 v24, v28  }
0x433: {  	v21 =	vmul.f32 v21, v5;
	v25 =	vadd.f32 v59, v59;
	v26 =	vadd.f32 v60, v60  }
0x434: {  	v20 =	vmul.f32 v20, v8;
	v9 =	vadd.f32 v10, v9;
	v10 =	vadd.f32 v24, v22;
	v22 =	vpop (erf)  }
0x435: {  	v61 =	vmul.f32 v25, v19;
	v62 =	vmul.f32 v26, v21;
	v63 =	vpop (erf)  }
0x436: {  	v23 =	vmul.f32 v23, v7;
	v22 =	vadd.f32 v22, v22;
	(xrf2) =	vadd.scan.msk.f32 $0xffff, v10;
	v26 =	vadd.f32 v63, v63  }
0x437: {  	v19 =	vsub.f32 v19, v61;
	v21 =	vsub.f32 v21, v62;
	(xrf2) =	vadd.scan.msk.f32 $0xffff, v9  }
0x438: {  	v10 =	vmul.f32 v22, v20;
	v22 =	vmul.f32 v26, v23  }
0x439: {  	v9 =	vadd.f32 v19, v21  }
0x43a: {  	v10 =	vsub.f32 v20, v10;
	v19 =	vsub.f32 v23, v22;
	_ =	sdelay $0x1  }
0x43b: {  	(xrf2) =	vadd.scan.msk.f32 $0xffff, v9;
	v9 =	vadd.f32 v10, v19;
	_ =	sdelay $0x2  }
0x43c: {  	(xrf2) =	vadd.scan.msk.f32 $0xffff, v9  }
0x43d: {  	v9, _, _ =	vpop (xrf2)  }
0x43e: {  	v9 =	vmul.f32 $1.442695020e+00, v9;
	v10, _, _ =	vpop (xrf2)  }
0x43f: {  	v10 =	vmul.f32 $1.442695020e+00, v10  }
0x440: {  	v9 =	vbroadcast v9, $0xF;
	_ =	sdelay $0x1  }
0x441: {  	v19 =	vbroadcast v10, $0xF;
	(erf) = vpow2.f32 v9  }
0x442: {  	v10, _, _ =	vpop (xrf2)  }
0x443: {  	s29 =	simm.s32 $0x5;
	v21 =	vmul.f32 $1.442695020e+00, v10  }
0x444: {  	s2 =	simm.s32 $0x6;
	v20 =	vmov s29;
	(erf) = vpow2.f32 v19  }
0x445: {  	s3 =	simm.s32 $0x4;
	s5 =	simm.s32 $0x7;
	v9 =	vmov s2;
	v10 =	vand.u32 $0xFFFFFFFD, v20;
	v19, _, _ =	vpop (xrf2);
	v20 =	vbroadcast v21, $0xF  }
0x446: {  	s11 =	simm.s32 $0x7;
	s14 =	simm.s32 $0x0;
	s2 =	simm.s32 $0x480;
	v9 =	vand.u32 $0xFFFFFFFE, v9;
	v19 =	vmul.f32 $1.442695020e+00, v19  }
.LBB2_12:
0x447: {  	s14 =	sadd.s32 $0x2, s14;
	v21 =	vmov s3;
	s5 =	sadd.s32 $0x8, s5;
	s10 =	sadd.s32 $0x100, s10;
	(erf) = vpow2.f32 v20  }
0x448: {  	s1 =	sadd.s32 $0xFFFFFFFE, s5;
	s3 =	sadd.s32 $0xFFFFFFFF, s5;
	p2 =	slt.u32 s14, $0x3E;
	v20 =	vand.u32 $0xFFFFFFFC, v21;
	v19 =	vbroadcast v19, $0xF  }
0x449: {  	v21 =	vmov s1;
	v22 =	vmov s3;
	v20 =	vbroadcast v20, $0x0  }
0x44a: {  	v21 =	vand.u32 $0xFFFFFFFD, v21;
	v22 =	vand.u32 $0xFFFFFFFE, v22;
	v23 =	vpop (erf);
	(erf) = vpow2.f32 v19  }
0x44b: {  	v24 =	vmul.f32 v23, v15;
	v16 =	vmul.f32 v23, v16  }
0x44c: {  	v19 =	vbroadcast v10, $0x0;
	v10 =	vmov v21  }
0x44d: {  	[tilespmem:s0+$0x0] =	vst v24;
	v15 =	vpop (erf)  }
0x44e: {  	[tilespmem:s0+$0x10] =	vst v16;
	v21 =	vmul.f32 v15, v11;
	v12 =	vmul.f32 v15, v12  }
0x44f: {  	v16 =	vbroadcast v9, $0x0;
	v9 =	vmov v22;
	[tilespmem:v20+s24+$0x0] =	vst.idx.msk $0x1, v23  }
0x450: {  	[tilespmem:s0+$0x20] =	vst v21;
	v11 =	vpop (erf)  }
0x451: {  	[tilespmem:s0+$0x30] =	vst v12;
	v12 =	vmul.f32 v11, v18  }
0x452: {  	v13 =	vmul.f32 v11, v13;
	[tilespmem:v19+s24+$0x0] =	vst.idx.msk $0x1, v15  }
0x453: {  	[tilespmem:s0+$0x40] =	vst v12;
	v12 =	vmov s11;
	v15 =	vpop (erf);
	s11 =	smov.u32 s5  }
0x454: {  	[tilespmem:s0+$0x50] =	vst v13;
	v13 =	vmul.f32 v15, v17  }
0x455: {  	[tilespmem:v16+s24+$0x0] =	vst.idx.msk $0x1, v11;
	v11 =	vmul.f32 v15, v14  }
0x456: {  	[tilespmem:s0+$0x60] =	vst v13  }
0x457: {  	[tilespmem:s0+$0x70] =	vst v11;
	s0 =	smov.u32 s2  }
0x458: {  	[tilespmem:v12+s24+$0x0] =	vst.idx.msk $0x1, v15  }
0x459: {  	v19 =	vld [tilespmem:s10+$0xFFFFFFF0]  }
0x45a: {  	v18 =	vld [tilespmem:s10+$0xFFFFFFD0]  }
0x45b: {  	v13 =	vld [tilespmem:s10+$0xFFFFFFB0]  }
0x45c: {  	v16 =	vld [tilespmem:s2+$0xFFFFFF80]  }
0x45d: {  	v17 =	vld [tilespmem:s2+$0xFFFFFF90]  }
0x45e: {  	v12 =	vld [tilespmem:s10+$0xFFFFFF90]  }
0x45f: {  	v15 =	vld [tilespmem:s10+$0xFFFFFF80]  }
0x460: {  	v11 =	vld [tilespmem:s2+$0xFFFFFFB0]  }
0x461: {  	v20 =	vld [tilespmem:s10+$0xFFFFFFA0]  }
0x462: {  	v14 =	vld [tilespmem:s2+$0xFFFFFFA0]  }
0x463: {  	v21 =	vadd.f32 v12, v17;
	v12 =	vld [tilespmem:s2+$0xFFFFFFD0]  }
0x464: {  	v22 =	vadd.f32 v15, v16;
	v23 =	vld [tilespmem:s10+$0xFFFFFFC0]  }
0x465: {  	v24 =	vmul.f32 $1.442695020e+00, v21;
	v25 =	vadd.f32 v13, v11;
	v15 =	vld [tilespmem:s2+$0xFFFFFFC0]  }
0x466: {  	v26 =	vmul.f32 $1.442695020e+00, v22;
	v13 =	vld [tilespmem:s2+$0xFFFFFFF0]  }
0x467: {  	v20 =	vadd.f32 v20, v14;
	v27 =	vmul.f32 $1.442695020e+00, v25;
	v28 =	vld [tilespmem:s10+$0xFFFFFFE0];
	(erf) = vpow2.f32 v24  }
0x468: {  	v24 =	vadd.f32 v18, v12;
	v18 =	vld [tilespmem:s2+$0xFFFFFFE0];
	(erf) = vpow2.f32 v26  }
0x469: {  	v26 =	vmul.f32 $1.442695020e+00, v20;
	(erf) = vpow2.f32 v27  }
0x46a: {  	v23 =	vadd.f32 v23, v15;
	v27 =	vmul.f32 $1.442695020e+00, v24  }
0x46b: {  	v19 =	vadd.f32 v19, v13;
	(erf) = vpow2.f32 v26  }
0x46c: {  	v26 =	vmul.f32 $1.442695020e+00, v23;
	(erf) = vpow2.f32 v27  }
0x46d: {  	v27 =	vadd.f32 v28, v18;
	v29 =	vmul.f32 $1.442695020e+00, v19  }
0x46e: {  	(erf) = vpow2.f32 v26  }
0x46f: {  	v26 =	vmul.f32 $1.442695020e+00, v27;
	(erf) = vpow2.f32 v29  }
0x470: {  	v28 =	vpop (erf)  }
0x471: {  	v28 =	vadd.f32 $1.000000000e+00, v28;
	v29 =	vpop (erf);
	(erf) = vpow2.f32 v26  }
0x472: {  	v26 =	vadd.f32 $1.000000000e+00, v29;
	v29 =	vpop (erf)  }
0x473: {  	v28 =	vmul.f32 v28, v28;
	v29 =	vadd.f32 $1.000000000e+00, v29  }
0x474: {  	v26 =	vmul.f32 v26, v26;
	v30 =	vpop (erf)  }
0x475: {  	v32 =	vadd.f32 $1.000000000e+00, v28;
	v30 =	vadd.f32 $1.000000000e+00, v30;
	v29 =	vmul.f32 v29, v29;
	v31 =	vpop (erf)  }
0x476: {  	v33 =	vadd.f32 $1.000000000e+00, v26;
	v31 =	vadd.f32 $1.000000000e+00, v31  }
0x477: {  	v30 =	vmul.f32 v30, v30;
	v29 =	vadd.f32 $1.000000000e+00, v29;
	(erf) = vrcp.f32 v32;
	v28 =	vpop (erf)  }
0x478: {  	v28 =	vadd.f32 $1.000000000e+00, v28;
	v32 =	vmul.f32 v31, v31;
	(erf) = vrcp.f32 v33;
	v26 =	vpop (erf)  }
0x479: {  	v30 =	vadd.f32 $1.000000000e+00, v30;
	v26 =	vadd.f32 $1.000000000e+00, v26;
	(erf) = vrcp.f32 v29  }
0x47a: {  	v28 =	vmul.f32 v28, v28;
	v29 =	vadd.f32 $1.000000000e+00, v32;
	v31 =	vpop (erf)  }
0x47b: {  	v31 =	vadd.f32 $1.000000000e+00, v31;
	v26 =	vmul.f32 v26, v26;
	(erf) = vrcp.f32 v30  }
0x47c: {  	v28 =	vadd.f32 $1.000000000e+00, v28;
	(erf) = vrcp.f32 v29  }
0x47d: {  	v29 =	vmul.f32 v31, v31;
	v30 =	vadd.f32 $1.000000000e+00, v26  }
0x47e: {  	(erf) = vrcp.f32 v28  }
0x47f: {  	v28 =	vadd.f32 $1.000000000e+00, v29;
	(erf) = vrcp.f32 v30  }
0x480: {  	v26 =	vpop (erf)  }
0x481: {  	v21 =	vmul.f32 v21, v2;
	v26 =	vadd.f32 v26, v26;
	v29 =	vpop (erf);
	(erf) = vrcp.f32 v28  }
0x482: {  	v22 =	vmul.f32 v22, v1;
	v28 =	vadd.f32 v29, v29;
	v29 =	vpop (erf)  }
0x483: {  	v25 =	vmul.f32 v25, v4;
	v26 =	vmul.f32 v26, v21;
	v29 =	vadd.f32 v29, v29  }
0x484: {  	v20 =	vmul.f32 v20, v3;
	v28 =	vmul.f32 v28, v22;
	v30 =	vpop (erf)  }
0x485: {  	v21 =	vsub.f32 v21, v26;
	v26 =	vadd.f32 v30, v30;
	v31 =	vmul.f32 v29, v25;
	v30 =	vpop (erf)  }
0x486: {  	v24 =	vmul.f32 v24, v6;
	v32 =	vsub.f32 v22, v28;
	v28 =	vadd.f32 v30, v30  }
0x487: {  	v23 =	vmul.f32 v23, v5;
	v26 =	vmul.f32 v26, v20;
	v25 =	vsub.f32 v25, v31;
	v29 =	vpop (erf)  }
0x488: {  	v30 =	vadd.f32 v29, v29;
	v28 =	vmul.f32 v28, v24;
	v21 =	vadd.f32 v21, v32;
	v22 =	vpop (erf)  }
0x489: {  	v19 =	vmul.f32 v19, v8;
	v20 =	vsub.f32 v20, v26;
	v22 =	vadd.f32 v22, v22  }
0x48a: {  	v27 =	vmul.f32 v27, v7;
	v26 =	vmul.f32 v30, v23;
	v29 =	vpop (erf);
	(xrf2) =	vadd.scan.msk.f32 $0xffff, v21  }
0x48b: {  	v21 =	vadd.f32 v29, v29;
	v22 =	vmul.f32 v22, v19;
	v20 =	vadd.f32 v25, v20  }
0x48c: {  	v24 =	vsub.f32 v24, v28;
	v23 =	vsub.f32 v23, v26  }
0x48d: {  	v21 =	vmul.f32 v21, v27;
	v19 =	vsub.f32 v19, v22;
	(xrf2) =	vadd.scan.msk.f32 $0xffff, v20  }
0x48e: {  	v20 =	vadd.f32 v24, v23  }
0x48f: {  	v21 =	vsub.f32 v27, v21  }
0x490: {  	(xrf2) =	vadd.scan.msk.f32 $0xffff, v20  }
0x491: {  	v20 =	vadd.f32 v19, v21;
	_ =	sdelay $0x1  }
0x492: {  	(xrf2) =	vadd.scan.msk.f32 $0xffff, v20  }
0x493: {  	v19, _, _ =	vpop (xrf2)  }
0x494: {  	v19 =	vmul.f32 $1.442695020e+00, v19;
	_ =	sdelay $0x1  }
0x495: {  	v19 =	vbroadcast v19, $0xF;
	v20, _, _ =	vpop (xrf2)  }
0x496: {  	v21 =	vmul.f32 $1.442695020e+00, v20  }
0x497: {  	(erf) = vpow2.f32 v19  }
0x498: {  	v19 =	vbroadcast v21, $0xF;
	v20, _, _ =	vpop (xrf2)  }
0x499: {  	v21 =	vmul.f32 $1.442695020e+00, v20  }
0x49a: {  	(erf) = vpow2.f32 v19  }
0x49b: {  	s1 =	sadd.s32 $0xFFFFFFF9, s5;
	v19 =	vbroadcast v21, $0xF;
	v20, _, _ =	vpop (xrf2)  }
0x49c: {  	v21 =	vmov s1;
	v20 =	vmul.f32 $1.442695020e+00, v20  }
0x49d: {  	s1 =	sadd.s32 $0xFFFFFFFA, s5;
	v21 =	vand.u32 $0xFFFFFFF8, v21;
	(erf) = vpow2.f32 v19  }
0x49e: {  	v19 =	vbroadcast v21, $0x0;
	v21 =	vmov s1;
	v20 =	vbroadcast v20, $0xF  }
0x49f: {  	s1 =	sadd.s32 $0xFFFFFFFB, s5;
	v21 =	vand.u32 $0xFFFFFFF9, v21  }
0x4a0: {  	v22 =	vmov s1;
	v21 =	vbroadcast v21, $0x0;
	v23 =	vpop (erf);
	(erf) = vpow2.f32 v20  }
0x4a1: {  	s1 =	sadd.s32 $0xFFFFFFFC, s5;
	v20 =	vand.u32 $0xFFFFFFFA, v22;
	v16 =	vmul.f32 v23, v16;
	v17 =	vmul.f32 v23, v17  }
0x4a2: {  	v24 =	vmov s1;
	v20 =	vbroadcast v20, $0x0  }
0x4a3: {  	[tilespmem:s2+$0xFFFFFF80] =	vst v16;
	v16 =	vand.u32 $0xFFFFFFFB, v24;
	v22 =	vpop (erf)  }
0x4a4: {  	[tilespmem:s2+$0xFFFFFF90] =	vst v17;
	v17 =	vmul.f32 v22, v14;
	v16 =	vbroadcast v16, $0x0  }
0x4a5: {  	v11 =	vmul.f32 v22, v11;
	[tilespmem:v19+s24+$0x0] =	vst.idx.msk $0x1, v23  }
0x4a6: {  	[tilespmem:s2+$0xFFFFFFA0] =	vst v17;
	v14 =	vpop (erf)  }
0x4a7: {  	[tilespmem:s2+$0xFFFFFFB0] =	vst v11;
	v15 =	vmul.f32 v14, v15;
	v12 =	vmul.f32 v14, v12  }
0x4a8: {  	[tilespmem:v21+s24+$0x0] =	vst.idx.msk $0x1, v22  }
0x4a9: {  	[tilespmem:s2+$0xFFFFFFC0] =	vst v15;
	v11 =	vpop (erf)  }
0x4aa: {  	[tilespmem:s2+$0xFFFFFFD0] =	vst v12;
	v12 =	vmul.f32 v11, v18;
	v13 =	vmul.f32 v11, v13  }
0x4ab: {  	[tilespmem:v20+s24+$0x0] =	vst.idx.msk $0x1, v14  }
0x4ac: {  	[tilespmem:s2+$0xFFFFFFE0] =	vst v12  }
0x4ad: {  	[tilespmem:s2+$0xFFFFFFF0] =	vst v13  }
0x4ae: {  	[tilespmem:v16+s24+$0x0] =	vst.idx.msk $0x1, v11  }
0x4af: {  	v17 =	vld [tilespmem:s10+$0x50]  }
0x4b0: {  	v13 =	vld [tilespmem:s10+$0x20]  }
0x4b1: {  	v11 =	vld [tilespmem:s2+$0x20]  }
0x4b2: {  	v14 =	vld [tilespmem:s10+$0x30]  }
0x4b3: {  	v18 =	vld [tilespmem:s10+$0x10]  }
0x4b4: {  	v12 =	vld [tilespmem:s2+$0x30]  }
0x4b5: {  	v15 =	vld [tilespmem:s2+$0x0]  }
0x4b6: {  	v16 =	vld [tilespmem:s2+$0x10]  }
0x4b7: {  	v19 =	vld [tilespmem:s10+$0x0];
	_ =	sdelay $0x1  }
0x4b8: {  	v20 =	vadd.f32 v14, v12;
	_ =	sdelay $0x1  }
0x4b9: {  	v21 =	vadd.f32 v13, v11;
	v14 =	vmul.f32 $1.442695020e+00, v20;
	v22 =	vld [tilespmem:s10+$0x70]  }
0x4ba: {  	v23 =	vadd.f32 v18, v16;
	v19 =	vadd.f32 v19, v15;
	v13 =	vld [tilespmem:s2+$0x50]  }
0x4bb: {  	v24 =	vmul.f32 $1.442695020e+00, v21;
	v25 =	vld [tilespmem:s10+$0x40];
	(erf) = vpow2.f32 v14  }
0x4bc: {  	v27 =	vmul.f32 $1.442695020e+00, v23;
	v26 =	vmul.f32 $1.442695020e+00, v19;
	v18 =	vld [tilespmem:s2+$0x40]  }
0x4bd: {  	v14 =	vld [tilespmem:s2+$0x70];
	(erf) = vpow2.f32 v24  }
0x4be: {  	v24 =	vld [tilespmem:s10+$0x60];
	(erf) = vpow2.f32 v26  }
0x4bf: {  	v26 =	vadd.f32 v17, v13;
	v17 =	vld [tilespmem:s2+$0x60];
	(erf) = vpow2.f32 v27;
	_ =	sdelay $0x1  }
0x4c0: {  	v25 =	vadd.f32 v25, v18;
	v27 =	vmul.f32 $1.442695020e+00, v26  }
0x4c1: {  	v22 =	vadd.f32 v22, v14  }
0x4c2: {  	v28 =	vmul.f32 $1.442695020e+00, v25;
	(erf) = vpow2.f32 v27  }
0x4c3: {  	v24 =	vadd.f32 v24, v17;
	v27 =	vmul.f32 $1.442695020e+00, v22;
	v29 =	vpop (erf)  }
0x4c4: {  	v29 =	vadd.f32 $1.000000000e+00, v29;
	(erf) = vpow2.f32 v28  }
0x4c5: {  	v28 =	vmul.f32 $1.442695020e+00, v24;
	v30 =	vpop (erf);
	(erf) = vpow2.f32 v27  }
0x4c6: {  	v27 =	vadd.f32 $1.000000000e+00, v30;
	v29 =	vmul.f32 v29, v29;
	v30 =	vpop (erf)  }
0x4c7: {  	v30 =	vadd.f32 $1.000000000e+00, v30;
	v31 =	vpop (erf);
	(erf) = vpow2.f32 v28  }
0x4c8: {  	v28 =	vadd.f32 $1.000000000e+00, v31;
	v27 =	vmul.f32 v27, v27;
	v29 =	vadd.f32 $1.000000000e+00, v29  }
0x4c9: {  	v31 =	vmul.f32 v30, v30  }
0x4ca: {  	v28 =	vmul.f32 v28, v28;
	v32 =	vadd.f32 $1.000000000e+00, v27;
	(erf) = vrcp.f32 v29  }
0x4cb: {  	v29 =	vadd.f32 $1.000000000e+00, v31;
	v30 =	vpop (erf)  }
0x4cc: {  	v31 =	vadd.f32 $1.000000000e+00, v28;
	v30 =	vadd.f32 $1.000000000e+00, v30;
	(erf) = vrcp.f32 v32  }
0x4cd: {  	(erf) = vrcp.f32 v29;
	v27 =	vpop (erf)  }
0x4ce: {  	v27 =	vadd.f32 $1.000000000e+00, v27;
	v29 =	vmul.f32 v30, v30;
	(erf) = vrcp.f32 v31;
	v28 =	vpop (erf)  }
0x4cf: {  	v28 =	vadd.f32 $1.000000000e+00, v28  }
0x4d0: {  	v27 =	vmul.f32 v27, v27;
	v29 =	vadd.f32 $1.000000000e+00, v29;
	v30 =	vpop (erf)  }
0x4d1: {  	v31 =	vadd.f32 $1.000000000e+00, v30;
	v28 =	vmul.f32 v28, v28  }
0x4d2: {  	v27 =	vadd.f32 $1.000000000e+00, v27;
	(erf) = vrcp.f32 v29  }
0x4d3: {  	v31 =	vmul.f32 v31, v31;
	v28 =	vadd.f32 $1.000000000e+00, v28;
	v30 =	vpop (erf)  }
0x4d4: {  	v30 =	vadd.f32 v30, v30;
	(erf) = vrcp.f32 v27  }
0x4d5: {  	v27 =	vadd.f32 $1.000000000e+00, v31;
	v29 =	vpop (erf);
	(erf) = vrcp.f32 v28  }
0x4d6: {  	v21 =	vmul.f32 v21, v3;
	v20 =	vmul.f32 v20, v4;
	v28 =	vadd.f32 v29, v29;
	v29 =	vpop (erf)  }
0x4d7: {  	v19 =	vmul.f32 v19, v1;
	v29 =	vadd.f32 v29, v29;
	v31 =	vpop (erf);
	(erf) = vrcp.f32 v27  }
0x4d8: {  	v23 =	vmul.f32 v23, v2;
	v27 =	vadd.f32 v31, v31;
	v31 =	vmul.f32 v28, v21  }
0x4d9: {  	v30 =	vmul.f32 v30, v20;
	v29 =	vmul.f32 v29, v19  }
0x4da: {  	v27 =	vmul.f32 v27, v23;
	v31 =	vsub.f32 v21, v31  }
0x4db: {  	v20 =	vsub.f32 v20, v30;
	v28 =	vpop (erf)  }
0x4dc: {  	v19 =	vsub.f32 v19, v29;
	v29 =	vsub.f32 v23, v27  }
0x4dd: {  	v26 =	vmul.f32 v26, v6;
	v27 =	vadd.f32 v28, v28;
	v20 =	vadd.f32 v20, v31;
	v21 =	vpop (erf)  }
0x4de: {  	v25 =	vmul.f32 v25, v5;
	v21 =	vadd.f32 v21, v21;
	v19 =	vadd.f32 v29, v19;
	v23 =	vpop (erf)  }
0x4df: {  	v22 =	vmul.f32 v22, v8;
	v27 =	vmul.f32 v27, v26;
	v23 =	vadd.f32 v23, v23  }
0x4e0: {  	v21 =	vmul.f32 v21, v25;
	v28 =	vpop (erf);
	(xrf2) =	vadd.scan.msk.f32 $0xffff, v19  }
0x4e1: {  	v24 =	vmul.f32 v24, v7;
	v19 =	vadd.f32 v28, v28;
	v23 =	vmul.f32 v23, v22  }
0x4e2: {  	v21 =	vsub.f32 v25, v21;
	v25 =	vsub.f32 v26, v27  }
0x4e3: {  	v19 =	vmul.f32 v19, v24;
	(xrf2) =	vadd.scan.msk.f32 $0xffff, v20  }
0x4e4: {  	v20 =	vadd.f32 v25, v21  }
0x4e5: {  	v21 =	vsub.f32 v22, v23;
	v19 =	vsub.f32 v24, v19  }
0x4e6: {  	(xrf2) =	vadd.scan.msk.f32 $0xffff, v20  }
0x4e7: {  	v20 =	vadd.f32 v21, v19;
	_ =	sdelay $0x1  }
0x4e8: {  	(xrf2) =	vadd.scan.msk.f32 $0xffff, v20  }
0x4e9: {  	v19, _, _ =	vpop (xrf2)  }
0x4ea: {  	v19 =	vmul.f32 $1.442695020e+00, v19;
	_ =	sdelay $0x1  }
0x4eb: {  	v19 =	vbroadcast v19, $0xF;
	v20, _, _ =	vpop (xrf2)  }
0x4ec: {  	v21 =	vmul.f32 $1.442695020e+00, v20  }
0x4ed: {  	(erf) = vpow2.f32 v19  }
.Ltmp8:
0x4ee: {  	v21 =	vbroadcast v21, $0xF;
	v20, _, _ =	vpop (xrf2);
	(pc) =	sbr.rel @p2 .LBB2_12-.Ltmp8, $4  }
0x4ef: {  	v20 =	vmul.f32 $1.442695020e+00, v20  }
0x4f0: {  	(erf) = vpow2.f32 v21  }
0x4f1: {  	v20 =	vbroadcast v20, $0xF;
	v19, _, _ =	vpop (xrf2)  }
0x4f2: {  	s3 =	sadd.s32 $0xFFFFFFFD, s5;
	s2 =	sadd.s32 $0x100, s2;
	v19 =	vmul.f32 $1.442695020e+00, v19  }
0x4f3: {  	_ = 	snop  }
0x4f4: {  	v1 =	vmov s3  }
0x4f5: {  	(erf) = vpow2.f32 v20;
	v1 =	vand.u32 $0xFFFFFFFC, v1;
	v2 =	vbroadcast v19, $0xF  }
0x4f6: {  	v1 =	vbroadcast v1, $0x0;
	v3 =	vpop (erf)  }
0x4f7: {  	(erf) = vpow2.f32 v2;
	v2 =	vmul.f32 v3, v15;
	_ =	sdelay $0x2  }
0x4f8: {  	v5 =	vbroadcast v10, $0x0;
	v4 =	vmul.f32 v3, v16  }
0x4f9: {  	[tilespmem:s0+$0x0] =	vst v2;
	v2 =	vpop (erf)  }
0x4fa: {  	[tilespmem:s0+$0x10] =	vst v4;
	v60 =	vmul.f32 v2, v11  }
0x4fb: {  	[tilespmem:v1+s24+$0x0] =	vst.idx.msk $0x1, v3;
	v1 =	vbroadcast v9, $0x0;
	v6 =	vmul.f32 v2, v12  }
0x4fc: {  	v3 =	vpop (erf);
	[tilespmem:s0+$0x20] =	vst v60  }
0x4fd: {  	v61 =	vmul.f32 v3, v18;
	[tilespmem:s0+$0x30] =	vst v6  }
0x4fe: {  	[tilespmem:v5+s24+$0x0] =	vst.idx.msk $0x1, v2;
	v2 =	vmul.f32 v3, v13  }
0x4ff: {  	v62 =	vmov s11;
	v63 =	vpop (erf);
	[tilespmem:s0+$0x40] =	vst v61  }
0x500: {  	[tilespmem:s0+$0x50] =	vst v2;
	v2 =	vmul.f32 v63, v17  }
0x501: {  	[tilespmem:v1+s24+$0x0] =	vst.idx.msk $0x1, v3;
	v1 =	vmul.f32 v63, v14  }
0x502: {  	[tilespmem:s0+$0x60] =	vst v2  }
0x503: {  	[tilespmem:s0+$0x70] =	vst v1  }
0x504: {  	[tilespmem:v62+s24+$0x0] =	vst.idx.msk $0x1, v63  }
0x505: {  	v1 =	vld [tilespmem:$0x100]  }
0x506: {  	v2 =	vld [tilespmem:$0x110]  }
0x507: {  	v3 =	vld [tilespmem:$0x120]  }
0x508: {  	v4 =	vld [tilespmem:$0x130];
	_ =	sdelay $0x1  }
0x509: {  	[tilespmem:$0x200] =	vst v1  }
0x50a: {  	[tilespmem:$0x210] =	vst v2  }
0x50b: {  	[tilespmem:$0x220] =	vst v3  }
0x50c: {  	s25 =	simm.s32 $0x200;
	[tilespmem:$0x230] =	vst v4  }
0x50d: {  	[spmem:s4] =	stream.indirect.scatter.add.f32 [tilespmem:s8], [sflag:$0x9], $0x80, s25, s13, $0xb8;
	[tilespmem:$0x1BE00] =	vst v63  }
0x50e: {  	_ =	swait.ge [sflag:s19], $0x2000  }
0x50f: {  	[sflag:s19] =	ssyncset.done $0x0  }
.Ltmp9:
0x510: {  	s29 =	rddreg [dreg:$0x12];
	[sflag:s19] =	ssyncadd.s32 $0xFFFFE000;
	(pc) =	sbr.rel .LBB2_14-.Ltmp9, $4  }
0x511: {  	[hbm4b:s29+s6] =	stream.linear.scatter [tilespmem:s24], [sflag:$0x9], $0x100, $0x38;
	[tilespmem:$0x1BE00] =	vst v63  }
0x512: {  	_ =	swait.ge [sflag:s19], $0x100  }
0x513: {  	[sflag:s19] =	ssyncset.done $0x0  }
0x514: {  	s5 =	rddreg [dreg:$0x1d];
	[sflag:s19] =	ssyncadd.s32 $0xFFFFFF00  }
.LBB2_15:
0x515: {  	_ =	sfence.sel $0x180000  }
0x516: {  	[bflag:$0x0] =	sbarrier.arrive $0xFFFF  }
0x517: {  	_ =	strace $0x90000047  }
0x518: {  	s0 =	stileid.u32;
	[bflag:$0x2] =	sbarrier.arrive $0xFFFF  }
0x519: {  	p0 =	sne.s32 s0, $0x0;
	s0 =	rddreg [dreg:$0x5]  }
0x51a: {  	s0 =	sadd.s32 @!p0 $0x100000, s0  }
0x51b: {  	[sflag:s0] =	ssyncadd.tile.s32 @!p0 $0x1;
	_ =	shalt  }
.Lfunc_end2:
_tile_overlayer_lowered:
.L_overlay_start_2:
0x51c: {  	(tag) =	ssettag $0x2  }
0x51d: {  	s0 =	rddreg [dreg:$0x0];
	s2 =	stileid.u32  }
0x51e: {  	s1 =	rddreg [dreg:$0x1];
	p0 =	sne.s32 s2, $0x0  }
0x51f: {  	s3 =	rddreg [dreg:$0x2];
	[bflag:$0x3] =	sbarrier.arrive $0xFFFF;
	s2 =	simm.s32 @!p0 $0x1C09  }
0x520: {  	[timem:s3], [sflag:s2] =	dma.local @!p0 [hbm:s0], s1  }
0x521: {  	s0 =	simm.s32 @!p0 $0x9  }
0x522: {  	_ =	swait.ge @!p0 [sflag:s0], s1  }
0x523: {  	s1 =	ssub.s32 @!p0 $0x0, s1;
	[sflag:s0] =	ssyncset.done @!p0 $0x0  }
0x524: {  	[sflag:s0] =	ssyncadd.s32 @!p0 s1  }
0x525: {  	[bflag:$0x3] =	sbarrier.arrive $0xFFFF  }
0x526: {  	_ =	shalt  }

// kernel: kernel.9.cloned.1.call-start
scs
__scs_entry_jumppad:
0x0: {  	(pc) =	sbr.rel $0x88, $3  }
0x1: {  	(tag) =	ssettag $0x0;
	lr =	simm.s32 $0x1  }
0x2: {  	[smem:$0x3F99] =	sst lr;
	_ =	strace $0xD0000000  }
0x3: {  	_ = 	snop  }
0x4: {  	_ = 	snop  }
0x5: {  	_ = 	snop  }
0x6: {  	_ = 	snop  }
0x7: {  	_ = 	snop  }
__scs_overlays_trampoline_lowered:
0x8: {  	[smem:$0x3FA8] =	sst s0  }
0x9: {  	[smem:$0x3FA9] =	sst s1  }
0xa: {  	[smem:$0x3FAA] =	sst s2  }
0xb: {  	[smem:$0x3FAB] =	sst s3  }
0xc: {  	[smem:$0x3FAC] =	sst s4  }
0xd: {  	[smem:$0x3FAD] =	sst s5  }
0xe: {  	[smem:$0x3FAE] =	sst s6  }
0xf: {  	[smem:$0x3FAF] =	sst s7  }
0x10: {  	[smem:$0x3FB0] =	sst s8  }
0x11: {  	[smem:$0x3FB1] =	sst s9;
	s0 =	simm.s32 @!p0 $0x0  }
0x12: {  	s1 =	sld [smem:$0x3F97];
	s0 =	simm.s32 @p0 $0x1  }
0x13: {  	[smem:$0x3FB2] =	sst s0;
	s0 =	simm.s32 @!p1 $0x0  }
0x14: {  	s2 =	sld [smem:$0x3F96];
	s0 =	simm.s32 @p1 $0x1  }
0x15: {  	[smem:$0x3FB3] =	sst s0;
	s0 =	simm.s32 @!p2 $0x0  }
0x16: {  	s3 =	sld [smem:$0x3FDB];
	s0 =	simm.s32 @p2 $0x1  }
0x17: {  	s4 =	simm.s32 $0x1BF5;
	[smem:$0x3FB5] =	sst s0  }
0x18: {  	s0 =	sld [smem:$0x3F98];
	_ =	swait.ge [sflag:s4], $0x0  }
0x19: {  	s7 =	sld [smem:$0x3F99]  }
0x1a: {  	s8 =	sadd.s32 $0xFFFFE003, lr  }
0x1b: {  	s9 =	sadd.s32 $0xFFFFFEF7, lr;
	s5 =	simm.s32 $0xFFFFFFFF;
	p2 =	slt.u32 s8, $0xFFFFF086  }
0x1c: {  	p1 =	slt.u32 s9, $0xF7A;
	s5 =	simm.s32 @!p2 $0x0  }
0x1d: {  	s5 =	simm.s32 @p1 $0x1;
	p0 =	seq.s32 s7, s2  }
0x1e: {  	s7 =	smul.u32 @!p0 $0xF7A, s2;
	p2 =	seq.s32 @!p0 s5, $0x0  }
0x1f: {  	s9 =	smul.u32 $0xF7A, s1;
	s8 =	simm.s32 @!p0 $0x1BF5;
	p2 =	por !p2, p0  }
0x20: {  	[sflag:s8] =	ssyncset.s32 @!p0 $0xFFFFF086;
	s6 =	sadd.s32 @!p0 s3, s7;
	s7 =	simm.s32 @!p0 $0x108  }
0x21: {  	s3 =	sadd.s32 s3, s9;
	s6 =	sadd.s32 @!p0 $0x88, s6;
	s7 =	simm.s32 @p2 $0x1082  }
0x22: {  	[simem:s7], [sflag:s8] =	dma.local @!p0 [hbm:s6], $0xF7A  }
0x23: {  	s9 =	sor.u32 $0xD0000000, s2;
	s6 =	simm.s32 $0x108;
	_ =	swait.ge @!p0 [sflag:s8], $0x0  }
0x24: {  	s3 =	sadd.s32 $0x88, s3;
	s6 =	simm.s32 @!p1 $0x1082;
	[sflag:s4] =	ssyncset.s32 $0xFFFFF086  }
0x25: {  	[simem:s6], [sflag:s4] =	dma.local [hbm:s3], $0xF7A  }
0x26: {  	[smem:$0x3F99] =	sst s1;
	(tag) =	ssettag s2;
	_ =	strace s9  }
0x27: {  	s1 =	sld [smem:$0x3FA9]  }
0x28: {  	s2 =	sld [smem:$0x3FAA]  }
0x29: {  	s4 =	sld [smem:$0x3FAC]  }
0x2a: {  	p0 =	seq.s32 s5, $0x0;
	s5 =	sld [smem:$0x3FAD]  }
0x2b: {  	s6 =	sld [smem:$0x3FAE]  }
0x2c: {  	s7 =	sld [smem:$0x3FAF]  }
0x2d: {  	s3 =	simm.s32 $0x108;
	s8 =	sld [smem:$0x3FB0]  }
0x2e: {  	s3 =	simm.s32 @!p0 $0x1082;
	s9 =	sld [smem:$0x3FB1]  }
0x2f: {  	lr =	sadd.s32 s0, s3;
	s0 =	sld [smem:$0x3FA8]  }
0x30: {  	s3 =	sld [smem:$0x3FAB]  }
0x31: {  	[smem:$0x3FB4] =	sst s10  }
0x32: {  	s10 =	sld [smem:$0x3FB2];
	_ =	sdelay $0x3  }
0x33: {  	p0 =	seq.s32 s10, $0x1;
	s10 =	sld [smem:$0x3FB4];
	_ =	sdelay $0x3  }
0x34: {  	[smem:$0x3FB4] =	sst s10  }
0x35: {  	s10 =	sld [smem:$0x3FB3];
	_ =	sdelay $0x3  }
0x36: {  	p1 =	seq.s32 s10, $0x1;
	s10 =	sld [smem:$0x3FB4];
	_ =	sdelay $0x3  }
0x37: {  	[smem:$0x3FB4] =	sst s10  }
0x38: {  	s10 =	sld [smem:$0x3FB5]  }
0x39: {  	_ = 	snop;
	(pc) =	sbr.ind lr, $3  }
0x3a: {  	_ = 	snop  }
0x3b: {  	_ = 	snop  }
0x3c: {  	p2 =	seq.s32 s10, $0x1;
	s10 =	sld [smem:$0x3FB4]  }
0x3d: {  	_ =	shalt  }
0x3e: {  	_ =	shalt  }
0x3f: {  	_ =	shalt  }
0x40: {  	_ =	shalt  }
0x41: {  	_ =	shalt  }
0x42: {  	_ =	shalt  }
0x43: {  	_ =	shalt  }
0x44: {  	_ =	shalt  }
0x45: {  	_ =	shalt  }
0x46: {  	_ =	shalt  }
0x47: {  	_ =	shalt  }
0x48: {  	_ =	shalt  }
0x49: {  	_ =	shalt  }
0x4a: {  	_ =	shalt  }
0x4b: {  	_ =	shalt  }
0x4c: {  	_ =	shalt  }
0x4d: {  	_ =	shalt  }
0x4e: {  	_ =	shalt  }
0x4f: {  	_ =	shalt  }
0x50: {  	_ =	shalt  }
0x51: {  	_ =	shalt  }
0x52: {  	_ =	shalt  }
0x53: {  	_ =	shalt  }
0x54: {  	_ =	shalt  }
0x55: {  	_ =	shalt  }
0x56: {  	_ =	shalt  }
0x57: {  	_ =	shalt  }
0x58: {  	_ =	shalt  }
0x59: {  	_ =	shalt  }
0x5a: {  	_ =	shalt  }
0x5b: {  	_ =	shalt  }
0x5c: {  	_ =	shalt  }
0x5d: {  	_ =	shalt  }
0x5e: {  	_ =	shalt  }
0x5f: {  	_ =	shalt  }
0x60: {  	_ =	shalt  }
0x61: {  	_ =	shalt  }
0x62: {  	_ =	shalt  }
0x63: {  	_ =	shalt  }
0x64: {  	_ =	shalt  }
0x65: {  	_ =	shalt  }
0x66: {  	_ =	shalt  }
0x67: {  	_ =	shalt  }
0x68: {  	_ =	shalt  }
0x69: {  	_ =	shalt  }
0x6a: {  	_ =	shalt  }
0x6b: {  	_ =	shalt  }
0x6c: {  	_ =	shalt  }
0x6d: {  	_ =	shalt  }
0x6e: {  	_ =	shalt  }
0x6f: {  	_ =	shalt  }
0x70: {  	_ =	shalt  }
0x71: {  	_ =	shalt  }
0x72: {  	_ =	shalt  }
0x73: {  	_ =	shalt  }
0x74: {  	_ =	shalt  }
0x75: {  	_ =	shalt  }
0x76: {  	_ =	shalt  }
0x77: {  	_ =	shalt  }
0x78: {  	_ =	shalt  }
0x79: {  	_ =	shalt  }
0x7a: {  	_ =	shalt  }
0x7b: {  	_ =	shalt  }
0x7c: {  	_ =	shalt  }
0x7d: {  	_ =	shalt  }
0x7e: {  	_ =	shalt  }
0x7f: {  	_ =	shalt  }
0x80: {  	_ =	shalt  }
0x81: {  	_ =	shalt  }
0x82: {  	_ =	shalt  }
0x83: {  	_ =	shalt  }
0x84: {  	_ =	shalt  }
0x85: {  	_ =	shalt  }
0x86: {  	_ =	shalt  }
0x87: {  	_ =	shalt  }
.Lfunc_end0:
.L_simem_size_0:
called_computation.1_lowered:
.L_overlay_start_0:
0x88: {  	s2 =	sld [smem:$0x3FD9]  }
0x89: {  	s3 =	sld [smem:$0x3FFE];
	_ =	sdelay $0x1  }
0x8a: {  	s1 =	srdreg.scid  }
0x8b: {  	s0 =	sand.u32 $0x1, s1  }
0x8c: {  	s17 =	sshll.u32 s0, $0xA;
	s2 =	sadd.s32 s3, s2  }
0x8d: {  	s2 =	sadd.s32 s2, s17  }
0x8e: {  	[smem:$0x3FC0] =	sst s2  }
0x8f: {  	_ = 	snop  }
0x90: {  	s2 =	sld [smem:$0x3FC7];
	(tm) =	ssettm $0x1  }
0x91: {  	s18 =	sld [smem:$0x3FFB];
	_ =	sdelay $0x3  }
0x92: {  	_ =	strace s18  }
0x93: {  	s3 =	sld [smem:$0x3FFC];
	_ =	sdelay $0x3  }
0x94: {  	_ =	strace s3  }
0x95: {  	s3 =	sld [smem:$0x3FFD];
	_ =	sdelay $0x3  }
0x96: {  	_ =	strace s3  }
0x97: {  	_ =	strace $0x8FFFFFFF  }
0x98: {  	s19 =	sld [smem:$0x3FDB];
	_ =	sdelay $0x1  }
0x99: {  	s4 =	simm.s32 $_scs_section_size  }
0x9a: {  	s5 =	simm.s32 $_size__tile_overlayer_lowered;
	s6 =	simm.s32 $_tile_overlayer_lowered  }
0x9b: {  	s22 =	simm.s32 $0x1BFF;
	s21 =	sshll.u32 s6, $0x1;
	s3 =	sadd.s32 s4, s19  }
0x9c: {  	s7 =	simm.s32 $0x0;
	s20 =	sshll.u32 s5, $0x1;
	s5 =	sadd.s32 s21, s3  }
0x9d: {  	[timem:s7], [sflag:s22] =	dma.local [hbm:s5], s20  }
0x9e: {  	_ =	swait.ge [sflag:s22], s20  }
0x9f: {  	s4 =	ssub.s32 $0x0, s20;
	[sflag:s22] =	ssyncset.done $0x0  }
0xa0: {  	[sflag:s22] =	ssyncadd.s32 s4;
	_ =	sdelay $0x1  }
0xa1: {  	s23 =	simm.s32 $0x1B8B  }
0xa2: {  	_ =	swait.ge [sflag:s23], $0x1  }
0xa3: {  	[sflag:s23] =	ssyncset.done $0x0  }
0xa4: {  	s25 =	simm.s32 $0x1B8E;
	s24 =	sld [smem:$0x3FFE];
	[sflag:s23] =	ssyncadd.s32 $0xFFFFFFFF  }
0xa5: {  	s26 =	simm.s32 $execute0_lowered;
	[smem:$0x3FD2] =	sst s25  }
0xa6: {  	s5 =	sshll.u32 s26, $0x1;
	_ =	strace $0x80000049;
	[dreg:$0x1] =	wrdreg $0xFFFFFFFF  }
0xa7: {  	s28 =	simm.s32 $_size_execute0_lowered;
	s3 =	sadd.s32 s3, s5;
	[dreg:$0x0] =	wrdreg $0x0  }
0xa8: {  	s5 =	sshll.u32 s28, $0x1;
	[dreg:$0x2] =	wrdreg s3  }
0xa9: {  	[dreg:$0x3] =	wrdreg s5  }
0xaa: {  	[dreg:$0x4] =	wrdreg $0xC0  }
0xab: {  	_ =	task [dreg:s7], $0x5FFFF  }
0xac: {  	[dreg:$0x1] =	wrdreg $0xFFFFFFFF  }
0xad: {  	[dreg:$0x0] =	wrdreg $0x60  }
0xae: {  	[dreg:$0x2] =	wrdreg s2  }
0xaf: {  	[dreg:$0x3] =	wrdreg s24  }
0xb0: {  	[dreg:$0x4] =	wrdreg $0x21800  }
0xb1: {  	[dreg:$0x5] =	wrdreg $0x9  }
0xb2: {  	_ =	task.clear_ibuf [dreg:s7], $0x6FFFF;
	_ =	strace $0x90000049  }
0xb3: {  	s29 =	simm.s32 $0x9;
	_ =	strace $0x8000004B  }
0xb4: {  	_ =	swait.ge [sflag:s29], $0x1  }
0xb5: {  	[sflag:s29] =	ssyncadd.s32 $0xFFFFFFFF  }
0xb6: {  	_ =	strace $0x9000004B  }
0xb7: {  	_ =	sfence  }
0xb8: {  	s30 =	sld [smem:$0x0];
	_ =	sdelay $0x2  }
0xb9: {  	s31 =	sshll.u32 s1, $0xD;
	s1 =	sshrl.u32 s1, $0x2  }
0xba: {  	s3 =	sand.u32 $0x4000, s31;
	s1 =	sadd.s32 s1, s30  }
0xbb: {  	s0 =	sor.u32 s3, s0;
	s1 =	sshll.u32 s1, $0x11  }
0xbc: {  	s0 =	sor.u32 s1, s0  }
0xbd: {  	s0 =	sadd.s32 $0x8F2B, s0  }
0xbe: {  	[sflag:s0] =	ssyncadd.remote.s32 $0x1  }
0xbf: {  	_ =	sfence.sel $0xFFFF  }
0xc0: {  	[dreg:$0x0] =	wrdreg $0xFFFFFFFF;
	(pc) =	sbr.abs _section_cstart, $3  }
0xc1: {  	[dreg:$0x1] =	wrdreg $0xFFFFFFFF  }
0xc2: {  	_ =	task.clear_ibuf [dreg:s7], $0x2FFFF;
	_ =	strace $0x9FFFFFFF  }
0xc3: {  	(tm) =	ssettm $0x7FFFFFFF  }
tec
execute0_lowered:
.L_overlay_start_1:
0x0: {  	(tag) =	ssettag $0x1  }
0x1: {  	s1 =	rddreg [dreg:$0x0]  }
0x2: {  	s0 =	rddreg [dreg:$0x1]  }
0x3: {  	s2 =	rddreg [dreg:$0x2]  }
0x4: {  	s4 =	simm.s32 $0x0;
	s5 =	srdreg.scid;
	s3 =	stileid.u32  }
0x5: {  	s23 =	simm.s32 $0x180;
	s24 =	simm.s32 $0x1;
	s25 =	simm.s32 $0x80  }
0x6: {  	s26 =	simm.s32 $0x40;
	s28 =	simm.s32 $0x0;
	[smem:$0x7FF] =	sst s4  }
0x7: {  	s14 =	sand.u32 $0x1, s5;
	s6 =	smul.u32 $0x4E000, s3;
	s5 =	sadd.s32 $0x29600, s0  }
0x8: {  	s0 =	sadd.s32 $0x9EA00, s0;
	s9 =	sshll.u32 s3, $0x1;
	s21 =	smul.u32 $0x13800, s3  }
0x9: {  	s16 =	sadd.s32 $0x138000, s2;
	p0 =	sne.s32 s3, $0xF;
	p1 =	sgt.u32 s3, $0x3  }
0xa: {  	_ =	strace $0x8000004A;
	s7 =	ssub.s32 $0x2, s14;
	s17 =	sor.u32 s14, s9  }
0xb: {  	s19 =	smul.u32 $0x138800, s14;
	s8 =	sshrl.u32 s7, $0x1;
	s6 =	sshrl.u32 s6, $0x2  }
0xc: {  	s15 =	sshll.u32 s17, $0x6;
	s17 =	smul.u32 $0x2700, s17;
	s18 =	ssub.s32 s7, s8  }
0xd: {  	s6 =	sadd.s32 s6, s2;
	s20 =	sor.u32 $0x4E000, s15;
	s21 =	sadd.s32 s21, s19  }
0xe: {  	s31 =	sshrl.u32 s19, $0x3;
	s7 =	sadd.s32 $0x2000, s6;
	s8 =	sadd.s32 $0x4000, s6  }
0xf: {  	s9 =	sadd.s32 $0x6000, s6;
	s10 =	sadd.s32 $0x8000, s6;
	s11 =	sadd.s32 $0xA000, s6  }
.Ltmp0:
0x10: {  	s12 =	sadd.s32 $0xC000, s6;
	s13 =	sadd.s32 $0xE000, s6;
	(pc) =	sbr.rel .LBB2_1-.Ltmp0, $4  }
0x11: {  	v2 =	vlaneseq.u32;
	s14 =	sadd.s32 $0x10000, s6;
	s15 =	sadd.s32 $0x12000, s6;
	s22 =	sshrl.u32 s20, $0x3  }
0x12: {  	v0 =	vmul.u32 $0x4, v2;
	s20 =	sshrl.u32 s20, $0x1;
	s21 =	sshrl.u32 s21, $0x3;
	s22 =	sadd.s32 s1, s22  }
0x13: {  	v1 =	vimm.f32 $0.0e+00;
	v2 =	vmul.u32 $0x80, v2;
	s19 =	sadd.s32 s5, s20;
	s20 =	sadd.s32 s0, s21;
	s0 =	sadd.s32 s0, s31  }
0x14: {  	v3 =	vor.u32 $0x1, v0;
	v4 =	vor.u32 $0x2, v0;
	v5 =	vor.u32 $0x3, v0;
	[dreg:$0x4] =	wrdreg s22;
	s21 =	sadd.s32 $0x27000, s0;
	s22 =	smax.u32 s18, $0x1  }
.LBB2_11:
0x15: {  	s0 =	sshll.u32 s3, $0x6  }
0x16: {  	[bflag:$0x0] =	sbarrier.arrive $0xFFFF;
	s18 =	sshrl.u32 s6, $0x3;
	s0 =	sor.u32 $0x1C01, s0  }
0x17: {  	[hbm:s20], [sflag:s0] =	dma.local [spmem:s18], $0x2700  }
0x18: {  	_ =	swait.ge [sflag:s24], $0x2700  }
0x19: {  	s28 =	sadd.s32 $0x1, s28;
	[sflag:s24] =	ssyncset.done $0x0  }
0x1a: {  	p2 =	sne.s32 s28, s22;
	s18 =	sshrl.u32 @!p0 s16, $0x3;
	[sflag:s24] =	ssyncadd.s32 $0xFFFFD900  }
0x1b: {  	[hbm:s21], [sflag:s0] =	dma.local @!p0 [spmem:s18], $0x100  }
.Ltmp1:
0x1c: {  	_ = 	snop;
	(pc) =	sbr.rel @!p2 .LBB2_12-.Ltmp1, $4  }
0x1d: {  	s0 =	simm.s32 @!p0 $0x1  }
0x1e: {  	_ =	swait.ge @!p0 [sflag:s0], $0x100  }
0x1f: {  	[sflag:s0] =	ssyncset.done @!p0 $0x0  }
0x20: {  	[sflag:s0] =	ssyncadd.s32 @!p0 $0xFFFFFF00  }
.LBB2_1:
0x21: {  	s0 =	simm.s32 $0x0;
	s18 =	simm.s32 $0x200  }
.LBB2_2:
0x22: {  	p2 =	sne.s32 s18, $0x7E00;
	[tilespmem:s0+$0x1F0] =	vst v1  }
0x23: {  	[tilespmem:s0+$0x180] =	vst v1  }
0x24: {  	[tilespmem:s0+$0x190] =	vst v1  }
.Ltmp2:
0x25: {  	[tilespmem:s0+$0x1A0] =	vst v1;
	(pc) =	sbr.rel @p2 .LBB2_2-.Ltmp2, $4  }
0x26: {  	[tilespmem:s0+$0x1B0] =	vst v1  }
0x27: {  	[tilespmem:s0+$0x1C0] =	vst v1  }
0x28: {  	[tilespmem:s0+$0x1D0] =	vst v1  }
0x29: {  	[tilespmem:s0+$0x1E0] =	vst v1;
	s0 =	sshra.s32 s18, $0x2;
	s18 =	sadd.s32 $0x200, s18  }
0x2a: {  	[tilespmem:s0+$0x1F0] =	vst v1  }
0x2b: {  	[tilespmem:s0+$0x180] =	vst v1  }
0x2c: {  	[tilespmem:s0+$0x190] =	vst v1  }
0x2d: {  	[tilespmem:s0+$0x1A0] =	vst v1  }
0x2e: {  	[tilespmem:s0+$0x1B0] =	vst v1  }
0x2f: {  	[tilespmem:s0+$0x1C0] =	vst v1  }
0x30: {  	[tilespmem:s0+$0x1D0] =	vst v1  }
0x31: {  	[tilespmem:s0+$0x1E0] =	vst v1  }
0x32: {  	[spmem:s6] =	stream.linear.scatter [tilespmem:s23], [sflag:$0x1], $0x2000, $0x38;
	[tilespmem:$0x15A00] =	vst v63  }
0x33: {  	_ =	swait.ge [sflag:s24], $0x2000  }
0x34: {  	[sflag:s24] =	ssyncset.done $0x0  }
0x35: {  	[sflag:s24] =	ssyncadd.s32 $0xFFFFE000  }
0x36: {  	[spmem:s7] =	stream.linear.scatter [tilespmem:s23], [sflag:$0x1], $0x2000, $0x38;
	[tilespmem:$0x15A00] =	vst v63  }
0x37: {  	_ =	swait.ge [sflag:s24], $0x2000  }
0x38: {  	[sflag:s24] =	ssyncset.done $0x0  }
0x39: {  	[sflag:s24] =	ssyncadd.s32 $0xFFFFE000  }
0x3a: {  	[spmem:s8] =	stream.linear.scatter [tilespmem:s23], [sflag:$0x1], $0x2000, $0x38;
	[tilespmem:$0x15A00] =	vst v63  }
0x3b: {  	_ =	swait.ge [sflag:s24], $0x2000  }
0x3c: {  	[sflag:s24] =	ssyncset.done $0x0  }
0x3d: {  	[sflag:s24] =	ssyncadd.s32 $0xFFFFE000  }
0x3e: {  	[spmem:s9] =	stream.linear.scatter [tilespmem:s23], [sflag:$0x1], $0x2000, $0x38;
	[tilespmem:$0x15A00] =	vst v63  }
0x3f: {  	_ =	swait.ge [sflag:s24], $0x2000  }
0x40: {  	[sflag:s24] =	ssyncset.done $0x0  }
0x41: {  	[sflag:s24] =	ssyncadd.s32 $0xFFFFE000  }
0x42: {  	[spmem:s10] =	stream.linear.scatter [tilespmem:s23], [sflag:$0x1], $0x2000, $0x38;
	[tilespmem:$0x15A00] =	vst v63  }
0x43: {  	_ =	swait.ge [sflag:s24], $0x2000  }
0x44: {  	[sflag:s24] =	ssyncset.done $0x0  }
0x45: {  	[sflag:s24] =	ssyncadd.s32 $0xFFFFE000  }
0x46: {  	[spmem:s11] =	stream.linear.scatter [tilespmem:s23], [sflag:$0x1], $0x2000, $0x38;
	[tilespmem:$0x15A00] =	vst v63  }
0x47: {  	_ =	swait.ge [sflag:s24], $0x2000  }
0x48: {  	[sflag:s24] =	ssyncset.done $0x0  }
0x49: {  	[sflag:s24] =	ssyncadd.s32 $0xFFFFE000  }
0x4a: {  	[spmem:s12] =	stream.linear.scatter [tilespmem:s23], [sflag:$0x1], $0x2000, $0x38;
	[tilespmem:$0x15A00] =	vst v63  }
0x4b: {  	_ =	swait.ge [sflag:s24], $0x2000  }
0x4c: {  	[sflag:s24] =	ssyncset.done $0x0  }
0x4d: {  	[sflag:s24] =	ssyncadd.s32 $0xFFFFE000  }
0x4e: {  	[spmem:s13] =	stream.linear.scatter [tilespmem:s23], [sflag:$0x1], $0x2000, $0x38;
	[tilespmem:$0x15A00] =	vst v63  }
0x4f: {  	_ =	swait.ge [sflag:s24], $0x2000  }
0x50: {  	[sflag:s24] =	ssyncset.done $0x0  }
0x51: {  	[sflag:s24] =	ssyncadd.s32 $0xFFFFE000  }
0x52: {  	[spmem:s14] =	stream.linear.scatter [tilespmem:s23], [sflag:$0x1], $0x2000, $0x38;
	[tilespmem:$0x15A00] =	vst v63  }
0x53: {  	_ =	swait.ge [sflag:s24], $0x2000  }
0x54: {  	[sflag:s24] =	ssyncset.done $0x0  }
0x55: {  	[sflag:s24] =	ssyncadd.s32 $0xFFFFE000  }
0x56: {  	[spmem:s15] =	stream.linear.scatter [tilespmem:s23], [sflag:$0x1], $0x1800, $0x38;
	[tilespmem:$0x15A00] =	vst v63  }
0x57: {  	_ =	swait.ge [sflag:s24], $0x1800  }
0x58: {  	[sflag:s24] =	ssyncset.done $0x0  }
0x59: {  	s0 =	simm.s32 @!p0 $0x180;
	[sflag:s24] =	ssyncadd.s32 $0xFFFFE800  }
0x5a: {  	[spmem:s16] =	stream.linear.scatter @!p0 [tilespmem:s0], [sflag:$0x1], $0x800, $0x38;
	[tilespmem:$0x15A00] =	vst v63  }
0x5b: {  	s0 =	simm.s32 @!p0 $0x1  }
0x5c: {  	_ =	swait.ge @!p0 [sflag:s0], $0x800  }
0x5d: {  	[sflag:s0] =	ssyncset.done @!p0 $0x0  }
0x5e: {  	[sflag:s0] =	ssyncadd.s32 @!p0 $0xFFFFF800  }
0x5f: {  	s29 =	simm.s32 $0x0;
	s30 =	simm.s32 $0x0;
	[bflag:$0x0] =	sbarrier.arrive $0xFFFF  }
.LBB2_4:
0x60: {  	s0 =	sshll.u32 s30, $0x6  }
0x61: {  	s0 =	sadd.s32 s17, s0  }
0x62: {  	s18 =	sshrl.u32 s0, $0x3  }
0x63: {  	s18 =	sadd.s32 s1, s18  }
0x64: {  	[tilespmem:s29], [sflag:$0x1] =	stream.linear.gather [hbm4b:s18+s29], $0x40, $0x38;
	[tilespmem:$0x15A00] =	vst v63  }
0x65: {  	_ =	swait.ge [sflag:s24], $0x40  }
0x66: {  	s0 =	sshrl.u32 s0, $0x1;
	[sflag:s24] =	ssyncset.done $0x0  }
0x67: {  	v6 =	vor.u32 s29, v0;
	s0 =	sadd.s32 s5, s0;
	[sflag:s24] =	ssyncadd.s32 $0xFFFFFFC0  }
0x68: {  	[tilespmem:s25], [sflag:$0x1] =	stream.linear.gather [hbm4b:s0+s29], $0x100, $0x38;
	[tilespmem:$0x15A00] =	vst v63  }
0x69: {  	_ =	swait.ge [sflag:s24], $0x100  }
0x6a: {  	v7 =	vmov s29;
	[sflag:s24] =	ssyncset.done $0x0  }
0x6b: {  	v7 =	vshll.u32 v7, $0x7;
	[sflag:s24] =	ssyncadd.s32 $0xFFFFFF00  }
0x6c: {  	v7 =	vor.u32 v2, v7;
	v6 =	vld.idx.msk [tilespmem:v6+s25+$0x0], $0xffff  }
0x6d: {  	v8 =	vor.u32 s29, v3;
	_ =	sdelay $0x3  }
0x6e: {  	[tilespmem:v7+s23+$0x0] =	vst.idx.msk $0xffff, v6  }
0x6f: {  	v6 =	vld.idx.msk [tilespmem:v8+s25+$0x0], $0xffff;
	v8 =	vor.u32 $0x1, v7  }
0x70: {  	v9 =	vor.u32 s29, v4;
	_ =	sdelay $0x3  }
0x71: {  	[tilespmem:v8+s23+$0x0] =	vst.idx.msk $0xffff, v6  }
0x72: {  	v8 =	vor.u32 $0x2, v7;
	v6 =	vld.idx.msk [tilespmem:v9+s25+$0x0], $0xffff  }
0x73: {  	v9 =	vor.u32 s29, v5;
	_ =	sdelay $0x3  }
0x74: {  	[tilespmem:v8+s23+$0x0] =	vst.idx.msk $0xffff, v6  }
0x75: {  	s31 =	simm.s32 $0x40;
	v8 =	vor.u32 $0x3, v7;
	v6 =	vld.idx.msk [tilespmem:v9+s25+$0x0], $0xffff  }
0x76: {  	s18 =	simm.s32 $0x20;
	s0 =	simm.s32 $0x10;
	v7 =	vor.u32 s31, v0  }
.LBB2_5:
0x77: {  	p2 =	sne.s32 s18, $0x30;
	_ =	sdelay $0x2  }
0x78: {  	v9 =	vmov s0;
	s0 =	smov.u32 s18;
	[tilespmem:v8+s23+$0x0] =	vst.idx.msk $0xffff, v6  }
0x79: {  	v6 =	vshll.u32 v9, $0x7;
	v7 =	vld.idx.msk [tilespmem:v7+s25+$0x0], $0xffff  }
0x7a: {  	v8 =	vor.u32 v2, v6  }
0x7b: {  	v6 =	vor.u32 s31, v3;
	_ =	sdelay $0x3  }
0x7c: {  	[tilespmem:v8+s23+$0x0] =	vst.idx.msk $0xffff, v7  }
0x7d: {  	v6 =	vld.idx.msk [tilespmem:v6+s25+$0x0], $0xffff  }
0x7e: {  	v7 =	vor.u32 $0x1, v8  }
0x7f: {  	v9 =	vor.u32 s31, v4;
	_ =	sdelay $0x3  }
0x80: {  	[tilespmem:v7+s23+$0x0] =	vst.idx.msk $0xffff, v6  }
0x81: {  	v6 =	vld.idx.msk [tilespmem:v9+s25+$0x0], $0xffff  }
0x82: {  	v7 =	vor.u32 $0x2, v8  }
0x83: {  	v9 =	vor.u32 s31, v5;
	_ =	sdelay $0x2  }
.Ltmp3:
0x84: {  	(pc) =	sbr.rel @p2 .LBB2_5-.Ltmp3, $4  }
0x85: {  	[tilespmem:v7+s23+$0x0] =	vst.idx.msk $0xffff, v6  }
0x86: {  	v6 =	vld.idx.msk [tilespmem:v9+s25+$0x0], $0xffff  }
0x87: {  	v8 =	vor.u32 $0x3, v8;
	s31 =	sadd.s32 $0x40, s31  }
0x88: {  	s18 =	sadd.s32 $0x10, s18;
	v7 =	vor.u32 s31, v0  }
0x89: {  	_ =	sdelay $0x2  }
0x8a: {  	v9 =	vmov s0  }
0x8b: {  	[tilespmem:v8+s23+$0x0] =	vst.idx.msk $0xffff, v6;
	v6 =	vshll.u32 v9, $0x7  }
0x8c: {  	v7 =	vld.idx.msk [tilespmem:v7+s25+$0x0], $0xffff;
	v6 =	vor.u32 v2, v6  }
0x8d: {  	v59 =	vor.u32 s31, v3;
	_ =	sdelay $0x3  }
0x8e: {  	[tilespmem:v6+s23+$0x0] =	vst.idx.msk $0xffff, v7  }
0x8f: {  	v60 =	vor.u32 $0x1, v6;
	v7 =	vld.idx.msk [tilespmem:v59+s25+$0x0], $0xffff  }
0x90: {  	v61 =	vor.u32 s31, v4;
	_ =	sdelay $0x3  }
0x91: {  	[tilespmem:v60+s23+$0x0] =	vst.idx.msk $0xffff, v7  }
0x92: {  	v62 =	vor.u32 $0x2, v6;
	v7 =	vld.idx.msk [tilespmem:v61+s25+$0x0], $0xffff  }
0x93: {  	v63 =	vor.u32 s31, v5;
	_ =	sdelay $0x3  }
0x94: {  	[tilespmem:v62+s23+$0x0] =	vst.idx.msk $0xffff, v7  }
0x95: {  	v6 =	vor.u32 $0x3, v6;
	v7 =	vld.idx.msk [tilespmem:v63+s25+$0x0], $0xffff;
	_ =	sdelay $0x2  }
0x96: {  	s30 =	sadd.s32 $0x1, s30  }
0x97: {  	p2 =	sne.s32 s30, $0x9C  }
.Ltmp4:
0x98: {  	[tilespmem:v6+s23+$0x0] =	vst.idx.msk $0xffff, v7;
	(pc) =	sbr.rel @p2 .LBB2_4-.Ltmp4, $4  }
0x99: {  	[spmem:s2] =	stream.indirect.scatter.add.f32 [tilespmem:s23], [sflag:$0x1], $0x80, s4, s26, $0xb8;
	[tilespmem:$0x15A00] =	vst v63  }
0x9a: {  	_ =	swait.ge [sflag:s24], $0x2000  }
0x9b: {  	[sflag:s24] =	ssyncset.done $0x0  }
0x9c: {  	[sflag:s24] =	ssyncadd.s32 $0xFFFFE000  }
.Ltmp5:
0x9d: {  	(pc) =	sbr.rel @p1 .LBB2_11-.Ltmp5, $1  }
0x9e: {  	_ =	sdelay $0x3  }
0x9f: {  	s0 =	simm.s32 $0x0;
	s18 =	rddreg [dreg:$0x4]  }
0xa0: {  	[tilespmem:s0], [sflag:$0x1] =	stream.linear.gather [hbm4b:s18+s0], $0x40, $0x38;
	[tilespmem:$0x15A00] =	vst v63  }
0xa1: {  	_ =	swait.ge [sflag:s24], $0x40  }
0xa2: {  	[sflag:s24] =	ssyncset.done $0x0  }
0xa3: {  	v6 =	vor.u32 s0, v0;
	[sflag:s24] =	ssyncadd.s32 $0xFFFFFFC0  }
0xa4: {  	[tilespmem:s25], [sflag:$0x1] =	stream.linear.gather [hbm4b:s19+s0], $0x100, $0x38;
	[tilespmem:$0x15A00] =	vst v63  }
0xa5: {  	_ =	swait.ge [sflag:s24], $0x100  }
0xa6: {  	v7 =	vmov s0;
	[sflag:s24] =	ssyncset.done $0x0  }
0xa7: {  	v7 =	vshll.u32 v7, $0x7;
	[sflag:s24] =	ssyncadd.s32 $0xFFFFFF00  }
0xa8: {  	v7 =	vor.u32 v2, v7;
	v6 =	vld.idx.msk [tilespmem:v6+s25+$0x0], $0xffff  }
0xa9: {  	v8 =	vor.u32 s0, v3;
	_ =	sdelay $0x3  }
0xaa: {  	[tilespmem:v7+s23+$0x0] =	vst.idx.msk $0xffff, v6  }
0xab: {  	v6 =	vld.idx.msk [tilespmem:v8+s25+$0x0], $0xffff;
	v8 =	vor.u32 $0x1, v7  }
0xac: {  	v9 =	vor.u32 s0, v4;
	_ =	sdelay $0x3  }
0xad: {  	[tilespmem:v8+s23+$0x0] =	vst.idx.msk $0xffff, v6  }
0xae: {  	v8 =	vor.u32 $0x2, v7;
	v6 =	vld.idx.msk [tilespmem:v9+s25+$0x0], $0xffff  }
0xaf: {  	v9 =	vor.u32 s0, v5;
	_ =	sdelay $0x3  }
0xb0: {  	[tilespmem:v8+s23+$0x0] =	vst.idx.msk $0xffff, v6  }
0xb1: {  	s29 =	simm.s32 $0x40;
	v8 =	vor.u32 $0x3, v7;
	v6 =	vld.idx.msk [tilespmem:v9+s25+$0x0], $0xffff  }
0xb2: {  	s18 =	simm.s32 $0x20;
	s0 =	simm.s32 $0x10;
	v7 =	vor.u32 s29, v0  }
.LBB2_9:
0xb3: {  	p2 =	sne.s32 s18, $0x30;
	_ =	sdelay $0x2  }
0xb4: {  	v9 =	vmov s0;
	s0 =	smov.u32 s18;
	[tilespmem:v8+s23+$0x0] =	vst.idx.msk $0xffff, v6  }
0xb5: {  	v6 =	vshll.u32 v9, $0x7;
	v7 =	vld.idx.msk [tilespmem:v7+s25+$0x0], $0xffff  }
0xb6: {  	v8 =	vor.u32 v2, v6  }
0xb7: {  	v6 =	vor.u32 s29, v3;
	_ =	sdelay $0x3  }
0xb8: {  	[tilespmem:v8+s23+$0x0] =	vst.idx.msk $0xffff, v7  }
0xb9: {  	v6 =	vld.idx.msk [tilespmem:v6+s25+$0x0], $0xffff  }
0xba: {  	v7 =	vor.u32 $0x1, v8  }
0xbb: {  	v9 =	vor.u32 s29, v4;
	_ =	sdelay $0x3  }
0xbc: {  	[tilespmem:v7+s23+$0x0] =	vst.idx.msk $0xffff, v6  }
0xbd: {  	v6 =	vld.idx.msk [tilespmem:v9+s25+$0x0], $0xffff  }
0xbe: {  	v7 =	vor.u32 $0x2, v8  }
0xbf: {  	v9 =	vor.u32 s29, v5;
	_ =	sdelay $0x2  }
.Ltmp6:
0xc0: {  	(pc) =	sbr.rel @p2 .LBB2_9-.Ltmp6, $4  }
0xc1: {  	[tilespmem:v7+s23+$0x0] =	vst.idx.msk $0xffff, v6  }
0xc2: {  	v6 =	vld.idx.msk [tilespmem:v9+s25+$0x0], $0xffff  }
0xc3: {  	v8 =	vor.u32 $0x3, v8;
	s29 =	sadd.s32 $0x40, s29  }
0xc4: {  	s18 =	sadd.s32 $0x10, s18;
	v7 =	vor.u32 s29, v0  }
0xc5: {  	_ =	sdelay $0x2  }
0xc6: {  	v9 =	vmov s0  }
0xc7: {  	[tilespmem:v8+s23+$0x0] =	vst.idx.msk $0xffff, v6;
	v6 =	vshll.u32 v9, $0x7  }
0xc8: {  	v7 =	vld.idx.msk [tilespmem:v7+s25+$0x0], $0xffff;
	v6 =	vor.u32 v2, v6  }
0xc9: {  	v59 =	vor.u32 s29, v3;
	_ =	sdelay $0x3  }
0xca: {  	[tilespmem:v6+s23+$0x0] =	vst.idx.msk $0xffff, v7  }
0xcb: {  	v60 =	vor.u32 $0x1, v6;
	v7 =	vld.idx.msk [tilespmem:v59+s25+$0x0], $0xffff  }
0xcc: {  	v61 =	vor.u32 s29, v4;
	_ =	sdelay $0x3  }
0xcd: {  	[tilespmem:v60+s23+$0x0] =	vst.idx.msk $0xffff, v7  }
0xce: {  	v62 =	vor.u32 $0x2, v6;
	v7 =	vld.idx.msk [tilespmem:v61+s25+$0x0], $0xffff  }
0xcf: {  	v63 =	vor.u32 s29, v5;
	_ =	sdelay $0x3  }
0xd0: {  	[tilespmem:v62+s23+$0x0] =	vst.idx.msk $0xffff, v7  }
0xd1: {  	v6 =	vor.u32 $0x3, v6;
	v7 =	vld.idx.msk [tilespmem:v63+s25+$0x0], $0xffff;
	_ =	sdelay $0x4  }
.Ltmp7:
0xd2: {  	[tilespmem:v6+s23+$0x0] =	vst.idx.msk $0xffff, v7;
	(pc) =	sbr.rel .LBB2_11-.Ltmp7, $4  }
0xd3: {  	[spmem:s2] =	stream.indirect.scatter.add.f32 [tilespmem:s23], [sflag:$0x1], $0x80, s4, s26, $0xb8;
	[tilespmem:$0x15A00] =	vst v63  }
0xd4: {  	_ =	swait.ge [sflag:s24], $0x2000  }
0xd5: {  	[sflag:s24] =	ssyncset.done $0x0  }
0xd6: {  	[sflag:s24] =	ssyncadd.s32 $0xFFFFE000  }
.LBB2_12:
0xd7: {  	_ =	sfence.sel $0x180000  }
0xd8: {  	[bflag:$0x0] =	sbarrier.arrive $0xFFFF  }
0xd9: {  	_ =	strace $0x9000004A  }
0xda: {  	[bflag:$0x2] =	sbarrier.arrive $0xFFFF  }
0xdb: {  	p0 =	sne.s32 s3, $0x0;
	s0 =	rddreg [dreg:$0x3]  }
0xdc: {  	s0 =	sadd.s32 @!p0 $0x100000, s0  }
0xdd: {  	[sflag:s0] =	ssyncadd.tile.s32 @!p0 $0x1;
	_ =	shalt  }
.Lfunc_end2:
_tile_overlayer_lowered:
.L_overlay_start_2:
0xde: {  	(tag) =	ssettag $0x2  }
0xdf: {  	s0 =	rddreg [dreg:$0x0];
	s2 =	stileid.u32  }
0xe0: {  	s1 =	rddreg [dreg:$0x1];
	p0 =	sne.s32 s2, $0x0  }
0xe1: {  	s3 =	rddreg [dreg:$0x2];
	[bflag:$0x3] =	sbarrier.arrive $0xFFFF;
	s2 =	simm.s32 @!p0 $0x1C01  }
0xe2: {  	[timem:s3], [sflag:s2] =	dma.local @!p0 [hbm:s0], s1  }
0xe3: {  	s0 =	simm.s32 @!p0 $0x1  }
0xe4: {  	_ =	swait.ge @!p0 [sflag:s0], s1  }
0xe5: {  	s1 =	ssub.s32 @!p0 $0x0, s1;
	[sflag:s0] =	ssyncset.done @!p0 $0x0  }
0xe6: {  	[sflag:s0] =	ssyncadd.s32 @!p0 s1  }
0xe7: {  	[bflag:$0x3] =	sbarrier.arrive $0xFFFF  }
0xe8: {  	_ =	shalt  }

</sc_bundles>
